<compile_context>
chip_gen: v7x
topology: tpu7x:2x2x1
jax: 0.10.2.dev20260603
libtpu: 0.0.44.dev20260713+nightly
codegen_flags: <defaults>
</compile_context>

<pallas_src>
import functools

import jax
import jax.numpy as jnp
from jax import lax
from jax.experimental import pallas as pl
from jax.experimental.pallas import tpu as pltpu
from jax.experimental.pallas import tpu_sc as plsc

N = 10000
NP = 10240
E = 320000
D_IN = 128
D_HID = 128
D_OUT = 64
DH = 64

NC = 2
NS = 16
NW = NC * NS
CHUNK = 128
NCHUNK = E // CHUNK
CPT = 80
CPT_LAST = NCHUNK - (NW - 1) * CPT
RPS = NP // NS

_mesh = plsc.VectorSubcoreMesh(core_axis_name="c", subcore_axis_name="s")
_sc_params = pltpu.CompilerParams(use_tc_tiling_on_sc=False)



@functools.partial(
    pl.kernel,
    out_type=(jax.ShapeDtypeStruct((NC, NP, 16), jnp.float32),
              jax.ShapeDtypeStruct((NC, NP, 16), jnp.float32)),
    mesh=_mesh,
    compiler_params=_sc_params,
    scratch_types=[
        pltpu.VMEM((CPT, CHUNK), jnp.int32),
        pltpu.VMEM((CPT, CHUNK), jnp.int32),
        pltpu.VMEM((CHUNK, 16), jnp.float32),
        pltpu.VMEM_SHARED((NP, 16), jnp.float32),
        pltpu.VMEM_SHARED((NP, 16), jnp.float32),
        pltpu.SemaphoreType.DMA,
        pltpu.SemaphoreType.DMA,
        pltpu.SemaphoreType.DMA,
        pltpu.SemaphoreType.DMA,
        pltpu.SemaphoreType.DMA,
        pltpu.SemaphoreType.DMA,
        pltpu.SemaphoreType.DMA,
        pltpu.SemaphoreType.DMA,
        pltpu.SemaphoreType.DMA,
        pltpu.SemaphoreType.DMA,
    ],
)
def _deg_kernel(ei_hbm, ones_hbm, zeros_hbm,
                hsrc_out, hdst_out, si, di, ones_v, hs_sh, hd_sh,
                a0, a1, a2, a3, a4, b0, b1, b2, b3, b4):
    src_hbm = ei_hbm.at[0]
    dst_hbm = ei_hbm.at[1]
    asems = [a0, a1, a2, a3, a4]
    bsems = [b0, b1, b2, b3, b4]
    cid = lax.axis_index("c")
    sid = lax.axis_index("s")
    r0 = sid * RPS
    pltpu.sync_copy(zeros_hbm.at[pl.ds(r0, RPS)], hs_sh.at[pl.ds(r0, RPS)])
    pltpu.sync_copy(zeros_hbm.at[pl.ds(r0, RPS)], hd_sh.at[pl.ds(r0, RPS)])
    pltpu.sync_copy(ones_hbm, ones_v)
    wid = cid * NS + sid
    c0 = wid * CPT
    cpt = _load_idx(src_hbm, dst_hbm, si, di, wid, c0)
    plsc.subcore_barrier()

    def s_hs(i, k):
        pltpu.make_async_copy(ones_v, hs_sh.at[si.at[i]],
                              asems[k]).start(add=True)

    def w_hs(i, k):
        pltpu.make_async_copy(ones_v, hs_sh.at[si.at[i]], asems[k]).wait()

    def s_hd(i, k):
        pltpu.make_async_copy(ones_v, hd_sh.at[di.at[i]],
                              bsems[k]).start(add=True)

    def w_hd(i, k):
        pltpu.make_async_copy(ones_v, hd_sh.at[di.at[i]], bsems[k]).wait()

    for k in range(NSLOT):
        s_hs(k, k)
        s_hd(k, k)

    @pl.loop(0, cpt // NSLOT - 1)
    def _(j):
        i = NSLOT * j
        for k in range(NSLOT):
            w_hs(i + k, k)
            s_hs(i + NSLOT + k, k)
            w_hd(i + k, k)
            s_hd(i + NSLOT + k, k)

    last = cpt - NSLOT
    for k in range(NSLOT):
        w_hs(last + k, k)
        w_hd(last + k, k)

    plsc.subcore_barrier()
    pltpu.sync_copy(hs_sh.at[pl.ds(r0, RPS)], hsrc_out.at[cid, pl.ds(r0, RPS)])
    pltpu.sync_copy(hd_sh.at[pl.ds(r0, RPS)], hdst_out.at[cid, pl.ds(r0, RPS)])


NSLOT = 5


def _load_idx(src_hbm, dst_hbm, si, di, wid, c0):

    @pl.when(wid == NW - 1)
    def _():
        pltpu.sync_copy(src_hbm.at[pl.ds(c0, CPT_LAST)],
                        si.at[pl.ds(0, CPT_LAST)])
        pltpu.sync_copy(dst_hbm.at[pl.ds(c0, CPT_LAST)],
                        di.at[pl.ds(0, CPT_LAST)])

    @pl.when(wid != NW - 1)
    def _():
        pltpu.sync_copy(src_hbm.at[pl.ds(c0, CPT)], si)
        pltpu.sync_copy(dst_hbm.at[pl.ds(c0, CPT)], di)

    return lax.select(wid == NW - 1, CPT_LAST, CPT)


def _agg_phase(h_hbm, out_hbm, zeros_hbm, si, di, msgs, acc_sh,
               gsems, ssems, cpt, r0, cid):

    def gather(i, k):
        pltpu.make_async_copy(h_hbm.at[si.at[i]], msgs[k], gsems[k]).start()

    def wait_g(i, k):
        pltpu.make_async_copy(h_hbm.at[si.at[i]], msgs[k], gsems[k]).wait()

    def scat(i, k):
        pltpu.make_async_copy(msgs[k], acc_sh.at[di.at[i]],
                              ssems[k]).start(add=True)

    def wait_s(i, k):
        pltpu.make_async_copy(msgs[k], acc_sh.at[di.at[i]], ssems[k]).wait()

    for k in range(NSLOT):
        gather(k, k)
    pltpu.sync_copy(zeros_hbm.at[pl.ds(r0, RPS)], acc_sh.at[pl.ds(r0, RPS)])
    plsc.subcore_barrier()

    @pl.loop(0, cpt // NSLOT - 1)
    def _(j):
        i = NSLOT * j
        for k in range(NSLOT):
            wait_g(i + k, k)
            scat(i + k, k)
        for k in range(NSLOT):
            wait_s(i + k, k)
            gather(i + NSLOT + k, k)

    last = cpt - NSLOT
    for k in range(NSLOT):
        wait_g(last + k, k)
        scat(last + k, k)
    for k in range(NSLOT):
        wait_s(last + k, k)

    plsc.subcore_barrier()
    pltpu.sync_copy(acc_sh.at[pl.ds(r0, RPS)], out_hbm.at[cid, pl.ds(r0, RPS)])


_AGG_SCRATCH = (
    [pltpu.VMEM((CPT, CHUNK), jnp.int32),
     pltpu.VMEM((CPT, CHUNK), jnp.int32)]
    + [pltpu.VMEM((CHUNK, DH), jnp.float32)] * NSLOT
    + [pltpu.VMEM_SHARED((NP, DH), jnp.float32)]
    + [pltpu.SemaphoreType.DMA] * (2 * NSLOT)
)


@functools.partial(
    pl.kernel,
    out_type=(jax.ShapeDtypeStruct((NC, NP, DH), jnp.float32),
              jax.ShapeDtypeStruct((NC, NP, DH), jnp.float32)),
    mesh=_mesh,
    compiler_params=_sc_params,
    scratch_types=_AGG_SCRATCH,
)
def _agg2x64(h_lo, h_hi, ei_hbm, zeros_hbm, out_lo, out_hi,
             si, di, m0, m1, m2, m3, m4, acc_sh,
             g0, g1, g2, g3, g4, s0, s1, s2, s3, s4):
    src_hbm = ei_hbm.at[0]
    dst_hbm = ei_hbm.at[1]
    msgs = [m0, m1, m2, m3, m4]
    gsems = [g0, g1, g2, g3, g4]
    ssems = [s0, s1, s2, s3, s4]
    cid = lax.axis_index("c")
    sid = lax.axis_index("s")
    r0 = sid * RPS
    wid = cid * NS + sid
    cpt = _load_idx(src_hbm, dst_hbm, si, di, wid, wid * CPT)
    _agg_phase(h_lo, out_lo, zeros_hbm, si, di, msgs, acc_sh,
               gsems, ssems, cpt, r0, cid)
    plsc.subcore_barrier()
    _agg_phase(h_hi, out_hi, zeros_hbm, si, di, msgs, acc_sh,
               gsems, ssems, cpt, r0, cid)


@functools.partial(
    pl.kernel,
    out_type=jax.ShapeDtypeStruct((NC, NP, DH), jnp.float32),
    mesh=_mesh,
    compiler_params=_sc_params,
    scratch_types=_AGG_SCRATCH,
)
def _agg64(h_hbm, ei_hbm, zeros_hbm, out_hbm,
           si, di, m0, m1, m2, m3, m4, acc_sh,
           g0, g1, g2, g3, g4, s0, s1, s2, s3, s4):
    src_hbm = ei_hbm.at[0]
    dst_hbm = ei_hbm.at[1]
    msgs = [m0, m1, m2, m3, m4]
    gsems = [g0, g1, g2, g3, g4]
    ssems = [s0, s1, s2, s3, s4]
    cid = lax.axis_index("c")
    sid = lax.axis_index("s")
    r0 = sid * RPS
    wid = cid * NS + sid
    cpt = _load_idx(src_hbm, dst_hbm, si, di, wid, wid * CPT)
    _agg_phase(h_hbm, out_hbm, zeros_hbm, si, di, msgs, acc_sh,
               gsems, ssems, cpt, r0, cid)



def _scale_body(feat, hs, out_lo, out_hi):
    deg = hs[0, 0:N, 0:1] + hs[1, 0:N, 0:1]
    ns = lax.rsqrt(jnp.maximum(deg, 1.0))
    h = feat[...] * ns
    out_lo[0:N, :] = h[:, 0:DH]
    out_hi[0:N, :] = h[:, DH:D_IN]
    zero_tail = jnp.zeros((NP - N, DH), jnp.float32)
    out_lo[N:NP, :] = zero_tail
    out_hi[N:NP, :] = zero_tail


_scale = pl.pallas_call(
    _scale_body,
    out_shape=(jax.ShapeDtypeStruct((NP, DH), jnp.float32),
               jax.ShapeDtypeStruct((NP, DH), jnp.float32)),
)


MMB = 2048


def _mm_body(a_lo, a_hi, hd, hs, w1, b1, w2, out):
    lo = a_lo[0] + a_lo[1]
    hi = a_hi[0] + a_hi[1]
    nd = lax.rsqrt(jnp.maximum(hd[0, :, 0:1] + hd[1, :, 0:1], 1.0))
    t = (jnp.dot(lo * nd, w1[0:DH, :], preferred_element_type=jnp.float32)
         + jnp.dot(hi * nd, w1[DH:D_IN, :], preferred_element_type=jnp.float32)
         + b1[...])
    t = jnp.maximum(t, 0.0)
    ns = lax.rsqrt(jnp.maximum(hs[0, :, 0:1] + hs[1, :, 0:1], 1.0))
    out[...] = jnp.dot(t * ns, w2[...], preferred_element_type=jnp.float32)


_mm = pl.pallas_call(
    _mm_body,
    grid=(NP // MMB,),
    in_specs=[
        pl.BlockSpec((2, MMB, DH), lambda r: (0, r, 0)),
        pl.BlockSpec((2, MMB, DH), lambda r: (0, r, 0)),
        pl.BlockSpec((2, MMB, 16), lambda r: (0, r, 0)),
        pl.BlockSpec((2, MMB, 16), lambda r: (0, r, 0)),
        pl.BlockSpec((D_IN, D_HID), lambda r: (0, 0)),
        pl.BlockSpec((1, D_HID), lambda r: (0, 0)),
        pl.BlockSpec((D_HID, D_OUT), lambda r: (0, 0)),
    ],
    out_specs=pl.BlockSpec((MMB, D_OUT), lambda r: (r, 0)),
    out_shape=jax.ShapeDtypeStruct((NP, D_OUT), jnp.float32),
)


def _final_body(agg, hd, b2, out):
    a = agg[0, 0:N] + agg[1, 0:N]
    nd = lax.rsqrt(jnp.maximum(hd[0, 0:N, 0:1] + hd[1, 0:N, 0:1], 1.0))
    out[...] = a * nd + b2[...]


_final = pl.pallas_call(
    _final_body,
    out_shape=jax.ShapeDtypeStruct((N, D_OUT), jnp.float32),
)



def kernel(features, edge_index, W1, b1, W2, b2):
    ei3 = edge_index.astype(jnp.int32).reshape(2, NCHUNK, CHUNK)
    ones16 = jnp.ones((CHUNK, 16), jnp.float32)
    z16 = jnp.zeros((NP, 16), jnp.float32)
    z64 = jnp.zeros((NP, DH), jnp.float32)

    hsrc, hdst = _deg_kernel(ei3, ones16, z16)
    h_lo, h_hi = _scale(features, hsrc)
    a_lo, a_hi = _agg2x64(h_lo, h_hi, ei3, z64)
    z = _mm(a_lo, a_hi, hdst, hsrc, W1, b1.reshape(1, D_HID), W2)
    agg2 = _agg64(z, ei3, z64)
    return _final(agg2, hdst, b2.reshape(1, D_OUT))

# --- scband reference (transcript-rebuilt; emitter-appended) ---
"""Pipeline reference for scband-gcn-76149770158504 (READ-ONLY COPY).

The authoritative reference and input builder live on the scoring server;
editing this copy changes nothing except your own understanding.
"""

import jax, jax.numpy as jnp
import numpy as np

N_NODES = 10000
N_EDGES = 320000
IN_FEATS = 128
HID_FEATS = 128
NUM_CLASSES = 64


def setup_inputs(seed: int = 0) -> dict:
    key = jax.random.key(seed)
    k1, k2, k3, k4, k5, k6 = jax.random.split(key, 6)
    features = jax.random.normal(k1, (N_NODES, IN_FEATS), dtype=jnp.float32)
    edge_index = jax.random.randint(k2, (2, N_EDGES), 0, N_NODES).astype(jnp.int64)
    # GraphConv weights (glorot-ish init) and biases (zeros, as in DGL default)
    W1 = jax.random.normal(k3, (IN_FEATS, HID_FEATS), dtype=jnp.float32) * (1.0 / np.sqrt(IN_FEATS))
    b1 = jnp.zeros((HID_FEATS,), dtype=jnp.float32)
    W2 = jax.random.normal(k4, (HID_FEATS, NUM_CLASSES), dtype=jnp.float32) * (1.0 / np.sqrt(HID_FEATS))
    b2 = jnp.zeros((NUM_CLASSES,), dtype=jnp.float32)
    return {"features": features, "edge_index": edge_index, "W1": W1, "b1": b1, "W2": W2, "b2": b2}


def reference(features, edge_index, W1, b1, W2, b2):
    # DGL GraphConv with norm='both':
    #   h_u = x_u * out_deg(u)^{-1/2}
    #   agg_v = sum_{(u,v) in E} h_u
    #   out_v = (agg_v * in_deg(v)^{-1/2}) @ W + b
    # degrees clamped to min 1 (DGL behavior).
    src = edge_index[0]
    dst = edge_index[1]
    N = features.shape[0]
    deg_out = jnp.clip(jnp.bincount(src, length=N), 1, None).astype(features.dtype)
    deg_in = jnp.clip(jnp.bincount(dst, length=N), 1, None).astype(features.dtype)
    norm_src = jax.lax.rsqrt(deg_out)
    norm_dst = jax.lax.rsqrt(deg_in)

    def gconv(x, W, b):
        h = x * norm_src[:, None]
        msg = jnp.take(h, src, axis=0)
        agg = jax.ops.segment_sum(msg, dst, num_segments=N)
        h = agg * norm_dst[:, None]
        return h @ W + b

    x = gconv(features, W1, b1)
    x = jax.nn.relu(x)
    # F.dropout(x, p=0.01, training=False) -> identity
    x = gconv(x, W2, b2)
    return x

if __name__ == "__main__":
    import jax
    _d = setup_inputs()
    print(jax.jit(kernel)(*tuple(_d.values())))

</pallas_src>

<mosaic_0001>
#map = affine_map<(d0, d1) -> (0, 0, 0)>
#map1 = affine_map<(d0, d1) -> (0, 0)>
module attributes {stable_mosaic.version = 14 : i64} {
  func.func @_deg_kernel(%arg0: i32, %arg1: i32, %arg2: memref<2x2500x128xi32, #tpu.memory_space<hbm>>, %arg3: memref<128x16xf32, #tpu.memory_space<hbm>>, %arg4: memref<10240x16xf32, #tpu.memory_space<hbm>>, %arg5: memref<2x10240x16xf32, #tpu.memory_space<hbm>>, %arg6: memref<2x10240x16xf32, #tpu.memory_space<hbm>>, %arg7: memref<80x128xi32, #tpu.memory_space<vmem>>, %arg8: memref<80x128xi32, #tpu.memory_space<vmem>>, %arg9: memref<128x16xf32, #tpu.memory_space<vmem>>, %arg10: memref<10240x16xf32, #tpu.memory_space<vmem_shared>>, %arg11: memref<10240x16xf32, #tpu.memory_space<vmem_shared>>, %arg12: memref<!tpu.dma_semaphore, #tpu.memory_space<semaphore_mem>>, %arg13: memref<!tpu.dma_semaphore, #tpu.memory_space<semaphore_mem>>, %arg14: memref<!tpu.dma_semaphore, #tpu.memory_space<semaphore_mem>>, %arg15: memref<!tpu.dma_semaphore, #tpu.memory_space<semaphore_mem>>, %arg16: memref<!tpu.dma_semaphore, #tpu.memory_space<semaphore_mem>>, %arg17: memref<!tpu.dma_semaphore, #tpu.memory_space<semaphore_mem>>, %arg18: memref<!tpu.dma_semaphore, #tpu.memory_space<semaphore_mem>>, %arg19: memref<!tpu.dma_semaphore, #tpu.memory_space<semaphore_mem>>, %arg20: memref<!tpu.dma_semaphore, #tpu.memory_space<semaphore_mem>>, %arg21: memref<!tpu.dma_semaphore, #tpu.memory_space<semaphore_mem>>) attributes {dimension_semantics = [#tpu.dimension_semantics<core_parallel>, #tpu.dimension_semantics<subcore_parallel>], iteration_bounds = array<i64: 2, 16>, scalar_prefetch = 0 : i64, scratch_operands = 15 : i64, tpu.core_type = #tpu.core_type<sc_vector_subcore>, window_params = [{transform_indices = #map}, {transform_indices = #map1}, {transform_indices = #map1}, {transform_indices = #map}, {transform_indices = #map}]} {
    %mul3A = arith.constant 640 : i32
    %mul3A_0 = arith.muli %arg1, %mul3A : i32
    "tpu.region"() ({
      %run_scoped3A = tpu.sem_alloc : memref<!tpu.dma_semaphore, #tpu.memory_space<semaphore_mem>>
      %dma_start3A_208 = arith.constant 0 : i32
      %dma_start3A_209 = tpu.memref_slice %arg10[%mul3A_0, %dma_start3A_208] : memref<10240x16xf32, #tpu.memory_space<vmem_shared>> -> memref<640x16xf32, #tpu.memory_space<vmem_shared>>
      %dma_start3A_210 = arith.constant 0 : i32
      %dma_start3A_211 = tpu.memref_slice %arg4[%mul3A_0, %dma_start3A_210] : memref<10240x16xf32, #tpu.memory_space<hbm>> -> memref<640x16xf32, #tpu.memory_space<hbm>>
      tpu.enqueue_dma source(%dma_start3A_211 : memref<640x16xf32, #tpu.memory_space<hbm>>) target(%dma_start3A_209 : memref<640x16xf32, #tpu.memory_space<vmem_shared>>) target_semaphore(%run_scoped3A : memref<!tpu.dma_semaphore, #tpu.memory_space<semaphore_mem>>)
      %dma_wait3A_212 = arith.constant 0 : i32
      %dma_wait3A_213 = tpu.memref_slice %arg10[%mul3A_0, %dma_wait3A_212] : memref<10240x16xf32, #tpu.memory_space<vmem_shared>> -> memref<640x16xf32, #tpu.memory_space<vmem_shared>>
      %dma_wait3A_214 = arith.constant 0 : i32
      %dma_wait3A_215 = tpu.memref_slice %arg4[%mul3A_0, %dma_wait3A_214] : memref<10240x16xf32, #tpu.memory_space<hbm>> -> memref<640x16xf32, #tpu.memory_space<hbm>>
      tpu.wait_dma2 semaphore(%run_scoped3A : memref<!tpu.dma_semaphore, #tpu.memory_space<semaphore_mem>>) src(%dma_wait3A_215 : memref<640x16xf32, #tpu.memory_space<hbm>>) dst(%dma_wait3A_213 : memref<640x16xf32, #tpu.memory_space<vmem_shared>>)
      tpu.yield
    }) : () -> ()
    "tpu.region"() ({
      %run_scoped3A = tpu.sem_alloc : memref<!tpu.dma_semaphore, #tpu.memory_space<semaphore_mem>>
      %dma_start3A_208 = arith.constant 0 : i32
      %dma_start3A_209 = tpu.memref_slice %arg11[%mul3A_0, %dma_start3A_208] : memref<10240x16xf32, #tpu.memory_space<vmem_shared>> -> memref<640x16xf32, #tpu.memory_space<vmem_shared>>
      %dma_start3A_210 = arith.constant 0 : i32
      %dma_start3A_211 = tpu.memref_slice %arg4[%mul3A_0, %dma_start3A_210] : memref<10240x16xf32, #tpu.memory_space<hbm>> -> memref<640x16xf32, #tpu.memory_space<hbm>>
      tpu.enqueue_dma source(%dma_start3A_211 : memref<640x16xf32, #tpu.memory_space<hbm>>) target(%dma_start3A_209 : memref<640x16xf32, #tpu.memory_space<vmem_shared>>) target_semaphore(%run_scoped3A : memref<!tpu.dma_semaphore, #tpu.memory_space<semaphore_mem>>)
      %dma_wait3A_212 = arith.constant 0 : i32
      %dma_wait3A_213 = tpu.memref_slice %arg11[%mul3A_0, %dma_wait3A_212] : memref<10240x16xf32, #tpu.memory_space<vmem_shared>> -> memref<640x16xf32, #tpu.memory_space<vmem_shared>>
      %dma_wait3A_214 = arith.constant 0 : i32
      %dma_wait3A_215 = tpu.memref_slice %arg4[%mul3A_0, %dma_wait3A_214] : memref<10240x16xf32, #tpu.memory_space<hbm>> -> memref<640x16xf32, #tpu.memory_space<hbm>>
      tpu.wait_dma2 semaphore(%run_scoped3A : memref<!tpu.dma_semaphore, #tpu.memory_space<semaphore_mem>>) src(%dma_wait3A_215 : memref<640x16xf32, #tpu.memory_space<hbm>>) dst(%dma_wait3A_213 : memref<640x16xf32, #tpu.memory_space<vmem_shared>>)
      tpu.yield
    }) : () -> ()
    "tpu.region"() ({
      %run_scoped3A = tpu.sem_alloc : memref<!tpu.dma_semaphore, #tpu.memory_space<semaphore_mem>>
      tpu.enqueue_dma source(%arg3 : memref<128x16xf32, #tpu.memory_space<hbm>>) target(%arg9 : memref<128x16xf32, #tpu.memory_space<vmem>>) target_semaphore(%run_scoped3A : memref<!tpu.dma_semaphore, #tpu.memory_space<semaphore_mem>>)
      tpu.wait_dma2 semaphore(%run_scoped3A : memref<!tpu.dma_semaphore, #tpu.memory_space<semaphore_mem>>) src(%arg3 : memref<128x16xf32, #tpu.memory_space<hbm>>) dst(%arg9 : memref<128x16xf32, #tpu.memory_space<vmem>>)
      tpu.yield
    }) : () -> ()
    %mul3A_1 = arith.constant 16 : i32
    %mul3A_2 = arith.muli %arg0, %mul3A_1 : i32
    %add3A = arith.addi %mul3A_2, %arg1 : i32
    %mul3A_3 = arith.constant 80 : i32
    %mul3A_4 = arith.muli %add3A, %mul3A_3 : i32
    %eq3A = arith.constant 31 : i32
    %eq3A_5 = arith.cmpi eq, %add3A, %eq3A : i32
    %convert_element_type3A = arith.extui %eq3A_5 : i1 to i32
    %cond3A = arith.constant 0 : i32
    %cond3A_6 = arith.constant 1 : i32
    %cond3A_7 = arith.constant 0 : i32
    %cond3A_8 = arith.cmpi ne, %convert_element_type3A, %cond3A_7 : i32
    scf.if %cond3A_8 {
      "tpu.region"() ({
        %run_scoped3A = tpu.sem_alloc : memref<!tpu.dma_semaphore, #tpu.memory_space<semaphore_mem>>
        %dma_start3A_208 = arith.constant 0 : i32
        %dma_start3A_209 = arith.constant 0 : i32
        %dma_start3A_210 = tpu.memref_slice %arg7[%dma_start3A_208, %dma_start3A_209] : memref<80x128xi32, #tpu.memory_space<vmem>> -> memref<20x128xi32, #tpu.memory_space<vmem>>
        %dma_start3A_211 = arith.constant 0 : i32
        %dma_start3A_212 = arith.constant 0 : i32
        %dma_start3A_213 = tpu.memref_slice %arg2[%cond3A, %dma_start3A_211, %dma_start3A_212] : memref<2x2500x128xi32, #tpu.memory_space<hbm>> -> memref<1x2500x128xi32, #tpu.memory_space<hbm>>
        %dma_start3A_214 = tpu.memref_squeeze %dma_start3A_213 : memref<1x2500x128xi32, #tpu.memory_space<hbm>> -> memref<2500x128xi32, #tpu.memory_space<hbm>>
        %dma_start3A_215 = arith.constant 0 : i32
        %dma_start3A_216 = tpu.memref_slice %dma_start3A_214[%mul3A_4, %dma_start3A_215] : memref<2500x128xi32, #tpu.memory_space<hbm>> -> memref<20x128xi32, #tpu.memory_space<hbm>>
        %dma_start3A_217 = arith.constant 0 : i32
        %dma_start3A_218 = arith.constant 0 : i32
        %dma_start3A_219 = tpu.memref_slice %arg7[%dma_start3A_217, %dma_start3A_218] : memref<80x128xi32, #tpu.memory_space<vmem>> -> memref<20x128xi32, #tpu.memory_space<vmem>>
        %dma_start3A_220 = arith.constant 0 : i32
        %dma_start3A_221 = arith.constant 0 : i32
        %dma_start3A_222 = tpu.memref_slice %arg2[%cond3A, %dma_start3A_220, %dma_start3A_221] : memref<2x2500x128xi32, #tpu.memory_space<hbm>> -> memref<1x2500x128xi32, #tpu.memory_space<hbm>>
        %dma_start3A_223 = tpu.memref_squeeze %dma_start3A_222 : memref<1x2500x128xi32, #tpu.memory_space<hbm>> -> memref<2500x128xi32, #tpu.memory_space<hbm>>
        %dma_start3A_224 = arith.constant 0 : i32
        %dma_start3A_225 = tpu.memref_slice %dma_start3A_223[%mul3A_4, %dma_start3A_224] : memref<2500x128xi32, #tpu.memory_space<hbm>> -> memref<20x128xi32, #tpu.memory_space<hbm>>
        tpu.enqueue_dma source(%dma_start3A_225 : memref<20x128xi32, #tpu.memory_space<hbm>>) target(%dma_start3A_219 : memref<20x128xi32, #tpu.memory_space<vmem>>) target_semaphore(%run_scoped3A : memref<!tpu.dma_semaphore, #tpu.memory_space<semaphore_mem>>)
        %dma_wait3A_226 = arith.constant 0 : i32
        %dma_wait3A_227 = arith.constant 0 : i32
        %dma_wait3A_228 = tpu.memref_slice %arg7[%dma_wait3A_226, %dma_wait3A_227] : memref<80x128xi32, #tpu.memory_space<vmem>> -> memref<20x128xi32, #tpu.memory_space<vmem>>
        %dma_wait3A_229 = arith.constant 0 : i32
        %dma_wait3A_230 = arith.constant 0 : i32
        %dma_wait3A_231 = tpu.memref_slice %arg2[%cond3A, %dma_wait3A_229, %dma_wait3A_230] : memref<2x2500x128xi32, #tpu.memory_space<hbm>> -> memref<1x2500x128xi32, #tpu.memory_space<hbm>>
        %dma_wait3A_232 = tpu.memref_squeeze %dma_wait3A_231 : memref<1x2500x128xi32, #tpu.memory_space<hbm>> -> memref<2500x128xi32, #tpu.memory_space<hbm>>
        %dma_wait3A_233 = arith.constant 0 : i32
        %dma_wait3A_234 = tpu.memref_slice %dma_wait3A_232[%mul3A_4, %dma_wait3A_233] : memref<2500x128xi32, #tpu.memory_space<hbm>> -> memref<20x128xi32, #tpu.memory_space<hbm>>
        %dma_wait3A_235 = arith.constant 0 : i32
        %dma_wait3A_236 = arith.constant 0 : i32
        %dma_wait3A_237 = tpu.memref_slice %arg7[%dma_wait3A_235, %dma_wait3A_236] : memref<80x128xi32, #tpu.memory_space<vmem>> -> memref<20x128xi32, #tpu.memory_space<vmem>>
        %dma_wait3A_238 = arith.constant 0 : i32
        %dma_wait3A_239 = arith.constant 0 : i32
        %dma_wait3A_240 = tpu.memref_slice %arg2[%cond3A, %dma_wait3A_238, %dma_wait3A_239] : memref<2x2500x128xi32, #tpu.memory_space<hbm>> -> memref<1x2500x128xi32, #tpu.memory_space<hbm>>
        %dma_wait3A_241 = tpu.memref_squeeze %dma_wait3A_240 : memref<1x2500x128xi32, #tpu.memory_space<hbm>> -> memref<2500x128xi32, #tpu.memory_space<hbm>>
        %dma_wait3A_242 = arith.constant 0 : i32
        %dma_wait3A_243 = tpu.memref_slice %dma_wait3A_241[%mul3A_4, %dma_wait3A_242] : memref<2500x128xi32, #tpu.memory_space<hbm>> -> memref<20x128xi32, #tpu.memory_space<hbm>>
        tpu.wait_dma2 semaphore(%run_scoped3A : memref<!tpu.dma_semaphore, #tpu.memory_space<semaphore_mem>>) src(%dma_wait3A_243 : memref<20x128xi32, #tpu.memory_space<hbm>>) dst(%dma_wait3A_237 : memref<20x128xi32, #tpu.memory_space<vmem>>)
        tpu.yield
      }) : () -> ()
      "tpu.region"() ({
        %run_scoped3A = tpu.sem_alloc : memref<!tpu.dma_semaphore, #tpu.memory_space<semaphore_mem>>
        %dma_start3A_208 = arith.constant 0 : i32
        %dma_start3A_209 = arith.constant 0 : i32
        %dma_start3A_210 = tpu.memref_slice %arg8[%dma_start3A_208, %dma_start3A_209] : memref<80x128xi32, #tpu.memory_space<vmem>> -> memref<20x128xi32, #tpu.memory_space<vmem>>
        %dma_start3A_211 = arith.constant 0 : i32
        %dma_start3A_212 = arith.constant 0 : i32
        %dma_start3A_213 = tpu.memref_slice %arg2[%cond3A_6, %dma_start3A_211, %dma_start3A_212] : memref<2x2500x128xi32, #tpu.memory_space<hbm>> -> memref<1x2500x128xi32, #tpu.memory_space<hbm>>
        %dma_start3A_214 = tpu.memref_squeeze %dma_start3A_213 : memref<1x2500x128xi32, #tpu.memory_space<hbm>> -> memref<2500x128xi32, #tpu.memory_space<hbm>>
        %dma_start3A_215 = arith.constant 0 : i32
        %dma_start3A_216 = tpu.memref_slice %dma_start3A_214[%mul3A_4, %dma_start3A_215] : memref<2500x128xi32, #tpu.memory_space<hbm>> -> memref<20x128xi32, #tpu.memory_space<hbm>>
        %dma_start3A_217 = arith.constant 0 : i32
        %dma_start3A_218 = arith.constant 0 : i32
        %dma_start3A_219 = tpu.memref_slice %arg8[%dma_start3A_217, %dma_start3A_218] : memref<80x128xi32, #tpu.memory_space<vmem>> -> memref<20x128xi32, #tpu.memory_space<vmem>>
        %dma_start3A_220 = arith.constant 0 : i32
        %dma_start3A_221 = arith.constant 0 : i32
        %dma_start3A_222 = tpu.memref_slice %arg2[%cond3A_6, %dma_start3A_220, %dma_start3A_221] : memref<2x2500x128xi32, #tpu.memory_space<hbm>> -> memref<1x2500x128xi32, #tpu.memory_space<hbm>>
        %dma_start3A_223 = tpu.memref_squeeze %dma_start3A_222 : memref<1x2500x128xi32, #tpu.memory_space<hbm>> -> memref<2500x128xi32, #tpu.memory_space<hbm>>
        %dma_start3A_224 = arith.constant 0 : i32
        %dma_start3A_225 = tpu.memref_slice %dma_start3A_223[%mul3A_4, %dma_start3A_224] : memref<2500x128xi32, #tpu.memory_space<hbm>> -> memref<20x128xi32, #tpu.memory_space<hbm>>
        tpu.enqueue_dma source(%dma_start3A_225 : memref<20x128xi32, #tpu.memory_space<hbm>>) target(%dma_start3A_219 : memref<20x128xi32, #tpu.memory_space<vmem>>) target_semaphore(%run_scoped3A : memref<!tpu.dma_semaphore, #tpu.memory_space<semaphore_mem>>)
        %dma_wait3A_226 = arith.constant 0 : i32
        %dma_wait3A_227 = arith.constant 0 : i32
        %dma_wait3A_228 = tpu.memref_slice %arg8[%dma_wait3A_226, %dma_wait3A_227] : memref<80x128xi32, #tpu.memory_space<vmem>> -> memref<20x128xi32, #tpu.memory_space<vmem>>
        %dma_wait3A_229 = arith.constant 0 : i32
        %dma_wait3A_230 = arith.constant 0 : i32
        %dma_wait3A_231 = tpu.memref_slice %arg2[%cond3A_6, %dma_wait3A_229, %dma_wait3A_230] : memref<2x2500x128xi32, #tpu.memory_space<hbm>> -> memref<1x2500x128xi32, #tpu.memory_space<hbm>>
        %dma_wait3A_232 = tpu.memref_squeeze %dma_wait3A_231 : memref<1x2500x128xi32, #tpu.memory_space<hbm>> -> memref<2500x128xi32, #tpu.memory_space<hbm>>
        %dma_wait3A_233 = arith.constant 0 : i32
        %dma_wait3A_234 = tpu.memref_slice %dma_wait3A_232[%mul3A_4, %dma_wait3A_233] : memref<2500x128xi32, #tpu.memory_space<hbm>> -> memref<20x128xi32, #tpu.memory_space<hbm>>
        %dma_wait3A_235 = arith.constant 0 : i32
        %dma_wait3A_236 = arith.constant 0 : i32
        %dma_wait3A_237 = tpu.memref_slice %arg8[%dma_wait3A_235, %dma_wait3A_236] : memref<80x128xi32, #tpu.memory_space<vmem>> -> memref<20x128xi32, #tpu.memory_space<vmem>>
        %dma_wait3A_238 = arith.constant 0 : i32
        %dma_wait3A_239 = arith.constant 0 : i32
        %dma_wait3A_240 = tpu.memref_slice %arg2[%cond3A_6, %dma_wait3A_238, %dma_wait3A_239] : memref<2x2500x128xi32, #tpu.memory_space<hbm>> -> memref<1x2500x128xi32, #tpu.memory_space<hbm>>
        %dma_wait3A_241 = tpu.memref_squeeze %dma_wait3A_240 : memref<1x2500x128xi32, #tpu.memory_space<hbm>> -> memref<2500x128xi32, #tpu.memory_space<hbm>>
        %dma_wait3A_242 = arith.constant 0 : i32
        %dma_wait3A_243 = tpu.memref_slice %dma_wait3A_241[%mul3A_4, %dma_wait3A_242] : memref<2500x128xi32, #tpu.memory_space<hbm>> -> memref<20x128xi32, #tpu.memory_space<hbm>>
        tpu.wait_dma2 semaphore(%run_scoped3A : memref<!tpu.dma_semaphore, #tpu.memory_space<semaphore_mem>>) src(%dma_wait3A_243 : memref<20x128xi32, #tpu.memory_space<hbm>>) dst(%dma_wait3A_237 : memref<20x128xi32, #tpu.memory_space<vmem>>)
        tpu.yield
      }) : () -> ()
    } else {
    }
    %ne3A = arith.constant 31 : i32
    %ne3A_9 = arith.cmpi ne, %add3A, %ne3A : i32
    %convert_element_type3A_10 = arith.extui %ne3A_9 : i1 to i32
    %cond3A_11 = arith.constant 0 : i32
    %cond3A_12 = arith.constant 1 : i32
    %cond3A_13 = arith.constant 0 : i32
    %cond3A_14 = arith.cmpi ne, %convert_element_type3A_10, %cond3A_13 : i32
    scf.if %cond3A_14 {
      "tpu.region"() ({
        %run_scoped3A = tpu.sem_alloc : memref<!tpu.dma_semaphore, #tpu.memory_space<semaphore_mem>>
        %dma_start3A_208 = arith.constant 0 : i32
        %dma_start3A_209 = arith.constant 0 : i32
        %dma_start3A_210 = tpu.memref_slice %arg2[%cond3A_11, %dma_start3A_208, %dma_start3A_209] : memref<2x2500x128xi32, #tpu.memory_space<hbm>> -> memref<1x2500x128xi32, #tpu.memory_space<hbm>>
        %dma_start3A_211 = tpu.memref_squeeze %dma_start3A_210 : memref<1x2500x128xi32, #tpu.memory_space<hbm>> -> memref<2500x128xi32, #tpu.memory_space<hbm>>
        %dma_start3A_212 = arith.constant 0 : i32
        %dma_start3A_213 = tpu.memref_slice %dma_start3A_211[%mul3A_4, %dma_start3A_212] : memref<2500x128xi32, #tpu.memory_space<hbm>> -> memref<80x128xi32, #tpu.memory_space<hbm>>
        %dma_start3A_214 = arith.constant 0 : i32
        %dma_start3A_215 = arith.constant 0 : i32
        %dma_start3A_216 = tpu.memref_slice %arg2[%cond3A_11, %dma_start3A_214, %dma_start3A_215] : memref<2x2500x128xi32, #tpu.memory_space<hbm>> -> memref<1x2500x128xi32, #tpu.memory_space<hbm>>
        %dma_start3A_217 = tpu.memref_squeeze %dma_start3A_216 : memref<1x2500x128xi32, #tpu.memory_space<hbm>> -> memref<2500x128xi32, #tpu.memory_space<hbm>>
        %dma_start3A_218 = arith.constant 0 : i32
        %dma_start3A_219 = tpu.memref_slice %dma_start3A_217[%mul3A_4, %dma_start3A_218] : memref<2500x128xi32, #tpu.memory_space<hbm>> -> memref<80x128xi32, #tpu.memory_space<hbm>>
        tpu.enqueue_dma source(%dma_start3A_219 : memref<80x128xi32, #tpu.memory_space<hbm>>) target(%arg7 : memref<80x128xi32, #tpu.memory_space<vmem>>) target_semaphore(%run_scoped3A : memref<!tpu.dma_semaphore, #tpu.memory_space<semaphore_mem>>)
        %dma_wait3A_220 = arith.constant 0 : i32
        %dma_wait3A_221 = arith.constant 0 : i32
        %dma_wait3A_222 = tpu.memref_slice %arg2[%cond3A_11, %dma_wait3A_220, %dma_wait3A_221] : memref<2x2500x128xi32, #tpu.memory_space<hbm>> -> memref<1x2500x128xi32, #tpu.memory_space<hbm>>
        %dma_wait3A_223 = tpu.memref_squeeze %dma_wait3A_222 : memref<1x2500x128xi32, #tpu.memory_space<hbm>> -> memref<2500x128xi32, #tpu.memory_space<hbm>>
        %dma_wait3A_224 = arith.constant 0 : i32
        %dma_wait3A_225 = tpu.memref_slice %dma_wait3A_223[%mul3A_4, %dma_wait3A_224] : memref<2500x128xi32, #tpu.memory_space<hbm>> -> memref<80x128xi32, #tpu.memory_space<hbm>>
        %dma_wait3A_226 = arith.constant 0 : i32
        %dma_wait3A_227 = arith.constant 0 : i32
        %dma_wait3A_228 = tpu.memref_slice %arg2[%cond3A_11, %dma_wait3A_226, %dma_wait3A_227] : memref<2x2500x128xi32, #tpu.memory_space<hbm>> -> memref<1x2500x128xi32, #tpu.memory_space<hbm>>
        %dma_wait3A_229 = tpu.memref_squeeze %dma_wait3A_228 : memref<1x2500x128xi32, #tpu.memory_space<hbm>> -> memref<2500x128xi32, #tpu.memory_space<hbm>>
        %dma_wait3A_230 = arith.constant 0 : i32
        %dma_wait3A_231 = tpu.memref_slice %dma_wait3A_229[%mul3A_4, %dma_wait3A_230] : memref<2500x128xi32, #tpu.memory_space<hbm>> -> memref<80x128xi32, #tpu.memory_space<hbm>>
        tpu.wait_dma2 semaphore(%run_scoped3A : memref<!tpu.dma_semaphore, #tpu.memory_space<semaphore_mem>>) src(%dma_wait3A_231 : memref<80x128xi32, #tpu.memory_space<hbm>>) dst(%arg7 : memref<80x128xi32, #tpu.memory_space<vmem>>)
        tpu.yield
      }) : () -> ()
      "tpu.region"() ({
        %run_scoped3A = tpu.sem_alloc : memref<!tpu.dma_semaphore, #tpu.memory_space<semaphore_mem>>
        %dma_start3A_208 = arith.constant 0 : i32
        %dma_start3A_209 = arith.constant 0 : i32
        %dma_start3A_210 = tpu.memref_slice %arg2[%cond3A_12, %dma_start3A_208, %dma_start3A_209] : memref<2x2500x128xi32, #tpu.memory_space<hbm>> -> memref<1x2500x128xi32, #tpu.memory_space<hbm>>
        %dma_start3A_211 = tpu.memref_squeeze %dma_start3A_210 : memref<1x2500x128xi32, #tpu.memory_space<hbm>> -> memref<2500x128xi32, #tpu.memory_space<hbm>>
        %dma_start3A_212 = arith.constant 0 : i32
        %dma_start3A_213 = tpu.memref_slice %dma_start3A_211[%mul3A_4, %dma_start3A_212] : memref<2500x128xi32, #tpu.memory_space<hbm>> -> memref<80x128xi32, #tpu.memory_space<hbm>>
        %dma_start3A_214 = arith.constant 0 : i32
        %dma_start3A_215 = arith.constant 0 : i32
        %dma_start3A_216 = tpu.memref_slice %arg2[%cond3A_12, %dma_start3A_214, %dma_start3A_215] : memref<2x2500x128xi32, #tpu.memory_space<hbm>> -> memref<1x2500x128xi32, #tpu.memory_space<hbm>>
        %dma_start3A_217 = tpu.memref_squeeze %dma_start3A_216 : memref<1x2500x128xi32, #tpu.memory_space<hbm>> -> memref<2500x128xi32, #tpu.memory_space<hbm>>
        %dma_start3A_218 = arith.constant 0 : i32
        %dma_start3A_219 = tpu.memref_slice %dma_start3A_217[%mul3A_4, %dma_start3A_218] : memref<2500x128xi32, #tpu.memory_space<hbm>> -> memref<80x128xi32, #tpu.memory_space<hbm>>
        tpu.enqueue_dma source(%dma_start3A_219 : memref<80x128xi32, #tpu.memory_space<hbm>>) target(%arg8 : memref<80x128xi32, #tpu.memory_space<vmem>>) target_semaphore(%run_scoped3A : memref<!tpu.dma_semaphore, #tpu.memory_space<semaphore_mem>>)
        %dma_wait3A_220 = arith.constant 0 : i32
        %dma_wait3A_221 = arith.constant 0 : i32
        %dma_wait3A_222 = tpu.memref_slice %arg2[%cond3A_12, %dma_wait3A_220, %dma_wait3A_221] : memref<2x2500x128xi32, #tpu.memory_space<hbm>> -> memref<1x2500x128xi32, #tpu.memory_space<hbm>>
        %dma_wait3A_223 = tpu.memref_squeeze %dma_wait3A_222 : memref<1x2500x128xi32, #tpu.memory_space<hbm>> -> memref<2500x128xi32, #tpu.memory_space<hbm>>
        %dma_wait3A_224 = arith.constant 0 : i32
        %dma_wait3A_225 = tpu.memref_slice %dma_wait3A_223[%mul3A_4, %dma_wait3A_224] : memref<2500x128xi32, #tpu.memory_space<hbm>> -> memref<80x128xi32, #tpu.memory_space<hbm>>
        %dma_wait3A_226 = arith.constant 0 : i32
        %dma_wait3A_227 = arith.constant 0 : i32
        %dma_wait3A_228 = tpu.memref_slice %arg2[%cond3A_12, %dma_wait3A_226, %dma_wait3A_227] : memref<2x2500x128xi32, #tpu.memory_space<hbm>> -> memref<1x2500x128xi32, #tpu.memory_space<hbm>>
        %dma_wait3A_229 = tpu.memref_squeeze %dma_wait3A_228 : memref<1x2500x128xi32, #tpu.memory_space<hbm>> -> memref<2500x128xi32, #tpu.memory_space<hbm>>
        %dma_wait3A_230 = arith.constant 0 : i32
        %dma_wait3A_231 = tpu.memref_slice %dma_wait3A_229[%mul3A_4, %dma_wait3A_230] : memref<2500x128xi32, #tpu.memory_space<hbm>> -> memref<80x128xi32, #tpu.memory_space<hbm>>
        tpu.wait_dma2 semaphore(%run_scoped3A : memref<!tpu.dma_semaphore, #tpu.memory_space<semaphore_mem>>) src(%dma_wait3A_231 : memref<80x128xi32, #tpu.memory_space<hbm>>) dst(%arg8 : memref<80x128xi32, #tpu.memory_space<vmem>>)
        tpu.yield
      }) : () -> ()
    } else {
    }
    %eq3A_15 = arith.constant 31 : i32
    %eq3A_16 = arith.cmpi eq, %add3A, %eq3A_15 : i32
    %select_n3A = arith.constant 80 : i32
    %select_n3A_17 = arith.constant 20 : i32
    %select_n3A_18 = arith.select %eq3A_16, %select_n3A_17, %select_n3A : i32
    %barrier3A = arith.constant 0 : index
    tpu.barrier barrier_id(%barrier3A)
    %dma_start3A = arith.constant 0 : i32
    %dma_start3A_19 = arith.constant 0 : i32
    %dma_start3A_20 = tpu.memref_slice %arg7[%dma_start3A, %dma_start3A_19] : memref<80x128xi32, #tpu.memory_space<vmem>> -> memref<1x128xi32, #tpu.memory_space<vmem>>
    %dma_start3A_21 = tpu.memref_squeeze %dma_start3A_20 : memref<1x128xi32, #tpu.memory_space<vmem>> -> memref<128xi32, #tpu.memory_space<vmem>>
    %dma_start3A_22 = arith.constant 0 : i32
    %dma_start3A_23 = arith.constant 0 : i32
    %dma_start3A_24 = tpu.memref_slice %arg10[%dma_start3A_22, %dma_start3A_23] : memref<10240x16xf32, #tpu.memory_space<vmem_shared>> -> memref<10240x16xf32, #tpu.memory_space<vmem_shared>>
    tpu.enqueue_indirect_dma source(%arg9 : memref<128x16xf32, #tpu.memory_space<vmem>>) target(%dma_start3A_24 : memref<10240x16xf32, #tpu.memory_space<vmem_shared>>) offsets(%dma_start3A_21 : memref<128xi32, #tpu.memory_space<vmem>>) semaphore(%arg12 : memref<!tpu.dma_semaphore, #tpu.memory_space<semaphore_mem>>) {add = true}
    %dma_start3A_25 = arith.constant 0 : i32
    %dma_start3A_26 = arith.constant 0 : i32
    %dma_start3A_27 = tpu.memref_slice %arg8[%dma_start3A_25, %dma_start3A_26] : memref<80x128xi32, #tpu.memory_space<vmem>> -> memref<1x128xi32, #tpu.memory_space<vmem>>
    %dma_start3A_28 = tpu.memref_squeeze %dma_start3A_27 : memref<1x128xi32, #tpu.memory_space<vmem>> -> memref<128xi32, #tpu.memory_space<vmem>>
    %dma_start3A_29 = arith.constant 0 : i32
    %dma_start3A_30 = arith.constant 0 : i32
    %dma_start3A_31 = tpu.memref_slice %arg11[%dma_start3A_29, %dma_start3A_30] : memref<10240x16xf32, #tpu.memory_space<vmem_shared>> -> memref<10240x16xf32, #tpu.memory_space<vmem_shared>>
    tpu.enqueue_indirect_dma source(%arg9 : memref<128x16xf32, #tpu.memory_space<vmem>>) target(%dma_start3A_31 : memref<10240x16xf32, #tpu.memory_space<vmem_shared>>) offsets(%dma_start3A_28 : memref<128xi32, #tpu.memory_space<vmem>>) semaphore(%arg17 : memref<!tpu.dma_semaphore, #tpu.memory_space<semaphore_mem>>) {add = true}
    %dma_start3A_32 = arith.constant 1 : i32
    %dma_start3A_33 = arith.constant 0 : i32
    %dma_start3A_34 = tpu.memref_slice %arg7[%dma_start3A_32, %dma_start3A_33] : memref<80x128xi32, #tpu.memory_space<vmem>> -> memref<1x128xi32, #tpu.memory_space<vmem>>
    %dma_start3A_35 = tpu.memref_squeeze %dma_start3A_34 : memref<1x128xi32, #tpu.memory_space<vmem>> -> memref<128xi32, #tpu.memory_space<vmem>>
    %dma_start3A_36 = arith.constant 0 : i32
    %dma_start3A_37 = arith.constant 0 : i32
    %dma_start3A_38 = tpu.memref_slice %arg10[%dma_start3A_36, %dma_start3A_37] : memref<10240x16xf32, #tpu.memory_space<vmem_shared>> -> memref<10240x16xf32, #tpu.memory_space<vmem_shared>>
    tpu.enqueue_indirect_dma source(%arg9 : memref<128x16xf32, #tpu.memory_space<vmem>>) target(%dma_start3A_38 : memref<10240x16xf32, #tpu.memory_space<vmem_shared>>) offsets(%dma_start3A_35 : memref<128xi32, #tpu.memory_space<vmem>>) semaphore(%arg13 : memref<!tpu.dma_semaphore, #tpu.memory_space<semaphore_mem>>) {add = true}
    %dma_start3A_39 = arith.constant 1 : i32
    %dma_start3A_40 = arith.constant 0 : i32
    %dma_start3A_41 = tpu.memref_slice %arg8[%dma_start3A_39, %dma_start3A_40] : memref<80x128xi32, #tpu.memory_space<vmem>> -> memref<1x128xi32, #tpu.memory_space<vmem>>
    %dma_start3A_42 = tpu.memref_squeeze %dma_start3A_41 : memref<1x128xi32, #tpu.memory_space<vmem>> -> memref<128xi32, #tpu.memory_space<vmem>>
    %dma_start3A_43 = arith.constant 0 : i32
    %dma_start3A_44 = arith.constant 0 : i32
    %dma_start3A_45 = tpu.memref_slice %arg11[%dma_start3A_43, %dma_start3A_44] : memref<10240x16xf32, #tpu.memory_space<vmem_shared>> -> memref<10240x16xf32, #tpu.memory_space<vmem_shared>>
    tpu.enqueue_indirect_dma source(%arg9 : memref<128x16xf32, #tpu.memory_space<vmem>>) target(%dma_start3A_45 : memref<10240x16xf32, #tpu.memory_space<vmem_shared>>) offsets(%dma_start3A_42 : memref<128xi32, #tpu.memory_space<vmem>>) semaphore(%arg18 : memref<!tpu.dma_semaphore, #tpu.memory_space<semaphore_mem>>) {add = true}
    %dma_start3A_46 = arith.constant 2 : i32
    %dma_start3A_47 = arith.constant 0 : i32
    %dma_start3A_48 = tpu.memref_slice %arg7[%dma_start3A_46, %dma_start3A_47] : memref<80x128xi32, #tpu.memory_space<vmem>> -> memref<1x128xi32, #tpu.memory_space<vmem>>
    %dma_start3A_49 = tpu.memref_squeeze %dma_start3A_48 : memref<1x128xi32, #tpu.memory_space<vmem>> -> memref<128xi32, #tpu.memory_space<vmem>>
    %dma_start3A_50 = arith.constant 0 : i32
    %dma_start3A_51 = arith.constant 0 : i32
    %dma_start3A_52 = tpu.memref_slice %arg10[%dma_start3A_50, %dma_start3A_51] : memref<10240x16xf32, #tpu.memory_space<vmem_shared>> -> memref<10240x16xf32, #tpu.memory_space<vmem_shared>>
    tpu.enqueue_indirect_dma source(%arg9 : memref<128x16xf32, #tpu.memory_space<vmem>>) target(%dma_start3A_52 : memref<10240x16xf32, #tpu.memory_space<vmem_shared>>) offsets(%dma_start3A_49 : memref<128xi32, #tpu.memory_space<vmem>>) semaphore(%arg14 : memref<!tpu.dma_semaphore, #tpu.memory_space<semaphore_mem>>) {add = true}
    %dma_start3A_53 = arith.constant 2 : i32
    %dma_start3A_54 = arith.constant 0 : i32
    %dma_start3A_55 = tpu.memref_slice %arg8[%dma_start3A_53, %dma_start3A_54] : memref<80x128xi32, #tpu.memory_space<vmem>> -> memref<1x128xi32, #tpu.memory_space<vmem>>
    %dma_start3A_56 = tpu.memref_squeeze %dma_start3A_55 : memref<1x128xi32, #tpu.memory_space<vmem>> -> memref<128xi32, #tpu.memory_space<vmem>>
    %dma_start3A_57 = arith.constant 0 : i32
    %dma_start3A_58 = arith.constant 0 : i32
    %dma_start3A_59 = tpu.memref_slice %arg11[%dma_start3A_57, %dma_start3A_58] : memref<10240x16xf32, #tpu.memory_space<vmem_shared>> -> memref<10240x16xf32, #tpu.memory_space<vmem_shared>>
    tpu.enqueue_indirect_dma source(%arg9 : memref<128x16xf32, #tpu.memory_space<vmem>>) target(%dma_start3A_59 : memref<10240x16xf32, #tpu.memory_space<vmem_shared>>) offsets(%dma_start3A_56 : memref<128xi32, #tpu.memory_space<vmem>>) semaphore(%arg19 : memref<!tpu.dma_semaphore, #tpu.memory_space<semaphore_mem>>) {add = true}
    %dma_start3A_60 = arith.constant 3 : i32
    %dma_start3A_61 = arith.constant 0 : i32
    %dma_start3A_62 = tpu.memref_slice %arg7[%dma_start3A_60, %dma_start3A_61] : memref<80x128xi32, #tpu.memory_space<vmem>> -> memref<1x128xi32, #tpu.memory_space<vmem>>
    %dma_start3A_63 = tpu.memref_squeeze %dma_start3A_62 : memref<1x128xi32, #tpu.memory_space<vmem>> -> memref<128xi32, #tpu.memory_space<vmem>>
    %dma_start3A_64 = arith.constant 0 : i32
    %dma_start3A_65 = arith.constant 0 : i32
    %dma_start3A_66 = tpu.memref_slice %arg10[%dma_start3A_64, %dma_start3A_65] : memref<10240x16xf32, #tpu.memory_space<vmem_shared>> -> memref<10240x16xf32, #tpu.memory_space<vmem_shared>>
    tpu.enqueue_indirect_dma source(%arg9 : memref<128x16xf32, #tpu.memory_space<vmem>>) target(%dma_start3A_66 : memref<10240x16xf32, #tpu.memory_space<vmem_shared>>) offsets(%dma_start3A_63 : memref<128xi32, #tpu.memory_space<vmem>>) semaphore(%arg15 : memref<!tpu.dma_semaphore, #tpu.memory_space<semaphore_mem>>) {add = true}
    %dma_start3A_67 = arith.constant 3 : i32
    %dma_start3A_68 = arith.constant 0 : i32
    %dma_start3A_69 = tpu.memref_slice %arg8[%dma_start3A_67, %dma_start3A_68] : memref<80x128xi32, #tpu.memory_space<vmem>> -> memref<1x128xi32, #tpu.memory_space<vmem>>
    %dma_start3A_70 = tpu.memref_squeeze %dma_start3A_69 : memref<1x128xi32, #tpu.memory_space<vmem>> -> memref<128xi32, #tpu.memory_space<vmem>>
    %dma_start3A_71 = arith.constant 0 : i32
    %dma_start3A_72 = arith.constant 0 : i32
    %dma_start3A_73 = tpu.memref_slice %arg11[%dma_start3A_71, %dma_start3A_72] : memref<10240x16xf32, #tpu.memory_space<vmem_shared>> -> memref<10240x16xf32, #tpu.memory_space<vmem_shared>>
    tpu.enqueue_indirect_dma source(%arg9 : memref<128x16xf32, #tpu.memory_space<vmem>>) target(%dma_start3A_73 : memref<10240x16xf32, #tpu.memory_space<vmem_shared>>) offsets(%dma_start3A_70 : memref<128xi32, #tpu.memory_space<vmem>>) semaphore(%arg20 : memref<!tpu.dma_semaphore, #tpu.memory_space<semaphore_mem>>) {add = true}
    %dma_start3A_74 = arith.constant 4 : i32
    %dma_start3A_75 = arith.constant 0 : i32
    %dma_start3A_76 = tpu.memref_slice %arg7[%dma_start3A_74, %dma_start3A_75] : memref<80x128xi32, #tpu.memory_space<vmem>> -> memref<1x128xi32, #tpu.memory_space<vmem>>
    %dma_start3A_77 = tpu.memref_squeeze %dma_start3A_76 : memref<1x128xi32, #tpu.memory_space<vmem>> -> memref<128xi32, #tpu.memory_space<vmem>>
    %dma_start3A_78 = arith.constant 0 : i32
    %dma_start3A_79 = arith.constant 0 : i32
    %dma_start3A_80 = tpu.memref_slice %arg10[%dma_start3A_78, %dma_start3A_79] : memref<10240x16xf32, #tpu.memory_space<vmem_shared>> -> memref<10240x16xf32, #tpu.memory_space<vmem_shared>>
    tpu.enqueue_indirect_dma source(%arg9 : memref<128x16xf32, #tpu.memory_space<vmem>>) target(%dma_start3A_80 : memref<10240x16xf32, #tpu.memory_space<vmem_shared>>) offsets(%dma_start3A_77 : memref<128xi32, #tpu.memory_space<vmem>>) semaphore(%arg16 : memref<!tpu.dma_semaphore, #tpu.memory_space<semaphore_mem>>) {add = true}
    %dma_start3A_81 = arith.constant 4 : i32
    %dma_start3A_82 = arith.constant 0 : i32
    %dma_start3A_83 = tpu.memref_slice %arg8[%dma_start3A_81, %dma_start3A_82] : memref<80x128xi32, #tpu.memory_space<vmem>> -> memref<1x128xi32, #tpu.memory_space<vmem>>
    %dma_start3A_84 = tpu.memref_squeeze %dma_start3A_83 : memref<1x128xi32, #tpu.memory_space<vmem>> -> memref<128xi32, #tpu.memory_space<vmem>>
    %dma_start3A_85 = arith.constant 0 : i32
    %dma_start3A_86 = arith.constant 0 : i32
    %dma_start3A_87 = tpu.memref_slice %arg11[%dma_start3A_85, %dma_start3A_86] : memref<10240x16xf32, #tpu.memory_space<vmem_shared>> -> memref<10240x16xf32, #tpu.memory_space<vmem_shared>>
    tpu.enqueue_indirect_dma source(%arg9 : memref<128x16xf32, #tpu.memory_space<vmem>>) target(%dma_start3A_87 : memref<10240x16xf32, #tpu.memory_space<vmem_shared>>) offsets(%dma_start3A_84 : memref<128xi32, #tpu.memory_space<vmem>>) semaphore(%arg21 : memref<!tpu.dma_semaphore, #tpu.memory_space<semaphore_mem>>) {add = true}
    %jit3A = arith.constant 5 : i32
    %div3A = arith.divsi %select_n3A_18, %jit3A : i32
    %sign3A = arith.constant 0 : i32
    %sign3A_88 = arith.cmpi sgt, %select_n3A_18, %sign3A : i32
    %sign3A_89 = arith.extui %sign3A_88 : i1 to i32
    %sign3A_90 = arith.constant 0 : i32
    %sign3A_91 = arith.cmpi slt, %select_n3A_18, %sign3A_90 : i32
    %sign3A_92 = arith.extui %sign3A_91 : i1 to i32
    %sign3A_93 = arith.subi %sign3A_89, %sign3A_92 : i32
    %sign3A_94 = arith.constant 0 : i32
    %sign3A_95 = arith.cmpi sgt, %jit3A, %sign3A_94 : i32
    %sign3A_96 = arith.extui %sign3A_95 : i1 to i32
    %sign3A_97 = arith.constant 0 : i32
    %sign3A_98 = arith.cmpi slt, %jit3A, %sign3A_97 : i32
    %sign3A_99 = arith.extui %sign3A_98 : i1 to i32
    %sign3A_100 = arith.subi %sign3A_96, %sign3A_99 : i32
    %ne3A_101 = arith.cmpi ne, %sign3A_93, %sign3A_100 : i32
    %rem3A = arith.remsi %select_n3A_18, %jit3A : i32
    %ne3A_102 = arith.constant 0 : i32
    %ne3A_103 = arith.cmpi ne, %rem3A, %ne3A_102 : i32
    %and3A = arith.andi %ne3A_101, %ne3A_103 : i1
    %sub3A = arith.constant 1 : i32
    %sub3A_104 = arith.subi %div3A, %sub3A : i32
    %select_n3A_105 = arith.select %and3A, %sub3A_104, %div3A : i32
    %sub3A_106 = arith.constant 1 : i32
    %sub3A_107 = arith.subi %select_n3A_105, %sub3A_106 : i32
    %sub3A_108 = arith.constant 0 : i32
    %sub3A_109 = arith.subi %sub3A_107, %sub3A_108 : i32
    %sub3A_110 = arith.constant 1 : i32
    %sub3A_111 = arith.constant 1 : i32
    %sub3A_112 = arith.subi %sub3A_110, %sub3A_111 : i32
    %add3A_113 = arith.addi %sub3A_109, %sub3A_112 : i32
    %div3A_114 = arith.constant 1 : i32
    %div3A_115 = arith.divsi %add3A_113, %div3A_114 : i32
    %while3A = arith.constant 1 : i32
    %while3A_116 = arith.constant 0 : i32
    %while3A_117 = arith.constant 0 : i32
    %while3A_118 = arith.subi %div3A_115, %while3A_117 : i32
    %while3A_119 = arith.addi %while3A_117, %while3A_118 : i32
    %while3A_120 = arith.constant 1 : i32
    %while3A_121 = arith.divsi %while3A_118, %while3A_120 : i32
    %while3A_122 = arith.muli %while3A_121, %while3A_120 : i32
    %while3A_123 = arith.addi %while3A_117, %while3A_122 : i32
    %while3A_124 = arith.constant 1 : i32
    scf.for %while3A_208 = %while3A_117 to %while3A_123 step %while3A_124  : i32 {
      %mul3A_209 = arith.muli %while3A_208, %while3A : i32
      %add3A_210 = arith.addi %while3A_116, %mul3A_209 : i32
      %mul3A_211 = arith.constant 5 : i32
      %mul3A_212 = arith.muli %mul3A_211, %add3A_210 : i32
      %add3A_213 = arith.constant 0 : i32
      %add3A_214 = arith.addi %mul3A_212, %add3A_213 : i32
      %dma_wait3A_215 = arith.constant 0 : i32
      %dma_wait3A_216 = tpu.memref_slice %arg7[%add3A_214, %dma_wait3A_215] : memref<80x128xi32, #tpu.memory_space<vmem>> -> memref<1x128xi32, #tpu.memory_space<vmem>>
      %dma_wait3A_217 = tpu.memref_squeeze %dma_wait3A_216 : memref<1x128xi32, #tpu.memory_space<vmem>> -> memref<128xi32, #tpu.memory_space<vmem>>
      %dma_wait3A_218 = arith.constant 0 : i32
      %dma_wait3A_219 = arith.constant 0 : i32
      %dma_wait3A_220 = tpu.memref_slice %arg10[%dma_wait3A_218, %dma_wait3A_219] : memref<10240x16xf32, #tpu.memory_space<vmem_shared>> -> memref<10240x16xf32, #tpu.memory_space<vmem_shared>>
      tpu.wait_indirect_dma semaphore(%arg12 : memref<!tpu.dma_semaphore, #tpu.memory_space<semaphore_mem>>) src(%arg9 : memref<128x16xf32, #tpu.memory_space<vmem>>) dst(%dma_wait3A_220 : memref<10240x16xf32, #tpu.memory_space<vmem_shared>>)
      %add3A_221 = arith.constant 5 : i32
      %add3A_222 = arith.addi %mul3A_212, %add3A_221 : i32
      %add3A_223 = arith.constant 0 : i32
      %add3A_224 = arith.addi %add3A_222, %add3A_223 : i32
      %dma_start3A_225 = arith.constant 0 : i32
      %dma_start3A_226 = tpu.memref_slice %arg7[%add3A_224, %dma_start3A_225] : memref<80x128xi32, #tpu.memory_space<vmem>> -> memref<1x128xi32, #tpu.memory_space<vmem>>
      %dma_start3A_227 = tpu.memref_squeeze %dma_start3A_226 : memref<1x128xi32, #tpu.memory_space<vmem>> -> memref<128xi32, #tpu.memory_space<vmem>>
      %dma_start3A_228 = arith.constant 0 : i32
      %dma_start3A_229 = arith.constant 0 : i32
      %dma_start3A_230 = tpu.memref_slice %arg10[%dma_start3A_228, %dma_start3A_229] : memref<10240x16xf32, #tpu.memory_space<vmem_shared>> -> memref<10240x16xf32, #tpu.memory_space<vmem_shared>>
      tpu.enqueue_indirect_dma source(%arg9 : memref<128x16xf32, #tpu.memory_space<vmem>>) target(%dma_start3A_230 : memref<10240x16xf32, #tpu.memory_space<vmem_shared>>) offsets(%dma_start3A_227 : memref<128xi32, #tpu.memory_space<vmem>>) semaphore(%arg12 : memref<!tpu.dma_semaphore, #tpu.memory_space<semaphore_mem>>) {add = true}
      %add3A_231 = arith.constant 0 : i32
      %add3A_232 = arith.addi %mul3A_212, %add3A_231 : i32
      %dma_wait3A_233 = arith.constant 0 : i32
      %dma_wait3A_234 = tpu.memref_slice %arg8[%add3A_232, %dma_wait3A_233] : memref<80x128xi32, #tpu.memory_space<vmem>> -> memref<1x128xi32, #tpu.memory_space<vmem>>
      %dma_wait3A_235 = tpu.memref_squeeze %dma_wait3A_234 : memref<1x128xi32, #tpu.memory_space<vmem>> -> memref<128xi32, #tpu.memory_space<vmem>>
      %dma_wait3A_236 = arith.constant 0 : i32
      %dma_wait3A_237 = arith.constant 0 : i32
      %dma_wait3A_238 = tpu.memref_slice %arg11[%dma_wait3A_236, %dma_wait3A_237] : memref<10240x16xf32, #tpu.memory_space<vmem_shared>> -> memref<10240x16xf32, #tpu.memory_space<vmem_shared>>
      tpu.wait_indirect_dma semaphore(%arg17 : memref<!tpu.dma_semaphore, #tpu.memory_space<semaphore_mem>>) src(%arg9 : memref<128x16xf32, #tpu.memory_space<vmem>>) dst(%dma_wait3A_238 : memref<10240x16xf32, #tpu.memory_space<vmem_shared>>)
      %add3A_239 = arith.constant 5 : i32
      %add3A_240 = arith.addi %mul3A_212, %add3A_239 : i32
      %add3A_241 = arith.constant 0 : i32
      %add3A_242 = arith.addi %add3A_240, %add3A_241 : i32
      %dma_start3A_243 = arith.constant 0 : i32
      %dma_start3A_244 = tpu.memref_slice %arg8[%add3A_242, %dma_start3A_243] : memref<80x128xi32, #tpu.memory_space<vmem>> -> memref<1x128xi32, #tpu.memory_space<vmem>>
      %dma_start3A_245 = tpu.memref_squeeze %dma_start3A_244 : memref<1x128xi32, #tpu.memory_space<vmem>> -> memref<128xi32, #tpu.memory_space<vmem>>
      %dma_start3A_246 = arith.constant 0 : i32
      %dma_start3A_247 = arith.constant 0 : i32
      %dma_start3A_248 = tpu.memref_slice %arg11[%dma_start3A_246, %dma_start3A_247] : memref<10240x16xf32, #tpu.memory_space<vmem_shared>> -> memref<10240x16xf32, #tpu.memory_space<vmem_shared>>
      tpu.enqueue_indirect_dma source(%arg9 : memref<128x16xf32, #tpu.memory_space<vmem>>) target(%dma_start3A_248 : memref<10240x16xf32, #tpu.memory_space<vmem_shared>>) offsets(%dma_start3A_245 : memref<128xi32, #tpu.memory_space<vmem>>) semaphore(%arg17 : memref<!tpu.dma_semaphore, #tpu.memory_space<semaphore_mem>>) {add = true}
      %add3A_249 = arith.constant 1 : i32
      %add3A_250 = arith.addi %mul3A_212, %add3A_249 : i32
      %dma_wait3A_251 = arith.constant 0 : i32
      %dma_wait3A_252 = tpu.memref_slice %arg7[%add3A_250, %dma_wait3A_251] : memref<80x128xi32, #tpu.memory_space<vmem>> -> memref<1x128xi32, #tpu.memory_space<vmem>>
      %dma_wait3A_253 = tpu.memref_squeeze %dma_wait3A_252 : memref<1x128xi32, #tpu.memory_space<vmem>> -> memref<128xi32, #tpu.memory_space<vmem>>
      %dma_wait3A_254 = arith.constant 0 : i32
      %dma_wait3A_255 = arith.constant 0 : i32
      %dma_wait3A_256 = tpu.memref_slice %arg10[%dma_wait3A_254, %dma_wait3A_255] : memref<10240x16xf32, #tpu.memory_space<vmem_shared>> -> memref<10240x16xf32, #tpu.memory_space<vmem_shared>>
      tpu.wait_indirect_dma semaphore(%arg13 : memref<!tpu.dma_semaphore, #tpu.memory_space<semaphore_mem>>) src(%arg9 : memref<128x16xf32, #tpu.memory_space<vmem>>) dst(%dma_wait3A_256 : memref<10240x16xf32, #tpu.memory_space<vmem_shared>>)
      %add3A_257 = arith.constant 5 : i32
      %add3A_258 = arith.addi %mul3A_212, %add3A_257 : i32
      %add3A_259 = arith.constant 1 : i32
      %add3A_260 = arith.addi %add3A_258, %add3A_259 : i32
      %dma_start3A_261 = arith.constant 0 : i32
      %dma_start3A_262 = tpu.memref_slice %arg7[%add3A_260, %dma_start3A_261] : memref<80x128xi32, #tpu.memory_space<vmem>> -> memref<1x128xi32, #tpu.memory_space<vmem>>
      %dma_start3A_263 = tpu.memref_squeeze %dma_start3A_262 : memref<1x128xi32, #tpu.memory_space<vmem>> -> memref<128xi32, #tpu.memory_space<vmem>>
      %dma_start3A_264 = arith.constant 0 : i32
      %dma_start3A_265 = arith.constant 0 : i32
      %dma_start3A_266 = tpu.memref_slice %arg10[%dma_start3A_264, %dma_start3A_265] : memref<10240x16xf32, #tpu.memory_space<vmem_shared>> -> memref<10240x16xf32, #tpu.memory_space<vmem_shared>>
      tpu.enqueue_indirect_dma source(%arg9 : memref<128x16xf32, #tpu.memory_space<vmem>>) target(%dma_start3A_266 : memref<10240x16xf32, #tpu.memory_space<vmem_shared>>) offsets(%dma_start3A_263 : memref<128xi32, #tpu.memory_space<vmem>>) semaphore(%arg13 : memref<!tpu.dma_semaphore, #tpu.memory_space<semaphore_mem>>) {add = true}
      %add3A_267 = arith.constant 1 : i32
      %add3A_268 = arith.addi %mul3A_212, %add3A_267 : i32
      %dma_wait3A_269 = arith.constant 0 : i32
      %dma_wait3A_270 = tpu.memref_slice %arg8[%add3A_268, %dma_wait3A_269] : memref<80x128xi32, #tpu.memory_space<vmem>> -> memref<1x128xi32, #tpu.memory_space<vmem>>
      %dma_wait3A_271 = tpu.memref_squeeze %dma_wait3A_270 : memref<1x128xi32, #tpu.memory_space<vmem>> -> memref<128xi32, #tpu.memory_space<vmem>>
      %dma_wait3A_272 = arith.constant 0 : i32
      %dma_wait3A_273 = arith.constant 0 : i32
      %dma_wait3A_274 = tpu.memref_slice %arg11[%dma_wait3A_272, %dma_wait3A_273] : memref<10240x16xf32, #tpu.memory_space<vmem_shared>> -> memref<10240x16xf32, #tpu.memory_space<vmem_shared>>
      tpu.wait_indirect_dma semaphore(%arg18 : memref<!tpu.dma_semaphore, #tpu.memory_space<semaphore_mem>>) src(%arg9 : memref<128x16xf32, #tpu.memory_space<vmem>>) dst(%dma_wait3A_274 : memref<10240x16xf32, #tpu.memory_space<vmem_shared>>)
      %add3A_275 = arith.constant 5 : i32
      %add3A_276 = arith.addi %mul3A_212, %add3A_275 : i32
      %add3A_277 = arith.constant 1 : i32
      %add3A_278 = arith.addi %add3A_276, %add3A_277 : i32
      %dma_start3A_279 = arith.constant 0 : i32
      %dma_start3A_280 = tpu.memref_slice %arg8[%add3A_278, %dma_start3A_279] : memref<80x128xi32, #tpu.memory_space<vmem>> -> memref<1x128xi32, #tpu.memory_space<vmem>>
      %dma_start3A_281 = tpu.memref_squeeze %dma_start3A_280 : memref<1x128xi32, #tpu.memory_space<vmem>> -> memref<128xi32, #tpu.memory_space<vmem>>
      %dma_start3A_282 = arith.constant 0 : i32
      %dma_start3A_283 = arith.constant 0 : i32
      %dma_start3A_284 = tpu.memref_slice %arg11[%dma_start3A_282, %dma_start3A_283] : memref<10240x16xf32, #tpu.memory_space<vmem_shared>> -> memref<10240x16xf32, #tpu.memory_space<vmem_shared>>
      tpu.enqueue_indirect_dma source(%arg9 : memref<128x16xf32, #tpu.memory_space<vmem>>) target(%dma_start3A_284 : memref<10240x16xf32, #tpu.memory_space<vmem_shared>>) offsets(%dma_start3A_281 : memref<128xi32, #tpu.memory_space<vmem>>) semaphore(%arg18 : memref<!tpu.dma_semaphore, #tpu.memory_space<semaphore_mem>>) {add = true}
      %add3A_285 = arith.constant 2 : i32
      %add3A_286 = arith.addi %mul3A_212, %add3A_285 : i32
      %dma_wait3A_287 = arith.constant 0 : i32
      %dma_wait3A_288 = tpu.memref_slice %arg7[%add3A_286, %dma_wait3A_287] : memref<80x128xi32, #tpu.memory_space<vmem>> -> memref<1x128xi32, #tpu.memory_space<vmem>>
      %dma_wait3A_289 = tpu.memref_squeeze %dma_wait3A_288 : memref<1x128xi32, #tpu.memory_space<vmem>> -> memref<128xi32, #tpu.memory_space<vmem>>
      %dma_wait3A_290 = arith.constant 0 : i32
      %dma_wait3A_291 = arith.constant 0 : i32
      %dma_wait3A_292 = tpu.memref_slice %arg10[%dma_wait3A_290, %dma_wait3A_291] : memref<10240x16xf32, #tpu.memory_space<vmem_shared>> -> memref<10240x16xf32, #tpu.memory_space<vmem_shared>>
      tpu.wait_indirect_dma semaphore(%arg14 : memref<!tpu.dma_semaphore, #tpu.memory_space<semaphore_mem>>) src(%arg9 : memref<128x16xf32, #tpu.memory_space<vmem>>) dst(%dma_wait3A_292 : memref<10240x16xf32, #tpu.memory_space<vmem_shared>>)
      %add3A_293 = arith.constant 5 : i32
      %add3A_294 = arith.addi %mul3A_212, %add3A_293 : i32
      %add3A_295 = arith.constant 2 : i32
      %add3A_296 = arith.addi %add3A_294, %add3A_295 : i32
      %dma_start3A_297 = arith.constant 0 : i32
      %dma_start3A_298 = tpu.memref_slice %arg7[%add3A_296, %dma_start3A_297] : memref<80x128xi32, #tpu.memory_space<vmem>> -> memref<1x128xi32, #tpu.memory_space<vmem>>
      %dma_start3A_299 = tpu.memref_squeeze %dma_start3A_298 : memref<1x128xi32, #tpu.memory_space<vmem>> -> memref<128xi32, #tpu.memory_space<vmem>>
      %dma_start3A_300 = arith.constant 0 : i32
      %dma_start3A_301 = arith.constant 0 : i32
      %dma_start3A_302 = tpu.memref_slice %arg10[%dma_start3A_300, %dma_start3A_301] : memref<10240x16xf32, #tpu.memory_space<vmem_shared>> -> memref<10240x16xf32, #tpu.memory_space<vmem_shared>>
      tpu.enqueue_indirect_dma source(%arg9 : memref<128x16xf32, #tpu.memory_space<vmem>>) target(%dma_start3A_302 : memref<10240x16xf32, #tpu.memory_space<vmem_shared>>) offsets(%dma_start3A_299 : memref<128xi32, #tpu.memory_space<vmem>>) semaphore(%arg14 : memref<!tpu.dma_semaphore, #tpu.memory_space<semaphore_mem>>) {add = true}
      %add3A_303 = arith.constant 2 : i32
      %add3A_304 = arith.addi %mul3A_212, %add3A_303 : i32
      %dma_wait3A_305 = arith.constant 0 : i32
      %dma_wait3A_306 = tpu.memref_slice %arg8[%add3A_304, %dma_wait3A_305] : memref<80x128xi32, #tpu.memory_space<vmem>> -> memref<1x128xi32, #tpu.memory_space<vmem>>
      %dma_wait3A_307 = tpu.memref_squeeze %dma_wait3A_306 : memref<1x128xi32, #tpu.memory_space<vmem>> -> memref<128xi32, #tpu.memory_space<vmem>>
      %dma_wait3A_308 = arith.constant 0 : i32
      %dma_wait3A_309 = arith.constant 0 : i32
      %dma_wait3A_310 = tpu.memref_slice %arg11[%dma_wait3A_308, %dma_wait3A_309] : memref<10240x16xf32, #tpu.memory_space<vmem_shared>> -> memref<10240x16xf32, #tpu.memory_space<vmem_shared>>
      tpu.wait_indirect_dma semaphore(%arg19 : memref<!tpu.dma_semaphore, #tpu.memory_space<semaphore_mem>>) src(%arg9 : memref<128x16xf32, #tpu.memory_space<vmem>>) dst(%dma_wait3A_310 : memref<10240x16xf32, #tpu.memory_space<vmem_shared>>)
      %add3A_311 = arith.constant 5 : i32
      %add3A_312 = arith.addi %mul3A_212, %add3A_311 : i32
      %add3A_313 = arith.constant 2 : i32
      %add3A_314 = arith.addi %add3A_312, %add3A_313 : i32
      %dma_start3A_315 = arith.constant 0 : i32
      %dma_start3A_316 = tpu.memref_slice %arg8[%add3A_314, %dma_start3A_315] : memref<80x128xi32, #tpu.memory_space<vmem>> -> memref<1x128xi32, #tpu.memory_space<vmem>>
      %dma_start3A_317 = tpu.memref_squeeze %dma_start3A_316 : memref<1x128xi32, #tpu.memory_space<vmem>> -> memref<128xi32, #tpu.memory_space<vmem>>
      %dma_start3A_318 = arith.constant 0 : i32
      %dma_start3A_319 = arith.constant 0 : i32
      %dma_start3A_320 = tpu.memref_slice %arg11[%dma_start3A_318, %dma_start3A_319] : memref<10240x16xf32, #tpu.memory_space<vmem_shared>> -> memref<10240x16xf32, #tpu.memory_space<vmem_shared>>
      tpu.enqueue_indirect_dma source(%arg9 : memref<128x16xf32, #tpu.memory_space<vmem>>) target(%dma_start3A_320 : memref<10240x16xf32, #tpu.memory_space<vmem_shared>>) offsets(%dma_start3A_317 : memref<128xi32, #tpu.memory_space<vmem>>) semaphore(%arg19 : memref<!tpu.dma_semaphore, #tpu.memory_space<semaphore_mem>>) {add = true}
      %add3A_321 = arith.constant 3 : i32
      %add3A_322 = arith.addi %mul3A_212, %add3A_321 : i32
      %dma_wait3A_323 = arith.constant 0 : i32
      %dma_wait3A_324 = tpu.memref_slice %arg7[%add3A_322, %dma_wait3A_323] : memref<80x128xi32, #tpu.memory_space<vmem>> -> memref<1x128xi32, #tpu.memory_space<vmem>>
      %dma_wait3A_325 = tpu.memref_squeeze %dma_wait3A_324 : memref<1x128xi32, #tpu.memory_space<vmem>> -> memref<128xi32, #tpu.memory_space<vmem>>
      %dma_wait3A_326 = arith.constant 0 : i32
      %dma_wait3A_327 = arith.constant 0 : i32
      %dma_wait3A_328 = tpu.memref_slice %arg10[%dma_wait3A_326, %dma_wait3A_327] : memref<10240x16xf32, #tpu.memory_space<vmem_shared>> -> memref<10240x16xf32, #tpu.memory_space<vmem_shared>>
      tpu.wait_indirect_dma semaphore(%arg15 : memref<!tpu.dma_semaphore, #tpu.memory_space<semaphore_mem>>) src(%arg9 : memref<128x16xf32, #tpu.memory_space<vmem>>) dst(%dma_wait3A_328 : memref<10240x16xf32, #tpu.memory_space<vmem_shared>>)
      %add3A_329 = arith.constant 5 : i32
      %add3A_330 = arith.addi %mul3A_212, %add3A_329 : i32
      %add3A_331 = arith.constant 3 : i32
      %add3A_332 = arith.addi %add3A_330, %add3A_331 : i32
      %dma_start3A_333 = arith.constant 0 : i32
      %dma_start3A_334 = tpu.memref_slice %arg7[%add3A_332, %dma_start3A_333] : memref<80x128xi32, #tpu.memory_space<vmem>> -> memref<1x128xi32, #tpu.memory_space<vmem>>
      %dma_start3A_335 = tpu.memref_squeeze %dma_start3A_334 : memref<1x128xi32, #tpu.memory_space<vmem>> -> memref<128xi32, #tpu.memory_space<vmem>>
      %dma_start3A_336 = arith.constant 0 : i32
      %dma_start3A_337 = arith.constant 0 : i32
      %dma_start3A_338 = tpu.memref_slice %arg10[%dma_start3A_336, %dma_start3A_337] : memref<10240x16xf32, #tpu.memory_space<vmem_shared>> -> memref<10240x16xf32, #tpu.memory_space<vmem_shared>>
      tpu.enqueue_indirect_dma source(%arg9 : memref<128x16xf32, #tpu.memory_space<vmem>>) target(%dma_start3A_338 : memref<10240x16xf32, #tpu.memory_space<vmem_shared>>) offsets(%dma_start3A_335 : memref<128xi32, #tpu.memory_space<vmem>>) semaphore(%arg15 : memref<!tpu.dma_semaphore, #tpu.memory_space<semaphore_mem>>) {add = true}
      %add3A_339 = arith.constant 3 : i32
      %add3A_340 = arith.addi %mul3A_212, %add3A_339 : i32
      %dma_wait3A_341 = arith.constant 0 : i32
      %dma_wait3A_342 = tpu.memref_slice %arg8[%add3A_340, %dma_wait3A_341] : memref<80x128xi32, #tpu.memory_space<vmem>> -> memref<1x128xi32, #tpu.memory_space<vmem>>
      %dma_wait3A_343 = tpu.memref_squeeze %dma_wait3A_342 : memref<1x128xi32, #tpu.memory_space<vmem>> -> memref<128xi32, #tpu.memory_space<vmem>>
      %dma_wait3A_344 = arith.constant 0 : i32
      %dma_wait3A_345 = arith.constant 0 : i32
      %dma_wait3A_346 = tpu.memref_slice %arg11[%dma_wait3A_344, %dma_wait3A_345] : memref<10240x16xf32, #tpu.memory_space<vmem_shared>> -> memref<10240x16xf32, #tpu.memory_space<vmem_shared>>
      tpu.wait_indirect_dma semaphore(%arg20 : memref<!tpu.dma_semaphore, #tpu.memory_space<semaphore_mem>>) src(%arg9 : memref<128x16xf32, #tpu.memory_space<vmem>>) dst(%dma_wait3A_346 : memref<10240x16xf32, #tpu.memory_space<vmem_shared>>)
      %add3A_347 = arith.constant 5 : i32
      %add3A_348 = arith.addi %mul3A_212, %add3A_347 : i32
      %add3A_349 = arith.constant 3 : i32
      %add3A_350 = arith.addi %add3A_348, %add3A_349 : i32
      %dma_start3A_351 = arith.constant 0 : i32
      %dma_start3A_352 = tpu.memref_slice %arg8[%add3A_350, %dma_start3A_351] : memref<80x128xi32, #tpu.memory_space<vmem>> -> memref<1x128xi32, #tpu.memory_space<vmem>>
      %dma_start3A_353 = tpu.memref_squeeze %dma_start3A_352 : memref<1x128xi32, #tpu.memory_space<vmem>> -> memref<128xi32, #tpu.memory_space<vmem>>
      %dma_start3A_354 = arith.constant 0 : i32
      %dma_start3A_355 = arith.constant 0 : i32
      %dma_start3A_356 = tpu.memref_slice %arg11[%dma_start3A_354, %dma_start3A_355] : memref<10240x16xf32, #tpu.memory_space<vmem_shared>> -> memref<10240x16xf32, #tpu.memory_space<vmem_shared>>
      tpu.enqueue_indirect_dma source(%arg9 : memref<128x16xf32, #tpu.memory_space<vmem>>) target(%dma_start3A_356 : memref<10240x16xf32, #tpu.memory_space<vmem_shared>>) offsets(%dma_start3A_353 : memref<128xi32, #tpu.memory_space<vmem>>) semaphore(%arg20 : memref<!tpu.dma_semaphore, #tpu.memory_space<semaphore_mem>>) {add = true}
      %add3A_357 = arith.constant 4 : i32
      %add3A_358 = arith.addi %mul3A_212, %add3A_357 : i32
      %dma_wait3A_359 = arith.constant 0 : i32
      %dma_wait3A_360 = tpu.memref_slice %arg7[%add3A_358, %dma_wait3A_359] : memref<80x128xi32, #tpu.memory_space<vmem>> -> memref<1x128xi32, #tpu.memory_space<vmem>>
      %dma_wait3A_361 = tpu.memref_squeeze %dma_wait3A_360 : memref<1x128xi32, #tpu.memory_space<vmem>> -> memref<128xi32, #tpu.memory_space<vmem>>
      %dma_wait3A_362 = arith.constant 0 : i32
      %dma_wait3A_363 = arith.constant 0 : i32
      %dma_wait3A_364 = tpu.memref_slice %arg10[%dma_wait3A_362, %dma_wait3A_363] : memref<10240x16xf32, #tpu.memory_space<vmem_shared>> -> memref<10240x16xf32, #tpu.memory_space<vmem_shared>>
      tpu.wait_indirect_dma semaphore(%arg16 : memref<!tpu.dma_semaphore, #tpu.memory_space<semaphore_mem>>) src(%arg9 : memref<128x16xf32, #tpu.memory_space<vmem>>) dst(%dma_wait3A_364 : memref<10240x16xf32, #tpu.memory_space<vmem_shared>>)
      %add3A_365 = arith.constant 5 : i32
      %add3A_366 = arith.addi %mul3A_212, %add3A_365 : i32
      %add3A_367 = arith.constant 4 : i32
      %add3A_368 = arith.addi %add3A_366, %add3A_367 : i32
      %dma_start3A_369 = arith.constant 0 : i32
      %dma_start3A_370 = tpu.memref_slice %arg7[%add3A_368, %dma_start3A_369] : memref<80x128xi32, #tpu.memory_space<vmem>> -> memref<1x128xi32, #tpu.memory_space<vmem>>
      %dma_start3A_371 = tpu.memref_squeeze %dma_start3A_370 : memref<1x128xi32, #tpu.memory_space<vmem>> -> memref<128xi32, #tpu.memory_space<vmem>>
      %dma_start3A_372 = arith.constant 0 : i32
      %dma_start3A_373 = arith.constant 0 : i32
      %dma_start3A_374 = tpu.memref_slice %arg10[%dma_start3A_372, %dma_start3A_373] : memref<10240x16xf32, #tpu.memory_space<vmem_shared>> -> memref<10240x16xf32, #tpu.memory_space<vmem_shared>>
      tpu.enqueue_indirect_dma source(%arg9 : memref<128x16xf32, #tpu.memory_space<vmem>>) target(%dma_start3A_374 : memref<10240x16xf32, #tpu.memory_space<vmem_shared>>) offsets(%dma_start3A_371 : memref<128xi32, #tpu.memory_space<vmem>>) semaphore(%arg16 : memref<!tpu.dma_semaphore, #tpu.memory_space<semaphore_mem>>) {add = true}
      %add3A_375 = arith.constant 4 : i32
      %add3A_376 = arith.addi %mul3A_212, %add3A_375 : i32
      %dma_wait3A_377 = arith.constant 0 : i32
      %dma_wait3A_378 = tpu.memref_slice %arg8[%add3A_376, %dma_wait3A_377] : memref<80x128xi32, #tpu.memory_space<vmem>> -> memref<1x128xi32, #tpu.memory_space<vmem>>
      %dma_wait3A_379 = tpu.memref_squeeze %dma_wait3A_378 : memref<1x128xi32, #tpu.memory_space<vmem>> -> memref<128xi32, #tpu.memory_space<vmem>>
      %dma_wait3A_380 = arith.constant 0 : i32
      %dma_wait3A_381 = arith.constant 0 : i32
      %dma_wait3A_382 = tpu.memref_slice %arg11[%dma_wait3A_380, %dma_wait3A_381] : memref<10240x16xf32, #tpu.memory_space<vmem_shared>> -> memref<10240x16xf32, #tpu.memory_space<vmem_shared>>
      tpu.wait_indirect_dma semaphore(%arg21 : memref<!tpu.dma_semaphore, #tpu.memory_space<semaphore_mem>>) src(%arg9 : memref<128x16xf32, #tpu.memory_space<vmem>>) dst(%dma_wait3A_382 : memref<10240x16xf32, #tpu.memory_space<vmem_shared>>)
      %add3A_383 = arith.constant 5 : i32
      %add3A_384 = arith.addi %mul3A_212, %add3A_383 : i32
      %add3A_385 = arith.constant 4 : i32
      %add3A_386 = arith.addi %add3A_384, %add3A_385 : i32
      %dma_start3A_387 = arith.constant 0 : i32
      %dma_start3A_388 = tpu.memref_slice %arg8[%add3A_386, %dma_start3A_387] : memref<80x128xi32, #tpu.memory_space<vmem>> -> memref<1x128xi32, #tpu.memory_space<vmem>>
      %dma_start3A_389 = tpu.memref_squeeze %dma_start3A_388 : memref<1x128xi32, #tpu.memory_space<vmem>> -> memref<128xi32, #tpu.memory_space<vmem>>
      %dma_start3A_390 = arith.constant 0 : i32
      %dma_start3A_391 = arith.constant 0 : i32
      %dma_start3A_392 = tpu.memref_slice %arg11[%dma_start3A_390, %dma_start3A_391] : memref<10240x16xf32, #tpu.memory_space<vmem_shared>> -> memref<10240x16xf32, #tpu.memory_space<vmem_shared>>
      tpu.enqueue_indirect_dma source(%arg9 : memref<128x16xf32, #tpu.memory_space<vmem>>) target(%dma_start3A_392 : memref<10240x16xf32, #tpu.memory_space<vmem_shared>>) offsets(%dma_start3A_389 : memref<128xi32, #tpu.memory_space<vmem>>) semaphore(%arg21 : memref<!tpu.dma_semaphore, #tpu.memory_space<semaphore_mem>>) {add = true}
    }
    %while3A_125 = arith.constant 1 : i32
    scf.for %while3A_208 = %while3A_123 to %while3A_119 step %while3A_125  : i32 {
      %mul3A_209 = arith.muli %while3A_208, %while3A : i32
      %add3A_210 = arith.addi %while3A_116, %mul3A_209 : i32
      %mul3A_211 = arith.constant 5 : i32
      %mul3A_212 = arith.muli %mul3A_211, %add3A_210 : i32
      %add3A_213 = arith.constant 0 : i32
      %add3A_214 = arith.addi %mul3A_212, %add3A_213 : i32
      %dma_wait3A_215 = arith.constant 0 : i32
      %dma_wait3A_216 = tpu.memref_slice %arg7[%add3A_214, %dma_wait3A_215] : memref<80x128xi32, #tpu.memory_space<vmem>> -> memref<1x128xi32, #tpu.memory_space<vmem>>
      %dma_wait3A_217 = tpu.memref_squeeze %dma_wait3A_216 : memref<1x128xi32, #tpu.memory_space<vmem>> -> memref<128xi32, #tpu.memory_space<vmem>>
      %dma_wait3A_218 = arith.constant 0 : i32
      %dma_wait3A_219 = arith.constant 0 : i32
      %dma_wait3A_220 = tpu.memref_slice %arg10[%dma_wait3A_218, %dma_wait3A_219] : memref<10240x16xf32, #tpu.memory_space<vmem_shared>> -> memref<10240x16xf32, #tpu.memory_space<vmem_shared>>
      tpu.wait_indirect_dma semaphore(%arg12 : memref<!tpu.dma_semaphore, #tpu.memory_space<semaphore_mem>>) src(%arg9 : memref<128x16xf32, #tpu.memory_space<vmem>>) dst(%dma_wait3A_220 : memref<10240x16xf32, #tpu.memory_space<vmem_shared>>)
      %add3A_221 = arith.constant 5 : i32
      %add3A_222 = arith.addi %mul3A_212, %add3A_221 : i32
      %add3A_223 = arith.constant 0 : i32
      %add3A_224 = arith.addi %add3A_222, %add3A_223 : i32
      %dma_start3A_225 = arith.constant 0 : i32
      %dma_start3A_226 = tpu.memref_slice %arg7[%add3A_224, %dma_start3A_225] : memref<80x128xi32, #tpu.memory_space<vmem>> -> memref<1x128xi32, #tpu.memory_space<vmem>>
      %dma_start3A_227 = tpu.memref_squeeze %dma_start3A_226 : memref<1x128xi32, #tpu.memory_space<vmem>> -> memref<128xi32, #tpu.memory_space<vmem>>
      %dma_start3A_228 = arith.constant 0 : i32
      %dma_start3A_229 = arith.constant 0 : i32
      %dma_start3A_230 = tpu.memref_slice %arg10[%dma_start3A_228, %dma_start3A_229] : memref<10240x16xf32, #tpu.memory_space<vmem_shared>> -> memref<10240x16xf32, #tpu.memory_space<vmem_shared>>
      tpu.enqueue_indirect_dma source(%arg9 : memref<128x16xf32, #tpu.memory_space<vmem>>) target(%dma_start3A_230 : memref<10240x16xf32, #tpu.memory_space<vmem_shared>>) offsets(%dma_start3A_227 : memref<128xi32, #tpu.memory_space<vmem>>) semaphore(%arg12 : memref<!tpu.dma_semaphore, #tpu.memory_space<semaphore_mem>>) {add = true}
      %add3A_231 = arith.constant 0 : i32
      %add3A_232 = arith.addi %mul3A_212, %add3A_231 : i32
      %dma_wait3A_233 = arith.constant 0 : i32
      %dma_wait3A_234 = tpu.memref_slice %arg8[%add3A_232, %dma_wait3A_233] : memref<80x128xi32, #tpu.memory_space<vmem>> -> memref<1x128xi32, #tpu.memory_space<vmem>>
      %dma_wait3A_235 = tpu.memref_squeeze %dma_wait3A_234 : memref<1x128xi32, #tpu.memory_space<vmem>> -> memref<128xi32, #tpu.memory_space<vmem>>
      %dma_wait3A_236 = arith.constant 0 : i32
      %dma_wait3A_237 = arith.constant 0 : i32
      %dma_wait3A_238 = tpu.memref_slice %arg11[%dma_wait3A_236, %dma_wait3A_237] : memref<10240x16xf32, #tpu.memory_space<vmem_shared>> -> memref<10240x16xf32, #tpu.memory_space<vmem_shared>>
      tpu.wait_indirect_dma semaphore(%arg17 : memref<!tpu.dma_semaphore, #tpu.memory_space<semaphore_mem>>) src(%arg9 : memref<128x16xf32, #tpu.memory_space<vmem>>) dst(%dma_wait3A_238 : memref<10240x16xf32, #tpu.memory_space<vmem_shared>>)
      %add3A_239 = arith.constant 5 : i32
      %add3A_240 = arith.addi %mul3A_212, %add3A_239 : i32
      %add3A_241 = arith.constant 0 : i32
      %add3A_242 = arith.addi %add3A_240, %add3A_241 : i32
      %dma_start3A_243 = arith.constant 0 : i32
      %dma_start3A_244 = tpu.memref_slice %arg8[%add3A_242, %dma_start3A_243] : memref<80x128xi32, #tpu.memory_space<vmem>> -> memref<1x128xi32, #tpu.memory_space<vmem>>
      %dma_start3A_245 = tpu.memref_squeeze %dma_start3A_244 : memref<1x128xi32, #tpu.memory_space<vmem>> -> memref<128xi32, #tpu.memory_space<vmem>>
      %dma_start3A_246 = arith.constant 0 : i32
      %dma_start3A_247 = arith.constant 0 : i32
      %dma_start3A_248 = tpu.memref_slice %arg11[%dma_start3A_246, %dma_start3A_247] : memref<10240x16xf32, #tpu.memory_space<vmem_shared>> -> memref<10240x16xf32, #tpu.memory_space<vmem_shared>>
      tpu.enqueue_indirect_dma source(%arg9 : memref<128x16xf32, #tpu.memory_space<vmem>>) target(%dma_start3A_248 : memref<10240x16xf32, #tpu.memory_space<vmem_shared>>) offsets(%dma_start3A_245 : memref<128xi32, #tpu.memory_space<vmem>>) semaphore(%arg17 : memref<!tpu.dma_semaphore, #tpu.memory_space<semaphore_mem>>) {add = true}
      %add3A_249 = arith.constant 1 : i32
      %add3A_250 = arith.addi %mul3A_212, %add3A_249 : i32
      %dma_wait3A_251 = arith.constant 0 : i32
      %dma_wait3A_252 = tpu.memref_slice %arg7[%add3A_250, %dma_wait3A_251] : memref<80x128xi32, #tpu.memory_space<vmem>> -> memref<1x128xi32, #tpu.memory_space<vmem>>
      %dma_wait3A_253 = tpu.memref_squeeze %dma_wait3A_252 : memref<1x128xi32, #tpu.memory_space<vmem>> -> memref<128xi32, #tpu.memory_space<vmem>>
      %dma_wait3A_254 = arith.constant 0 : i32
      %dma_wait3A_255 = arith.constant 0 : i32
      %dma_wait3A_256 = tpu.memref_slice %arg10[%dma_wait3A_254, %dma_wait3A_255] : memref<10240x16xf32, #tpu.memory_space<vmem_shared>> -> memref<10240x16xf32, #tpu.memory_space<vmem_shared>>
      tpu.wait_indirect_dma semaphore(%arg13 : memref<!tpu.dma_semaphore, #tpu.memory_space<semaphore_mem>>) src(%arg9 : memref<128x16xf32, #tpu.memory_space<vmem>>) dst(%dma_wait3A_256 : memref<10240x16xf32, #tpu.memory_space<vmem_shared>>)
      %add3A_257 = arith.constant 5 : i32
      %add3A_258 = arith.addi %mul3A_212, %add3A_257 : i32
      %add3A_259 = arith.constant 1 : i32
      %add3A_260 = arith.addi %add3A_258, %add3A_259 : i32
      %dma_start3A_261 = arith.constant 0 : i32
      %dma_start3A_262 = tpu.memref_slice %arg7[%add3A_260, %dma_start3A_261] : memref<80x128xi32, #tpu.memory_space<vmem>> -> memref<1x128xi32, #tpu.memory_space<vmem>>
      %dma_start3A_263 = tpu.memref_squeeze %dma_start3A_262 : memref<1x128xi32, #tpu.memory_space<vmem>> -> memref<128xi32, #tpu.memory_space<vmem>>
      %dma_start3A_264 = arith.constant 0 : i32
      %dma_start3A_265 = arith.constant 0 : i32
      %dma_start3A_266 = tpu.memref_slice %arg10[%dma_start3A_264, %dma_start3A_265] : memref<10240x16xf32, #tpu.memory_space<vmem_shared>> -> memref<10240x16xf32, #tpu.memory_space<vmem_shared>>
      tpu.enqueue_indirect_dma source(%arg9 : memref<128x16xf32, #tpu.memory_space<vmem>>) target(%dma_start3A_266 : memref<10240x16xf32, #tpu.memory_space<vmem_shared>>) offsets(%dma_start3A_263 : memref<128xi32, #tpu.memory_space<vmem>>) semaphore(%arg13 : memref<!tpu.dma_semaphore, #tpu.memory_space<semaphore_mem>>) {add = true}
      %add3A_267 = arith.constant 1 : i32
      %add3A_268 = arith.addi %mul3A_212, %add3A_267 : i32
      %dma_wait3A_269 = arith.constant 0 : i32
      %dma_wait3A_270 = tpu.memref_slice %arg8[%add3A_268, %dma_wait3A_269] : memref<80x128xi32, #tpu.memory_space<vmem>> -> memref<1x128xi32, #tpu.memory_space<vmem>>
      %dma_wait3A_271 = tpu.memref_squeeze %dma_wait3A_270 : memref<1x128xi32, #tpu.memory_space<vmem>> -> memref<128xi32, #tpu.memory_space<vmem>>
      %dma_wait3A_272 = arith.constant 0 : i32
      %dma_wait3A_273 = arith.constant 0 : i32
      %dma_wait3A_274 = tpu.memref_slice %arg11[%dma_wait3A_272, %dma_wait3A_273] : memref<10240x16xf32, #tpu.memory_space<vmem_shared>> -> memref<10240x16xf32, #tpu.memory_space<vmem_shared>>
      tpu.wait_indirect_dma semaphore(%arg18 : memref<!tpu.dma_semaphore, #tpu.memory_space<semaphore_mem>>) src(%arg9 : memref<128x16xf32, #tpu.memory_space<vmem>>) dst(%dma_wait3A_274 : memref<10240x16xf32, #tpu.memory_space<vmem_shared>>)
      %add3A_275 = arith.constant 5 : i32
      %add3A_276 = arith.addi %mul3A_212, %add3A_275 : i32
      %add3A_277 = arith.constant 1 : i32
      %add3A_278 = arith.addi %add3A_276, %add3A_277 : i32
      %dma_start3A_279 = arith.constant 0 : i32
      %dma_start3A_280 = tpu.memref_slice %arg8[%add3A_278, %dma_start3A_279] : memref<80x128xi32, #tpu.memory_space<vmem>> -> memref<1x128xi32, #tpu.memory_space<vmem>>
      %dma_start3A_281 = tpu.memref_squeeze %dma_start3A_280 : memref<1x128xi32, #tpu.memory_space<vmem>> -> memref<128xi32, #tpu.memory_space<vmem>>
      %dma_start3A_282 = arith.constant 0 : i32
      %dma_start3A_283 = arith.constant 0 : i32
      %dma_start3A_284 = tpu.memref_slice %arg11[%dma_start3A_282, %dma_start3A_283] : memref<10240x16xf32, #tpu.memory_space<vmem_shared>> -> memref<10240x16xf32, #tpu.memory_space<vmem_shared>>
      tpu.enqueue_indirect_dma source(%arg9 : memref<128x16xf32, #tpu.memory_space<vmem>>) target(%dma_start3A_284 : memref<10240x16xf32, #tpu.memory_space<vmem_shared>>) offsets(%dma_start3A_281 : memref<128xi32, #tpu.memory_space<vmem>>) semaphore(%arg18 : memref<!tpu.dma_semaphore, #tpu.memory_space<semaphore_mem>>) {add = true}
      %add3A_285 = arith.constant 2 : i32
      %add3A_286 = arith.addi %mul3A_212, %add3A_285 : i32
      %dma_wait3A_287 = arith.constant 0 : i32
      %dma_wait3A_288 = tpu.memref_slice %arg7[%add3A_286, %dma_wait3A_287] : memref<80x128xi32, #tpu.memory_space<vmem>> -> memref<1x128xi32, #tpu.memory_space<vmem>>
      %dma_wait3A_289 = tpu.memref_squeeze %dma_wait3A_288 : memref<1x128xi32, #tpu.memory_space<vmem>> -> memref<128xi32, #tpu.memory_space<vmem>>
      %dma_wait3A_290 = arith.constant 0 : i32
      %dma_wait3A_291 = arith.constant 0 : i32
      %dma_wait3A_292 = tpu.memref_slice %arg10[%dma_wait3A_290, %dma_wait3A_291] : memref<10240x16xf32, #tpu.memory_space<vmem_shared>> -> memref<10240x16xf32, #tpu.memory_space<vmem_shared>>
      tpu.wait_indirect_dma semaphore(%arg14 : memref<!tpu.dma_semaphore, #tpu.memory_space<semaphore_mem>>) src(%arg9 : memref<128x16xf32, #tpu.memory_space<vmem>>) dst(%dma_wait3A_292 : memref<10240x16xf32, #tpu.memory_space<vmem_shared>>)
      %add3A_293 = arith.constant 5 : i32
      %add3A_294 = arith.addi %mul3A_212, %add3A_293 : i32
      %add3A_295 = arith.constant 2 : i32
      %add3A_296 = arith.addi %add3A_294, %add3A_295 : i32
      %dma_start3A_297 = arith.constant 0 : i32
      %dma_start3A_298 = tpu.memref_slice %arg7[%add3A_296, %dma_start3A_297] : memref<80x128xi32, #tpu.memory_space<vmem>> -> memref<1x128xi32, #tpu.memory_space<vmem>>
      %dma_start3A_299 = tpu.memref_squeeze %dma_start3A_298 : memref<1x128xi32, #tpu.memory_space<vmem>> -> memref<128xi32, #tpu.memory_space<vmem>>
      %dma_start3A_300 = arith.constant 0 : i32
      %dma_start3A_301 = arith.constant 0 : i32
      %dma_start3A_302 = tpu.memref_slice %arg10[%dma_start3A_300, %dma_start3A_301] : memref<10240x16xf32, #tpu.memory_space<vmem_shared>> -> memref<10240x16xf32, #tpu.memory_space<vmem_shared>>
      tpu.enqueue_indirect_dma source(%arg9 : memref<128x16xf32, #tpu.memory_space<vmem>>) target(%dma_start3A_302 : memref<10240x16xf32, #tpu.memory_space<vmem_shared>>) offsets(%dma_start3A_299 : memref<128xi32, #tpu.memory_space<vmem>>) semaphore(%arg14 : memref<!tpu.dma_semaphore, #tpu.memory_space<semaphore_mem>>) {add = true}
      %add3A_303 = arith.constant 2 : i32
      %add3A_304 = arith.addi %mul3A_212, %add3A_303 : i32
      %dma_wait3A_305 = arith.constant 0 : i32
      %dma_wait3A_306 = tpu.memref_slice %arg8[%add3A_304, %dma_wait3A_305] : memref<80x128xi32, #tpu.memory_space<vmem>> -> memref<1x128xi32, #tpu.memory_space<vmem>>
      %dma_wait3A_307 = tpu.memref_squeeze %dma_wait3A_306 : memref<1x128xi32, #tpu.memory_space<vmem>> -> memref<128xi32, #tpu.memory_space<vmem>>
      %dma_wait3A_308 = arith.constant 0 : i32
      %dma_wait3A_309 = arith.constant 0 : i32
      %dma_wait3A_310 = tpu.memref_slice %arg11[%dma_wait3A_308, %dma_wait3A_309] : memref<10240x16xf32, #tpu.memory_space<vmem_shared>> -> memref<10240x16xf32, #tpu.memory_space<vmem_shared>>
      tpu.wait_indirect_dma semaphore(%arg19 : memref<!tpu.dma_semaphore, #tpu.memory_space<semaphore_mem>>) src(%arg9 : memref<128x16xf32, #tpu.memory_space<vmem>>) dst(%dma_wait3A_310 : memref<10240x16xf32, #tpu.memory_space<vmem_shared>>)
      %add3A_311 = arith.constant 5 : i32
      %add3A_312 = arith.addi %mul3A_212, %add3A_311 : i32
      %add3A_313 = arith.constant 2 : i32
      %add3A_314 = arith.addi %add3A_312, %add3A_313 : i32
      %dma_start3A_315 = arith.constant 0 : i32
      %dma_start3A_316 = tpu.memref_slice %arg8[%add3A_314, %dma_start3A_315] : memref<80x128xi32, #tpu.memory_space<vmem>> -> memref<1x128xi32, #tpu.memory_space<vmem>>
      %dma_start3A_317 = tpu.memref_squeeze %dma_start3A_316 : memref<1x128xi32, #tpu.memory_space<vmem>> -> memref<128xi32, #tpu.memory_space<vmem>>
      %dma_start3A_318 = arith.constant 0 : i32
      %dma_start3A_319 = arith.constant 0 : i32
      %dma_start3A_320 = tpu.memref_slice %arg11[%dma_start3A_318, %dma_start3A_319] : memref<10240x16xf32, #tpu.memory_space<vmem_shared>> -> memref<10240x16xf32, #tpu.memory_space<vmem_shared>>
      tpu.enqueue_indirect_dma source(%arg9 : memref<128x16xf32, #tpu.memory_space<vmem>>) target(%dma_start3A_320 : memref<10240x16xf32, #tpu.memory_space<vmem_shared>>) offsets(%dma_start3A_317 : memref<128xi32, #tpu.memory_space<vmem>>) semaphore(%arg19 : memref<!tpu.dma_semaphore, #tpu.memory_space<semaphore_mem>>) {add = true}
      %add3A_321 = arith.constant 3 : i32
      %add3A_322 = arith.addi %mul3A_212, %add3A_321 : i32
      %dma_wait3A_323 = arith.constant 0 : i32
      %dma_wait3A_324 = tpu.memref_slice %arg7[%add3A_322, %dma_wait3A_323] : memref<80x128xi32, #tpu.memory_space<vmem>> -> memref<1x128xi32, #tpu.memory_space<vmem>>
      %dma_wait3A_325 = tpu.memref_squeeze %dma_wait3A_324 : memref<1x128xi32, #tpu.memory_space<vmem>> -> memref<128xi32, #tpu.memory_space<vmem>>
      %dma_wait3A_326 = arith.constant 0 : i32
      %dma_wait3A_327 = arith.constant 0 : i32
      %dma_wait3A_328 = tpu.memref_slice %arg10[%dma_wait3A_326, %dma_wait3A_327] : memref<10240x16xf32, #tpu.memory_space<vmem_shared>> -> memref<10240x16xf32, #tpu.memory_space<vmem_shared>>
      tpu.wait_indirect_dma semaphore(%arg15 : memref<!tpu.dma_semaphore, #tpu.memory_space<semaphore_mem>>) src(%arg9 : memref<128x16xf32, #tpu.memory_space<vmem>>) dst(%dma_wait3A_328 : memref<10240x16xf32, #tpu.memory_space<vmem_shared>>)
      %add3A_329 = arith.constant 5 : i32
      %add3A_330 = arith.addi %mul3A_212, %add3A_329 : i32
      %add3A_331 = arith.constant 3 : i32
      %add3A_332 = arith.addi %add3A_330, %add3A_331 : i32
      %dma_start3A_333 = arith.constant 0 : i32
      %dma_start3A_334 = tpu.memref_slice %arg7[%add3A_332, %dma_start3A_333] : memref<80x128xi32, #tpu.memory_space<vmem>> -> memref<1x128xi32, #tpu.memory_space<vmem>>
      %dma_start3A_335 = tpu.memref_squeeze %dma_start3A_334 : memref<1x128xi32, #tpu.memory_space<vmem>> -> memref<128xi32, #tpu.memory_space<vmem>>
      %dma_start3A_336 = arith.constant 0 : i32
      %dma_start3A_337 = arith.constant 0 : i32
      %dma_start3A_338 = tpu.memref_slice %arg10[%dma_start3A_336, %dma_start3A_337] : memref<10240x16xf32, #tpu.memory_space<vmem_shared>> -> memref<10240x16xf32, #tpu.memory_space<vmem_shared>>
      tpu.enqueue_indirect_dma source(%arg9 : memref<128x16xf32, #tpu.memory_space<vmem>>) target(%dma_start3A_338 : memref<10240x16xf32, #tpu.memory_space<vmem_shared>>) offsets(%dma_start3A_335 : memref<128xi32, #tpu.memory_space<vmem>>) semaphore(%arg15 : memref<!tpu.dma_semaphore, #tpu.memory_space<semaphore_mem>>) {add = true}
      %add3A_339 = arith.constant 3 : i32
      %add3A_340 = arith.addi %mul3A_212, %add3A_339 : i32
      %dma_wait3A_341 = arith.constant 0 : i32
      %dma_wait3A_342 = tpu.memref_slice %arg8[%add3A_340, %dma_wait3A_341] : memref<80x128xi32, #tpu.memory_space<vmem>> -> memref<1x128xi32, #tpu.memory_space<vmem>>
      %dma_wait3A_343 = tpu.memref_squeeze %dma_wait3A_342 : memref<1x128xi32, #tpu.memory_space<vmem>> -> memref<128xi32, #tpu.memory_space<vmem>>
      %dma_wait3A_344 = arith.constant 0 : i32
      %dma_wait3A_345 = arith.constant 0 : i32
      %dma_wait3A_346 = tpu.memref_slice %arg11[%dma_wait3A_344, %dma_wait3A_345] : memref<10240x16xf32, #tpu.memory_space<vmem_shared>> -> memref<10240x16xf32, #tpu.memory_space<vmem_shared>>
      tpu.wait_indirect_dma semaphore(%arg20 : memref<!tpu.dma_semaphore, #tpu.memory_space<semaphore_mem>>) src(%arg9 : memref<128x16xf32, #tpu.memory_space<vmem>>) dst(%dma_wait3A_346 : memref<10240x16xf32, #tpu.memory_space<vmem_shared>>)
      %add3A_347 = arith.constant 5 : i32
      %add3A_348 = arith.addi %mul3A_212, %add3A_347 : i32
      %add3A_349 = arith.constant 3 : i32
      %add3A_350 = arith.addi %add3A_348, %add3A_349 : i32
      %dma_start3A_351 = arith.constant 0 : i32
      %dma_start3A_352 = tpu.memref_slice %arg8[%add3A_350, %dma_start3A_351] : memref<80x128xi32, #tpu.memory_space<vmem>> -> memref<1x128xi32, #tpu.memory_space<vmem>>
      %dma_start3A_353 = tpu.memref_squeeze %dma_start3A_352 : memref<1x128xi32, #tpu.memory_space<vmem>> -> memref<128xi32, #tpu.memory_space<vmem>>
      %dma_start3A_354 = arith.constant 0 : i32
      %dma_start3A_355 = arith.constant 0 : i32
      %dma_start3A_356 = tpu.memref_slice %arg11[%dma_start3A_354, %dma_start3A_355] : memref<10240x16xf32, #tpu.memory_space<vmem_shared>> -> memref<10240x16xf32, #tpu.memory_space<vmem_shared>>
      tpu.enqueue_indirect_dma source(%arg9 : memref<128x16xf32, #tpu.memory_space<vmem>>) target(%dma_start3A_356 : memref<10240x16xf32, #tpu.memory_space<vmem_shared>>) offsets(%dma_start3A_353 : memref<128xi32, #tpu.memory_space<vmem>>) semaphore(%arg20 : memref<!tpu.dma_semaphore, #tpu.memory_space<semaphore_mem>>) {add = true}
      %add3A_357 = arith.constant 4 : i32
      %add3A_358 = arith.addi %mul3A_212, %add3A_357 : i32
      %dma_wait3A_359 = arith.constant 0 : i32
      %dma_wait3A_360 = tpu.memref_slice %arg7[%add3A_358, %dma_wait3A_359] : memref<80x128xi32, #tpu.memory_space<vmem>> -> memref<1x128xi32, #tpu.memory_space<vmem>>
      %dma_wait3A_361 = tpu.memref_squeeze %dma_wait3A_360 : memref<1x128xi32, #tpu.memory_space<vmem>> -> memref<128xi32, #tpu.memory_space<vmem>>
      %dma_wait3A_362 = arith.constant 0 : i32
      %dma_wait3A_363 = arith.constant 0 : i32
      %dma_wait3A_364 = tpu.memref_slice %arg10[%dma_wait3A_362, %dma_wait3A_363] : memref<10240x16xf32, #tpu.memory_space<vmem_shared>> -> memref<10240x16xf32, #tpu.memory_space<vmem_shared>>
      tpu.wait_indirect_dma semaphore(%arg16 : memref<!tpu.dma_semaphore, #tpu.memory_space<semaphore_mem>>) src(%arg9 : memref<128x16xf32, #tpu.memory_space<vmem>>) dst(%dma_wait3A_364 : memref<10240x16xf32, #tpu.memory_space<vmem_shared>>)
      %add3A_365 = arith.constant 5 : i32
      %add3A_366 = arith.addi %mul3A_212, %add3A_365 : i32
      %add3A_367 = arith.constant 4 : i32
      %add3A_368 = arith.addi %add3A_366, %add3A_367 : i32
      %dma_start3A_369 = arith.constant 0 : i32
      %dma_start3A_370 = tpu.memref_slice %arg7[%add3A_368, %dma_start3A_369] : memref<80x128xi32, #tpu.memory_space<vmem>> -> memref<1x128xi32, #tpu.memory_space<vmem>>
      %dma_start3A_371 = tpu.memref_squeeze %dma_start3A_370 : memref<1x128xi32, #tpu.memory_space<vmem>> -> memref<128xi32, #tpu.memory_space<vmem>>
      %dma_start3A_372 = arith.constant 0 : i32
      %dma_start3A_373 = arith.constant 0 : i32
      %dma_start3A_374 = tpu.memref_slice %arg10[%dma_start3A_372, %dma_start3A_373] : memref<10240x16xf32, #tpu.memory_space<vmem_shared>> -> memref<10240x16xf32, #tpu.memory_space<vmem_shared>>
      tpu.enqueue_indirect_dma source(%arg9 : memref<128x16xf32, #tpu.memory_space<vmem>>) target(%dma_start3A_374 : memref<10240x16xf32, #tpu.memory_space<vmem_shared>>) offsets(%dma_start3A_371 : memref<128xi32, #tpu.memory_space<vmem>>) semaphore(%arg16 : memref<!tpu.dma_semaphore, #tpu.memory_space<semaphore_mem>>) {add = true}
      %add3A_375 = arith.constant 4 : i32
      %add3A_376 = arith.addi %mul3A_212, %add3A_375 : i32
      %dma_wait3A_377 = arith.constant 0 : i32
      %dma_wait3A_378 = tpu.memref_slice %arg8[%add3A_376, %dma_wait3A_377] : memref<80x128xi32, #tpu.memory_space<vmem>> -> memref<1x128xi32, #tpu.memory_space<vmem>>
      %dma_wait3A_379 = tpu.memref_squeeze %dma_wait3A_378 : memref<1x128xi32, #tpu.memory_space<vmem>> -> memref<128xi32, #tpu.memory_space<vmem>>
      %dma_wait3A_380 = arith.constant 0 : i32
      %dma_wait3A_381 = arith.constant 0 : i32
      %dma_wait3A_382 = tpu.memref_slice %arg11[%dma_wait3A_380, %dma_wait3A_381] : memref<10240x16xf32, #tpu.memory_space<vmem_shared>> -> memref<10240x16xf32, #tpu.memory_space<vmem_shared>>
      tpu.wait_indirect_dma semaphore(%arg21 : memref<!tpu.dma_semaphore, #tpu.memory_space<semaphore_mem>>) src(%arg9 : memref<128x16xf32, #tpu.memory_space<vmem>>) dst(%dma_wait3A_382 : memref<10240x16xf32, #tpu.memory_space<vmem_shared>>)
      %add3A_383 = arith.constant 5 : i32
      %add3A_384 = arith.addi %mul3A_212, %add3A_383 : i32
      %add3A_385 = arith.constant 4 : i32
      %add3A_386 = arith.addi %add3A_384, %add3A_385 : i32
      %dma_start3A_387 = arith.constant 0 : i32
      %dma_start3A_388 = tpu.memref_slice %arg8[%add3A_386, %dma_start3A_387] : memref<80x128xi32, #tpu.memory_space<vmem>> -> memref<1x128xi32, #tpu.memory_space<vmem>>
      %dma_start3A_389 = tpu.memref_squeeze %dma_start3A_388 : memref<1x128xi32, #tpu.memory_space<vmem>> -> memref<128xi32, #tpu.memory_space<vmem>>
      %dma_start3A_390 = arith.constant 0 : i32
      %dma_start3A_391 = arith.constant 0 : i32
      %dma_start3A_392 = tpu.memref_slice %arg11[%dma_start3A_390, %dma_start3A_391] : memref<10240x16xf32, #tpu.memory_space<vmem_shared>> -> memref<10240x16xf32, #tpu.memory_space<vmem_shared>>
      tpu.enqueue_indirect_dma source(%arg9 : memref<128x16xf32, #tpu.memory_space<vmem>>) target(%dma_start3A_392 : memref<10240x16xf32, #tpu.memory_space<vmem_shared>>) offsets(%dma_start3A_389 : memref<128xi32, #tpu.memory_space<vmem>>) semaphore(%arg21 : memref<!tpu.dma_semaphore, #tpu.memory_space<semaphore_mem>>) {add = true}
    }
    %sub3A_126 = arith.constant 5 : i32
    %sub3A_127 = arith.subi %select_n3A_18, %sub3A_126 : i32
    %add3A_128 = arith.constant 0 : i32
    %add3A_129 = arith.addi %sub3A_127, %add3A_128 : i32
    %dma_wait3A = arith.constant 0 : i32
    %dma_wait3A_130 = tpu.memref_slice %arg7[%add3A_129, %dma_wait3A] : memref<80x128xi32, #tpu.memory_space<vmem>> -> memref<1x128xi32, #tpu.memory_space<vmem>>
    %dma_wait3A_131 = tpu.memref_squeeze %dma_wait3A_130 : memref<1x128xi32, #tpu.memory_space<vmem>> -> memref<128xi32, #tpu.memory_space<vmem>>
    %dma_wait3A_132 = arith.constant 0 : i32
    %dma_wait3A_133 = arith.constant 0 : i32
    %dma_wait3A_134 = tpu.memref_slice %arg10[%dma_wait3A_132, %dma_wait3A_133] : memref<10240x16xf32, #tpu.memory_space<vmem_shared>> -> memref<10240x16xf32, #tpu.memory_space<vmem_shared>>
    tpu.wait_indirect_dma semaphore(%arg12 : memref<!tpu.dma_semaphore, #tpu.memory_space<semaphore_mem>>) src(%arg9 : memref<128x16xf32, #tpu.memory_space<vmem>>) dst(%dma_wait3A_134 : memref<10240x16xf32, #tpu.memory_space<vmem_shared>>)
    %add3A_135 = arith.constant 0 : i32
    %add3A_136 = arith.addi %sub3A_127, %add3A_135 : i32
    %dma_wait3A_137 = arith.constant 0 : i32
    %dma_wait3A_138 = tpu.memref_slice %arg8[%add3A_136, %dma_wait3A_137] : memref<80x128xi32, #tpu.memory_space<vmem>> -> memref<1x128xi32, #tpu.memory_space<vmem>>
    %dma_wait3A_139 = tpu.memref_squeeze %dma_wait3A_138 : memref<1x128xi32, #tpu.memory_space<vmem>> -> memref<128xi32, #tpu.memory_space<vmem>>
    %dma_wait3A_140 = arith.constant 0 : i32
    %dma_wait3A_141 = arith.constant 0 : i32
    %dma_wait3A_142 = tpu.memref_slice %arg11[%dma_wait3A_140, %dma_wait3A_141] : memref<10240x16xf32, #tpu.memory_space<vmem_shared>> -> memref<10240x16xf32, #tpu.memory_space<vmem_shared>>
    tpu.wait_indirect_dma semaphore(%arg17 : memref<!tpu.dma_semaphore, #tpu.memory_space<semaphore_mem>>) src(%arg9 : memref<128x16xf32, #tpu.memory_space<vmem>>) dst(%dma_wait3A_142 : memref<10240x16xf32, #tpu.memory_space<vmem_shared>>)
    %add3A_143 = arith.constant 1 : i32
    %add3A_144 = arith.addi %sub3A_127, %add3A_143 : i32
    %dma_wait3A_145 = arith.constant 0 : i32
    %dma_wait3A_146 = tpu.memref_slice %arg7[%add3A_144, %dma_wait3A_145] : memref<80x128xi32, #tpu.memory_space<vmem>> -> memref<1x128xi32, #tpu.memory_space<vmem>>
    %dma_wait3A_147 = tpu.memref_squeeze %dma_wait3A_146 : memref<1x128xi32, #tpu.memory_space<vmem>> -> memref<128xi32, #tpu.memory_space<vmem>>
    %dma_wait3A_148 = arith.constant 0 : i32
    %dma_wait3A_149 = arith.constant 0 : i32
    %dma_wait3A_150 = tpu.memref_slice %arg10[%dma_wait3A_148, %dma_wait3A_149] : memref<10240x16xf32, #tpu.memory_space<vmem_shared>> -> memref<10240x16xf32, #tpu.memory_space<vmem_shared>>
    tpu.wait_indirect_dma semaphore(%arg13 : memref<!tpu.dma_semaphore, #tpu.memory_space<semaphore_mem>>) src(%arg9 : memref<128x16xf32, #tpu.memory_space<vmem>>) dst(%dma_wait3A_150 : memref<10240x16xf32, #tpu.memory_space<vmem_shared>>)
    %add3A_151 = arith.constant 1 : i32
    %add3A_152 = arith.addi %sub3A_127, %add3A_151 : i32
    %dma_wait3A_153 = arith.constant 0 : i32
    %dma_wait3A_154 = tpu.memref_slice %arg8[%add3A_152, %dma_wait3A_153] : memref<80x128xi32, #tpu.memory_space<vmem>> -> memref<1x128xi32, #tpu.memory_space<vmem>>
    %dma_wait3A_155 = tpu.memref_squeeze %dma_wait3A_154 : memref<1x128xi32, #tpu.memory_space<vmem>> -> memref<128xi32, #tpu.memory_space<vmem>>
    %dma_wait3A_156 = arith.constant 0 : i32
    %dma_wait3A_157 = arith.constant 0 : i32
    %dma_wait3A_158 = tpu.memref_slice %arg11[%dma_wait3A_156, %dma_wait3A_157] : memref<10240x16xf32, #tpu.memory_space<vmem_shared>> -> memref<10240x16xf32, #tpu.memory_space<vmem_shared>>
    tpu.wait_indirect_dma semaphore(%arg18 : memref<!tpu.dma_semaphore, #tpu.memory_space<semaphore_mem>>) src(%arg9 : memref<128x16xf32, #tpu.memory_space<vmem>>) dst(%dma_wait3A_158 : memref<10240x16xf32, #tpu.memory_space<vmem_shared>>)
    %add3A_159 = arith.constant 2 : i32
    %add3A_160 = arith.addi %sub3A_127, %add3A_159 : i32
    %dma_wait3A_161 = arith.constant 0 : i32
    %dma_wait3A_162 = tpu.memref_slice %arg7[%add3A_160, %dma_wait3A_161] : memref<80x128xi32, #tpu.memory_space<vmem>> -> memref<1x128xi32, #tpu.memory_space<vmem>>
    %dma_wait3A_163 = tpu.memref_squeeze %dma_wait3A_162 : memref<1x128xi32, #tpu.memory_space<vmem>> -> memref<128xi32, #tpu.memory_space<vmem>>
    %dma_wait3A_164 = arith.constant 0 : i32
    %dma_wait3A_165 = arith.constant 0 : i32
    %dma_wait3A_166 = tpu.memref_slice %arg10[%dma_wait3A_164, %dma_wait3A_165] : memref<10240x16xf32, #tpu.memory_space<vmem_shared>> -> memref<10240x16xf32, #tpu.memory_space<vmem_shared>>
    tpu.wait_indirect_dma semaphore(%arg14 : memref<!tpu.dma_semaphore, #tpu.memory_space<semaphore_mem>>) src(%arg9 : memref<128x16xf32, #tpu.memory_space<vmem>>) dst(%dma_wait3A_166 : memref<10240x16xf32, #tpu.memory_space<vmem_shared>>)
    %add3A_167 = arith.constant 2 : i32
    %add3A_168 = arith.addi %sub3A_127, %add3A_167 : i32
    %dma_wait3A_169 = arith.constant 0 : i32
    %dma_wait3A_170 = tpu.memref_slice %arg8[%add3A_168, %dma_wait3A_169] : memref<80x128xi32, #tpu.memory_space<vmem>> -> memref<1x128xi32, #tpu.memory_space<vmem>>
    %dma_wait3A_171 = tpu.memref_squeeze %dma_wait3A_170 : memref<1x128xi32, #tpu.memory_space<vmem>> -> memref<128xi32, #tpu.memory_space<vmem>>
    %dma_wait3A_172 = arith.constant 0 : i32
    %dma_wait3A_173 = arith.constant 0 : i32
    %dma_wait3A_174 = tpu.memref_slice %arg11[%dma_wait3A_172, %dma_wait3A_173] : memref<10240x16xf32, #tpu.memory_space<vmem_shared>> -> memref<10240x16xf32, #tpu.memory_space<vmem_shared>>
    tpu.wait_indirect_dma semaphore(%arg19 : memref<!tpu.dma_semaphore, #tpu.memory_space<semaphore_mem>>) src(%arg9 : memref<128x16xf32, #tpu.memory_space<vmem>>) dst(%dma_wait3A_174 : memref<10240x16xf32, #tpu.memory_space<vmem_shared>>)
    %add3A_175 = arith.constant 3 : i32
    %add3A_176 = arith.addi %sub3A_127, %add3A_175 : i32
    %dma_wait3A_177 = arith.constant 0 : i32
    %dma_wait3A_178 = tpu.memref_slice %arg7[%add3A_176, %dma_wait3A_177] : memref<80x128xi32, #tpu.memory_space<vmem>> -> memref<1x128xi32, #tpu.memory_space<vmem>>
    %dma_wait3A_179 = tpu.memref_squeeze %dma_wait3A_178 : memref<1x128xi32, #tpu.memory_space<vmem>> -> memref<128xi32, #tpu.memory_space<vmem>>
    %dma_wait3A_180 = arith.constant 0 : i32
    %dma_wait3A_181 = arith.constant 0 : i32
    %dma_wait3A_182 = tpu.memref_slice %arg10[%dma_wait3A_180, %dma_wait3A_181] : memref<10240x16xf32, #tpu.memory_space<vmem_shared>> -> memref<10240x16xf32, #tpu.memory_space<vmem_shared>>
    tpu.wait_indirect_dma semaphore(%arg15 : memref<!tpu.dma_semaphore, #tpu.memory_space<semaphore_mem>>) src(%arg9 : memref<128x16xf32, #tpu.memory_space<vmem>>) dst(%dma_wait3A_182 : memref<10240x16xf32, #tpu.memory_space<vmem_shared>>)
    %add3A_183 = arith.constant 3 : i32
    %add3A_184 = arith.addi %sub3A_127, %add3A_183 : i32
    %dma_wait3A_185 = arith.constant 0 : i32
    %dma_wait3A_186 = tpu.memref_slice %arg8[%add3A_184, %dma_wait3A_185] : memref<80x128xi32, #tpu.memory_space<vmem>> -> memref<1x128xi32, #tpu.memory_space<vmem>>
    %dma_wait3A_187 = tpu.memref_squeeze %dma_wait3A_186 : memref<1x128xi32, #tpu.memory_space<vmem>> -> memref<128xi32, #tpu.memory_space<vmem>>
    %dma_wait3A_188 = arith.constant 0 : i32
    %dma_wait3A_189 = arith.constant 0 : i32
    %dma_wait3A_190 = tpu.memref_slice %arg11[%dma_wait3A_188, %dma_wait3A_189] : memref<10240x16xf32, #tpu.memory_space<vmem_shared>> -> memref<10240x16xf32, #tpu.memory_space<vmem_shared>>
    tpu.wait_indirect_dma semaphore(%arg20 : memref<!tpu.dma_semaphore, #tpu.memory_space<semaphore_mem>>) src(%arg9 : memref<128x16xf32, #tpu.memory_space<vmem>>) dst(%dma_wait3A_190 : memref<10240x16xf32, #tpu.memory_space<vmem_shared>>)
    %add3A_191 = arith.constant 4 : i32
    %add3A_192 = arith.addi %sub3A_127, %add3A_191 : i32
    %dma_wait3A_193 = arith.constant 0 : i32
    %dma_wait3A_194 = tpu.memref_slice %arg7[%add3A_192, %dma_wait3A_193] : memref<80x128xi32, #tpu.memory_space<vmem>> -> memref<1x128xi32, #tpu.memory_space<vmem>>
    %dma_wait3A_195 = tpu.memref_squeeze %dma_wait3A_194 : memref<1x128xi32, #tpu.memory_space<vmem>> -> memref<128xi32, #tpu.memory_space<vmem>>
    %dma_wait3A_196 = arith.constant 0 : i32
    %dma_wait3A_197 = arith.constant 0 : i32
    %dma_wait3A_198 = tpu.memref_slice %arg10[%dma_wait3A_196, %dma_wait3A_197] : memref<10240x16xf32, #tpu.memory_space<vmem_shared>> -> memref<10240x16xf32, #tpu.memory_space<vmem_shared>>
    tpu.wait_indirect_dma semaphore(%arg16 : memref<!tpu.dma_semaphore, #tpu.memory_space<semaphore_mem>>) src(%arg9 : memref<128x16xf32, #tpu.memory_space<vmem>>) dst(%dma_wait3A_198 : memref<10240x16xf32, #tpu.memory_space<vmem_shared>>)
    %add3A_199 = arith.constant 4 : i32
    %add3A_200 = arith.addi %sub3A_127, %add3A_199 : i32
    %dma_wait3A_201 = arith.constant 0 : i32
    %dma_wait3A_202 = tpu.memref_slice %arg8[%add3A_200, %dma_wait3A_201] : memref<80x128xi32, #tpu.memory_space<vmem>> -> memref<1x128xi32, #tpu.memory_space<vmem>>
    %dma_wait3A_203 = tpu.memref_squeeze %dma_wait3A_202 : memref<1x128xi32, #tpu.memory_space<vmem>> -> memref<128xi32, #tpu.memory_space<vmem>>
    %dma_wait3A_204 = arith.constant 0 : i32
    %dma_wait3A_205 = arith.constant 0 : i32
    %dma_wait3A_206 = tpu.memref_slice %arg11[%dma_wait3A_204, %dma_wait3A_205] : memref<10240x16xf32, #tpu.memory_space<vmem_shared>> -> memref<10240x16xf32, #tpu.memory_space<vmem_shared>>
    tpu.wait_indirect_dma semaphore(%arg21 : memref<!tpu.dma_semaphore, #tpu.memory_space<semaphore_mem>>) src(%arg9 : memref<128x16xf32, #tpu.memory_space<vmem>>) dst(%dma_wait3A_206 : memref<10240x16xf32, #tpu.memory_space<vmem_shared>>)
    %barrier3A_207 = arith.constant 0 : index
    tpu.barrier barrier_id(%barrier3A_207)
    "tpu.region"() ({
      %run_scoped3A = tpu.sem_alloc : memref<!tpu.dma_semaphore, #tpu.memory_space<semaphore_mem>>
      %dma_start3A_208 = arith.constant 0 : i32
      %dma_start3A_209 = tpu.memref_slice %arg5[%arg0, %mul3A_0, %dma_start3A_208] : memref<2x10240x16xf32, #tpu.memory_space<hbm>> -> memref<1x640x16xf32, #tpu.memory_space<hbm>>
      %dma_start3A_210 = tpu.memref_squeeze %dma_start3A_209 : memref<1x640x16xf32, #tpu.memory_space<hbm>> -> memref<640x16xf32, #tpu.memory_space<hbm>>
      %dma_start3A_211 = arith.constant 0 : i32
      %dma_start3A_212 = tpu.memref_slice %arg10[%mul3A_0, %dma_start3A_211] : memref<10240x16xf32, #tpu.memory_space<vmem_shared>> -> memref<640x16xf32, #tpu.memory_space<vmem_shared>>
      tpu.enqueue_dma source(%dma_start3A_212 : memref<640x16xf32, #tpu.memory_space<vmem_shared>>) target(%dma_start3A_210 : memref<640x16xf32, #tpu.memory_space<hbm>>) target_semaphore(%run_scoped3A : memref<!tpu.dma_semaphore, #tpu.memory_space<semaphore_mem>>)
      %dma_wait3A_213 = arith.constant 0 : i32
      %dma_wait3A_214 = tpu.memref_slice %arg5[%arg0, %mul3A_0, %dma_wait3A_213] : memref<2x10240x16xf32, #tpu.memory_space<hbm>> -> memref<1x640x16xf32, #tpu.memory_space<hbm>>
      %dma_wait3A_215 = tpu.memref_squeeze %dma_wait3A_214 : memref<1x640x16xf32, #tpu.memory_space<hbm>> -> memref<640x16xf32, #tpu.memory_space<hbm>>
      %dma_wait3A_216 = arith.constant 0 : i32
      %dma_wait3A_217 = tpu.memref_slice %arg10[%mul3A_0, %dma_wait3A_216] : memref<10240x16xf32, #tpu.memory_space<vmem_shared>> -> memref<640x16xf32, #tpu.memory_space<vmem_shared>>
      tpu.wait_dma2 semaphore(%run_scoped3A : memref<!tpu.dma_semaphore, #tpu.memory_space<semaphore_mem>>) src(%dma_wait3A_217 : memref<640x16xf32, #tpu.memory_space<vmem_shared>>) dst(%dma_wait3A_215 : memref<640x16xf32, #tpu.memory_space<hbm>>)
      tpu.yield
    }) : () -> ()
    "tpu.region"() ({
      %run_scoped3A = tpu.sem_alloc : memref<!tpu.dma_semaphore, #tpu.memory_space<semaphore_mem>>
      %dma_start3A_208 = arith.constant 0 : i32
      %dma_start3A_209 = tpu.memref_slice %arg6[%arg0, %mul3A_0, %dma_start3A_208] : memref<2x10240x16xf32, #tpu.memory_space<hbm>> -> memref<1x640x16xf32, #tpu.memory_space<hbm>>
      %dma_start3A_210 = tpu.memref_squeeze %dma_start3A_209 : memref<1x640x16xf32, #tpu.memory_space<hbm>> -> memref<640x16xf32, #tpu.memory_space<hbm>>
      %dma_start3A_211 = arith.constant 0 : i32
      %dma_start3A_212 = tpu.memref_slice %arg11[%mul3A_0, %dma_start3A_211] : memref<10240x16xf32, #tpu.memory_space<vmem_shared>> -> memref<640x16xf32, #tpu.memory_space<vmem_shared>>
      tpu.enqueue_dma source(%dma_start3A_212 : memref<640x16xf32, #tpu.memory_space<vmem_shared>>) target(%dma_start3A_210 : memref<640x16xf32, #tpu.memory_space<hbm>>) target_semaphore(%run_scoped3A : memref<!tpu.dma_semaphore, #tpu.memory_space<semaphore_mem>>)
      %dma_wait3A_213 = arith.constant 0 : i32
      %dma_wait3A_214 = tpu.memref_slice %arg6[%arg0, %mul3A_0, %dma_wait3A_213] : memref<2x10240x16xf32, #tpu.memory_space<hbm>> -> memref<1x640x16xf32, #tpu.memory_space<hbm>>
      %dma_wait3A_215 = tpu.memref_squeeze %dma_wait3A_214 : memref<1x640x16xf32, #tpu.memory_space<hbm>> -> memref<640x16xf32, #tpu.memory_space<hbm>>
      %dma_wait3A_216 = arith.constant 0 : i32
      %dma_wait3A_217 = tpu.memref_slice %arg11[%mul3A_0, %dma_wait3A_216] : memref<10240x16xf32, #tpu.memory_space<vmem_shared>> -> memref<640x16xf32, #tpu.memory_space<vmem_shared>>
      tpu.wait_dma2 semaphore(%run_scoped3A : memref<!tpu.dma_semaphore, #tpu.memory_space<semaphore_mem>>) src(%dma_wait3A_217 : memref<640x16xf32, #tpu.memory_space<vmem_shared>>) dst(%dma_wait3A_215 : memref<640x16xf32, #tpu.memory_space<hbm>>)
      tpu.yield
    }) : () -> ()
    return
  }
}

#map = affine_map<(d0, d1) -> (0, 0)>
#map1 = affine_map<(d0, d1) -> (0, 0, 0)>
module attributes {stable_mosaic.version = 14 : i64} {
  func.func @_agg2x64(%arg0: i32, %arg1: i32, %arg2: memref<10240x64xf32, #tpu.memory_space<hbm>>, %arg3: memref<10240x64xf32, #tpu.memory_space<hbm>>, %arg4: memref<2x2500x128xi32, #tpu.memory_space<hbm>>, %arg5: memref<10240x64xf32, #tpu.memory_space<hbm>>, %arg6: memref<2x10240x64xf32, #tpu.memory_space<hbm>>, %arg7: memref<2x10240x64xf32, #tpu.memory_space<hbm>>, %arg8: memref<80x128xi32, #tpu.memory_space<vmem>>, %arg9: memref<80x128xi32, #tpu.memory_space<vmem>>, %arg10: memref<128x64xf32, #tpu.memory_space<vmem>>, %arg11: memref<128x64xf32, #tpu.memory_space<vmem>>, %arg12: memref<128x64xf32, #tpu.memory_space<vmem>>, %arg13: memref<128x64xf32, #tpu.memory_space<vmem>>, %arg14: memref<128x64xf32, #tpu.memory_space<vmem>>, %arg15: memref<10240x64xf32, #tpu.memory_space<vmem_shared>>, %arg16: memref<!tpu.dma_semaphore, #tpu.memory_space<semaphore_mem>>, %arg17: memref<!tpu.dma_semaphore, #tpu.memory_space<semaphore_mem>>, %arg18: memref<!tpu.dma_semaphore, #tpu.memory_space<semaphore_mem>>, %arg19: memref<!tpu.dma_semaphore, #tpu.memory_space<semaphore_mem>>, %arg20: memref<!tpu.dma_semaphore, #tpu.memory_space<semaphore_mem>>, %arg21: memref<!tpu.dma_semaphore, #tpu.memory_space<semaphore_mem>>, %arg22: memref<!tpu.dma_semaphore, #tpu.memory_space<semaphore_mem>>, %arg23: memref<!tpu.dma_semaphore, #tpu.memory_space<semaphore_mem>>, %arg24: memref<!tpu.dma_semaphore, #tpu.memory_space<semaphore_mem>>, %arg25: memref<!tpu.dma_semaphore, #tpu.memory_space<semaphore_mem>>) attributes {dimension_semantics = [#tpu.dimension_semantics<core_parallel>, #tpu.dimension_semantics<subcore_parallel>], iteration_bounds = array<i64: 2, 16>, scalar_prefetch = 0 : i64, scratch_operands = 18 : i64, tpu.core_type = #tpu.core_type<sc_vector_subcore>, window_params = [{transform_indices = #map}, {transform_indices = #map}, {transform_indices = #map1}, {transform_indices = #map}, {transform_indices = #map1}, {transform_indices = #map1}]} {
    %mul3A = arith.constant 640 : i32
    %mul3A_0 = arith.muli %arg1, %mul3A : i32
    %mul3A_1 = arith.constant 16 : i32
    %mul3A_2 = arith.muli %arg0, %mul3A_1 : i32
    %add3A = arith.addi %mul3A_2, %arg1 : i32
    %mul3A_3 = arith.constant 80 : i32
    %mul3A_4 = arith.muli %add3A, %mul3A_3 : i32
    %eq3A = arith.constant 31 : i32
    %eq3A_5 = arith.cmpi eq, %add3A, %eq3A : i32
    %convert_element_type3A = arith.extui %eq3A_5 : i1 to i32
    %cond3A = arith.constant 0 : i32
    %cond3A_6 = arith.constant 1 : i32
    %cond3A_7 = arith.constant 0 : i32
    %cond3A_8 = arith.cmpi ne, %convert_element_type3A, %cond3A_7 : i32
    scf.if %cond3A_8 {
      "tpu.region"() ({
        %run_scoped3A = tpu.sem_alloc : memref<!tpu.dma_semaphore, #tpu.memory_space<semaphore_mem>>
        %dma_start3A_418 = arith.constant 0 : i32
        %dma_start3A_419 = arith.constant 0 : i32
        %dma_start3A_420 = tpu.memref_slice %arg8[%dma_start3A_418, %dma_start3A_419] : memref<80x128xi32, #tpu.memory_space<vmem>> -> memref<20x128xi32, #tpu.memory_space<vmem>>
        %dma_start3A_421 = arith.constant 0 : i32
        %dma_start3A_422 = arith.constant 0 : i32
        %dma_start3A_423 = tpu.memref_slice %arg4[%cond3A, %dma_start3A_421, %dma_start3A_422] : memref<2x2500x128xi32, #tpu.memory_space<hbm>> -> memref<1x2500x128xi32, #tpu.memory_space<hbm>>
        %dma_start3A_424 = tpu.memref_squeeze %dma_start3A_423 : memref<1x2500x128xi32, #tpu.memory_space<hbm>> -> memref<2500x128xi32, #tpu.memory_space<hbm>>
        %dma_start3A_425 = arith.constant 0 : i32
        %dma_start3A_426 = tpu.memref_slice %dma_start3A_424[%mul3A_4, %dma_start3A_425] : memref<2500x128xi32, #tpu.memory_space<hbm>> -> memref<20x128xi32, #tpu.memory_space<hbm>>
        %dma_start3A_427 = arith.constant 0 : i32
        %dma_start3A_428 = arith.constant 0 : i32
        %dma_start3A_429 = tpu.memref_slice %arg8[%dma_start3A_427, %dma_start3A_428] : memref<80x128xi32, #tpu.memory_space<vmem>> -> memref<20x128xi32, #tpu.memory_space<vmem>>
        %dma_start3A_430 = arith.constant 0 : i32
        %dma_start3A_431 = arith.constant 0 : i32
        %dma_start3A_432 = tpu.memref_slice %arg4[%cond3A, %dma_start3A_430, %dma_start3A_431] : memref<2x2500x128xi32, #tpu.memory_space<hbm>> -> memref<1x2500x128xi32, #tpu.memory_space<hbm>>
        %dma_start3A_433 = tpu.memref_squeeze %dma_start3A_432 : memref<1x2500x128xi32, #tpu.memory_space<hbm>> -> memref<2500x128xi32, #tpu.memory_space<hbm>>
        %dma_start3A_434 = arith.constant 0 : i32
        %dma_start3A_435 = tpu.memref_slice %dma_start3A_433[%mul3A_4, %dma_start3A_434] : memref<2500x128xi32, #tpu.memory_space<hbm>> -> memref<20x128xi32, #tpu.memory_space<hbm>>
        tpu.enqueue_dma source(%dma_start3A_435 : memref<20x128xi32, #tpu.memory_space<hbm>>) target(%dma_start3A_429 : memref<20x128xi32, #tpu.memory_space<vmem>>) target_semaphore(%run_scoped3A : memref<!tpu.dma_semaphore, #tpu.memory_space<semaphore_mem>>)
        %dma_wait3A_436 = arith.constant 0 : i32
        %dma_wait3A_437 = arith.constant 0 : i32
        %dma_wait3A_438 = tpu.memref_slice %arg8[%dma_wait3A_436, %dma_wait3A_437] : memref<80x128xi32, #tpu.memory_space<vmem>> -> memref<20x128xi32, #tpu.memory_space<vmem>>
        %dma_wait3A_439 = arith.constant 0 : i32
        %dma_wait3A_440 = arith.constant 0 : i32
        %dma_wait3A_441 = tpu.memref_slice %arg4[%cond3A, %dma_wait3A_439, %dma_wait3A_440] : memref<2x2500x128xi32, #tpu.memory_space<hbm>> -> memref<1x2500x128xi32, #tpu.memory_space<hbm>>
        %dma_wait3A_442 = tpu.memref_squeeze %dma_wait3A_441 : memref<1x2500x128xi32, #tpu.memory_space<hbm>> -> memref<2500x128xi32, #tpu.memory_space<hbm>>
        %dma_wait3A_443 = arith.constant 0 : i32
        %dma_wait3A_444 = tpu.memref_slice %dma_wait3A_442[%mul3A_4, %dma_wait3A_443] : memref<2500x128xi32, #tpu.memory_space<hbm>> -> memref<20x128xi32, #tpu.memory_space<hbm>>
        %dma_wait3A_445 = arith.constant 0 : i32
        %dma_wait3A_446 = arith.constant 0 : i32
        %dma_wait3A_447 = tpu.memref_slice %arg8[%dma_wait3A_445, %dma_wait3A_446] : memref<80x128xi32, #tpu.memory_space<vmem>> -> memref<20x128xi32, #tpu.memory_space<vmem>>
        %dma_wait3A_448 = arith.constant 0 : i32
        %dma_wait3A_449 = arith.constant 0 : i32
        %dma_wait3A_450 = tpu.memref_slice %arg4[%cond3A, %dma_wait3A_448, %dma_wait3A_449] : memref<2x2500x128xi32, #tpu.memory_space<hbm>> -> memref<1x2500x128xi32, #tpu.memory_space<hbm>>
        %dma_wait3A_451 = tpu.memref_squeeze %dma_wait3A_450 : memref<1x2500x128xi32, #tpu.memory_space<hbm>> -> memref<2500x128xi32, #tpu.memory_space<hbm>>
        %dma_wait3A_452 = arith.constant 0 : i32
        %dma_wait3A_453 = tpu.memref_slice %dma_wait3A_451[%mul3A_4, %dma_wait3A_452] : memref<2500x128xi32, #tpu.memory_space<hbm>> -> memref<20x128xi32, #tpu.memory_space<hbm>>
        tpu.wait_dma2 semaphore(%run_scoped3A : memref<!tpu.dma_semaphore, #tpu.memory_space<semaphore_mem>>) src(%dma_wait3A_453 : memref<20x128xi32, #tpu.memory_space<hbm>>) dst(%dma_wait3A_447 : memref<20x128xi32, #tpu.memory_space<vmem>>)
        tpu.yield
      }) : () -> ()
      "tpu.region"() ({
        %run_scoped3A = tpu.sem_alloc : memref<!tpu.dma_semaphore, #tpu.memory_space<semaphore_mem>>
        %dma_start3A_418 = arith.constant 0 : i32
        %dma_start3A_419 = arith.constant 0 : i32
        %dma_start3A_420 = tpu.memref_slice %arg9[%dma_start3A_418, %dma_start3A_419] : memref<80x128xi32, #tpu.memory_space<vmem>> -> memref<20x128xi32, #tpu.memory_space<vmem>>
        %dma_start3A_421 = arith.constant 0 : i32
        %dma_start3A_422 = arith.constant 0 : i32
        %dma_start3A_423 = tpu.memref_slice %arg4[%cond3A_6, %dma_start3A_421, %dma_start3A_422] : memref<2x2500x128xi32, #tpu.memory_space<hbm>> -> memref<1x2500x128xi32, #tpu.memory_space<hbm>>
        %dma_start3A_424 = tpu.memref_squeeze %dma_start3A_423 : memref<1x2500x128xi32, #tpu.memory_space<hbm>> -> memref<2500x128xi32, #tpu.memory_space<hbm>>
        %dma_start3A_425 = arith.constant 0 : i32
        %dma_start3A_426 = tpu.memref_slice %dma_start3A_424[%mul3A_4, %dma_start3A_425] : memref<2500x128xi32, #tpu.memory_space<hbm>> -> memref<20x128xi32, #tpu.memory_space<hbm>>
        %dma_start3A_427 = arith.constant 0 : i32
        %dma_start3A_428 = arith.constant 0 : i32
        %dma_start3A_429 = tpu.memref_slice %arg9[%dma_start3A_427, %dma_start3A_428] : memref<80x128xi32, #tpu.memory_space<vmem>> -> memref<20x128xi32, #tpu.memory_space<vmem>>
        %dma_start3A_430 = arith.constant 0 : i32
        %dma_start3A_431 = arith.constant 0 : i32
        %dma_start3A_432 = tpu.memref_slice %arg4[%cond3A_6, %dma_start3A_430, %dma_start3A_431] : memref<2x2500x128xi32, #tpu.memory_space<hbm>> -> memref<1x2500x128xi32, #tpu.memory_space<hbm>>
        %dma_start3A_433 = tpu.memref_squeeze %dma_start3A_432 : memref<1x2500x128xi32, #tpu.memory_space<hbm>> -> memref<2500x128xi32, #tpu.memory_space<hbm>>
        %dma_start3A_434 = arith.constant 0 : i32
        %dma_start3A_435 = tpu.memref_slice %dma_start3A_433[%mul3A_4, %dma_start3A_434] : memref<2500x128xi32, #tpu.memory_space<hbm>> -> memref<20x128xi32, #tpu.memory_space<hbm>>
        tpu.enqueue_dma source(%dma_start3A_435 : memref<20x128xi32, #tpu.memory_space<hbm>>) target(%dma_start3A_429 : memref<20x128xi32, #tpu.memory_space<vmem>>) target_semaphore(%run_scoped3A : memref<!tpu.dma_semaphore, #tpu.memory_space<semaphore_mem>>)
        %dma_wait3A_436 = arith.constant 0 : i32
        %dma_wait3A_437 = arith.constant 0 : i32
        %dma_wait3A_438 = tpu.memref_slice %arg9[%dma_wait3A_436, %dma_wait3A_437] : memref<80x128xi32, #tpu.memory_space<vmem>> -> memref<20x128xi32, #tpu.memory_space<vmem>>
        %dma_wait3A_439 = arith.constant 0 : i32
        %dma_wait3A_440 = arith.constant 0 : i32
        %dma_wait3A_441 = tpu.memref_slice %arg4[%cond3A_6, %dma_wait3A_439, %dma_wait3A_440] : memref<2x2500x128xi32, #tpu.memory_space<hbm>> -> memref<1x2500x128xi32, #tpu.memory_space<hbm>>
        %dma_wait3A_442 = tpu.memref_squeeze %dma_wait3A_441 : memref<1x2500x128xi32, #tpu.memory_space<hbm>> -> memref<2500x128xi32, #tpu.memory_space<hbm>>
        %dma_wait3A_443 = arith.constant 0 : i32
        %dma_wait3A_444 = tpu.memref_slice %dma_wait3A_442[%mul3A_4, %dma_wait3A_443] : memref<2500x128xi32, #tpu.memory_space<hbm>> -> memref<20x128xi32, #tpu.memory_space<hbm>>
        %dma_wait3A_445 = arith.constant 0 : i32
        %dma_wait3A_446 = arith.constant 0 : i32
        %dma_wait3A_447 = tpu.memref_slice %arg9[%dma_wait3A_445, %dma_wait3A_446] : memref<80x128xi32, #tpu.memory_space<vmem>> -> memref<20x128xi32, #tpu.memory_space<vmem>>
        %dma_wait3A_448 = arith.constant 0 : i32
        %dma_wait3A_449 = arith.constant 0 : i32
        %dma_wait3A_450 = tpu.memref_slice %arg4[%cond3A_6, %dma_wait3A_448, %dma_wait3A_449] : memref<2x2500x128xi32, #tpu.memory_space<hbm>> -> memref<1x2500x128xi32, #tpu.memory_space<hbm>>
        %dma_wait3A_451 = tpu.memref_squeeze %dma_wait3A_450 : memref<1x2500x128xi32, #tpu.memory_space<hbm>> -> memref<2500x128xi32, #tpu.memory_space<hbm>>
        %dma_wait3A_452 = arith.constant 0 : i32
        %dma_wait3A_453 = tpu.memref_slice %dma_wait3A_451[%mul3A_4, %dma_wait3A_452] : memref<2500x128xi32, #tpu.memory_space<hbm>> -> memref<20x128xi32, #tpu.memory_space<hbm>>
        tpu.wait_dma2 semaphore(%run_scoped3A : memref<!tpu.dma_semaphore, #tpu.memory_space<semaphore_mem>>) src(%dma_wait3A_453 : memref<20x128xi32, #tpu.memory_space<hbm>>) dst(%dma_wait3A_447 : memref<20x128xi32, #tpu.memory_space<vmem>>)
        tpu.yield
      }) : () -> ()
    } else {
    }
    %ne3A = arith.constant 31 : i32
    %ne3A_9 = arith.cmpi ne, %add3A, %ne3A : i32
    %convert_element_type3A_10 = arith.extui %ne3A_9 : i1 to i32
    %cond3A_11 = arith.constant 0 : i32
    %cond3A_12 = arith.constant 1 : i32
    %cond3A_13 = arith.constant 0 : i32
    %cond3A_14 = arith.cmpi ne, %convert_element_type3A_10, %cond3A_13 : i32
    scf.if %cond3A_14 {
      "tpu.region"() ({
        %run_scoped3A = tpu.sem_alloc : memref<!tpu.dma_semaphore, #tpu.memory_space<semaphore_mem>>
        %dma_start3A_418 = arith.constant 0 : i32
        %dma_start3A_419 = arith.constant 0 : i32
        %dma_start3A_420 = tpu.memref_slice %arg4[%cond3A_11, %dma_start3A_418, %dma_start3A_419] : memref<2x2500x128xi32, #tpu.memory_space<hbm>> -> memref<1x2500x128xi32, #tpu.memory_space<hbm>>
        %dma_start3A_421 = tpu.memref_squeeze %dma_start3A_420 : memref<1x2500x128xi32, #tpu.memory_space<hbm>> -> memref<2500x128xi32, #tpu.memory_space<hbm>>
        %dma_start3A_422 = arith.constant 0 : i32
        %dma_start3A_423 = tpu.memref_slice %dma_start3A_421[%mul3A_4, %dma_start3A_422] : memref<2500x128xi32, #tpu.memory_space<hbm>> -> memref<80x128xi32, #tpu.memory_space<hbm>>
        %dma_start3A_424 = arith.constant 0 : i32
        %dma_start3A_425 = arith.constant 0 : i32
        %dma_start3A_426 = tpu.memref_slice %arg4[%cond3A_11, %dma_start3A_424, %dma_start3A_425] : memref<2x2500x128xi32, #tpu.memory_space<hbm>> -> memref<1x2500x128xi32, #tpu.memory_space<hbm>>
        %dma_start3A_427 = tpu.memref_squeeze %dma_start3A_426 : memref<1x2500x128xi32, #tpu.memory_space<hbm>> -> memref<2500x128xi32, #tpu.memory_space<hbm>>
        %dma_start3A_428 = arith.constant 0 : i32
        %dma_start3A_429 = tpu.memref_slice %dma_start3A_427[%mul3A_4, %dma_start3A_428] : memref<2500x128xi32, #tpu.memory_space<hbm>> -> memref<80x128xi32, #tpu.memory_space<hbm>>
        tpu.enqueue_dma source(%dma_start3A_429 : memref<80x128xi32, #tpu.memory_space<hbm>>) target(%arg8 : memref<80x128xi32, #tpu.memory_space<vmem>>) target_semaphore(%run_scoped3A : memref<!tpu.dma_semaphore, #tpu.memory_space<semaphore_mem>>)
        %dma_wait3A_430 = arith.constant 0 : i32
        %dma_wait3A_431 = arith.constant 0 : i32
        %dma_wait3A_432 = tpu.memref_slice %arg4[%cond3A_11, %dma_wait3A_430, %dma_wait3A_431] : memref<2x2500x128xi32, #tpu.memory_space<hbm>> -> memref<1x2500x128xi32, #tpu.memory_space<hbm>>
        %dma_wait3A_433 = tpu.memref_squeeze %dma_wait3A_432 : memref<1x2500x128xi32, #tpu.memory_space<hbm>> -> memref<2500x128xi32, #tpu.memory_space<hbm>>
        %dma_wait3A_434 = arith.constant 0 : i32
        %dma_wait3A_435 = tpu.memref_slice %dma_wait3A_433[%mul3A_4, %dma_wait3A_434] : memref<2500x128xi32, #tpu.memory_space<hbm>> -> memref<80x128xi32, #tpu.memory_space<hbm>>
        %dma_wait3A_436 = arith.constant 0 : i32
        %dma_wait3A_437 = arith.constant 0 : i32
        %dma_wait3A_438 = tpu.memref_slice %arg4[%cond3A_11, %dma_wait3A_436, %dma_wait3A_437] : memref<2x2500x128xi32, #tpu.memory_space<hbm>> -> memref<1x2500x128xi32, #tpu.memory_space<hbm>>
        %dma_wait3A_439 = tpu.memref_squeeze %dma_wait3A_438 : memref<1x2500x128xi32, #tpu.memory_space<hbm>> -> memref<2500x128xi32, #tpu.memory_space<hbm>>
        %dma_wait3A_440 = arith.constant 0 : i32
        %dma_wait3A_441 = tpu.memref_slice %dma_wait3A_439[%mul3A_4, %dma_wait3A_440] : memref<2500x128xi32, #tpu.memory_space<hbm>> -> memref<80x128xi32, #tpu.memory_space<hbm>>
        tpu.wait_dma2 semaphore(%run_scoped3A : memref<!tpu.dma_semaphore, #tpu.memory_space<semaphore_mem>>) src(%dma_wait3A_441 : memref<80x128xi32, #tpu.memory_space<hbm>>) dst(%arg8 : memref<80x128xi32, #tpu.memory_space<vmem>>)
        tpu.yield
      }) : () -> ()
      "tpu.region"() ({
        %run_scoped3A = tpu.sem_alloc : memref<!tpu.dma_semaphore, #tpu.memory_space<semaphore_mem>>
        %dma_start3A_418 = arith.constant 0 : i32
        %dma_start3A_419 = arith.constant 0 : i32
        %dma_start3A_420 = tpu.memref_slice %arg4[%cond3A_12, %dma_start3A_418, %dma_start3A_419] : memref<2x2500x128xi32, #tpu.memory_space<hbm>> -> memref<1x2500x128xi32, #tpu.memory_space<hbm>>
        %dma_start3A_421 = tpu.memref_squeeze %dma_start3A_420 : memref<1x2500x128xi32, #tpu.memory_space<hbm>> -> memref<2500x128xi32, #tpu.memory_space<hbm>>
        %dma_start3A_422 = arith.constant 0 : i32
        %dma_start3A_423 = tpu.memref_slice %dma_start3A_421[%mul3A_4, %dma_start3A_422] : memref<2500x128xi32, #tpu.memory_space<hbm>> -> memref<80x128xi32, #tpu.memory_space<hbm>>
        %dma_start3A_424 = arith.constant 0 : i32
        %dma_start3A_425 = arith.constant 0 : i32
        %dma_start3A_426 = tpu.memref_slice %arg4[%cond3A_12, %dma_start3A_424, %dma_start3A_425] : memref<2x2500x128xi32, #tpu.memory_space<hbm>> -> memref<1x2500x128xi32, #tpu.memory_space<hbm>>
        %dma_start3A_427 = tpu.memref_squeeze %dma_start3A_426 : memref<1x2500x128xi32, #tpu.memory_space<hbm>> -> memref<2500x128xi32, #tpu.memory_space<hbm>>
        %dma_start3A_428 = arith.constant 0 : i32
        %dma_start3A_429 = tpu.memref_slice %dma_start3A_427[%mul3A_4, %dma_start3A_428] : memref<2500x128xi32, #tpu.memory_space<hbm>> -> memref<80x128xi32, #tpu.memory_space<hbm>>
        tpu.enqueue_dma source(%dma_start3A_429 : memref<80x128xi32, #tpu.memory_space<hbm>>) target(%arg9 : memref<80x128xi32, #tpu.memory_space<vmem>>) target_semaphore(%run_scoped3A : memref<!tpu.dma_semaphore, #tpu.memory_space<semaphore_mem>>)
        %dma_wait3A_430 = arith.constant 0 : i32
        %dma_wait3A_431 = arith.constant 0 : i32
        %dma_wait3A_432 = tpu.memref_slice %arg4[%cond3A_12, %dma_wait3A_430, %dma_wait3A_431] : memref<2x2500x128xi32, #tpu.memory_space<hbm>> -> memref<1x2500x128xi32, #tpu.memory_space<hbm>>
        %dma_wait3A_433 = tpu.memref_squeeze %dma_wait3A_432 : memref<1x2500x128xi32, #tpu.memory_space<hbm>> -> memref<2500x128xi32, #tpu.memory_space<hbm>>
        %dma_wait3A_434 = arith.constant 0 : i32
        %dma_wait3A_435 = tpu.memref_slice %dma_wait3A_433[%mul3A_4, %dma_wait3A_434] : memref<2500x128xi32, #tpu.memory_space<hbm>> -> memref<80x128xi32, #tpu.memory_space<hbm>>
        %dma_wait3A_436 = arith.constant 0 : i32
        %dma_wait3A_437 = arith.constant 0 : i32
        %dma_wait3A_438 = tpu.memref_slice %arg4[%cond3A_12, %dma_wait3A_436, %dma_wait3A_437] : memref<2x2500x128xi32, #tpu.memory_space<hbm>> -> memref<1x2500x128xi32, #tpu.memory_space<hbm>>
        %dma_wait3A_439 = tpu.memref_squeeze %dma_wait3A_438 : memref<1x2500x128xi32, #tpu.memory_space<hbm>> -> memref<2500x128xi32, #tpu.memory_space<hbm>>
        %dma_wait3A_440 = arith.constant 0 : i32
        %dma_wait3A_441 = tpu.memref_slice %dma_wait3A_439[%mul3A_4, %dma_wait3A_440] : memref<2500x128xi32, #tpu.memory_space<hbm>> -> memref<80x128xi32, #tpu.memory_space<hbm>>
        tpu.wait_dma2 semaphore(%run_scoped3A : memref<!tpu.dma_semaphore, #tpu.memory_space<semaphore_mem>>) src(%dma_wait3A_441 : memref<80x128xi32, #tpu.memory_space<hbm>>) dst(%arg9 : memref<80x128xi32, #tpu.memory_space<vmem>>)
        tpu.yield
      }) : () -> ()
    } else {
    }
    %eq3A_15 = arith.constant 31 : i32
    %eq3A_16 = arith.cmpi eq, %add3A, %eq3A_15 : i32
    %select_n3A = arith.constant 80 : i32
    %select_n3A_17 = arith.constant 20 : i32
    %select_n3A_18 = arith.select %eq3A_16, %select_n3A_17, %select_n3A : i32
    %dma_start3A = arith.constant 0 : i32
    %dma_start3A_19 = arith.constant 0 : i32
    %dma_start3A_20 = tpu.memref_slice %arg8[%dma_start3A, %dma_start3A_19] : memref<80x128xi32, #tpu.memory_space<vmem>> -> memref<1x128xi32, #tpu.memory_space<vmem>>
    %dma_start3A_21 = tpu.memref_squeeze %dma_start3A_20 : memref<1x128xi32, #tpu.memory_space<vmem>> -> memref<128xi32, #tpu.memory_space<vmem>>
    %dma_start3A_22 = arith.constant 0 : i32
    %dma_start3A_23 = arith.constant 0 : i32
    %dma_start3A_24 = tpu.memref_slice %arg2[%dma_start3A_22, %dma_start3A_23] : memref<10240x64xf32, #tpu.memory_space<hbm>> -> memref<10240x64xf32, #tpu.memory_space<hbm>>
    tpu.enqueue_indirect_dma source(%dma_start3A_24 : memref<10240x64xf32, #tpu.memory_space<hbm>>) target(%arg10 : memref<128x64xf32, #tpu.memory_space<vmem>>) offsets(%dma_start3A_21 : memref<128xi32, #tpu.memory_space<vmem>>) semaphore(%arg16 : memref<!tpu.dma_semaphore, #tpu.memory_space<semaphore_mem>>)
    %dma_start3A_25 = arith.constant 1 : i32
    %dma_start3A_26 = arith.constant 0 : i32
    %dma_start3A_27 = tpu.memref_slice %arg8[%dma_start3A_25, %dma_start3A_26] : memref<80x128xi32, #tpu.memory_space<vmem>> -> memref<1x128xi32, #tpu.memory_space<vmem>>
    %dma_start3A_28 = tpu.memref_squeeze %dma_start3A_27 : memref<1x128xi32, #tpu.memory_space<vmem>> -> memref<128xi32, #tpu.memory_space<vmem>>
    %dma_start3A_29 = arith.constant 0 : i32
    %dma_start3A_30 = arith.constant 0 : i32
    %dma_start3A_31 = tpu.memref_slice %arg2[%dma_start3A_29, %dma_start3A_30] : memref<10240x64xf32, #tpu.memory_space<hbm>> -> memref<10240x64xf32, #tpu.memory_space<hbm>>
    tpu.enqueue_indirect_dma source(%dma_start3A_31 : memref<10240x64xf32, #tpu.memory_space<hbm>>) target(%arg11 : memref<128x64xf32, #tpu.memory_space<vmem>>) offsets(%dma_start3A_28 : memref<128xi32, #tpu.memory_space<vmem>>) semaphore(%arg17 : memref<!tpu.dma_semaphore, #tpu.memory_space<semaphore_mem>>)
    %dma_start3A_32 = arith.constant 2 : i32
    %dma_start3A_33 = arith.constant 0 : i32
    %dma_start3A_34 = tpu.memref_slice %arg8[%dma_start3A_32, %dma_start3A_33] : memref<80x128xi32, #tpu.memory_space<vmem>> -> memref<1x128xi32, #tpu.memory_space<vmem>>
    %dma_start3A_35 = tpu.memref_squeeze %dma_start3A_34 : memref<1x128xi32, #tpu.memory_space<vmem>> -> memref<128xi32, #tpu.memory_space<vmem>>
    %dma_start3A_36 = arith.constant 0 : i32
    %dma_start3A_37 = arith.constant 0 : i32
    %dma_start3A_38 = tpu.memref_slice %arg2[%dma_start3A_36, %dma_start3A_37] : memref<10240x64xf32, #tpu.memory_space<hbm>> -> memref<10240x64xf32, #tpu.memory_space<hbm>>
    tpu.enqueue_indirect_dma source(%dma_start3A_38 : memref<10240x64xf32, #tpu.memory_space<hbm>>) target(%arg12 : memref<128x64xf32, #tpu.memory_space<vmem>>) offsets(%dma_start3A_35 : memref<128xi32, #tpu.memory_space<vmem>>) semaphore(%arg18 : memref<!tpu.dma_semaphore, #tpu.memory_space<semaphore_mem>>)
    %dma_start3A_39 = arith.constant 3 : i32
    %dma_start3A_40 = arith.constant 0 : i32
    %dma_start3A_41 = tpu.memref_slice %arg8[%dma_start3A_39, %dma_start3A_40] : memref<80x128xi32, #tpu.memory_space<vmem>> -> memref<1x128xi32, #tpu.memory_space<vmem>>
    %dma_start3A_42 = tpu.memref_squeeze %dma_start3A_41 : memref<1x128xi32, #tpu.memory_space<vmem>> -> memref<128xi32, #tpu.memory_space<vmem>>
    %dma_start3A_43 = arith.constant 0 : i32
    %dma_start3A_44 = arith.constant 0 : i32
    %dma_start3A_45 = tpu.memref_slice %arg2[%dma_start3A_43, %dma_start3A_44] : memref<10240x64xf32, #tpu.memory_space<hbm>> -> memref<10240x64xf32, #tpu.memory_space<hbm>>
    tpu.enqueue_indirect_dma source(%dma_start3A_45 : memref<10240x64xf32, #tpu.memory_space<hbm>>) target(%arg13 : memref<128x64xf32, #tpu.memory_space<vmem>>) offsets(%dma_start3A_42 : memref<128xi32, #tpu.memory_space<vmem>>) semaphore(%arg19 : memref<!tpu.dma_semaphore, #tpu.memory_space<semaphore_mem>>)
    %dma_start3A_46 = arith.constant 4 : i32
    %dma_start3A_47 = arith.constant 0 : i32
    %dma_start3A_48 = tpu.memref_slice %arg8[%dma_start3A_46, %dma_start3A_47] : memref<80x128xi32, #tpu.memory_space<vmem>> -> memref<1x128xi32, #tpu.memory_space<vmem>>
    %dma_start3A_49 = tpu.memref_squeeze %dma_start3A_48 : memref<1x128xi32, #tpu.memory_space<vmem>> -> memref<128xi32, #tpu.memory_space<vmem>>
    %dma_start3A_50 = arith.constant 0 : i32
    %dma_start3A_51 = arith.constant 0 : i32
    %dma_start3A_52 = tpu.memref_slice %arg2[%dma_start3A_50, %dma_start3A_51] : memref<10240x64xf32, #tpu.memory_space<hbm>> -> memref<10240x64xf32, #tpu.memory_space<hbm>>
    tpu.enqueue_indirect_dma source(%dma_start3A_52 : memref<10240x64xf32, #tpu.memory_space<hbm>>) target(%arg14 : memref<128x64xf32, #tpu.memory_space<vmem>>) offsets(%dma_start3A_49 : memref<128xi32, #tpu.memory_space<vmem>>) semaphore(%arg20 : memref<!tpu.dma_semaphore, #tpu.memory_space<semaphore_mem>>)
    "tpu.region"() ({
      %run_scoped3A = tpu.sem_alloc : memref<!tpu.dma_semaphore, #tpu.memory_space<semaphore_mem>>
      %dma_start3A_418 = arith.constant 0 : i32
      %dma_start3A_419 = tpu.memref_slice %arg15[%mul3A_0, %dma_start3A_418] : memref<10240x64xf32, #tpu.memory_space<vmem_shared>> -> memref<640x64xf32, #tpu.memory_space<vmem_shared>>
      %dma_start3A_420 = arith.constant 0 : i32
      %dma_start3A_421 = tpu.memref_slice %arg5[%mul3A_0, %dma_start3A_420] : memref<10240x64xf32, #tpu.memory_space<hbm>> -> memref<640x64xf32, #tpu.memory_space<hbm>>
      tpu.enqueue_dma source(%dma_start3A_421 : memref<640x64xf32, #tpu.memory_space<hbm>>) target(%dma_start3A_419 : memref<640x64xf32, #tpu.memory_space<vmem_shared>>) target_semaphore(%run_scoped3A : memref<!tpu.dma_semaphore, #tpu.memory_space<semaphore_mem>>)
      %dma_wait3A_422 = arith.constant 0 : i32
      %dma_wait3A_423 = tpu.memref_slice %arg15[%mul3A_0, %dma_wait3A_422] : memref<10240x64xf32, #tpu.memory_space<vmem_shared>> -> memref<640x64xf32, #tpu.memory_space<vmem_shared>>
      %dma_wait3A_424 = arith.constant 0 : i32
      %dma_wait3A_425 = tpu.memref_slice %arg5[%mul3A_0, %dma_wait3A_424] : memref<10240x64xf32, #tpu.memory_space<hbm>> -> memref<640x64xf32, #tpu.memory_space<hbm>>
      tpu.wait_dma2 semaphore(%run_scoped3A : memref<!tpu.dma_semaphore, #tpu.memory_space<semaphore_mem>>) src(%dma_wait3A_425 : memref<640x64xf32, #tpu.memory_space<hbm>>) dst(%dma_wait3A_423 : memref<640x64xf32, #tpu.memory_space<vmem_shared>>)
      tpu.yield
    }) : () -> ()
    %barrier3A = arith.constant 0 : index
    tpu.barrier barrier_id(%barrier3A)
    %jit3A = arith.constant 5 : i32
    %div3A = arith.divsi %select_n3A_18, %jit3A : i32
    %sign3A = arith.constant 0 : i32
    %sign3A_53 = arith.cmpi sgt, %select_n3A_18, %sign3A : i32
    %sign3A_54 = arith.extui %sign3A_53 : i1 to i32
    %sign3A_55 = arith.constant 0 : i32
    %sign3A_56 = arith.cmpi slt, %select_n3A_18, %sign3A_55 : i32
    %sign3A_57 = arith.extui %sign3A_56 : i1 to i32
    %sign3A_58 = arith.subi %sign3A_54, %sign3A_57 : i32
    %sign3A_59 = arith.constant 0 : i32
    %sign3A_60 = arith.cmpi sgt, %jit3A, %sign3A_59 : i32
    %sign3A_61 = arith.extui %sign3A_60 : i1 to i32
    %sign3A_62 = arith.constant 0 : i32
    %sign3A_63 = arith.cmpi slt, %jit3A, %sign3A_62 : i32
    %sign3A_64 = arith.extui %sign3A_63 : i1 to i32
    %sign3A_65 = arith.subi %sign3A_61, %sign3A_64 : i32
    %ne3A_66 = arith.cmpi ne, %sign3A_58, %sign3A_65 : i32
    %rem3A = arith.remsi %select_n3A_18, %jit3A : i32
    %ne3A_67 = arith.constant 0 : i32
    %ne3A_68 = arith.cmpi ne, %rem3A, %ne3A_67 : i32
    %and3A = arith.andi %ne3A_66, %ne3A_68 : i1
    %sub3A = arith.constant 1 : i32
    %sub3A_69 = arith.subi %div3A, %sub3A : i32
    %select_n3A_70 = arith.select %and3A, %sub3A_69, %div3A : i32
    %sub3A_71 = arith.constant 1 : i32
    %sub3A_72 = arith.subi %select_n3A_70, %sub3A_71 : i32
    %sub3A_73 = arith.constant 0 : i32
    %sub3A_74 = arith.subi %sub3A_72, %sub3A_73 : i32
    %sub3A_75 = arith.constant 1 : i32
    %sub3A_76 = arith.constant 1 : i32
    %sub3A_77 = arith.subi %sub3A_75, %sub3A_76 : i32
    %add3A_78 = arith.addi %sub3A_74, %sub3A_77 : i32
    %div3A_79 = arith.constant 1 : i32
    %div3A_80 = arith.divsi %add3A_78, %div3A_79 : i32
    %while3A = arith.constant 1 : i32
    %while3A_81 = arith.constant 0 : i32
    %while3A_82 = arith.constant 0 : i32
    %while3A_83 = arith.subi %div3A_80, %while3A_82 : i32
    %while3A_84 = arith.addi %while3A_82, %while3A_83 : i32
    %while3A_85 = arith.constant 1 : i32
    %while3A_86 = arith.divsi %while3A_83, %while3A_85 : i32
    %while3A_87 = arith.muli %while3A_86, %while3A_85 : i32
    %while3A_88 = arith.addi %while3A_82, %while3A_87 : i32
    %while3A_89 = arith.constant 1 : i32
    scf.for %while3A_418 = %while3A_82 to %while3A_88 step %while3A_89  : i32 {
      %mul3A_419 = arith.muli %while3A_418, %while3A : i32
      %add3A_420 = arith.addi %while3A_81, %mul3A_419 : i32
      %mul3A_421 = arith.constant 5 : i32
      %mul3A_422 = arith.muli %mul3A_421, %add3A_420 : i32
      %add3A_423 = arith.constant 0 : i32
      %add3A_424 = arith.addi %mul3A_422, %add3A_423 : i32
      %dma_wait3A_425 = arith.constant 0 : i32
      %dma_wait3A_426 = tpu.memref_slice %arg8[%add3A_424, %dma_wait3A_425] : memref<80x128xi32, #tpu.memory_space<vmem>> -> memref<1x128xi32, #tpu.memory_space<vmem>>
      %dma_wait3A_427 = tpu.memref_squeeze %dma_wait3A_426 : memref<1x128xi32, #tpu.memory_space<vmem>> -> memref<128xi32, #tpu.memory_space<vmem>>
      %dma_wait3A_428 = arith.constant 0 : i32
      %dma_wait3A_429 = arith.constant 0 : i32
      %dma_wait3A_430 = tpu.memref_slice %arg2[%dma_wait3A_428, %dma_wait3A_429] : memref<10240x64xf32, #tpu.memory_space<hbm>> -> memref<10240x64xf32, #tpu.memory_space<hbm>>
      tpu.wait_indirect_dma semaphore(%arg16 : memref<!tpu.dma_semaphore, #tpu.memory_space<semaphore_mem>>) src(%dma_wait3A_430 : memref<10240x64xf32, #tpu.memory_space<hbm>>) dst(%arg10 : memref<128x64xf32, #tpu.memory_space<vmem>>)
      %add3A_431 = arith.constant 0 : i32
      %add3A_432 = arith.addi %mul3A_422, %add3A_431 : i32
      %dma_start3A_433 = arith.constant 0 : i32
      %dma_start3A_434 = tpu.memref_slice %arg9[%add3A_432, %dma_start3A_433] : memref<80x128xi32, #tpu.memory_space<vmem>> -> memref<1x128xi32, #tpu.memory_space<vmem>>
      %dma_start3A_435 = tpu.memref_squeeze %dma_start3A_434 : memref<1x128xi32, #tpu.memory_space<vmem>> -> memref<128xi32, #tpu.memory_space<vmem>>
      %dma_start3A_436 = arith.constant 0 : i32
      %dma_start3A_437 = arith.constant 0 : i32
      %dma_start3A_438 = tpu.memref_slice %arg15[%dma_start3A_436, %dma_start3A_437] : memref<10240x64xf32, #tpu.memory_space<vmem_shared>> -> memref<10240x64xf32, #tpu.memory_space<vmem_shared>>
      tpu.enqueue_indirect_dma source(%arg10 : memref<128x64xf32, #tpu.memory_space<vmem>>) target(%dma_start3A_438 : memref<10240x64xf32, #tpu.memory_space<vmem_shared>>) offsets(%dma_start3A_435 : memref<128xi32, #tpu.memory_space<vmem>>) semaphore(%arg21 : memref<!tpu.dma_semaphore, #tpu.memory_space<semaphore_mem>>) {add = true}
      %add3A_439 = arith.constant 1 : i32
      %add3A_440 = arith.addi %mul3A_422, %add3A_439 : i32
      %dma_wait3A_441 = arith.constant 0 : i32
      %dma_wait3A_442 = tpu.memref_slice %arg8[%add3A_440, %dma_wait3A_441] : memref<80x128xi32, #tpu.memory_space<vmem>> -> memref<1x128xi32, #tpu.memory_space<vmem>>
      %dma_wait3A_443 = tpu.memref_squeeze %dma_wait3A_442 : memref<1x128xi32, #tpu.memory_space<vmem>> -> memref<128xi32, #tpu.memory_space<vmem>>
      %dma_wait3A_444 = arith.constant 0 : i32
      %dma_wait3A_445 = arith.constant 0 : i32
      %dma_wait3A_446 = tpu.memref_slice %arg2[%dma_wait3A_444, %dma_wait3A_445] : memref<10240x64xf32, #tpu.memory_space<hbm>> -> memref<10240x64xf32, #tpu.memory_space<hbm>>
      tpu.wait_indirect_dma semaphore(%arg17 : memref<!tpu.dma_semaphore, #tpu.memory_space<semaphore_mem>>) src(%dma_wait3A_446 : memref<10240x64xf32, #tpu.memory_space<hbm>>) dst(%arg11 : memref<128x64xf32, #tpu.memory_space<vmem>>)
      %add3A_447 = arith.constant 1 : i32
      %add3A_448 = arith.addi %mul3A_422, %add3A_447 : i32
      %dma_start3A_449 = arith.constant 0 : i32
      %dma_start3A_450 = tpu.memref_slice %arg9[%add3A_448, %dma_start3A_449] : memref<80x128xi32, #tpu.memory_space<vmem>> -> memref<1x128xi32, #tpu.memory_space<vmem>>
      %dma_start3A_451 = tpu.memref_squeeze %dma_start3A_450 : memref<1x128xi32, #tpu.memory_space<vmem>> -> memref<128xi32, #tpu.memory_space<vmem>>
      %dma_start3A_452 = arith.constant 0 : i32
      %dma_start3A_453 = arith.constant 0 : i32
      %dma_start3A_454 = tpu.memref_slice %arg15[%dma_start3A_452, %dma_start3A_453] : memref<10240x64xf32, #tpu.memory_space<vmem_shared>> -> memref<10240x64xf32, #tpu.memory_space<vmem_shared>>
      tpu.enqueue_indirect_dma source(%arg11 : memref<128x64xf32, #tpu.memory_space<vmem>>) target(%dma_start3A_454 : memref<10240x64xf32, #tpu.memory_space<vmem_shared>>) offsets(%dma_start3A_451 : memref<128xi32, #tpu.memory_space<vmem>>) semaphore(%arg22 : memref<!tpu.dma_semaphore, #tpu.memory_space<semaphore_mem>>) {add = true}
      %add3A_455 = arith.constant 2 : i32
      %add3A_456 = arith.addi %mul3A_422, %add3A_455 : i32
      %dma_wait3A_457 = arith.constant 0 : i32
      %dma_wait3A_458 = tpu.memref_slice %arg8[%add3A_456, %dma_wait3A_457] : memref<80x128xi32, #tpu.memory_space<vmem>> -> memref<1x128xi32, #tpu.memory_space<vmem>>
      %dma_wait3A_459 = tpu.memref_squeeze %dma_wait3A_458 : memref<1x128xi32, #tpu.memory_space<vmem>> -> memref<128xi32, #tpu.memory_space<vmem>>
      %dma_wait3A_460 = arith.constant 0 : i32
      %dma_wait3A_461 = arith.constant 0 : i32
      %dma_wait3A_462 = tpu.memref_slice %arg2[%dma_wait3A_460, %dma_wait3A_461] : memref<10240x64xf32, #tpu.memory_space<hbm>> -> memref<10240x64xf32, #tpu.memory_space<hbm>>
      tpu.wait_indirect_dma semaphore(%arg18 : memref<!tpu.dma_semaphore, #tpu.memory_space<semaphore_mem>>) src(%dma_wait3A_462 : memref<10240x64xf32, #tpu.memory_space<hbm>>) dst(%arg12 : memref<128x64xf32, #tpu.memory_space<vmem>>)
      %add3A_463 = arith.constant 2 : i32
      %add3A_464 = arith.addi %mul3A_422, %add3A_463 : i32
      %dma_start3A_465 = arith.constant 0 : i32
      %dma_start3A_466 = tpu.memref_slice %arg9[%add3A_464, %dma_start3A_465] : memref<80x128xi32, #tpu.memory_space<vmem>> -> memref<1x128xi32, #tpu.memory_space<vmem>>
      %dma_start3A_467 = tpu.memref_squeeze %dma_start3A_466 : memref<1x128xi32, #tpu.memory_space<vmem>> -> memref<128xi32, #tpu.memory_space<vmem>>
      %dma_start3A_468 = arith.constant 0 : i32
      %dma_start3A_469 = arith.constant 0 : i32
      %dma_start3A_470 = tpu.memref_slice %arg15[%dma_start3A_468, %dma_start3A_469] : memref<10240x64xf32, #tpu.memory_space<vmem_shared>> -> memref<10240x64xf32, #tpu.memory_space<vmem_shared>>
      tpu.enqueue_indirect_dma source(%arg12 : memref<128x64xf32, #tpu.memory_space<vmem>>) target(%dma_start3A_470 : memref<10240x64xf32, #tpu.memory_space<vmem_shared>>) offsets(%dma_start3A_467 : memref<128xi32, #tpu.memory_space<vmem>>) semaphore(%arg23 : memref<!tpu.dma_semaphore, #tpu.memory_space<semaphore_mem>>) {add = true}
      %add3A_471 = arith.constant 3 : i32
      %add3A_472 = arith.addi %mul3A_422, %add3A_471 : i32
      %dma_wait3A_473 = arith.constant 0 : i32
      %dma_wait3A_474 = tpu.memref_slice %arg8[%add3A_472, %dma_wait3A_473] : memref<80x128xi32, #tpu.memory_space<vmem>> -> memref<1x128xi32, #tpu.memory_space<vmem>>
      %dma_wait3A_475 = tpu.memref_squeeze %dma_wait3A_474 : memref<1x128xi32, #tpu.memory_space<vmem>> -> memref<128xi32, #tpu.memory_space<vmem>>
      %dma_wait3A_476 = arith.constant 0 : i32
      %dma_wait3A_477 = arith.constant 0 : i32
      %dma_wait3A_478 = tpu.memref_slice %arg2[%dma_wait3A_476, %dma_wait3A_477] : memref<10240x64xf32, #tpu.memory_space<hbm>> -> memref<10240x64xf32, #tpu.memory_space<hbm>>
      tpu.wait_indirect_dma semaphore(%arg19 : memref<!tpu.dma_semaphore, #tpu.memory_space<semaphore_mem>>) src(%dma_wait3A_478 : memref<10240x64xf32, #tpu.memory_space<hbm>>) dst(%arg13 : memref<128x64xf32, #tpu.memory_space<vmem>>)
      %add3A_479 = arith.constant 3 : i32
      %add3A_480 = arith.addi %mul3A_422, %add3A_479 : i32
      %dma_start3A_481 = arith.constant 0 : i32
      %dma_start3A_482 = tpu.memref_slice %arg9[%add3A_480, %dma_start3A_481] : memref<80x128xi32, #tpu.memory_space<vmem>> -> memref<1x128xi32, #tpu.memory_space<vmem>>
      %dma_start3A_483 = tpu.memref_squeeze %dma_start3A_482 : memref<1x128xi32, #tpu.memory_space<vmem>> -> memref<128xi32, #tpu.memory_space<vmem>>
      %dma_start3A_484 = arith.constant 0 : i32
      %dma_start3A_485 = arith.constant 0 : i32
      %dma_start3A_486 = tpu.memref_slice %arg15[%dma_start3A_484, %dma_start3A_485] : memref<10240x64xf32, #tpu.memory_space<vmem_shared>> -> memref<10240x64xf32, #tpu.memory_space<vmem_shared>>
      tpu.enqueue_indirect_dma source(%arg13 : memref<128x64xf32, #tpu.memory_space<vmem>>) target(%dma_start3A_486 : memref<10240x64xf32, #tpu.memory_space<vmem_shared>>) offsets(%dma_start3A_483 : memref<128xi32, #tpu.memory_space<vmem>>) semaphore(%arg24 : memref<!tpu.dma_semaphore, #tpu.memory_space<semaphore_mem>>) {add = true}
      %add3A_487 = arith.constant 4 : i32
      %add3A_488 = arith.addi %mul3A_422, %add3A_487 : i32
      %dma_wait3A_489 = arith.constant 0 : i32
      %dma_wait3A_490 = tpu.memref_slice %arg8[%add3A_488, %dma_wait3A_489] : memref<80x128xi32, #tpu.memory_space<vmem>> -> memref<1x128xi32, #tpu.memory_space<vmem>>
      %dma_wait3A_491 = tpu.memref_squeeze %dma_wait3A_490 : memref<1x128xi32, #tpu.memory_space<vmem>> -> memref<128xi32, #tpu.memory_space<vmem>>
      %dma_wait3A_492 = arith.constant 0 : i32
      %dma_wait3A_493 = arith.constant 0 : i32
      %dma_wait3A_494 = tpu.memref_slice %arg2[%dma_wait3A_492, %dma_wait3A_493] : memref<10240x64xf32, #tpu.memory_space<hbm>> -> memref<10240x64xf32, #tpu.memory_space<hbm>>
      tpu.wait_indirect_dma semaphore(%arg20 : memref<!tpu.dma_semaphore, #tpu.memory_space<semaphore_mem>>) src(%dma_wait3A_494 : memref<10240x64xf32, #tpu.memory_space<hbm>>) dst(%arg14 : memref<128x64xf32, #tpu.memory_space<vmem>>)
      %add3A_495 = arith.constant 4 : i32
      %add3A_496 = arith.addi %mul3A_422, %add3A_495 : i32
      %dma_start3A_497 = arith.constant 0 : i32
      %dma_start3A_498 = tpu.memref_slice %arg9[%add3A_496, %dma_start3A_497] : memref<80x128xi32, #tpu.memory_space<vmem>> -> memref<1x128xi32, #tpu.memory_space<vmem>>
      %dma_start3A_499 = tpu.memref_squeeze %dma_start3A_498 : memref<1x128xi32, #tpu.memory_space<vmem>> -> memref<128xi32, #tpu.memory_space<vmem>>
      %dma_start3A_500 = arith.constant 0 : i32
      %dma_start3A_501 = arith.constant 0 : i32
      %dma_start3A_502 = tpu.memref_slice %arg15[%dma_start3A_500, %dma_start3A_501] : memref<10240x64xf32, #tpu.memory_space<vmem_shared>> -> memref<10240x64xf32, #tpu.memory_space<vmem_shared>>
      tpu.enqueue_indirect_dma source(%arg14 : memref<128x64xf32, #tpu.memory_space<vmem>>) target(%dma_start3A_502 : memref<10240x64xf32, #tpu.memory_space<vmem_shared>>) offsets(%dma_start3A_499 : memref<128xi32, #tpu.memory_space<vmem>>) semaphore(%arg25 : memref<!tpu.dma_semaphore, #tpu.memory_space<semaphore_mem>>) {add = true}
      %add3A_503 = arith.constant 0 : i32
      %add3A_504 = arith.addi %mul3A_422, %add3A_503 : i32
      %dma_wait3A_505 = arith.constant 0 : i32
      %dma_wait3A_506 = tpu.memref_slice %arg9[%add3A_504, %dma_wait3A_505] : memref<80x128xi32, #tpu.memory_space<vmem>> -> memref<1x128xi32, #tpu.memory_space<vmem>>
      %dma_wait3A_507 = tpu.memref_squeeze %dma_wait3A_506 : memref<1x128xi32, #tpu.memory_space<vmem>> -> memref<128xi32, #tpu.memory_space<vmem>>
      %dma_wait3A_508 = arith.constant 0 : i32
      %dma_wait3A_509 = arith.constant 0 : i32
      %dma_wait3A_510 = tpu.memref_slice %arg15[%dma_wait3A_508, %dma_wait3A_509] : memref<10240x64xf32, #tpu.memory_space<vmem_shared>> -> memref<10240x64xf32, #tpu.memory_space<vmem_shared>>
      tpu.wait_indirect_dma semaphore(%arg21 : memref<!tpu.dma_semaphore, #tpu.memory_space<semaphore_mem>>) src(%arg10 : memref<128x64xf32, #tpu.memory_space<vmem>>) dst(%dma_wait3A_510 : memref<10240x64xf32, #tpu.memory_space<vmem_shared>>)
      %add3A_511 = arith.constant 5 : i32
      %add3A_512 = arith.addi %mul3A_422, %add3A_511 : i32
      %add3A_513 = arith.constant 0 : i32
      %add3A_514 = arith.addi %add3A_512, %add3A_513 : i32
      %dma_start3A_515 = arith.constant 0 : i32
      %dma_start3A_516 = tpu.memref_slice %arg8[%add3A_514, %dma_start3A_515] : memref<80x128xi32, #tpu.memory_space<vmem>> -> memref<1x128xi32, #tpu.memory_space<vmem>>
      %dma_start3A_517 = tpu.memref_squeeze %dma_start3A_516 : memref<1x128xi32, #tpu.memory_space<vmem>> -> memref<128xi32, #tpu.memory_space<vmem>>
      %dma_start3A_518 = arith.constant 0 : i32
      %dma_start3A_519 = arith.constant 0 : i32
      %dma_start3A_520 = tpu.memref_slice %arg2[%dma_start3A_518, %dma_start3A_519] : memref<10240x64xf32, #tpu.memory_space<hbm>> -> memref<10240x64xf32, #tpu.memory_space<hbm>>
      tpu.enqueue_indirect_dma source(%dma_start3A_520 : memref<10240x64xf32, #tpu.memory_space<hbm>>) target(%arg10 : memref<128x64xf32, #tpu.memory_space<vmem>>) offsets(%dma_start3A_517 : memref<128xi32, #tpu.memory_space<vmem>>) semaphore(%arg16 : memref<!tpu.dma_semaphore, #tpu.memory_space<semaphore_mem>>)
      %add3A_521 = arith.constant 1 : i32
      %add3A_522 = arith.addi %mul3A_422, %add3A_521 : i32
      %dma_wait3A_523 = arith.constant 0 : i32
      %dma_wait3A_524 = tpu.memref_slice %arg9[%add3A_522, %dma_wait3A_523] : memref<80x128xi32, #tpu.memory_space<vmem>> -> memref<1x128xi32, #tpu.memory_space<vmem>>
      %dma_wait3A_525 = tpu.memref_squeeze %dma_wait3A_524 : memref<1x128xi32, #tpu.memory_space<vmem>> -> memref<128xi32, #tpu.memory_space<vmem>>
      %dma_wait3A_526 = arith.constant 0 : i32
      %dma_wait3A_527 = arith.constant 0 : i32
      %dma_wait3A_528 = tpu.memref_slice %arg15[%dma_wait3A_526, %dma_wait3A_527] : memref<10240x64xf32, #tpu.memory_space<vmem_shared>> -> memref<10240x64xf32, #tpu.memory_space<vmem_shared>>
      tpu.wait_indirect_dma semaphore(%arg22 : memref<!tpu.dma_semaphore, #tpu.memory_space<semaphore_mem>>) src(%arg11 : memref<128x64xf32, #tpu.memory_space<vmem>>) dst(%dma_wait3A_528 : memref<10240x64xf32, #tpu.memory_space<vmem_shared>>)
      %add3A_529 = arith.constant 5 : i32
      %add3A_530 = arith.addi %mul3A_422, %add3A_529 : i32
      %add3A_531 = arith.constant 1 : i32
      %add3A_532 = arith.addi %add3A_530, %add3A_531 : i32
      %dma_start3A_533 = arith.constant 0 : i32
      %dma_start3A_534 = tpu.memref_slice %arg8[%add3A_532, %dma_start3A_533] : memref<80x128xi32, #tpu.memory_space<vmem>> -> memref<1x128xi32, #tpu.memory_space<vmem>>
      %dma_start3A_535 = tpu.memref_squeeze %dma_start3A_534 : memref<1x128xi32, #tpu.memory_space<vmem>> -> memref<128xi32, #tpu.memory_space<vmem>>
      %dma_start3A_536 = arith.constant 0 : i32
      %dma_start3A_537 = arith.constant 0 : i32
      %dma_start3A_538 = tpu.memref_slice %arg2[%dma_start3A_536, %dma_start3A_537] : memref<10240x64xf32, #tpu.memory_space<hbm>> -> memref<10240x64xf32, #tpu.memory_space<hbm>>
      tpu.enqueue_indirect_dma source(%dma_start3A_538 : memref<10240x64xf32, #tpu.memory_space<hbm>>) target(%arg11 : memref<128x64xf32, #tpu.memory_space<vmem>>) offsets(%dma_start3A_535 : memref<128xi32, #tpu.memory_space<vmem>>) semaphore(%arg17 : memref<!tpu.dma_semaphore, #tpu.memory_space<semaphore_mem>>)
      %add3A_539 = arith.constant 2 : i32
      %add3A_540 = arith.addi %mul3A_422, %add3A_539 : i32
      %dma_wait3A_541 = arith.constant 0 : i32
      %dma_wait3A_542 = tpu.memref_slice %arg9[%add3A_540, %dma_wait3A_541] : memref<80x128xi32, #tpu.memory_space<vmem>> -> memref<1x128xi32, #tpu.memory_space<vmem>>
      %dma_wait3A_543 = tpu.memref_squeeze %dma_wait3A_542 : memref<1x128xi32, #tpu.memory_space<vmem>> -> memref<128xi32, #tpu.memory_space<vmem>>
      %dma_wait3A_544 = arith.constant 0 : i32
      %dma_wait3A_545 = arith.constant 0 : i32
      %dma_wait3A_546 = tpu.memref_slice %arg15[%dma_wait3A_544, %dma_wait3A_545] : memref<10240x64xf32, #tpu.memory_space<vmem_shared>> -> memref<10240x64xf32, #tpu.memory_space<vmem_shared>>
      tpu.wait_indirect_dma semaphore(%arg23 : memref<!tpu.dma_semaphore, #tpu.memory_space<semaphore_mem>>) src(%arg12 : memref<128x64xf32, #tpu.memory_space<vmem>>) dst(%dma_wait3A_546 : memref<10240x64xf32, #tpu.memory_space<vmem_shared>>)
      %add3A_547 = arith.constant 5 : i32
      %add3A_548 = arith.addi %mul3A_422, %add3A_547 : i32
      %add3A_549 = arith.constant 2 : i32
      %add3A_550 = arith.addi %add3A_548, %add3A_549 : i32
      %dma_start3A_551 = arith.constant 0 : i32
      %dma_start3A_552 = tpu.memref_slice %arg8[%add3A_550, %dma_start3A_551] : memref<80x128xi32, #tpu.memory_space<vmem>> -> memref<1x128xi32, #tpu.memory_space<vmem>>
      %dma_start3A_553 = tpu.memref_squeeze %dma_start3A_552 : memref<1x128xi32, #tpu.memory_space<vmem>> -> memref<128xi32, #tpu.memory_space<vmem>>
      %dma_start3A_554 = arith.constant 0 : i32
      %dma_start3A_555 = arith.constant 0 : i32
      %dma_start3A_556 = tpu.memref_slice %arg2[%dma_start3A_554, %dma_start3A_555] : memref<10240x64xf32, #tpu.memory_space<hbm>> -> memref<10240x64xf32, #tpu.memory_space<hbm>>
      tpu.enqueue_indirect_dma source(%dma_start3A_556 : memref<10240x64xf32, #tpu.memory_space<hbm>>) target(%arg12 : memref<128x64xf32, #tpu.memory_space<vmem>>) offsets(%dma_start3A_553 : memref<128xi32, #tpu.memory_space<vmem>>) semaphore(%arg18 : memref<!tpu.dma_semaphore, #tpu.memory_space<semaphore_mem>>)
      %add3A_557 = arith.constant 3 : i32
      %add3A_558 = arith.addi %mul3A_422, %add3A_557 : i32
      %dma_wait3A_559 = arith.constant 0 : i32
      %dma_wait3A_560 = tpu.memref_slice %arg9[%add3A_558, %dma_wait3A_559] : memref<80x128xi32, #tpu.memory_space<vmem>> -> memref<1x128xi32, #tpu.memory_space<vmem>>
      %dma_wait3A_561 = tpu.memref_squeeze %dma_wait3A_560 : memref<1x128xi32, #tpu.memory_space<vmem>> -> memref<128xi32, #tpu.memory_space<vmem>>
      %dma_wait3A_562 = arith.constant 0 : i32
      %dma_wait3A_563 = arith.constant 0 : i32
      %dma_wait3A_564 = tpu.memref_slice %arg15[%dma_wait3A_562, %dma_wait3A_563] : memref<10240x64xf32, #tpu.memory_space<vmem_shared>> -> memref<10240x64xf32, #tpu.memory_space<vmem_shared>>
      tpu.wait_indirect_dma semaphore(%arg24 : memref<!tpu.dma_semaphore, #tpu.memory_space<semaphore_mem>>) src(%arg13 : memref<128x64xf32, #tpu.memory_space<vmem>>) dst(%dma_wait3A_564 : memref<10240x64xf32, #tpu.memory_space<vmem_shared>>)
      %add3A_565 = arith.constant 5 : i32
      %add3A_566 = arith.addi %mul3A_422, %add3A_565 : i32
      %add3A_567 = arith.constant 3 : i32
      %add3A_568 = arith.addi %add3A_566, %add3A_567 : i32
      %dma_start3A_569 = arith.constant 0 : i32
      %dma_start3A_570 = tpu.memref_slice %arg8[%add3A_568, %dma_start3A_569] : memref<80x128xi32, #tpu.memory_space<vmem>> -> memref<1x128xi32, #tpu.memory_space<vmem>>
      %dma_start3A_571 = tpu.memref_squeeze %dma_start3A_570 : memref<1x128xi32, #tpu.memory_space<vmem>> -> memref<128xi32, #tpu.memory_space<vmem>>
      %dma_start3A_572 = arith.constant 0 : i32
      %dma_start3A_573 = arith.constant 0 : i32
      %dma_start3A_574 = tpu.memref_slice %arg2[%dma_start3A_572, %dma_start3A_573] : memref<10240x64xf32, #tpu.memory_space<hbm>> -> memref<10240x64xf32, #tpu.memory_space<hbm>>
      tpu.enqueue_indirect_dma source(%dma_start3A_574 : memref<10240x64xf32, #tpu.memory_space<hbm>>) target(%arg13 : memref<128x64xf32, #tpu.memory_space<vmem>>) offsets(%dma_start3A_571 : memref<128xi32, #tpu.memory_space<vmem>>) semaphore(%arg19 : memref<!tpu.dma_semaphore, #tpu.memory_space<semaphore_mem>>)
      %add3A_575 = arith.constant 4 : i32
      %add3A_576 = arith.addi %mul3A_422, %add3A_575 : i32
      %dma_wait3A_577 = arith.constant 0 : i32
      %dma_wait3A_578 = tpu.memref_slice %arg9[%add3A_576, %dma_wait3A_577] : memref<80x128xi32, #tpu.memory_space<vmem>> -> memref<1x128xi32, #tpu.memory_space<vmem>>
      %dma_wait3A_579 = tpu.memref_squeeze %dma_wait3A_578 : memref<1x128xi32, #tpu.memory_space<vmem>> -> memref<128xi32, #tpu.memory_space<vmem>>
      %dma_wait3A_580 = arith.constant 0 : i32
      %dma_wait3A_581 = arith.constant 0 : i32
      %dma_wait3A_582 = tpu.memref_slice %arg15[%dma_wait3A_580, %dma_wait3A_581] : memref<10240x64xf32, #tpu.memory_space<vmem_shared>> -> memref<10240x64xf32, #tpu.memory_space<vmem_shared>>
      tpu.wait_indirect_dma semaphore(%arg25 : memref<!tpu.dma_semaphore, #tpu.memory_space<semaphore_mem>>) src(%arg14 : memref<128x64xf32, #tpu.memory_space<vmem>>) dst(%dma_wait3A_582 : memref<10240x64xf32, #tpu.memory_space<vmem_shared>>)
      %add3A_583 = arith.constant 5 : i32
      %add3A_584 = arith.addi %mul3A_422, %add3A_583 : i32
      %add3A_585 = arith.constant 4 : i32
      %add3A_586 = arith.addi %add3A_584, %add3A_585 : i32
      %dma_start3A_587 = arith.constant 0 : i32
      %dma_start3A_588 = tpu.memref_slice %arg8[%add3A_586, %dma_start3A_587] : memref<80x128xi32, #tpu.memory_space<vmem>> -> memref<1x128xi32, #tpu.memory_space<vmem>>
      %dma_start3A_589 = tpu.memref_squeeze %dma_start3A_588 : memref<1x128xi32, #tpu.memory_space<vmem>> -> memref<128xi32, #tpu.memory_space<vmem>>
      %dma_start3A_590 = arith.constant 0 : i32
      %dma_start3A_591 = arith.constant 0 : i32
      %dma_start3A_592 = tpu.memref_slice %arg2[%dma_start3A_590, %dma_start3A_591] : memref<10240x64xf32, #tpu.memory_space<hbm>> -> memref<10240x64xf32, #tpu.memory_space<hbm>>
      tpu.enqueue_indirect_dma source(%dma_start3A_592 : memref<10240x64xf32, #tpu.memory_space<hbm>>) target(%arg14 : memref<128x64xf32, #tpu.memory_space<vmem>>) offsets(%dma_start3A_589 : memref<128xi32, #tpu.memory_space<vmem>>) semaphore(%arg20 : memref<!tpu.dma_semaphore, #tpu.memory_space<semaphore_mem>>)
    }
    %while3A_90 = arith.constant 1 : i32
    scf.for %while3A_418 = %while3A_88 to %while3A_84 step %while3A_90  : i32 {
      %mul3A_419 = arith.muli %while3A_418, %while3A : i32
      %add3A_420 = arith.addi %while3A_81, %mul3A_419 : i32
      %mul3A_421 = arith.constant 5 : i32
      %mul3A_422 = arith.muli %mul3A_421, %add3A_420 : i32
      %add3A_423 = arith.constant 0 : i32
      %add3A_424 = arith.addi %mul3A_422, %add3A_423 : i32
      %dma_wait3A_425 = arith.constant 0 : i32
      %dma_wait3A_426 = tpu.memref_slice %arg8[%add3A_424, %dma_wait3A_425] : memref<80x128xi32, #tpu.memory_space<vmem>> -> memref<1x128xi32, #tpu.memory_space<vmem>>
      %dma_wait3A_427 = tpu.memref_squeeze %dma_wait3A_426 : memref<1x128xi32, #tpu.memory_space<vmem>> -> memref<128xi32, #tpu.memory_space<vmem>>
      %dma_wait3A_428 = arith.constant 0 : i32
      %dma_wait3A_429 = arith.constant 0 : i32
      %dma_wait3A_430 = tpu.memref_slice %arg2[%dma_wait3A_428, %dma_wait3A_429] : memref<10240x64xf32, #tpu.memory_space<hbm>> -> memref<10240x64xf32, #tpu.memory_space<hbm>>
      tpu.wait_indirect_dma semaphore(%arg16 : memref<!tpu.dma_semaphore, #tpu.memory_space<semaphore_mem>>) src(%dma_wait3A_430 : memref<10240x64xf32, #tpu.memory_space<hbm>>) dst(%arg10 : memref<128x64xf32, #tpu.memory_space<vmem>>)
      %add3A_431 = arith.constant 0 : i32
      %add3A_432 = arith.addi %mul3A_422, %add3A_431 : i32
      %dma_start3A_433 = arith.constant 0 : i32
      %dma_start3A_434 = tpu.memref_slice %arg9[%add3A_432, %dma_start3A_433] : memref<80x128xi32, #tpu.memory_space<vmem>> -> memref<1x128xi32, #tpu.memory_space<vmem>>
      %dma_start3A_435 = tpu.memref_squeeze %dma_start3A_434 : memref<1x128xi32, #tpu.memory_space<vmem>> -> memref<128xi32, #tpu.memory_space<vmem>>
      %dma_start3A_436 = arith.constant 0 : i32
      %dma_start3A_437 = arith.constant 0 : i32
      %dma_start3A_438 = tpu.memref_slice %arg15[%dma_start3A_436, %dma_start3A_437] : memref<10240x64xf32, #tpu.memory_space<vmem_shared>> -> memref<10240x64xf32, #tpu.memory_space<vmem_shared>>
      tpu.enqueue_indirect_dma source(%arg10 : memref<128x64xf32, #tpu.memory_space<vmem>>) target(%dma_start3A_438 : memref<10240x64xf32, #tpu.memory_space<vmem_shared>>) offsets(%dma_start3A_435 : memref<128xi32, #tpu.memory_space<vmem>>) semaphore(%arg21 : memref<!tpu.dma_semaphore, #tpu.memory_space<semaphore_mem>>) {add = true}
      %add3A_439 = arith.constant 1 : i32
      %add3A_440 = arith.addi %mul3A_422, %add3A_439 : i32
      %dma_wait3A_441 = arith.constant 0 : i32
      %dma_wait3A_442 = tpu.memref_slice %arg8[%add3A_440, %dma_wait3A_441] : memref<80x128xi32, #tpu.memory_space<vmem>> -> memref<1x128xi32, #tpu.memory_space<vmem>>
      %dma_wait3A_443 = tpu.memref_squeeze %dma_wait3A_442 : memref<1x128xi32, #tpu.memory_space<vmem>> -> memref<128xi32, #tpu.memory_space<vmem>>
      %dma_wait3A_444 = arith.constant 0 : i32
      %dma_wait3A_445 = arith.constant 0 : i32
      %dma_wait3A_446 = tpu.memref_slice %arg2[%dma_wait3A_444, %dma_wait3A_445] : memref<10240x64xf32, #tpu.memory_space<hbm>> -> memref<10240x64xf32, #tpu.memory_space<hbm>>
      tpu.wait_indirect_dma semaphore(%arg17 : memref<!tpu.dma_semaphore, #tpu.memory_space<semaphore_mem>>) src(%dma_wait3A_446 : memref<10240x64xf32, #tpu.memory_space<hbm>>) dst(%arg11 : memref<128x64xf32, #tpu.memory_space<vmem>>)
      %add3A_447 = arith.constant 1 : i32
      %add3A_448 = arith.addi %mul3A_422, %add3A_447 : i32
      %dma_start3A_449 = arith.constant 0 : i32
      %dma_start3A_450 = tpu.memref_slice %arg9[%add3A_448, %dma_start3A_449] : memref<80x128xi32, #tpu.memory_space<vmem>> -> memref<1x128xi32, #tpu.memory_space<vmem>>
      %dma_start3A_451 = tpu.memref_squeeze %dma_start3A_450 : memref<1x128xi32, #tpu.memory_space<vmem>> -> memref<128xi32, #tpu.memory_space<vmem>>
      %dma_start3A_452 = arith.constant 0 : i32
      %dma_start3A_453 = arith.constant 0 : i32
      %dma_start3A_454 = tpu.memref_slice %arg15[%dma_start3A_452, %dma_start3A_453] : memref<10240x64xf32, #tpu.memory_space<vmem_shared>> -> memref<10240x64xf32, #tpu.memory_space<vmem_shared>>
      tpu.enqueue_indirect_dma source(%arg11 : memref<128x64xf32, #tpu.memory_space<vmem>>) target(%dma_start3A_454 : memref<10240x64xf32, #tpu.memory_space<vmem_shared>>) offsets(%dma_start3A_451 : memref<128xi32, #tpu.memory_space<vmem>>) semaphore(%arg22 : memref<!tpu.dma_semaphore, #tpu.memory_space<semaphore_mem>>) {add = true}
      %add3A_455 = arith.constant 2 : i32
      %add3A_456 = arith.addi %mul3A_422, %add3A_455 : i32
      %dma_wait3A_457 = arith.constant 0 : i32
      %dma_wait3A_458 = tpu.memref_slice %arg8[%add3A_456, %dma_wait3A_457] : memref<80x128xi32, #tpu.memory_space<vmem>> -> memref<1x128xi32, #tpu.memory_space<vmem>>
      %dma_wait3A_459 = tpu.memref_squeeze %dma_wait3A_458 : memref<1x128xi32, #tpu.memory_space<vmem>> -> memref<128xi32, #tpu.memory_space<vmem>>
      %dma_wait3A_460 = arith.constant 0 : i32
      %dma_wait3A_461 = arith.constant 0 : i32
      %dma_wait3A_462 = tpu.memref_slice %arg2[%dma_wait3A_460, %dma_wait3A_461] : memref<10240x64xf32, #tpu.memory_space<hbm>> -> memref<10240x64xf32, #tpu.memory_space<hbm>>
      tpu.wait_indirect_dma semaphore(%arg18 : memref<!tpu.dma_semaphore, #tpu.memory_space<semaphore_mem>>) src(%dma_wait3A_462 : memref<10240x64xf32, #tpu.memory_space<hbm>>) dst(%arg12 : memref<128x64xf32, #tpu.memory_space<vmem>>)
      %add3A_463 = arith.constant 2 : i32
      %add3A_464 = arith.addi %mul3A_422, %add3A_463 : i32
      %dma_start3A_465 = arith.constant 0 : i32
      %dma_start3A_466 = tpu.memref_slice %arg9[%add3A_464, %dma_start3A_465] : memref<80x128xi32, #tpu.memory_space<vmem>> -> memref<1x128xi32, #tpu.memory_space<vmem>>
      %dma_start3A_467 = tpu.memref_squeeze %dma_start3A_466 : memref<1x128xi32, #tpu.memory_space<vmem>> -> memref<128xi32, #tpu.memory_space<vmem>>
      %dma_start3A_468 = arith.constant 0 : i32
      %dma_start3A_469 = arith.constant 0 : i32
      %dma_start3A_470 = tpu.memref_slice %arg15[%dma_start3A_468, %dma_start3A_469] : memref<10240x64xf32, #tpu.memory_space<vmem_shared>> -> memref<10240x64xf32, #tpu.memory_space<vmem_shared>>
      tpu.enqueue_indirect_dma source(%arg12 : memref<128x64xf32, #tpu.memory_space<vmem>>) target(%dma_start3A_470 : memref<10240x64xf32, #tpu.memory_space<vmem_shared>>) offsets(%dma_start3A_467 : memref<128xi32, #tpu.memory_space<vmem>>) semaphore(%arg23 : memref<!tpu.dma_semaphore, #tpu.memory_space<semaphore_mem>>) {add = true}
      %add3A_471 = arith.constant 3 : i32
      %add3A_472 = arith.addi %mul3A_422, %add3A_471 : i32
      %dma_wait3A_473 = arith.constant 0 : i32
      %dma_wait3A_474 = tpu.memref_slice %arg8[%add3A_472, %dma_wait3A_473] : memref<80x128xi32, #tpu.memory_space<vmem>> -> memref<1x128xi32, #tpu.memory_space<vmem>>
      %dma_wait3A_475 = tpu.memref_squeeze %dma_wait3A_474 : memref<1x128xi32, #tpu.memory_space<vmem>> -> memref<128xi32, #tpu.memory_space<vmem>>
      %dma_wait3A_476 = arith.constant 0 : i32
      %dma_wait3A_477 = arith.constant 0 : i32
      %dma_wait3A_478 = tpu.memref_slice %arg2[%dma_wait3A_476, %dma_wait3A_477] : memref<10240x64xf32, #tpu.memory_space<hbm>> -> memref<10240x64xf32, #tpu.memory_space<hbm>>
      tpu.wait_indirect_dma semaphore(%arg19 : memref<!tpu.dma_semaphore, #tpu.memory_space<semaphore_mem>>) src(%dma_wait3A_478 : memref<10240x64xf32, #tpu.memory_space<hbm>>) dst(%arg13 : memref<128x64xf32, #tpu.memory_space<vmem>>)
      %add3A_479 = arith.constant 3 : i32
      %add3A_480 = arith.addi %mul3A_422, %add3A_479 : i32
      %dma_start3A_481 = arith.constant 0 : i32
      %dma_start3A_482 = tpu.memref_slice %arg9[%add3A_480, %dma_start3A_481] : memref<80x128xi32, #tpu.memory_space<vmem>> -> memref<1x128xi32, #tpu.memory_space<vmem>>
      %dma_start3A_483 = tpu.memref_squeeze %dma_start3A_482 : memref<1x128xi32, #tpu.memory_space<vmem>> -> memref<128xi32, #tpu.memory_space<vmem>>
      %dma_start3A_484 = arith.constant 0 : i32
      %dma_start3A_485 = arith.constant 0 : i32
      %dma_start3A_486 = tpu.memref_slice %arg15[%dma_start3A_484, %dma_start3A_485] : memref<10240x64xf32, #tpu.memory_space<vmem_shared>> -> memref<10240x64xf32, #tpu.memory_space<vmem_shared>>
      tpu.enqueue_indirect_dma source(%arg13 : memref<128x64xf32, #tpu.memory_space<vmem>>) target(%dma_start3A_486 : memref<10240x64xf32, #tpu.memory_space<vmem_shared>>) offsets(%dma_start3A_483 : memref<128xi32, #tpu.memory_space<vmem>>) semaphore(%arg24 : memref<!tpu.dma_semaphore, #tpu.memory_space<semaphore_mem>>) {add = true}
      %add3A_487 = arith.constant 4 : i32
      %add3A_488 = arith.addi %mul3A_422, %add3A_487 : i32
      %dma_wait3A_489 = arith.constant 0 : i32
      %dma_wait3A_490 = tpu.memref_slice %arg8[%add3A_488, %dma_wait3A_489] : memref<80x128xi32, #tpu.memory_space<vmem>> -> memref<1x128xi32, #tpu.memory_space<vmem>>
      %dma_wait3A_491 = tpu.memref_squeeze %dma_wait3A_490 : memref<1x128xi32, #tpu.memory_space<vmem>> -> memref<128xi32, #tpu.memory_space<vmem>>
      %dma_wait3A_492 = arith.constant 0 : i32
      %dma_wait3A_493 = arith.constant 0 : i32
      %dma_wait3A_494 = tpu.memref_slice %arg2[%dma_wait3A_492, %dma_wait3A_493] : memref<10240x64xf32, #tpu.memory_space<hbm>> -> memref<10240x64xf32, #tpu.memory_space<hbm>>
      tpu.wait_indirect_dma semaphore(%arg20 : memref<!tpu.dma_semaphore, #tpu.memory_space<semaphore_mem>>) src(%dma_wait3A_494 : memref<10240x64xf32, #tpu.memory_space<hbm>>) dst(%arg14 : memref<128x64xf32, #tpu.memory_space<vmem>>)
      %add3A_495 = arith.constant 4 : i32
      %add3A_496 = arith.addi %mul3A_422, %add3A_495 : i32
      %dma_start3A_497 = arith.constant 0 : i32
      %dma_start3A_498 = tpu.memref_slice %arg9[%add3A_496, %dma_start3A_497] : memref<80x128xi32, #tpu.memory_space<vmem>> -> memref<1x128xi32, #tpu.memory_space<vmem>>
      %dma_start3A_499 = tpu.memref_squeeze %dma_start3A_498 : memref<1x128xi32, #tpu.memory_space<vmem>> -> memref<128xi32, #tpu.memory_space<vmem>>
      %dma_start3A_500 = arith.constant 0 : i32
      %dma_start3A_501 = arith.constant 0 : i32
      %dma_start3A_502 = tpu.memref_slice %arg15[%dma_start3A_500, %dma_start3A_501] : memref<10240x64xf32, #tpu.memory_space<vmem_shared>> -> memref<10240x64xf32, #tpu.memory_space<vmem_shared>>
      tpu.enqueue_indirect_dma source(%arg14 : memref<128x64xf32, #tpu.memory_space<vmem>>) target(%dma_start3A_502 : memref<10240x64xf32, #tpu.memory_space<vmem_shared>>) offsets(%dma_start3A_499 : memref<128xi32, #tpu.memory_space<vmem>>) semaphore(%arg25 : memref<!tpu.dma_semaphore, #tpu.memory_space<semaphore_mem>>) {add = true}
      %add3A_503 = arith.constant 0 : i32
      %add3A_504 = arith.addi %mul3A_422, %add3A_503 : i32
      %dma_wait3A_505 = arith.constant 0 : i32
      %dma_wait3A_506 = tpu.memref_slice %arg9[%add3A_504, %dma_wait3A_505] : memref<80x128xi32, #tpu.memory_space<vmem>> -> memref<1x128xi32, #tpu.memory_space<vmem>>
      %dma_wait3A_507 = tpu.memref_squeeze %dma_wait3A_506 : memref<1x128xi32, #tpu.memory_space<vmem>> -> memref<128xi32, #tpu.memory_space<vmem>>
      %dma_wait3A_508 = arith.constant 0 : i32
      %dma_wait3A_509 = arith.constant 0 : i32
      %dma_wait3A_510 = tpu.memref_slice %arg15[%dma_wait3A_508, %dma_wait3A_509] : memref<10240x64xf32, #tpu.memory_space<vmem_shared>> -> memref<10240x64xf32, #tpu.memory_space<vmem_shared>>
      tpu.wait_indirect_dma semaphore(%arg21 : memref<!tpu.dma_semaphore, #tpu.memory_space<semaphore_mem>>) src(%arg10 : memref<128x64xf32, #tpu.memory_space<vmem>>) dst(%dma_wait3A_510 : memref<10240x64xf32, #tpu.memory_space<vmem_shared>>)
      %add3A_511 = arith.constant 5 : i32
      %add3A_512 = arith.addi %mul3A_422, %add3A_511 : i32
      %add3A_513 = arith.constant 0 : i32
      %add3A_514 = arith.addi %add3A_512, %add3A_513 : i32
      %dma_start3A_515 = arith.constant 0 : i32
      %dma_start3A_516 = tpu.memref_slice %arg8[%add3A_514, %dma_start3A_515] : memref<80x128xi32, #tpu.memory_space<vmem>> -> memref<1x128xi32, #tpu.memory_space<vmem>>
      %dma_start3A_517 = tpu.memref_squeeze %dma_start3A_516 : memref<1x128xi32, #tpu.memory_space<vmem>> -> memref<128xi32, #tpu.memory_space<vmem>>
      %dma_start3A_518 = arith.constant 0 : i32
      %dma_start3A_519 = arith.constant 0 : i32
      %dma_start3A_520 = tpu.memref_slice %arg2[%dma_start3A_518, %dma_start3A_519] : memref<10240x64xf32, #tpu.memory_space<hbm>> -> memref<10240x64xf32, #tpu.memory_space<hbm>>
      tpu.enqueue_indirect_dma source(%dma_start3A_520 : memref<10240x64xf32, #tpu.memory_space<hbm>>) target(%arg10 : memref<128x64xf32, #tpu.memory_space<vmem>>) offsets(%dma_start3A_517 : memref<128xi32, #tpu.memory_space<vmem>>) semaphore(%arg16 : memref<!tpu.dma_semaphore, #tpu.memory_space<semaphore_mem>>)
      %add3A_521 = arith.constant 1 : i32
      %add3A_522 = arith.addi %mul3A_422, %add3A_521 : i32
      %dma_wait3A_523 = arith.constant 0 : i32
      %dma_wait3A_524 = tpu.memref_slice %arg9[%add3A_522, %dma_wait3A_523] : memref<80x128xi32, #tpu.memory_space<vmem>> -> memref<1x128xi32, #tpu.memory_space<vmem>>
      %dma_wait3A_525 = tpu.memref_squeeze %dma_wait3A_524 : memref<1x128xi32, #tpu.memory_space<vmem>> -> memref<128xi32, #tpu.memory_space<vmem>>
      %dma_wait3A_526 = arith.constant 0 : i32
      %dma_wait3A_527 = arith.constant 0 : i32
      %dma_wait3A_528 = tpu.memref_slice %arg15[%dma_wait3A_526, %dma_wait3A_527] : memref<10240x64xf32, #tpu.memory_space<vmem_shared>> -> memref<10240x64xf32, #tpu.memory_space<vmem_shared>>
      tpu.wait_indirect_dma semaphore(%arg22 : memref<!tpu.dma_semaphore, #tpu.memory_space<semaphore_mem>>) src(%arg11 : memref<128x64xf32, #tpu.memory_space<vmem>>) dst(%dma_wait3A_528 : memref<10240x64xf32, #tpu.memory_space<vmem_shared>>)
      %add3A_529 = arith.constant 5 : i32
      %add3A_530 = arith.addi %mul3A_422, %add3A_529 : i32
      %add3A_531 = arith.constant 1 : i32
      %add3A_532 = arith.addi %add3A_530, %add3A_531 : i32
      %dma_start3A_533 = arith.constant 0 : i32
      %dma_start3A_534 = tpu.memref_slice %arg8[%add3A_532, %dma_start3A_533] : memref<80x128xi32, #tpu.memory_space<vmem>> -> memref<1x128xi32, #tpu.memory_space<vmem>>
      %dma_start3A_535 = tpu.memref_squeeze %dma_start3A_534 : memref<1x128xi32, #tpu.memory_space<vmem>> -> memref<128xi32, #tpu.memory_space<vmem>>
      %dma_start3A_536 = arith.constant 0 : i32
      %dma_start3A_537 = arith.constant 0 : i32
      %dma_start3A_538 = tpu.memref_slice %arg2[%dma_start3A_536, %dma_start3A_537] : memref<10240x64xf32, #tpu.memory_space<hbm>> -> memref<10240x64xf32, #tpu.memory_space<hbm>>
      tpu.enqueue_indirect_dma source(%dma_start3A_538 : memref<10240x64xf32, #tpu.memory_space<hbm>>) target(%arg11 : memref<128x64xf32, #tpu.memory_space<vmem>>) offsets(%dma_start3A_535 : memref<128xi32, #tpu.memory_space<vmem>>) semaphore(%arg17 : memref<!tpu.dma_semaphore, #tpu.memory_space<semaphore_mem>>)
      %add3A_539 = arith.constant 2 : i32
      %add3A_540 = arith.addi %mul3A_422, %add3A_539 : i32
      %dma_wait3A_541 = arith.constant 0 : i32
      %dma_wait3A_542 = tpu.memref_slice %arg9[%add3A_540, %dma_wait3A_541] : memref<80x128xi32, #tpu.memory_space<vmem>> -> memref<1x128xi32, #tpu.memory_space<vmem>>
      %dma_wait3A_543 = tpu.memref_squeeze %dma_wait3A_542 : memref<1x128xi32, #tpu.memory_space<vmem>> -> memref<128xi32, #tpu.memory_space<vmem>>
      %dma_wait3A_544 = arith.constant 0 : i32
      %dma_wait3A_545 = arith.constant 0 : i32
      %dma_wait3A_546 = tpu.memref_slice %arg15[%dma_wait3A_544, %dma_wait3A_545] : memref<10240x64xf32, #tpu.memory_space<vmem_shared>> -> memref<10240x64xf32, #tpu.memory_space<vmem_shared>>
      tpu.wait_indirect_dma semaphore(%arg23 : memref<!tpu.dma_semaphore, #tpu.memory_space<semaphore_mem>>) src(%arg12 : memref<128x64xf32, #tpu.memory_space<vmem>>) dst(%dma_wait3A_546 : memref<10240x64xf32, #tpu.memory_space<vmem_shared>>)
      %add3A_547 = arith.constant 5 : i32
      %add3A_548 = arith.addi %mul3A_422, %add3A_547 : i32
      %add3A_549 = arith.constant 2 : i32
      %add3A_550 = arith.addi %add3A_548, %add3A_549 : i32
      %dma_start3A_551 = arith.constant 0 : i32
      %dma_start3A_552 = tpu.memref_slice %arg8[%add3A_550, %dma_start3A_551] : memref<80x128xi32, #tpu.memory_space<vmem>> -> memref<1x128xi32, #tpu.memory_space<vmem>>
      %dma_start3A_553 = tpu.memref_squeeze %dma_start3A_552 : memref<1x128xi32, #tpu.memory_space<vmem>> -> memref<128xi32, #tpu.memory_space<vmem>>
      %dma_start3A_554 = arith.constant 0 : i32
      %dma_start3A_555 = arith.constant 0 : i32
      %dma_start3A_556 = tpu.memref_slice %arg2[%dma_start3A_554, %dma_start3A_555] : memref<10240x64xf32, #tpu.memory_space<hbm>> -> memref<10240x64xf32, #tpu.memory_space<hbm>>
      tpu.enqueue_indirect_dma source(%dma_start3A_556 : memref<10240x64xf32, #tpu.memory_space<hbm>>) target(%arg12 : memref<128x64xf32, #tpu.memory_space<vmem>>) offsets(%dma_start3A_553 : memref<128xi32, #tpu.memory_space<vmem>>) semaphore(%arg18 : memref<!tpu.dma_semaphore, #tpu.memory_space<semaphore_mem>>)
      %add3A_557 = arith.constant 3 : i32
      %add3A_558 = arith.addi %mul3A_422, %add3A_557 : i32
      %dma_wait3A_559 = arith.constant 0 : i32
      %dma_wait3A_560 = tpu.memref_slice %arg9[%add3A_558, %dma_wait3A_559] : memref<80x128xi32, #tpu.memory_space<vmem>> -> memref<1x128xi32, #tpu.memory_space<vmem>>
      %dma_wait3A_561 = tpu.memref_squeeze %dma_wait3A_560 : memref<1x128xi32, #tpu.memory_space<vmem>> -> memref<128xi32, #tpu.memory_space<vmem>>
      %dma_wait3A_562 = arith.constant 0 : i32
      %dma_wait3A_563 = arith.constant 0 : i32
      %dma_wait3A_564 = tpu.memref_slice %arg15[%dma_wait3A_562, %dma_wait3A_563] : memref<10240x64xf32, #tpu.memory_space<vmem_shared>> -> memref<10240x64xf32, #tpu.memory_space<vmem_shared>>
      tpu.wait_indirect_dma semaphore(%arg24 : memref<!tpu.dma_semaphore, #tpu.memory_space<semaphore_mem>>) src(%arg13 : memref<128x64xf32, #tpu.memory_space<vmem>>) dst(%dma_wait3A_564 : memref<10240x64xf32, #tpu.memory_space<vmem_shared>>)
      %add3A_565 = arith.constant 5 : i32
      %add3A_566 = arith.addi %mul3A_422, %add3A_565 : i32
      %add3A_567 = arith.constant 3 : i32
      %add3A_568 = arith.addi %add3A_566, %add3A_567 : i32
      %dma_start3A_569 = arith.constant 0 : i32
      %dma_start3A_570 = tpu.memref_slice %arg8[%add3A_568, %dma_start3A_569] : memref<80x128xi32, #tpu.memory_space<vmem>> -> memref<1x128xi32, #tpu.memory_space<vmem>>
      %dma_start3A_571 = tpu.memref_squeeze %dma_start3A_570 : memref<1x128xi32, #tpu.memory_space<vmem>> -> memref<128xi32, #tpu.memory_space<vmem>>
      %dma_start3A_572 = arith.constant 0 : i32
      %dma_start3A_573 = arith.constant 0 : i32
      %dma_start3A_574 = tpu.memref_slice %arg2[%dma_start3A_572, %dma_start3A_573] : memref<10240x64xf32, #tpu.memory_space<hbm>> -> memref<10240x64xf32, #tpu.memory_space<hbm>>
      tpu.enqueue_indirect_dma source(%dma_start3A_574 : memref<10240x64xf32, #tpu.memory_space<hbm>>) target(%arg13 : memref<128x64xf32, #tpu.memory_space<vmem>>) offsets(%dma_start3A_571 : memref<128xi32, #tpu.memory_space<vmem>>) semaphore(%arg19 : memref<!tpu.dma_semaphore, #tpu.memory_space<semaphore_mem>>)
      %add3A_575 = arith.constant 4 : i32
      %add3A_576 = arith.addi %mul3A_422, %add3A_575 : i32
      %dma_wait3A_577 = arith.constant 0 : i32
      %dma_wait3A_578 = tpu.memref_slice %arg9[%add3A_576, %dma_wait3A_577] : memref<80x128xi32, #tpu.memory_space<vmem>> -> memref<1x128xi32, #tpu.memory_space<vmem>>
      %dma_wait3A_579 = tpu.memref_squeeze %dma_wait3A_578 : memref<1x128xi32, #tpu.memory_space<vmem>> -> memref<128xi32, #tpu.memory_space<vmem>>
      %dma_wait3A_580 = arith.constant 0 : i32
      %dma_wait3A_581 = arith.constant 0 : i32
      %dma_wait3A_582 = tpu.memref_slice %arg15[%dma_wait3A_580, %dma_wait3A_581] : memref<10240x64xf32, #tpu.memory_space<vmem_shared>> -> memref<10240x64xf32, #tpu.memory_space<vmem_shared>>
      tpu.wait_indirect_dma semaphore(%arg25 : memref<!tpu.dma_semaphore, #tpu.memory_space<semaphore_mem>>) src(%arg14 : memref<128x64xf32, #tpu.memory_space<vmem>>) dst(%dma_wait3A_582 : memref<10240x64xf32, #tpu.memory_space<vmem_shared>>)
      %add3A_583 = arith.constant 5 : i32
      %add3A_584 = arith.addi %mul3A_422, %add3A_583 : i32
      %add3A_585 = arith.constant 4 : i32
      %add3A_586 = arith.addi %add3A_584, %add3A_585 : i32
      %dma_start3A_587 = arith.constant 0 : i32
      %dma_start3A_588 = tpu.memref_slice %arg8[%add3A_586, %dma_start3A_587] : memref<80x128xi32, #tpu.memory_space<vmem>> -> memref<1x128xi32, #tpu.memory_space<vmem>>
      %dma_start3A_589 = tpu.memref_squeeze %dma_start3A_588 : memref<1x128xi32, #tpu.memory_space<vmem>> -> memref<128xi32, #tpu.memory_space<vmem>>
      %dma_start3A_590 = arith.constant 0 : i32
      %dma_start3A_591 = arith.constant 0 : i32
      %dma_start3A_592 = tpu.memref_slice %arg2[%dma_start3A_590, %dma_start3A_591] : memref<10240x64xf32, #tpu.memory_space<hbm>> -> memref<10240x64xf32, #tpu.memory_space<hbm>>
      tpu.enqueue_indirect_dma source(%dma_start3A_592 : memref<10240x64xf32, #tpu.memory_space<hbm>>) target(%arg14 : memref<128x64xf32, #tpu.memory_space<vmem>>) offsets(%dma_start3A_589 : memref<128xi32, #tpu.memory_space<vmem>>) semaphore(%arg20 : memref<!tpu.dma_semaphore, #tpu.memory_space<semaphore_mem>>)
    }
    %sub3A_91 = arith.constant 5 : i32
    %sub3A_92 = arith.subi %select_n3A_18, %sub3A_91 : i32
    %add3A_93 = arith.constant 0 : i32
    %add3A_94 = arith.addi %sub3A_92, %add3A_93 : i32
    %dma_wait3A = arith.constant 0 : i32
    %dma_wait3A_95 = tpu.memref_slice %arg8[%add3A_94, %dma_wait3A] : memref<80x128xi32, #tpu.memory_space<vmem>> -> memref<1x128xi32, #tpu.memory_space<vmem>>
    %dma_wait3A_96 = tpu.memref_squeeze %dma_wait3A_95 : memref<1x128xi32, #tpu.memory_space<vmem>> -> memref<128xi32, #tpu.memory_space<vmem>>
    %dma_wait3A_97 = arith.constant 0 : i32
    %dma_wait3A_98 = arith.constant 0 : i32
    %dma_wait3A_99 = tpu.memref_slice %arg2[%dma_wait3A_97, %dma_wait3A_98] : memref<10240x64xf32, #tpu.memory_space<hbm>> -> memref<10240x64xf32, #tpu.memory_space<hbm>>
    tpu.wait_indirect_dma semaphore(%arg16 : memref<!tpu.dma_semaphore, #tpu.memory_space<semaphore_mem>>) src(%dma_wait3A_99 : memref<10240x64xf32, #tpu.memory_space<hbm>>) dst(%arg10 : memref<128x64xf32, #tpu.memory_space<vmem>>)
    %add3A_100 = arith.constant 0 : i32
    %add3A_101 = arith.addi %sub3A_92, %add3A_100 : i32
    %dma_start3A_102 = arith.constant 0 : i32
    %dma_start3A_103 = tpu.memref_slice %arg9[%add3A_101, %dma_start3A_102] : memref<80x128xi32, #tpu.memory_space<vmem>> -> memref<1x128xi32, #tpu.memory_space<vmem>>
    %dma_start3A_104 = tpu.memref_squeeze %dma_start3A_103 : memref<1x128xi32, #tpu.memory_space<vmem>> -> memref<128xi32, #tpu.memory_space<vmem>>
    %dma_start3A_105 = arith.constant 0 : i32
    %dma_start3A_106 = arith.constant 0 : i32
    %dma_start3A_107 = tpu.memref_slice %arg15[%dma_start3A_105, %dma_start3A_106] : memref<10240x64xf32, #tpu.memory_space<vmem_shared>> -> memref<10240x64xf32, #tpu.memory_space<vmem_shared>>
    tpu.enqueue_indirect_dma source(%arg10 : memref<128x64xf32, #tpu.memory_space<vmem>>) target(%dma_start3A_107 : memref<10240x64xf32, #tpu.memory_space<vmem_shared>>) offsets(%dma_start3A_104 : memref<128xi32, #tpu.memory_space<vmem>>) semaphore(%arg21 : memref<!tpu.dma_semaphore, #tpu.memory_space<semaphore_mem>>) {add = true}
    %add3A_108 = arith.constant 1 : i32
    %add3A_109 = arith.addi %sub3A_92, %add3A_108 : i32
    %dma_wait3A_110 = arith.constant 0 : i32
    %dma_wait3A_111 = tpu.memref_slice %arg8[%add3A_109, %dma_wait3A_110] : memref<80x128xi32, #tpu.memory_space<vmem>> -> memref<1x128xi32, #tpu.memory_space<vmem>>
    %dma_wait3A_112 = tpu.memref_squeeze %dma_wait3A_111 : memref<1x128xi32, #tpu.memory_space<vmem>> -> memref<128xi32, #tpu.memory_space<vmem>>
    %dma_wait3A_113 = arith.constant 0 : i32
    %dma_wait3A_114 = arith.constant 0 : i32
    %dma_wait3A_115 = tpu.memref_slice %arg2[%dma_wait3A_113, %dma_wait3A_114] : memref<10240x64xf32, #tpu.memory_space<hbm>> -> memref<10240x64xf32, #tpu.memory_space<hbm>>
    tpu.wait_indirect_dma semaphore(%arg17 : memref<!tpu.dma_semaphore, #tpu.memory_space<semaphore_mem>>) src(%dma_wait3A_115 : memref<10240x64xf32, #tpu.memory_space<hbm>>) dst(%arg11 : memref<128x64xf32, #tpu.memory_space<vmem>>)
    %add3A_116 = arith.constant 1 : i32
    %add3A_117 = arith.addi %sub3A_92, %add3A_116 : i32
    %dma_start3A_118 = arith.constant 0 : i32
    %dma_start3A_119 = tpu.memref_slice %arg9[%add3A_117, %dma_start3A_118] : memref<80x128xi32, #tpu.memory_space<vmem>> -> memref<1x128xi32, #tpu.memory_space<vmem>>
    %dma_start3A_120 = tpu.memref_squeeze %dma_start3A_119 : memref<1x128xi32, #tpu.memory_space<vmem>> -> memref<128xi32, #tpu.memory_space<vmem>>
    %dma_start3A_121 = arith.constant 0 : i32
    %dma_start3A_122 = arith.constant 0 : i32
    %dma_start3A_123 = tpu.memref_slice %arg15[%dma_start3A_121, %dma_start3A_122] : memref<10240x64xf32, #tpu.memory_space<vmem_shared>> -> memref<10240x64xf32, #tpu.memory_space<vmem_shared>>
    tpu.enqueue_indirect_dma source(%arg11 : memref<128x64xf32, #tpu.memory_space<vmem>>) target(%dma_start3A_123 : memref<10240x64xf32, #tpu.memory_space<vmem_shared>>) offsets(%dma_start3A_120 : memref<128xi32, #tpu.memory_space<vmem>>) semaphore(%arg22 : memref<!tpu.dma_semaphore, #tpu.memory_space<semaphore_mem>>) {add = true}
    %add3A_124 = arith.constant 2 : i32
    %add3A_125 = arith.addi %sub3A_92, %add3A_124 : i32
    %dma_wait3A_126 = arith.constant 0 : i32
    %dma_wait3A_127 = tpu.memref_slice %arg8[%add3A_125, %dma_wait3A_126] : memref<80x128xi32, #tpu.memory_space<vmem>> -> memref<1x128xi32, #tpu.memory_space<vmem>>
    %dma_wait3A_128 = tpu.memref_squeeze %dma_wait3A_127 : memref<1x128xi32, #tpu.memory_space<vmem>> -> memref<128xi32, #tpu.memory_space<vmem>>
    %dma_wait3A_129 = arith.constant 0 : i32
    %dma_wait3A_130 = arith.constant 0 : i32
    %dma_wait3A_131 = tpu.memref_slice %arg2[%dma_wait3A_129, %dma_wait3A_130] : memref<10240x64xf32, #tpu.memory_space<hbm>> -> memref<10240x64xf32, #tpu.memory_space<hbm>>
    tpu.wait_indirect_dma semaphore(%arg18 : memref<!tpu.dma_semaphore, #tpu.memory_space<semaphore_mem>>) src(%dma_wait3A_131 : memref<10240x64xf32, #tpu.memory_space<hbm>>) dst(%arg12 : memref<128x64xf32, #tpu.memory_space<vmem>>)
    %add3A_132 = arith.constant 2 : i32
    %add3A_133 = arith.addi %sub3A_92, %add3A_132 : i32
    %dma_start3A_134 = arith.constant 0 : i32
    %dma_start3A_135 = tpu.memref_slice %arg9[%add3A_133, %dma_start3A_134] : memref<80x128xi32, #tpu.memory_space<vmem>> -> memref<1x128xi32, #tpu.memory_space<vmem>>
    %dma_start3A_136 = tpu.memref_squeeze %dma_start3A_135 : memref<1x128xi32, #tpu.memory_space<vmem>> -> memref<128xi32, #tpu.memory_space<vmem>>
    %dma_start3A_137 = arith.constant 0 : i32
    %dma_start3A_138 = arith.constant 0 : i32
    %dma_start3A_139 = tpu.memref_slice %arg15[%dma_start3A_137, %dma_start3A_138] : memref<10240x64xf32, #tpu.memory_space<vmem_shared>> -> memref<10240x64xf32, #tpu.memory_space<vmem_shared>>
    tpu.enqueue_indirect_dma source(%arg12 : memref<128x64xf32, #tpu.memory_space<vmem>>) target(%dma_start3A_139 : memref<10240x64xf32, #tpu.memory_space<vmem_shared>>) offsets(%dma_start3A_136 : memref<128xi32, #tpu.memory_space<vmem>>) semaphore(%arg23 : memref<!tpu.dma_semaphore, #tpu.memory_space<semaphore_mem>>) {add = true}
    %add3A_140 = arith.constant 3 : i32
    %add3A_141 = arith.addi %sub3A_92, %add3A_140 : i32
    %dma_wait3A_142 = arith.constant 0 : i32
    %dma_wait3A_143 = tpu.memref_slice %arg8[%add3A_141, %dma_wait3A_142] : memref<80x128xi32, #tpu.memory_space<vmem>> -> memref<1x128xi32, #tpu.memory_space<vmem>>
    %dma_wait3A_144 = tpu.memref_squeeze %dma_wait3A_143 : memref<1x128xi32, #tpu.memory_space<vmem>> -> memref<128xi32, #tpu.memory_space<vmem>>
    %dma_wait3A_145 = arith.constant 0 : i32
    %dma_wait3A_146 = arith.constant 0 : i32
    %dma_wait3A_147 = tpu.memref_slice %arg2[%dma_wait3A_145, %dma_wait3A_146] : memref<10240x64xf32, #tpu.memory_space<hbm>> -> memref<10240x64xf32, #tpu.memory_space<hbm>>
    tpu.wait_indirect_dma semaphore(%arg19 : memref<!tpu.dma_semaphore, #tpu.memory_space<semaphore_mem>>) src(%dma_wait3A_147 : memref<10240x64xf32, #tpu.memory_space<hbm>>) dst(%arg13 : memref<128x64xf32, #tpu.memory_space<vmem>>)
    %add3A_148 = arith.constant 3 : i32
    %add3A_149 = arith.addi %sub3A_92, %add3A_148 : i32
    %dma_start3A_150 = arith.constant 0 : i32
    %dma_start3A_151 = tpu.memref_slice %arg9[%add3A_149, %dma_start3A_150] : memref<80x128xi32, #tpu.memory_space<vmem>> -> memref<1x128xi32, #tpu.memory_space<vmem>>
    %dma_start3A_152 = tpu.memref_squeeze %dma_start3A_151 : memref<1x128xi32, #tpu.memory_space<vmem>> -> memref<128xi32, #tpu.memory_space<vmem>>
    %dma_start3A_153 = arith.constant 0 : i32
    %dma_start3A_154 = arith.constant 0 : i32
    %dma_start3A_155 = tpu.memref_slice %arg15[%dma_start3A_153, %dma_start3A_154] : memref<10240x64xf32, #tpu.memory_space<vmem_shared>> -> memref<10240x64xf32, #tpu.memory_space<vmem_shared>>
    tpu.enqueue_indirect_dma source(%arg13 : memref<128x64xf32, #tpu.memory_space<vmem>>) target(%dma_start3A_155 : memref<10240x64xf32, #tpu.memory_space<vmem_shared>>) offsets(%dma_start3A_152 : memref<128xi32, #tpu.memory_space<vmem>>) semaphore(%arg24 : memref<!tpu.dma_semaphore, #tpu.memory_space<semaphore_mem>>) {add = true}
    %add3A_156 = arith.constant 4 : i32
    %add3A_157 = arith.addi %sub3A_92, %add3A_156 : i32
    %dma_wait3A_158 = arith.constant 0 : i32
    %dma_wait3A_159 = tpu.memref_slice %arg8[%add3A_157, %dma_wait3A_158] : memref<80x128xi32, #tpu.memory_space<vmem>> -> memref<1x128xi32, #tpu.memory_space<vmem>>
    %dma_wait3A_160 = tpu.memref_squeeze %dma_wait3A_159 : memref<1x128xi32, #tpu.memory_space<vmem>> -> memref<128xi32, #tpu.memory_space<vmem>>
    %dma_wait3A_161 = arith.constant 0 : i32
    %dma_wait3A_162 = arith.constant 0 : i32
    %dma_wait3A_163 = tpu.memref_slice %arg2[%dma_wait3A_161, %dma_wait3A_162] : memref<10240x64xf32, #tpu.memory_space<hbm>> -> memref<10240x64xf32, #tpu.memory_space<hbm>>
    tpu.wait_indirect_dma semaphore(%arg20 : memref<!tpu.dma_semaphore, #tpu.memory_space<semaphore_mem>>) src(%dma_wait3A_163 : memref<10240x64xf32, #tpu.memory_space<hbm>>) dst(%arg14 : memref<128x64xf32, #tpu.memory_space<vmem>>)
    %add3A_164 = arith.constant 4 : i32
    %add3A_165 = arith.addi %sub3A_92, %add3A_164 : i32
    %dma_start3A_166 = arith.constant 0 : i32
    %dma_start3A_167 = tpu.memref_slice %arg9[%add3A_165, %dma_start3A_166] : memref<80x128xi32, #tpu.memory_space<vmem>> -> memref<1x128xi32, #tpu.memory_space<vmem>>
    %dma_start3A_168 = tpu.memref_squeeze %dma_start3A_167 : memref<1x128xi32, #tpu.memory_space<vmem>> -> memref<128xi32, #tpu.memory_space<vmem>>
    %dma_start3A_169 = arith.constant 0 : i32
    %dma_start3A_170 = arith.constant 0 : i32
    %dma_start3A_171 = tpu.memref_slice %arg15[%dma_start3A_169, %dma_start3A_170] : memref<10240x64xf32, #tpu.memory_space<vmem_shared>> -> memref<10240x64xf32, #tpu.memory_space<vmem_shared>>
    tpu.enqueue_indirect_dma source(%arg14 : memref<128x64xf32, #tpu.memory_space<vmem>>) target(%dma_start3A_171 : memref<10240x64xf32, #tpu.memory_space<vmem_shared>>) offsets(%dma_start3A_168 : memref<128xi32, #tpu.memory_space<vmem>>) semaphore(%arg25 : memref<!tpu.dma_semaphore, #tpu.memory_space<semaphore_mem>>) {add = true}
    %add3A_172 = arith.constant 0 : i32
    %add3A_173 = arith.addi %sub3A_92, %add3A_172 : i32
    %dma_wait3A_174 = arith.constant 0 : i32
    %dma_wait3A_175 = tpu.memref_slice %arg9[%add3A_173, %dma_wait3A_174] : memref<80x128xi32, #tpu.memory_space<vmem>> -> memref<1x128xi32, #tpu.memory_space<vmem>>
    %dma_wait3A_176 = tpu.memref_squeeze %dma_wait3A_175 : memref<1x128xi32, #tpu.memory_space<vmem>> -> memref<128xi32, #tpu.memory_space<vmem>>
    %dma_wait3A_177 = arith.constant 0 : i32
    %dma_wait3A_178 = arith.constant 0 : i32
    %dma_wait3A_179 = tpu.memref_slice %arg15[%dma_wait3A_177, %dma_wait3A_178] : memref<10240x64xf32, #tpu.memory_space<vmem_shared>> -> memref<10240x64xf32, #tpu.memory_space<vmem_shared>>
    tpu.wait_indirect_dma semaphore(%arg21 : memref<!tpu.dma_semaphore, #tpu.memory_space<semaphore_mem>>) src(%arg10 : memref<128x64xf32, #tpu.memory_space<vmem>>) dst(%dma_wait3A_179 : memref<10240x64xf32, #tpu.memory_space<vmem_shared>>)
    %add3A_180 = arith.constant 1 : i32
    %add3A_181 = arith.addi %sub3A_92, %add3A_180 : i32
    %dma_wait3A_182 = arith.constant 0 : i32
    %dma_wait3A_183 = tpu.memref_slice %arg9[%add3A_181, %dma_wait3A_182] : memref<80x128xi32, #tpu.memory_space<vmem>> -> memref<1x128xi32, #tpu.memory_space<vmem>>
    %dma_wait3A_184 = tpu.memref_squeeze %dma_wait3A_183 : memref<1x128xi32, #tpu.memory_space<vmem>> -> memref<128xi32, #tpu.memory_space<vmem>>
    %dma_wait3A_185 = arith.constant 0 : i32
    %dma_wait3A_186 = arith.constant 0 : i32
    %dma_wait3A_187 = tpu.memref_slice %arg15[%dma_wait3A_185, %dma_wait3A_186] : memref<10240x64xf32, #tpu.memory_space<vmem_shared>> -> memref<10240x64xf32, #tpu.memory_space<vmem_shared>>
    tpu.wait_indirect_dma semaphore(%arg22 : memref<!tpu.dma_semaphore, #tpu.memory_space<semaphore_mem>>) src(%arg11 : memref<128x64xf32, #tpu.memory_space<vmem>>) dst(%dma_wait3A_187 : memref<10240x64xf32, #tpu.memory_space<vmem_shared>>)
    %add3A_188 = arith.constant 2 : i32
    %add3A_189 = arith.addi %sub3A_92, %add3A_188 : i32
    %dma_wait3A_190 = arith.constant 0 : i32
    %dma_wait3A_191 = tpu.memref_slice %arg9[%add3A_189, %dma_wait3A_190] : memref<80x128xi32, #tpu.memory_space<vmem>> -> memref<1x128xi32, #tpu.memory_space<vmem>>
    %dma_wait3A_192 = tpu.memref_squeeze %dma_wait3A_191 : memref<1x128xi32, #tpu.memory_space<vmem>> -> memref<128xi32, #tpu.memory_space<vmem>>
    %dma_wait3A_193 = arith.constant 0 : i32
    %dma_wait3A_194 = arith.constant 0 : i32
    %dma_wait3A_195 = tpu.memref_slice %arg15[%dma_wait3A_193, %dma_wait3A_194] : memref<10240x64xf32, #tpu.memory_space<vmem_shared>> -> memref<10240x64xf32, #tpu.memory_space<vmem_shared>>
    tpu.wait_indirect_dma semaphore(%arg23 : memref<!tpu.dma_semaphore, #tpu.memory_space<semaphore_mem>>) src(%arg12 : memref<128x64xf32, #tpu.memory_space<vmem>>) dst(%dma_wait3A_195 : memref<10240x64xf32, #tpu.memory_space<vmem_shared>>)
    %add3A_196 = arith.constant 3 : i32
    %add3A_197 = arith.addi %sub3A_92, %add3A_196 : i32
    %dma_wait3A_198 = arith.constant 0 : i32
    %dma_wait3A_199 = tpu.memref_slice %arg9[%add3A_197, %dma_wait3A_198] : memref<80x128xi32, #tpu.memory_space<vmem>> -> memref<1x128xi32, #tpu.memory_space<vmem>>
    %dma_wait3A_200 = tpu.memref_squeeze %dma_wait3A_199 : memref<1x128xi32, #tpu.memory_space<vmem>> -> memref<128xi32, #tpu.memory_space<vmem>>
    %dma_wait3A_201 = arith.constant 0 : i32
    %dma_wait3A_202 = arith.constant 0 : i32
    %dma_wait3A_203 = tpu.memref_slice %arg15[%dma_wait3A_201, %dma_wait3A_202] : memref<10240x64xf32, #tpu.memory_space<vmem_shared>> -> memref<10240x64xf32, #tpu.memory_space<vmem_shared>>
    tpu.wait_indirect_dma semaphore(%arg24 : memref<!tpu.dma_semaphore, #tpu.memory_space<semaphore_mem>>) src(%arg13 : memref<128x64xf32, #tpu.memory_space<vmem>>) dst(%dma_wait3A_203 : memref<10240x64xf32, #tpu.memory_space<vmem_shared>>)
    %add3A_204 = arith.constant 4 : i32
    %add3A_205 = arith.addi %sub3A_92, %add3A_204 : i32
    %dma_wait3A_206 = arith.constant 0 : i32
    %dma_wait3A_207 = tpu.memref_slice %arg9[%add3A_205, %dma_wait3A_206] : memref<80x128xi32, #tpu.memory_space<vmem>> -> memref<1x128xi32, #tpu.memory_space<vmem>>
    %dma_wait3A_208 = tpu.memref_squeeze %dma_wait3A_207 : memref<1x128xi32, #tpu.memory_space<vmem>> -> memref<128xi32, #tpu.memory_space<vmem>>
    %dma_wait3A_209 = arith.constant 0 : i32
    %dma_wait3A_210 = arith.constant 0 : i32
    %dma_wait3A_211 = tpu.memref_slice %arg15[%dma_wait3A_209, %dma_wait3A_210] : memref<10240x64xf32, #tpu.memory_space<vmem_shared>> -> memref<10240x64xf32, #tpu.memory_space<vmem_shared>>
    tpu.wait_indirect_dma semaphore(%arg25 : memref<!tpu.dma_semaphore, #tpu.memory_space<semaphore_mem>>) src(%arg14 : memref<128x64xf32, #tpu.memory_space<vmem>>) dst(%dma_wait3A_211 : memref<10240x64xf32, #tpu.memory_space<vmem_shared>>)
    %barrier3A_212 = arith.constant 0 : index
    tpu.barrier barrier_id(%barrier3A_212)
    "tpu.region"() ({
      %run_scoped3A = tpu.sem_alloc : memref<!tpu.dma_semaphore, #tpu.memory_space<semaphore_mem>>
      %dma_start3A_418 = arith.constant 0 : i32
      %dma_start3A_419 = tpu.memref_slice %arg6[%arg0, %mul3A_0, %dma_start3A_418] : memref<2x10240x64xf32, #tpu.memory_space<hbm>> -> memref<1x640x64xf32, #tpu.memory_space<hbm>>
      %dma_start3A_420 = tpu.memref_squeeze %dma_start3A_419 : memref<1x640x64xf32, #tpu.memory_space<hbm>> -> memref<640x64xf32, #tpu.memory_space<hbm>>
      %dma_start3A_421 = arith.constant 0 : i32
      %dma_start3A_422 = tpu.memref_slice %arg15[%mul3A_0, %dma_start3A_421] : memref<10240x64xf32, #tpu.memory_space<vmem_shared>> -> memref<640x64xf32, #tpu.memory_space<vmem_shared>>
      tpu.enqueue_dma source(%dma_start3A_422 : memref<640x64xf32, #tpu.memory_space<vmem_shared>>) target(%dma_start3A_420 : memref<640x64xf32, #tpu.memory_space<hbm>>) target_semaphore(%run_scoped3A : memref<!tpu.dma_semaphore, #tpu.memory_space<semaphore_mem>>)
      %dma_wait3A_423 = arith.constant 0 : i32
      %dma_wait3A_424 = tpu.memref_slice %arg6[%arg0, %mul3A_0, %dma_wait3A_423] : memref<2x10240x64xf32, #tpu.memory_space<hbm>> -> memref<1x640x64xf32, #tpu.memory_space<hbm>>
      %dma_wait3A_425 = tpu.memref_squeeze %dma_wait3A_424 : memref<1x640x64xf32, #tpu.memory_space<hbm>> -> memref<640x64xf32, #tpu.memory_space<hbm>>
      %dma_wait3A_426 = arith.constant 0 : i32
      %dma_wait3A_427 = tpu.memref_slice %arg15[%mul3A_0, %dma_wait3A_426] : memref<10240x64xf32, #tpu.memory_space<vmem_shared>> -> memref<640x64xf32, #tpu.memory_space<vmem_shared>>
      tpu.wait_dma2 semaphore(%run_scoped3A : memref<!tpu.dma_semaphore, #tpu.memory_space<semaphore_mem>>) src(%dma_wait3A_427 : memref<640x64xf32, #tpu.memory_space<vmem_shared>>) dst(%dma_wait3A_425 : memref<640x64xf32, #tpu.memory_space<hbm>>)
      tpu.yield
    }) : () -> ()
    %barrier3A_213 = arith.constant 0 : index
    tpu.barrier barrier_id(%barrier3A_213)
    %dma_start3A_214 = arith.constant 0 : i32
    %dma_start3A_215 = arith.constant 0 : i32
    %dma_start3A_216 = tpu.memref_slice %arg8[%dma_start3A_214, %dma_start3A_215] : memref<80x128xi32, #tpu.memory_space<vmem>> -> memref<1x128xi32, #tpu.memory_space<vmem>>
    %dma_start3A_217 = tpu.memref_squeeze %dma_start3A_216 : memref<1x128xi32, #tpu.memory_space<vmem>> -> memref<128xi32, #tpu.memory_space<vmem>>
    %dma_start3A_218 = arith.constant 0 : i32
    %dma_start3A_219 = arith.constant 0 : i32
    %dma_start3A_220 = tpu.memref_slice %arg3[%dma_start3A_218, %dma_start3A_219] : memref<10240x64xf32, #tpu.memory_space<hbm>> -> memref<10240x64xf32, #tpu.memory_space<hbm>>
    tpu.enqueue_indirect_dma source(%dma_start3A_220 : memref<10240x64xf32, #tpu.memory_space<hbm>>) target(%arg10 : memref<128x64xf32, #tpu.memory_space<vmem>>) offsets(%dma_start3A_217 : memref<128xi32, #tpu.memory_space<vmem>>) semaphore(%arg16 : memref<!tpu.dma_semaphore, #tpu.memory_space<semaphore_mem>>)
    %dma_start3A_221 = arith.constant 1 : i32
    %dma_start3A_222 = arith.constant 0 : i32
    %dma_start3A_223 = tpu.memref_slice %arg8[%dma_start3A_221, %dma_start3A_222] : memref<80x128xi32, #tpu.memory_space<vmem>> -> memref<1x128xi32, #tpu.memory_space<vmem>>
    %dma_start3A_224 = tpu.memref_squeeze %dma_start3A_223 : memref<1x128xi32, #tpu.memory_space<vmem>> -> memref<128xi32, #tpu.memory_space<vmem>>
    %dma_start3A_225 = arith.constant 0 : i32
    %dma_start3A_226 = arith.constant 0 : i32
    %dma_start3A_227 = tpu.memref_slice %arg3[%dma_start3A_225, %dma_start3A_226] : memref<10240x64xf32, #tpu.memory_space<hbm>> -> memref<10240x64xf32, #tpu.memory_space<hbm>>
    tpu.enqueue_indirect_dma source(%dma_start3A_227 : memref<10240x64xf32, #tpu.memory_space<hbm>>) target(%arg11 : memref<128x64xf32, #tpu.memory_space<vmem>>) offsets(%dma_start3A_224 : memref<128xi32, #tpu.memory_space<vmem>>) semaphore(%arg17 : memref<!tpu.dma_semaphore, #tpu.memory_space<semaphore_mem>>)
    %dma_start3A_228 = arith.constant 2 : i32
    %dma_start3A_229 = arith.constant 0 : i32
    %dma_start3A_230 = tpu.memref_slice %arg8[%dma_start3A_228, %dma_start3A_229] : memref<80x128xi32, #tpu.memory_space<vmem>> -> memref<1x128xi32, #tpu.memory_space<vmem>>
    %dma_start3A_231 = tpu.memref_squeeze %dma_start3A_230 : memref<1x128xi32, #tpu.memory_space<vmem>> -> memref<128xi32, #tpu.memory_space<vmem>>
    %dma_start3A_232 = arith.constant 0 : i32
    %dma_start3A_233 = arith.constant 0 : i32
    %dma_start3A_234 = tpu.memref_slice %arg3[%dma_start3A_232, %dma_start3A_233] : memref<10240x64xf32, #tpu.memory_space<hbm>> -> memref<10240x64xf32, #tpu.memory_space<hbm>>
    tpu.enqueue_indirect_dma source(%dma_start3A_234 : memref<10240x64xf32, #tpu.memory_space<hbm>>) target(%arg12 : memref<128x64xf32, #tpu.memory_space<vmem>>) offsets(%dma_start3A_231 : memref<128xi32, #tpu.memory_space<vmem>>) semaphore(%arg18 : memref<!tpu.dma_semaphore, #tpu.memory_space<semaphore_mem>>)
    %dma_start3A_235 = arith.constant 3 : i32
    %dma_start3A_236 = arith.constant 0 : i32
    %dma_start3A_237 = tpu.memref_slice %arg8[%dma_start3A_235, %dma_start3A_236] : memref<80x128xi32, #tpu.memory_space<vmem>> -> memref<1x128xi32, #tpu.memory_space<vmem>>
    %dma_start3A_238 = tpu.memref_squeeze %dma_start3A_237 : memref<1x128xi32, #tpu.memory_space<vmem>> -> memref<128xi32, #tpu.memory_space<vmem>>
    %dma_start3A_239 = arith.constant 0 : i32
    %dma_start3A_240 = arith.constant 0 : i32
    %dma_start3A_241 = tpu.memref_slice %arg3[%dma_start3A_239, %dma_start3A_240] : memref<10240x64xf32, #tpu.memory_space<hbm>> -> memref<10240x64xf32, #tpu.memory_space<hbm>>
    tpu.enqueue_indirect_dma source(%dma_start3A_241 : memref<10240x64xf32, #tpu.memory_space<hbm>>) target(%arg13 : memref<128x64xf32, #tpu.memory_space<vmem>>) offsets(%dma_start3A_238 : memref<128xi32, #tpu.memory_space<vmem>>) semaphore(%arg19 : memref<!tpu.dma_semaphore, #tpu.memory_space<semaphore_mem>>)
    %dma_start3A_242 = arith.constant 4 : i32
    %dma_start3A_243 = arith.constant 0 : i32
    %dma_start3A_244 = tpu.memref_slice %arg8[%dma_start3A_242, %dma_start3A_243] : memref<80x128xi32, #tpu.memory_space<vmem>> -> memref<1x128xi32, #tpu.memory_space<vmem>>
    %dma_start3A_245 = tpu.memref_squeeze %dma_start3A_244 : memref<1x128xi32, #tpu.memory_space<vmem>> -> memref<128xi32, #tpu.memory_space<vmem>>
    %dma_start3A_246 = arith.constant 0 : i32
    %dma_start3A_247 = arith.constant 0 : i32
    %dma_start3A_248 = tpu.memref_slice %arg3[%dma_start3A_246, %dma_start3A_247] : memref<10240x64xf32, #tpu.memory_space<hbm>> -> memref<10240x64xf32, #tpu.memory_space<hbm>>
    tpu.enqueue_indirect_dma source(%dma_start3A_248 : memref<10240x64xf32, #tpu.memory_space<hbm>>) target(%arg14 : memref<128x64xf32, #tpu.memory_space<vmem>>) offsets(%dma_start3A_245 : memref<128xi32, #tpu.memory_space<vmem>>) semaphore(%arg20 : memref<!tpu.dma_semaphore, #tpu.memory_space<semaphore_mem>>)
    "tpu.region"() ({
      %run_scoped3A = tpu.sem_alloc : memref<!tpu.dma_semaphore, #tpu.memory_space<semaphore_mem>>
      %dma_start3A_418 = arith.constant 0 : i32
      %dma_start3A_419 = tpu.memref_slice %arg15[%mul3A_0, %dma_start3A_418] : memref<10240x64xf32, #tpu.memory_space<vmem_shared>> -> memref<640x64xf32, #tpu.memory_space<vmem_shared>>
      %dma_start3A_420 = arith.constant 0 : i32
      %dma_start3A_421 = tpu.memref_slice %arg5[%mul3A_0, %dma_start3A_420] : memref<10240x64xf32, #tpu.memory_space<hbm>> -> memref<640x64xf32, #tpu.memory_space<hbm>>
      tpu.enqueue_dma source(%dma_start3A_421 : memref<640x64xf32, #tpu.memory_space<hbm>>) target(%dma_start3A_419 : memref<640x64xf32, #tpu.memory_space<vmem_shared>>) target_semaphore(%run_scoped3A : memref<!tpu.dma_semaphore, #tpu.memory_space<semaphore_mem>>)
      %dma_wait3A_422 = arith.constant 0 : i32
      %dma_wait3A_423 = tpu.memref_slice %arg15[%mul3A_0, %dma_wait3A_422] : memref<10240x64xf32, #tpu.memory_space<vmem_shared>> -> memref<640x64xf32, #tpu.memory_space<vmem_shared>>
      %dma_wait3A_424 = arith.constant 0 : i32
      %dma_wait3A_425 = tpu.memref_slice %arg5[%mul3A_0, %dma_wait3A_424] : memref<10240x64xf32, #tpu.memory_space<hbm>> -> memref<640x64xf32, #tpu.memory_space<hbm>>
      tpu.wait_dma2 semaphore(%run_scoped3A : memref<!tpu.dma_semaphore, #tpu.memory_space<semaphore_mem>>) src(%dma_wait3A_425 : memref<640x64xf32, #tpu.memory_space<hbm>>) dst(%dma_wait3A_423 : memref<640x64xf32, #tpu.memory_space<vmem_shared>>)
      tpu.yield
    }) : () -> ()
    %barrier3A_249 = arith.constant 0 : index
    tpu.barrier barrier_id(%barrier3A_249)
    %jit3A_250 = arith.constant 5 : i32
    %div3A_251 = arith.divsi %select_n3A_18, %jit3A_250 : i32
    %sign3A_252 = arith.constant 0 : i32
    %sign3A_253 = arith.cmpi sgt, %select_n3A_18, %sign3A_252 : i32
    %sign3A_254 = arith.extui %sign3A_253 : i1 to i32
    %sign3A_255 = arith.constant 0 : i32
    %sign3A_256 = arith.cmpi slt, %select_n3A_18, %sign3A_255 : i32
    %sign3A_257 = arith.extui %sign3A_256 : i1 to i32
    %sign3A_258 = arith.subi %sign3A_254, %sign3A_257 : i32
    %sign3A_259 = arith.constant 0 : i32
    %sign3A_260 = arith.cmpi sgt, %jit3A_250, %sign3A_259 : i32
    %sign3A_261 = arith.extui %sign3A_260 : i1 to i32
    %sign3A_262 = arith.constant 0 : i32
    %sign3A_263 = arith.cmpi slt, %jit3A_250, %sign3A_262 : i32
    %sign3A_264 = arith.extui %sign3A_263 : i1 to i32
    %sign3A_265 = arith.subi %sign3A_261, %sign3A_264 : i32
    %ne3A_266 = arith.cmpi ne, %sign3A_258, %sign3A_265 : i32
    %rem3A_267 = arith.remsi %select_n3A_18, %jit3A_250 : i32
    %ne3A_268 = arith.constant 0 : i32
    %ne3A_269 = arith.cmpi ne, %rem3A_267, %ne3A_268 : i32
    %and3A_270 = arith.andi %ne3A_266, %ne3A_269 : i1
    %sub3A_271 = arith.constant 1 : i32
    %sub3A_272 = arith.subi %div3A_251, %sub3A_271 : i32
    %select_n3A_273 = arith.select %and3A_270, %sub3A_272, %div3A_251 : i32
    %sub3A_274 = arith.constant 1 : i32
    %sub3A_275 = arith.subi %select_n3A_273, %sub3A_274 : i32
    %sub3A_276 = arith.constant 0 : i32
    %sub3A_277 = arith.subi %sub3A_275, %sub3A_276 : i32
    %sub3A_278 = arith.constant 1 : i32
    %sub3A_279 = arith.constant 1 : i32
    %sub3A_280 = arith.subi %sub3A_278, %sub3A_279 : i32
    %add3A_281 = arith.addi %sub3A_277, %sub3A_280 : i32
    %div3A_282 = arith.constant 1 : i32
    %div3A_283 = arith.divsi %add3A_281, %div3A_282 : i32
    %while3A_284 = arith.constant 1 : i32
    %while3A_285 = arith.constant 0 : i32
    %while3A_286 = arith.constant 0 : i32
    %while3A_287 = arith.subi %div3A_283, %while3A_286 : i32
    %while3A_288 = arith.addi %while3A_286, %while3A_287 : i32
    %while3A_289 = arith.constant 1 : i32
    %while3A_290 = arith.divsi %while3A_287, %while3A_289 : i32
    %while3A_291 = arith.muli %while3A_290, %while3A_289 : i32
    %while3A_292 = arith.addi %while3A_286, %while3A_291 : i32
    %while3A_293 = arith.constant 1 : i32
    scf.for %while3A_418 = %while3A_286 to %while3A_292 step %while3A_293  : i32 {
      %mul3A_419 = arith.muli %while3A_418, %while3A_284 : i32
      %add3A_420 = arith.addi %while3A_285, %mul3A_419 : i32
      %mul3A_421 = arith.constant 5 : i32
      %mul3A_422 = arith.muli %mul3A_421, %add3A_420 : i32
      %add3A_423 = arith.constant 0 : i32
      %add3A_424 = arith.addi %mul3A_422, %add3A_423 : i32
      %dma_wait3A_425 = arith.constant 0 : i32
      %dma_wait3A_426 = tpu.memref_slice %arg8[%add3A_424, %dma_wait3A_425] : memref<80x128xi32, #tpu.memory_space<vmem>> -> memref<1x128xi32, #tpu.memory_space<vmem>>
      %dma_wait3A_427 = tpu.memref_squeeze %dma_wait3A_426 : memref<1x128xi32, #tpu.memory_space<vmem>> -> memref<128xi32, #tpu.memory_space<vmem>>
      %dma_wait3A_428 = arith.constant 0 : i32
      %dma_wait3A_429 = arith.constant 0 : i32
      %dma_wait3A_430 = tpu.memref_slice %arg3[%dma_wait3A_428, %dma_wait3A_429] : memref<10240x64xf32, #tpu.memory_space<hbm>> -> memref<10240x64xf32, #tpu.memory_space<hbm>>
      tpu.wait_indirect_dma semaphore(%arg16 : memref<!tpu.dma_semaphore, #tpu.memory_space<semaphore_mem>>) src(%dma_wait3A_430 : memref<10240x64xf32, #tpu.memory_space<hbm>>) dst(%arg10 : memref<128x64xf32, #tpu.memory_space<vmem>>)
      %add3A_431 = arith.constant 0 : i32
      %add3A_432 = arith.addi %mul3A_422, %add3A_431 : i32
      %dma_start3A_433 = arith.constant 0 : i32
      %dma_start3A_434 = tpu.memref_slice %arg9[%add3A_432, %dma_start3A_433] : memref<80x128xi32, #tpu.memory_space<vmem>> -> memref<1x128xi32, #tpu.memory_space<vmem>>
      %dma_start3A_435 = tpu.memref_squeeze %dma_start3A_434 : memref<1x128xi32, #tpu.memory_space<vmem>> -> memref<128xi32, #tpu.memory_space<vmem>>
      %dma_start3A_436 = arith.constant 0 : i32
      %dma_start3A_437 = arith.constant 0 : i32
      %dma_start3A_438 = tpu.memref_slice %arg15[%dma_start3A_436, %dma_start3A_437] : memref<10240x64xf32, #tpu.memory_space<vmem_shared>> -> memref<10240x64xf32, #tpu.memory_space<vmem_shared>>
      tpu.enqueue_indirect_dma source(%arg10 : memref<128x64xf32, #tpu.memory_space<vmem>>) target(%dma_start3A_438 : memref<10240x64xf32, #tpu.memory_space<vmem_shared>>) offsets(%dma_start3A_435 : memref<128xi32, #tpu.memory_space<vmem>>) semaphore(%arg21 : memref<!tpu.dma_semaphore, #tpu.memory_space<semaphore_mem>>) {add = true}
      %add3A_439 = arith.constant 1 : i32
      %add3A_440 = arith.addi %mul3A_422, %add3A_439 : i32
      %dma_wait3A_441 = arith.constant 0 : i32
      %dma_wait3A_442 = tpu.memref_slice %arg8[%add3A_440, %dma_wait3A_441] : memref<80x128xi32, #tpu.memory_space<vmem>> -> memref<1x128xi32, #tpu.memory_space<vmem>>
      %dma_wait3A_443 = tpu.memref_squeeze %dma_wait3A_442 : memref<1x128xi32, #tpu.memory_space<vmem>> -> memref<128xi32, #tpu.memory_space<vmem>>
      %dma_wait3A_444 = arith.constant 0 : i32
      %dma_wait3A_445 = arith.constant 0 : i32
      %dma_wait3A_446 = tpu.memref_slice %arg3[%dma_wait3A_444, %dma_wait3A_445] : memref<10240x64xf32, #tpu.memory_space<hbm>> -> memref<10240x64xf32, #tpu.memory_space<hbm>>
      tpu.wait_indirect_dma semaphore(%arg17 : memref<!tpu.dma_semaphore, #tpu.memory_space<semaphore_mem>>) src(%dma_wait3A_446 : memref<10240x64xf32, #tpu.memory_space<hbm>>) dst(%arg11 : memref<128x64xf32, #tpu.memory_space<vmem>>)
      %add3A_447 = arith.constant 1 : i32
      %add3A_448 = arith.addi %mul3A_422, %add3A_447 : i32
      %dma_start3A_449 = arith.constant 0 : i32
      %dma_start3A_450 = tpu.memref_slice %arg9[%add3A_448, %dma_start3A_449] : memref<80x128xi32, #tpu.memory_space<vmem>> -> memref<1x128xi32, #tpu.memory_space<vmem>>
      %dma_start3A_451 = tpu.memref_squeeze %dma_start3A_450 : memref<1x128xi32, #tpu.memory_space<vmem>> -> memref<128xi32, #tpu.memory_space<vmem>>
      %dma_start3A_452 = arith.constant 0 : i32
      %dma_start3A_453 = arith.constant 0 : i32
      %dma_start3A_454 = tpu.memref_slice %arg15[%dma_start3A_452, %dma_start3A_453] : memref<10240x64xf32, #tpu.memory_space<vmem_shared>> -> memref<10240x64xf32, #tpu.memory_space<vmem_shared>>
      tpu.enqueue_indirect_dma source(%arg11 : memref<128x64xf32, #tpu.memory_space<vmem>>) target(%dma_start3A_454 : memref<10240x64xf32, #tpu.memory_space<vmem_shared>>) offsets(%dma_start3A_451 : memref<128xi32, #tpu.memory_space<vmem>>) semaphore(%arg22 : memref<!tpu.dma_semaphore, #tpu.memory_space<semaphore_mem>>) {add = true}
      %add3A_455 = arith.constant 2 : i32
      %add3A_456 = arith.addi %mul3A_422, %add3A_455 : i32
      %dma_wait3A_457 = arith.constant 0 : i32
      %dma_wait3A_458 = tpu.memref_slice %arg8[%add3A_456, %dma_wait3A_457] : memref<80x128xi32, #tpu.memory_space<vmem>> -> memref<1x128xi32, #tpu.memory_space<vmem>>
      %dma_wait3A_459 = tpu.memref_squeeze %dma_wait3A_458 : memref<1x128xi32, #tpu.memory_space<vmem>> -> memref<128xi32, #tpu.memory_space<vmem>>
      %dma_wait3A_460 = arith.constant 0 : i32
      %dma_wait3A_461 = arith.constant 0 : i32
      %dma_wait3A_462 = tpu.memref_slice %arg3[%dma_wait3A_460, %dma_wait3A_461] : memref<10240x64xf32, #tpu.memory_space<hbm>> -> memref<10240x64xf32, #tpu.memory_space<hbm>>
      tpu.wait_indirect_dma semaphore(%arg18 : memref<!tpu.dma_semaphore, #tpu.memory_space<semaphore_mem>>) src(%dma_wait3A_462 : memref<10240x64xf32, #tpu.memory_space<hbm>>) dst(%arg12 : memref<128x64xf32, #tpu.memory_space<vmem>>)
      %add3A_463 = arith.constant 2 : i32
      %add3A_464 = arith.addi %mul3A_422, %add3A_463 : i32
      %dma_start3A_465 = arith.constant 0 : i32
      %dma_start3A_466 = tpu.memref_slice %arg9[%add3A_464, %dma_start3A_465] : memref<80x128xi32, #tpu.memory_space<vmem>> -> memref<1x128xi32, #tpu.memory_space<vmem>>
      %dma_start3A_467 = tpu.memref_squeeze %dma_start3A_466 : memref<1x128xi32, #tpu.memory_space<vmem>> -> memref<128xi32, #tpu.memory_space<vmem>>
      %dma_start3A_468 = arith.constant 0 : i32
      %dma_start3A_469 = arith.constant 0 : i32
      %dma_start3A_470 = tpu.memref_slice %arg15[%dma_start3A_468, %dma_start3A_469] : memref<10240x64xf32, #tpu.memory_space<vmem_shared>> -> memref<10240x64xf32, #tpu.memory_space<vmem_shared>>
      tpu.enqueue_indirect_dma source(%arg12 : memref<128x64xf32, #tpu.memory_space<vmem>>) target(%dma_start3A_470 : memref<10240x64xf32, #tpu.memory_space<vmem_shared>>) offsets(%dma_start3A_467 : memref<128xi32, #tpu.memory_space<vmem>>) semaphore(%arg23 : memref<!tpu.dma_semaphore, #tpu.memory_space<semaphore_mem>>) {add = true}
      %add3A_471 = arith.constant 3 : i32
      %add3A_472 = arith.addi %mul3A_422, %add3A_471 : i32
      %dma_wait3A_473 = arith.constant 0 : i32
      %dma_wait3A_474 = tpu.memref_slice %arg8[%add3A_472, %dma_wait3A_473] : memref<80x128xi32, #tpu.memory_space<vmem>> -> memref<1x128xi32, #tpu.memory_space<vmem>>
      %dma_wait3A_475 = tpu.memref_squeeze %dma_wait3A_474 : memref<1x128xi32, #tpu.memory_space<vmem>> -> memref<128xi32, #tpu.memory_space<vmem>>
      %dma_wait3A_476 = arith.constant 0 : i32
      %dma_wait3A_477 = arith.constant 0 : i32
      %dma_wait3A_478 = tpu.memref_slice %arg3[%dma_wait3A_476, %dma_wait3A_477] : memref<10240x64xf32, #tpu.memory_space<hbm>> -> memref<10240x64xf32, #tpu.memory_space<hbm>>
      tpu.wait_indirect_dma semaphore(%arg19 : memref<!tpu.dma_semaphore, #tpu.memory_space<semaphore_mem>>) src(%dma_wait3A_478 : memref<10240x64xf32, #tpu.memory_space<hbm>>) dst(%arg13 : memref<128x64xf32, #tpu.memory_space<vmem>>)
      %add3A_479 = arith.constant 3 : i32
      %add3A_480 = arith.addi %mul3A_422, %add3A_479 : i32
      %dma_start3A_481 = arith.constant 0 : i32
      %dma_start3A_482 = tpu.memref_slice %arg9[%add3A_480, %dma_start3A_481] : memref<80x128xi32, #tpu.memory_space<vmem>> -> memref<1x128xi32, #tpu.memory_space<vmem>>
      %dma_start3A_483 = tpu.memref_squeeze %dma_start3A_482 : memref<1x128xi32, #tpu.memory_space<vmem>> -> memref<128xi32, #tpu.memory_space<vmem>>
      %dma_start3A_484 = arith.constant 0 : i32
      %dma_start3A_485 = arith.constant 0 : i32
      %dma_start3A_486 = tpu.memref_slice %arg15[%dma_start3A_484, %dma_start3A_485] : memref<10240x64xf32, #tpu.memory_space<vmem_shared>> -> memref<10240x64xf32, #tpu.memory_space<vmem_shared>>
      tpu.enqueue_indirect_dma source(%arg13 : memref<128x64xf32, #tpu.memory_space<vmem>>) target(%dma_start3A_486 : memref<10240x64xf32, #tpu.memory_space<vmem_shared>>) offsets(%dma_start3A_483 : memref<128xi32, #tpu.memory_space<vmem>>) semaphore(%arg24 : memref<!tpu.dma_semaphore, #tpu.memory_space<semaphore_mem>>) {add = true}
      %add3A_487 = arith.constant 4 : i32
      %add3A_488 = arith.addi %mul3A_422, %add3A_487 : i32
      %dma_wait3A_489 = arith.constant 0 : i32
      %dma_wait3A_490 = tpu.memref_slice %arg8[%add3A_488, %dma_wait3A_489] : memref<80x128xi32, #tpu.memory_space<vmem>> -> memref<1x128xi32, #tpu.memory_space<vmem>>
      %dma_wait3A_491 = tpu.memref_squeeze %dma_wait3A_490 : memref<1x128xi32, #tpu.memory_space<vmem>> -> memref<128xi32, #tpu.memory_space<vmem>>
      %dma_wait3A_492 = arith.constant 0 : i32
      %dma_wait3A_493 = arith.constant 0 : i32
      %dma_wait3A_494 = tpu.memref_slice %arg3[%dma_wait3A_492, %dma_wait3A_493] : memref<10240x64xf32, #tpu.memory_space<hbm>> -> memref<10240x64xf32, #tpu.memory_space<hbm>>
      tpu.wait_indirect_dma semaphore(%arg20 : memref<!tpu.dma_semaphore, #tpu.memory_space<semaphore_mem>>) src(%dma_wait3A_494 : memref<10240x64xf32, #tpu.memory_space<hbm>>) dst(%arg14 : memref<128x64xf32, #tpu.memory_space<vmem>>)
      %add3A_495 = arith.constant 4 : i32
      %add3A_496 = arith.addi %mul3A_422, %add3A_495 : i32
      %dma_start3A_497 = arith.constant 0 : i32
      %dma_start3A_498 = tpu.memref_slice %arg9[%add3A_496, %dma_start3A_497] : memref<80x128xi32, #tpu.memory_space<vmem>> -> memref<1x128xi32, #tpu.memory_space<vmem>>
      %dma_start3A_499 = tpu.memref_squeeze %dma_start3A_498 : memref<1x128xi32, #tpu.memory_space<vmem>> -> memref<128xi32, #tpu.memory_space<vmem>>
      %dma_start3A_500 = arith.constant 0 : i32
      %dma_start3A_501 = arith.constant 0 : i32
      %dma_start3A_502 = tpu.memref_slice %arg15[%dma_start3A_500, %dma_start3A_501] : memref<10240x64xf32, #tpu.memory_space<vmem_shared>> -> memref<10240x64xf32, #tpu.memory_space<vmem_shared>>
      tpu.enqueue_indirect_dma source(%arg14 : memref<128x64xf32, #tpu.memory_space<vmem>>) target(%dma_start3A_502 : memref<10240x64xf32, #tpu.memory_space<vmem_shared>>) offsets(%dma_start3A_499 : memref<128xi32, #tpu.memory_space<vmem>>) semaphore(%arg25 : memref<!tpu.dma_semaphore, #tpu.memory_space<semaphore_mem>>) {add = true}
      %add3A_503 = arith.constant 0 : i32
      %add3A_504 = arith.addi %mul3A_422, %add3A_503 : i32
      %dma_wait3A_505 = arith.constant 0 : i32
      %dma_wait3A_506 = tpu.memref_slice %arg9[%add3A_504, %dma_wait3A_505] : memref<80x128xi32, #tpu.memory_space<vmem>> -> memref<1x128xi32, #tpu.memory_space<vmem>>
      %dma_wait3A_507 = tpu.memref_squeeze %dma_wait3A_506 : memref<1x128xi32, #tpu.memory_space<vmem>> -> memref<128xi32, #tpu.memory_space<vmem>>
      %dma_wait3A_508 = arith.constant 0 : i32
      %dma_wait3A_509 = arith.constant 0 : i32
      %dma_wait3A_510 = tpu.memref_slice %arg15[%dma_wait3A_508, %dma_wait3A_509] : memref<10240x64xf32, #tpu.memory_space<vmem_shared>> -> memref<10240x64xf32, #tpu.memory_space<vmem_shared>>
      tpu.wait_indirect_dma semaphore(%arg21 : memref<!tpu.dma_semaphore, #tpu.memory_space<semaphore_mem>>) src(%arg10 : memref<128x64xf32, #tpu.memory_space<vmem>>) dst(%dma_wait3A_510 : memref<10240x64xf32, #tpu.memory_space<vmem_shared>>)
      %add3A_511 = arith.constant 5 : i32
      %add3A_512 = arith.addi %mul3A_422, %add3A_511 : i32
      %add3A_513 = arith.constant 0 : i32
      %add3A_514 = arith.addi %add3A_512, %add3A_513 : i32
      %dma_start3A_515 = arith.constant 0 : i32
      %dma_start3A_516 = tpu.memref_slice %arg8[%add3A_514, %dma_start3A_515] : memref<80x128xi32, #tpu.memory_space<vmem>> -> memref<1x128xi32, #tpu.memory_space<vmem>>
      %dma_start3A_517 = tpu.memref_squeeze %dma_start3A_516 : memref<1x128xi32, #tpu.memory_space<vmem>> -> memref<128xi32, #tpu.memory_space<vmem>>
      %dma_start3A_518 = arith.constant 0 : i32
      %dma_start3A_519 = arith.constant 0 : i32
      %dma_start3A_520 = tpu.memref_slice %arg3[%dma_start3A_518, %dma_start3A_519] : memref<10240x64xf32, #tpu.memory_space<hbm>> -> memref<10240x64xf32, #tpu.memory_space<hbm>>
      tpu.enqueue_indirect_dma source(%dma_start3A_520 : memref<10240x64xf32, #tpu.memory_space<hbm>>) target(%arg10 : memref<128x64xf32, #tpu.memory_space<vmem>>) offsets(%dma_start3A_517 : memref<128xi32, #tpu.memory_space<vmem>>) semaphore(%arg16 : memref<!tpu.dma_semaphore, #tpu.memory_space<semaphore_mem>>)
      %add3A_521 = arith.constant 1 : i32
      %add3A_522 = arith.addi %mul3A_422, %add3A_521 : i32
      %dma_wait3A_523 = arith.constant 0 : i32
      %dma_wait3A_524 = tpu.memref_slice %arg9[%add3A_522, %dma_wait3A_523] : memref<80x128xi32, #tpu.memory_space<vmem>> -> memref<1x128xi32, #tpu.memory_space<vmem>>
      %dma_wait3A_525 = tpu.memref_squeeze %dma_wait3A_524 : memref<1x128xi32, #tpu.memory_space<vmem>> -> memref<128xi32, #tpu.memory_space<vmem>>
      %dma_wait3A_526 = arith.constant 0 : i32
      %dma_wait3A_527 = arith.constant 0 : i32
      %dma_wait3A_528 = tpu.memref_slice %arg15[%dma_wait3A_526, %dma_wait3A_527] : memref<10240x64xf32, #tpu.memory_space<vmem_shared>> -> memref<10240x64xf32, #tpu.memory_space<vmem_shared>>
      tpu.wait_indirect_dma semaphore(%arg22 : memref<!tpu.dma_semaphore, #tpu.memory_space<semaphore_mem>>) src(%arg11 : memref<128x64xf32, #tpu.memory_space<vmem>>) dst(%dma_wait3A_528 : memref<10240x64xf32, #tpu.memory_space<vmem_shared>>)
      %add3A_529 = arith.constant 5 : i32
      %add3A_530 = arith.addi %mul3A_422, %add3A_529 : i32
      %add3A_531 = arith.constant 1 : i32
      %add3A_532 = arith.addi %add3A_530, %add3A_531 : i32
      %dma_start3A_533 = arith.constant 0 : i32
      %dma_start3A_534 = tpu.memref_slice %arg8[%add3A_532, %dma_start3A_533] : memref<80x128xi32, #tpu.memory_space<vmem>> -> memref<1x128xi32, #tpu.memory_space<vmem>>
      %dma_start3A_535 = tpu.memref_squeeze %dma_start3A_534 : memref<1x128xi32, #tpu.memory_space<vmem>> -> memref<128xi32, #tpu.memory_space<vmem>>
      %dma_start3A_536 = arith.constant 0 : i32
      %dma_start3A_537 = arith.constant 0 : i32
      %dma_start3A_538 = tpu.memref_slice %arg3[%dma_start3A_536, %dma_start3A_537] : memref<10240x64xf32, #tpu.memory_space<hbm>> -> memref<10240x64xf32, #tpu.memory_space<hbm>>
      tpu.enqueue_indirect_dma source(%dma_start3A_538 : memref<10240x64xf32, #tpu.memory_space<hbm>>) target(%arg11 : memref<128x64xf32, #tpu.memory_space<vmem>>) offsets(%dma_start3A_535 : memref<128xi32, #tpu.memory_space<vmem>>) semaphore(%arg17 : memref<!tpu.dma_semaphore, #tpu.memory_space<semaphore_mem>>)
      %add3A_539 = arith.constant 2 : i32
      %add3A_540 = arith.addi %mul3A_422, %add3A_539 : i32
      %dma_wait3A_541 = arith.constant 0 : i32
      %dma_wait3A_542 = tpu.memref_slice %arg9[%add3A_540, %dma_wait3A_541] : memref<80x128xi32, #tpu.memory_space<vmem>> -> memref<1x128xi32, #tpu.memory_space<vmem>>
      %dma_wait3A_543 = tpu.memref_squeeze %dma_wait3A_542 : memref<1x128xi32, #tpu.memory_space<vmem>> -> memref<128xi32, #tpu.memory_space<vmem>>
      %dma_wait3A_544 = arith.constant 0 : i32
      %dma_wait3A_545 = arith.constant 0 : i32
      %dma_wait3A_546 = tpu.memref_slice %arg15[%dma_wait3A_544, %dma_wait3A_545] : memref<10240x64xf32, #tpu.memory_space<vmem_shared>> -> memref<10240x64xf32, #tpu.memory_space<vmem_shared>>
      tpu.wait_indirect_dma semaphore(%arg23 : memref<!tpu.dma_semaphore, #tpu.memory_space<semaphore_mem>>) src(%arg12 : memref<128x64xf32, #tpu.memory_space<vmem>>) dst(%dma_wait3A_546 : memref<10240x64xf32, #tpu.memory_space<vmem_shared>>)
      %add3A_547 = arith.constant 5 : i32
      %add3A_548 = arith.addi %mul3A_422, %add3A_547 : i32
      %add3A_549 = arith.constant 2 : i32
      %add3A_550 = arith.addi %add3A_548, %add3A_549 : i32
      %dma_start3A_551 = arith.constant 0 : i32
      %dma_start3A_552 = tpu.memref_slice %arg8[%add3A_550, %dma_start3A_551] : memref<80x128xi32, #tpu.memory_space<vmem>> -> memref<1x128xi32, #tpu.memory_space<vmem>>
      %dma_start3A_553 = tpu.memref_squeeze %dma_start3A_552 : memref<1x128xi32, #tpu.memory_space<vmem>> -> memref<128xi32, #tpu.memory_space<vmem>>
      %dma_start3A_554 = arith.constant 0 : i32
      %dma_start3A_555 = arith.constant 0 : i32
      %dma_start3A_556 = tpu.memref_slice %arg3[%dma_start3A_554, %dma_start3A_555] : memref<10240x64xf32, #tpu.memory_space<hbm>> -> memref<10240x64xf32, #tpu.memory_space<hbm>>
      tpu.enqueue_indirect_dma source(%dma_start3A_556 : memref<10240x64xf32, #tpu.memory_space<hbm>>) target(%arg12 : memref<128x64xf32, #tpu.memory_space<vmem>>) offsets(%dma_start3A_553 : memref<128xi32, #tpu.memory_space<vmem>>) semaphore(%arg18 : memref<!tpu.dma_semaphore, #tpu.memory_space<semaphore_mem>>)
      %add3A_557 = arith.constant 3 : i32
      %add3A_558 = arith.addi %mul3A_422, %add3A_557 : i32
      %dma_wait3A_559 = arith.constant 0 : i32
      %dma_wait3A_560 = tpu.memref_slice %arg9[%add3A_558, %dma_wait3A_559] : memref<80x128xi32, #tpu.memory_space<vmem>> -> memref<1x128xi32, #tpu.memory_space<vmem>>
      %dma_wait3A_561 = tpu.memref_squeeze %dma_wait3A_560 : memref<1x128xi32, #tpu.memory_space<vmem>> -> memref<128xi32, #tpu.memory_space<vmem>>
      %dma_wait3A_562 = arith.constant 0 : i32
      %dma_wait3A_563 = arith.constant 0 : i32
      %dma_wait3A_564 = tpu.memref_slice %arg15[%dma_wait3A_562, %dma_wait3A_563] : memref<10240x64xf32, #tpu.memory_space<vmem_shared>> -> memref<10240x64xf32, #tpu.memory_space<vmem_shared>>
      tpu.wait_indirect_dma semaphore(%arg24 : memref<!tpu.dma_semaphore, #tpu.memory_space<semaphore_mem>>) src(%arg13 : memref<128x64xf32, #tpu.memory_space<vmem>>) dst(%dma_wait3A_564 : memref<10240x64xf32, #tpu.memory_space<vmem_shared>>)
      %add3A_565 = arith.constant 5 : i32
      %add3A_566 = arith.addi %mul3A_422, %add3A_565 : i32
      %add3A_567 = arith.constant 3 : i32
      %add3A_568 = arith.addi %add3A_566, %add3A_567 : i32
      %dma_start3A_569 = arith.constant 0 : i32
      %dma_start3A_570 = tpu.memref_slice %arg8[%add3A_568, %dma_start3A_569] : memref<80x128xi32, #tpu.memory_space<vmem>> -> memref<1x128xi32, #tpu.memory_space<vmem>>
      %dma_start3A_571 = tpu.memref_squeeze %dma_start3A_570 : memref<1x128xi32, #tpu.memory_space<vmem>> -> memref<128xi32, #tpu.memory_space<vmem>>
      %dma_start3A_572 = arith.constant 0 : i32
      %dma_start3A_573 = arith.constant 0 : i32
      %dma_start3A_574 = tpu.memref_slice %arg3[%dma_start3A_572, %dma_start3A_573] : memref<10240x64xf32, #tpu.memory_space<hbm>> -> memref<10240x64xf32, #tpu.memory_space<hbm>>
      tpu.enqueue_indirect_dma source(%dma_start3A_574 : memref<10240x64xf32, #tpu.memory_space<hbm>>) target(%arg13 : memref<128x64xf32, #tpu.memory_space<vmem>>) offsets(%dma_start3A_571 : memref<128xi32, #tpu.memory_space<vmem>>) semaphore(%arg19 : memref<!tpu.dma_semaphore, #tpu.memory_space<semaphore_mem>>)
      %add3A_575 = arith.constant 4 : i32
      %add3A_576 = arith.addi %mul3A_422, %add3A_575 : i32
      %dma_wait3A_577 = arith.constant 0 : i32
      %dma_wait3A_578 = tpu.memref_slice %arg9[%add3A_576, %dma_wait3A_577] : memref<80x128xi32, #tpu.memory_space<vmem>> -> memref<1x128xi32, #tpu.memory_space<vmem>>
      %dma_wait3A_579 = tpu.memref_squeeze %dma_wait3A_578 : memref<1x128xi32, #tpu.memory_space<vmem>> -> memref<128xi32, #tpu.memory_space<vmem>>
      %dma_wait3A_580 = arith.constant 0 : i32
      %dma_wait3A_581 = arith.constant 0 : i32
      %dma_wait3A_582 = tpu.memref_slice %arg15[%dma_wait3A_580, %dma_wait3A_581] : memref<10240x64xf32, #tpu.memory_space<vmem_shared>> -> memref<10240x64xf32, #tpu.memory_space<vmem_shared>>
      tpu.wait_indirect_dma semaphore(%arg25 : memref<!tpu.dma_semaphore, #tpu.memory_space<semaphore_mem>>) src(%arg14 : memref<128x64xf32, #tpu.memory_space<vmem>>) dst(%dma_wait3A_582 : memref<10240x64xf32, #tpu.memory_space<vmem_shared>>)
      %add3A_583 = arith.constant 5 : i32
      %add3A_584 = arith.addi %mul3A_422, %add3A_583 : i32
      %add3A_585 = arith.constant 4 : i32
      %add3A_586 = arith.addi %add3A_584, %add3A_585 : i32
      %dma_start3A_587 = arith.constant 0 : i32
      %dma_start3A_588 = tpu.memref_slice %arg8[%add3A_586, %dma_start3A_587] : memref<80x128xi32, #tpu.memory_space<vmem>> -> memref<1x128xi32, #tpu.memory_space<vmem>>
      %dma_start3A_589 = tpu.memref_squeeze %dma_start3A_588 : memref<1x128xi32, #tpu.memory_space<vmem>> -> memref<128xi32, #tpu.memory_space<vmem>>
      %dma_start3A_590 = arith.constant 0 : i32
      %dma_start3A_591 = arith.constant 0 : i32
      %dma_start3A_592 = tpu.memref_slice %arg3[%dma_start3A_590, %dma_start3A_591] : memref<10240x64xf32, #tpu.memory_space<hbm>> -> memref<10240x64xf32, #tpu.memory_space<hbm>>
      tpu.enqueue_indirect_dma source(%dma_start3A_592 : memref<10240x64xf32, #tpu.memory_space<hbm>>) target(%arg14 : memref<128x64xf32, #tpu.memory_space<vmem>>) offsets(%dma_start3A_589 : memref<128xi32, #tpu.memory_space<vmem>>) semaphore(%arg20 : memref<!tpu.dma_semaphore, #tpu.memory_space<semaphore_mem>>)
    }
    %while3A_294 = arith.constant 1 : i32
    scf.for %while3A_418 = %while3A_292 to %while3A_288 step %while3A_294  : i32 {
      %mul3A_419 = arith.muli %while3A_418, %while3A_284 : i32
      %add3A_420 = arith.addi %while3A_285, %mul3A_419 : i32
      %mul3A_421 = arith.constant 5 : i32
      %mul3A_422 = arith.muli %mul3A_421, %add3A_420 : i32
      %add3A_423 = arith.constant 0 : i32
      %add3A_424 = arith.addi %mul3A_422, %add3A_423 : i32
      %dma_wait3A_425 = arith.constant 0 : i32
      %dma_wait3A_426 = tpu.memref_slice %arg8[%add3A_424, %dma_wait3A_425] : memref<80x128xi32, #tpu.memory_space<vmem>> -> memref<1x128xi32, #tpu.memory_space<vmem>>
      %dma_wait3A_427 = tpu.memref_squeeze %dma_wait3A_426 : memref<1x128xi32, #tpu.memory_space<vmem>> -> memref<128xi32, #tpu.memory_space<vmem>>
      %dma_wait3A_428 = arith.constant 0 : i32
      %dma_wait3A_429 = arith.constant 0 : i32
      %dma_wait3A_430 = tpu.memref_slice %arg3[%dma_wait3A_428, %dma_wait3A_429] : memref<10240x64xf32, #tpu.memory_space<hbm>> -> memref<10240x64xf32, #tpu.memory_space<hbm>>
      tpu.wait_indirect_dma semaphore(%arg16 : memref<!tpu.dma_semaphore, #tpu.memory_space<semaphore_mem>>) src(%dma_wait3A_430 : memref<10240x64xf32, #tpu.memory_space<hbm>>) dst(%arg10 : memref<128x64xf32, #tpu.memory_space<vmem>>)
      %add3A_431 = arith.constant 0 : i32
      %add3A_432 = arith.addi %mul3A_422, %add3A_431 : i32
      %dma_start3A_433 = arith.constant 0 : i32
      %dma_start3A_434 = tpu.memref_slice %arg9[%add3A_432, %dma_start3A_433] : memref<80x128xi32, #tpu.memory_space<vmem>> -> memref<1x128xi32, #tpu.memory_space<vmem>>
      %dma_start3A_435 = tpu.memref_squeeze %dma_start3A_434 : memref<1x128xi32, #tpu.memory_space<vmem>> -> memref<128xi32, #tpu.memory_space<vmem>>
      %dma_start3A_436 = arith.constant 0 : i32
      %dma_start3A_437 = arith.constant 0 : i32
      %dma_start3A_438 = tpu.memref_slice %arg15[%dma_start3A_436, %dma_start3A_437] : memref<10240x64xf32, #tpu.memory_space<vmem_shared>> -> memref<10240x64xf32, #tpu.memory_space<vmem_shared>>
      tpu.enqueue_indirect_dma source(%arg10 : memref<128x64xf32, #tpu.memory_space<vmem>>) target(%dma_start3A_438 : memref<10240x64xf32, #tpu.memory_space<vmem_shared>>) offsets(%dma_start3A_435 : memref<128xi32, #tpu.memory_space<vmem>>) semaphore(%arg21 : memref<!tpu.dma_semaphore, #tpu.memory_space<semaphore_mem>>) {add = true}
      %add3A_439 = arith.constant 1 : i32
      %add3A_440 = arith.addi %mul3A_422, %add3A_439 : i32
      %dma_wait3A_441 = arith.constant 0 : i32
      %dma_wait3A_442 = tpu.memref_slice %arg8[%add3A_440, %dma_wait3A_441] : memref<80x128xi32, #tpu.memory_space<vmem>> -> memref<1x128xi32, #tpu.memory_space<vmem>>
      %dma_wait3A_443 = tpu.memref_squeeze %dma_wait3A_442 : memref<1x128xi32, #tpu.memory_space<vmem>> -> memref<128xi32, #tpu.memory_space<vmem>>
      %dma_wait3A_444 = arith.constant 0 : i32
      %dma_wait3A_445 = arith.constant 0 : i32
      %dma_wait3A_446 = tpu.memref_slice %arg3[%dma_wait3A_444, %dma_wait3A_445] : memref<10240x64xf32, #tpu.memory_space<hbm>> -> memref<10240x64xf32, #tpu.memory_space<hbm>>
      tpu.wait_indirect_dma semaphore(%arg17 : memref<!tpu.dma_semaphore, #tpu.memory_space<semaphore_mem>>) src(%dma_wait3A_446 : memref<10240x64xf32, #tpu.memory_space<hbm>>) dst(%arg11 : memref<128x64xf32, #tpu.memory_space<vmem>>)
      %add3A_447 = arith.constant 1 : i32
      %add3A_448 = arith.addi %mul3A_422, %add3A_447 : i32
      %dma_start3A_449 = arith.constant 0 : i32
      %dma_start3A_450 = tpu.memref_slice %arg9[%add3A_448, %dma_start3A_449] : memref<80x128xi32, #tpu.memory_space<vmem>> -> memref<1x128xi32, #tpu.memory_space<vmem>>
      %dma_start3A_451 = tpu.memref_squeeze %dma_start3A_450 : memref<1x128xi32, #tpu.memory_space<vmem>> -> memref<128xi32, #tpu.memory_space<vmem>>
      %dma_start3A_452 = arith.constant 0 : i32
      %dma_start3A_453 = arith.constant 0 : i32
      %dma_start3A_454 = tpu.memref_slice %arg15[%dma_start3A_452, %dma_start3A_453] : memref<10240x64xf32, #tpu.memory_space<vmem_shared>> -> memref<10240x64xf32, #tpu.memory_space<vmem_shared>>
      tpu.enqueue_indirect_dma source(%arg11 : memref<128x64xf32, #tpu.memory_space<vmem>>) target(%dma_start3A_454 : memref<10240x64xf32, #tpu.memory_space<vmem_shared>>) offsets(%dma_start3A_451 : memref<128xi32, #tpu.memory_space<vmem>>) semaphore(%arg22 : memref<!tpu.dma_semaphore, #tpu.memory_space<semaphore_mem>>) {add = true}
      %add3A_455 = arith.constant 2 : i32
      %add3A_456 = arith.addi %mul3A_422, %add3A_455 : i32
      %dma_wait3A_457 = arith.constant 0 : i32
      %dma_wait3A_458 = tpu.memref_slice %arg8[%add3A_456, %dma_wait3A_457] : memref<80x128xi32, #tpu.memory_space<vmem>> -> memref<1x128xi32, #tpu.memory_space<vmem>>
      %dma_wait3A_459 = tpu.memref_squeeze %dma_wait3A_458 : memref<1x128xi32, #tpu.memory_space<vmem>> -> memref<128xi32, #tpu.memory_space<vmem>>
      %dma_wait3A_460 = arith.constant 0 : i32
      %dma_wait3A_461 = arith.constant 0 : i32
      %dma_wait3A_462 = tpu.memref_slice %arg3[%dma_wait3A_460, %dma_wait3A_461] : memref<10240x64xf32, #tpu.memory_space<hbm>> -> memref<10240x64xf32, #tpu.memory_space<hbm>>
      tpu.wait_indirect_dma semaphore(%arg18 : memref<!tpu.dma_semaphore, #tpu.memory_space<semaphore_mem>>) src(%dma_wait3A_462 : memref<10240x64xf32, #tpu.memory_space<hbm>>) dst(%arg12 : memref<128x64xf32, #tpu.memory_space<vmem>>)
      %add3A_463 = arith.constant 2 : i32
      %add3A_464 = arith.addi %mul3A_422, %add3A_463 : i32
      %dma_start3A_465 = arith.constant 0 : i32
      %dma_start3A_466 = tpu.memref_slice %arg9[%add3A_464, %dma_start3A_465] : memref<80x128xi32, #tpu.memory_space<vmem>> -> memref<1x128xi32, #tpu.memory_space<vmem>>
      %dma_start3A_467 = tpu.memref_squeeze %dma_start3A_466 : memref<1x128xi32, #tpu.memory_space<vmem>> -> memref<128xi32, #tpu.memory_space<vmem>>
      %dma_start3A_468 = arith.constant 0 : i32
      %dma_start3A_469 = arith.constant 0 : i32
      %dma_start3A_470 = tpu.memref_slice %arg15[%dma_start3A_468, %dma_start3A_469] : memref<10240x64xf32, #tpu.memory_space<vmem_shared>> -> memref<10240x64xf32, #tpu.memory_space<vmem_shared>>
      tpu.enqueue_indirect_dma source(%arg12 : memref<128x64xf32, #tpu.memory_space<vmem>>) target(%dma_start3A_470 : memref<10240x64xf32, #tpu.memory_space<vmem_shared>>) offsets(%dma_start3A_467 : memref<128xi32, #tpu.memory_space<vmem>>) semaphore(%arg23 : memref<!tpu.dma_semaphore, #tpu.memory_space<semaphore_mem>>) {add = true}
      %add3A_471 = arith.constant 3 : i32
      %add3A_472 = arith.addi %mul3A_422, %add3A_471 : i32
      %dma_wait3A_473 = arith.constant 0 : i32
      %dma_wait3A_474 = tpu.memref_slice %arg8[%add3A_472, %dma_wait3A_473] : memref<80x128xi32, #tpu.memory_space<vmem>> -> memref<1x128xi32, #tpu.memory_space<vmem>>
      %dma_wait3A_475 = tpu.memref_squeeze %dma_wait3A_474 : memref<1x128xi32, #tpu.memory_space<vmem>> -> memref<128xi32, #tpu.memory_space<vmem>>
      %dma_wait3A_476 = arith.constant 0 : i32
      %dma_wait3A_477 = arith.constant 0 : i32
      %dma_wait3A_478 = tpu.memref_slice %arg3[%dma_wait3A_476, %dma_wait3A_477] : memref<10240x64xf32, #tpu.memory_space<hbm>> -> memref<10240x64xf32, #tpu.memory_space<hbm>>
      tpu.wait_indirect_dma semaphore(%arg19 : memref<!tpu.dma_semaphore, #tpu.memory_space<semaphore_mem>>) src(%dma_wait3A_478 : memref<10240x64xf32, #tpu.memory_space<hbm>>) dst(%arg13 : memref<128x64xf32, #tpu.memory_space<vmem>>)
      %add3A_479 = arith.constant 3 : i32
      %add3A_480 = arith.addi %mul3A_422, %add3A_479 : i32
      %dma_start3A_481 = arith.constant 0 : i32
      %dma_start3A_482 = tpu.memref_slice %arg9[%add3A_480, %dma_start3A_481] : memref<80x128xi32, #tpu.memory_space<vmem>> -> memref<1x128xi32, #tpu.memory_space<vmem>>
      %dma_start3A_483 = tpu.memref_squeeze %dma_start3A_482 : memref<1x128xi32, #tpu.memory_space<vmem>> -> memref<128xi32, #tpu.memory_space<vmem>>
      %dma_start3A_484 = arith.constant 0 : i32
      %dma_start3A_485 = arith.constant 0 : i32
      %dma_start3A_486 = tpu.memref_slice %arg15[%dma_start3A_484, %dma_start3A_485] : memref<10240x64xf32, #tpu.memory_space<vmem_shared>> -> memref<10240x64xf32, #tpu.memory_space<vmem_shared>>
      tpu.enqueue_indirect_dma source(%arg13 : memref<128x64xf32, #tpu.memory_space<vmem>>) target(%dma_start3A_486 : memref<10240x64xf32, #tpu.memory_space<vmem_shared>>) offsets(%dma_start3A_483 : memref<128xi32, #tpu.memory_space<vmem>>) semaphore(%arg24 : memref<!tpu.dma_semaphore, #tpu.memory_space<semaphore_mem>>) {add = true}
      %add3A_487 = arith.constant 4 : i32
      %add3A_488 = arith.addi %mul3A_422, %add3A_487 : i32
      %dma_wait3A_489 = arith.constant 0 : i32
      %dma_wait3A_490 = tpu.memref_slice %arg8[%add3A_488, %dma_wait3A_489] : memref<80x128xi32, #tpu.memory_space<vmem>> -> memref<1x128xi32, #tpu.memory_space<vmem>>
      %dma_wait3A_491 = tpu.memref_squeeze %dma_wait3A_490 : memref<1x128xi32, #tpu.memory_space<vmem>> -> memref<128xi32, #tpu.memory_space<vmem>>
      %dma_wait3A_492 = arith.constant 0 : i32
      %dma_wait3A_493 = arith.constant 0 : i32
      %dma_wait3A_494 = tpu.memref_slice %arg3[%dma_wait3A_492, %dma_wait3A_493] : memref<10240x64xf32, #tpu.memory_space<hbm>> -> memref<10240x64xf32, #tpu.memory_space<hbm>>
      tpu.wait_indirect_dma semaphore(%arg20 : memref<!tpu.dma_semaphore, #tpu.memory_space<semaphore_mem>>) src(%dma_wait3A_494 : memref<10240x64xf32, #tpu.memory_space<hbm>>) dst(%arg14 : memref<128x64xf32, #tpu.memory_space<vmem>>)
      %add3A_495 = arith.constant 4 : i32
      %add3A_496 = arith.addi %mul3A_422, %add3A_495 : i32
      %dma_start3A_497 = arith.constant 0 : i32
      %dma_start3A_498 = tpu.memref_slice %arg9[%add3A_496, %dma_start3A_497] : memref<80x128xi32, #tpu.memory_space<vmem>> -> memref<1x128xi32, #tpu.memory_space<vmem>>
      %dma_start3A_499 = tpu.memref_squeeze %dma_start3A_498 : memref<1x128xi32, #tpu.memory_space<vmem>> -> memref<128xi32, #tpu.memory_space<vmem>>
      %dma_start3A_500 = arith.constant 0 : i32
      %dma_start3A_501 = arith.constant 0 : i32
      %dma_start3A_502 = tpu.memref_slice %arg15[%dma_start3A_500, %dma_start3A_501] : memref<10240x64xf32, #tpu.memory_space<vmem_shared>> -> memref<10240x64xf32, #tpu.memory_space<vmem_shared>>
      tpu.enqueue_indirect_dma source(%arg14 : memref<128x64xf32, #tpu.memory_space<vmem>>) target(%dma_start3A_502 : memref<10240x64xf32, #tpu.memory_space<vmem_shared>>) offsets(%dma_start3A_499 : memref<128xi32, #tpu.memory_space<vmem>>) semaphore(%arg25 : memref<!tpu.dma_semaphore, #tpu.memory_space<semaphore_mem>>) {add = true}
      %add3A_503 = arith.constant 0 : i32
      %add3A_504 = arith.addi %mul3A_422, %add3A_503 : i32
      %dma_wait3A_505 = arith.constant 0 : i32
      %dma_wait3A_506 = tpu.memref_slice %arg9[%add3A_504, %dma_wait3A_505] : memref<80x128xi32, #tpu.memory_space<vmem>> -> memref<1x128xi32, #tpu.memory_space<vmem>>
      %dma_wait3A_507 = tpu.memref_squeeze %dma_wait3A_506 : memref<1x128xi32, #tpu.memory_space<vmem>> -> memref<128xi32, #tpu.memory_space<vmem>>
      %dma_wait3A_508 = arith.constant 0 : i32
      %dma_wait3A_509 = arith.constant 0 : i32
      %dma_wait3A_510 = tpu.memref_slice %arg15[%dma_wait3A_508, %dma_wait3A_509] : memref<10240x64xf32, #tpu.memory_space<vmem_shared>> -> memref<10240x64xf32, #tpu.memory_space<vmem_shared>>
      tpu.wait_indirect_dma semaphore(%arg21 : memref<!tpu.dma_semaphore, #tpu.memory_space<semaphore_mem>>) src(%arg10 : memref<128x64xf32, #tpu.memory_space<vmem>>) dst(%dma_wait3A_510 : memref<10240x64xf32, #tpu.memory_space<vmem_shared>>)
      %add3A_511 = arith.constant 5 : i32
      %add3A_512 = arith.addi %mul3A_422, %add3A_511 : i32
      %add3A_513 = arith.constant 0 : i32
      %add3A_514 = arith.addi %add3A_512, %add3A_513 : i32
      %dma_start3A_515 = arith.constant 0 : i32
      %dma_start3A_516 = tpu.memref_slice %arg8[%add3A_514, %dma_start3A_515] : memref<80x128xi32, #tpu.memory_space<vmem>> -> memref<1x128xi32, #tpu.memory_space<vmem>>
      %dma_start3A_517 = tpu.memref_squeeze %dma_start3A_516 : memref<1x128xi32, #tpu.memory_space<vmem>> -> memref<128xi32, #tpu.memory_space<vmem>>
      %dma_start3A_518 = arith.constant 0 : i32
      %dma_start3A_519 = arith.constant 0 : i32
      %dma_start3A_520 = tpu.memref_slice %arg3[%dma_start3A_518, %dma_start3A_519] : memref<10240x64xf32, #tpu.memory_space<hbm>> -> memref<10240x64xf32, #tpu.memory_space<hbm>>
      tpu.enqueue_indirect_dma source(%dma_start3A_520 : memref<10240x64xf32, #tpu.memory_space<hbm>>) target(%arg10 : memref<128x64xf32, #tpu.memory_space<vmem>>) offsets(%dma_start3A_517 : memref<128xi32, #tpu.memory_space<vmem>>) semaphore(%arg16 : memref<!tpu.dma_semaphore, #tpu.memory_space<semaphore_mem>>)
      %add3A_521 = arith.constant 1 : i32
      %add3A_522 = arith.addi %mul3A_422, %add3A_521 : i32
      %dma_wait3A_523 = arith.constant 0 : i32
      %dma_wait3A_524 = tpu.memref_slice %arg9[%add3A_522, %dma_wait3A_523] : memref<80x128xi32, #tpu.memory_space<vmem>> -> memref<1x128xi32, #tpu.memory_space<vmem>>
      %dma_wait3A_525 = tpu.memref_squeeze %dma_wait3A_524 : memref<1x128xi32, #tpu.memory_space<vmem>> -> memref<128xi32, #tpu.memory_space<vmem>>
      %dma_wait3A_526 = arith.constant 0 : i32
      %dma_wait3A_527 = arith.constant 0 : i32
      %dma_wait3A_528 = tpu.memref_slice %arg15[%dma_wait3A_526, %dma_wait3A_527] : memref<10240x64xf32, #tpu.memory_space<vmem_shared>> -> memref<10240x64xf32, #tpu.memory_space<vmem_shared>>
      tpu.wait_indirect_dma semaphore(%arg22 : memref<!tpu.dma_semaphore, #tpu.memory_space<semaphore_mem>>) src(%arg11 : memref<128x64xf32, #tpu.memory_space<vmem>>) dst(%dma_wait3A_528 : memref<10240x64xf32, #tpu.memory_space<vmem_shared>>)
      %add3A_529 = arith.constant 5 : i32
      %add3A_530 = arith.addi %mul3A_422, %add3A_529 : i32
      %add3A_531 = arith.constant 1 : i32
      %add3A_532 = arith.addi %add3A_530, %add3A_531 : i32
      %dma_start3A_533 = arith.constant 0 : i32
      %dma_start3A_534 = tpu.memref_slice %arg8[%add3A_532, %dma_start3A_533] : memref<80x128xi32, #tpu.memory_space<vmem>> -> memref<1x128xi32, #tpu.memory_space<vmem>>
      %dma_start3A_535 = tpu.memref_squeeze %dma_start3A_534 : memref<1x128xi32, #tpu.memory_space<vmem>> -> memref<128xi32, #tpu.memory_space<vmem>>
      %dma_start3A_536 = arith.constant 0 : i32
      %dma_start3A_537 = arith.constant 0 : i32
      %dma_start3A_538 = tpu.memref_slice %arg3[%dma_start3A_536, %dma_start3A_537] : memref<10240x64xf32, #tpu.memory_space<hbm>> -> memref<10240x64xf32, #tpu.memory_space<hbm>>
      tpu.enqueue_indirect_dma source(%dma_start3A_538 : memref<10240x64xf32, #tpu.memory_space<hbm>>) target(%arg11 : memref<128x64xf32, #tpu.memory_space<vmem>>) offsets(%dma_start3A_535 : memref<128xi32, #tpu.memory_space<vmem>>) semaphore(%arg17 : memref<!tpu.dma_semaphore, #tpu.memory_space<semaphore_mem>>)
      %add3A_539 = arith.constant 2 : i32
      %add3A_540 = arith.addi %mul3A_422, %add3A_539 : i32
      %dma_wait3A_541 = arith.constant 0 : i32
      %dma_wait3A_542 = tpu.memref_slice %arg9[%add3A_540, %dma_wait3A_541] : memref<80x128xi32, #tpu.memory_space<vmem>> -> memref<1x128xi32, #tpu.memory_space<vmem>>
      %dma_wait3A_543 = tpu.memref_squeeze %dma_wait3A_542 : memref<1x128xi32, #tpu.memory_space<vmem>> -> memref<128xi32, #tpu.memory_space<vmem>>
      %dma_wait3A_544 = arith.constant 0 : i32
      %dma_wait3A_545 = arith.constant 0 : i32
      %dma_wait3A_546 = tpu.memref_slice %arg15[%dma_wait3A_544, %dma_wait3A_545] : memref<10240x64xf32, #tpu.memory_space<vmem_shared>> -> memref<10240x64xf32, #tpu.memory_space<vmem_shared>>
      tpu.wait_indirect_dma semaphore(%arg23 : memref<!tpu.dma_semaphore, #tpu.memory_space<semaphore_mem>>) src(%arg12 : memref<128x64xf32, #tpu.memory_space<vmem>>) dst(%dma_wait3A_546 : memref<10240x64xf32, #tpu.memory_space<vmem_shared>>)
      %add3A_547 = arith.constant 5 : i32
      %add3A_548 = arith.addi %mul3A_422, %add3A_547 : i32
      %add3A_549 = arith.constant 2 : i32
      %add3A_550 = arith.addi %add3A_548, %add3A_549 : i32
      %dma_start3A_551 = arith.constant 0 : i32
      %dma_start3A_552 = tpu.memref_slice %arg8[%add3A_550, %dma_start3A_551] : memref<80x128xi32, #tpu.memory_space<vmem>> -> memref<1x128xi32, #tpu.memory_space<vmem>>
      %dma_start3A_553 = tpu.memref_squeeze %dma_start3A_552 : memref<1x128xi32, #tpu.memory_space<vmem>> -> memref<128xi32, #tpu.memory_space<vmem>>
      %dma_start3A_554 = arith.constant 0 : i32
      %dma_start3A_555 = arith.constant 0 : i32
      %dma_start3A_556 = tpu.memref_slice %arg3[%dma_start3A_554, %dma_start3A_555] : memref<10240x64xf32, #tpu.memory_space<hbm>> -> memref<10240x64xf32, #tpu.memory_space<hbm>>
      tpu.enqueue_indirect_dma source(%dma_start3A_556 : memref<10240x64xf32, #tpu.memory_space<hbm>>) target(%arg12 : memref<128x64xf32, #tpu.memory_space<vmem>>) offsets(%dma_start3A_553 : memref<128xi32, #tpu.memory_space<vmem>>) semaphore(%arg18 : memref<!tpu.dma_semaphore, #tpu.memory_space<semaphore_mem>>)
      %add3A_557 = arith.constant 3 : i32
      %add3A_558 = arith.addi %mul3A_422, %add3A_557 : i32
      %dma_wait3A_559 = arith.constant 0 : i32
      %dma_wait3A_560 = tpu.memref_slice %arg9[%add3A_558, %dma_wait3A_559] : memref<80x128xi32, #tpu.memory_space<vmem>> -> memref<1x128xi32, #tpu.memory_space<vmem>>
      %dma_wait3A_561 = tpu.memref_squeeze %dma_wait3A_560 : memref<1x128xi32, #tpu.memory_space<vmem>> -> memref<128xi32, #tpu.memory_space<vmem>>
      %dma_wait3A_562 = arith.constant 0 : i32
      %dma_wait3A_563 = arith.constant 0 : i32
      %dma_wait3A_564 = tpu.memref_slice %arg15[%dma_wait3A_562, %dma_wait3A_563] : memref<10240x64xf32, #tpu.memory_space<vmem_shared>> -> memref<10240x64xf32, #tpu.memory_space<vmem_shared>>
      tpu.wait_indirect_dma semaphore(%arg24 : memref<!tpu.dma_semaphore, #tpu.memory_space<semaphore_mem>>) src(%arg13 : memref<128x64xf32, #tpu.memory_space<vmem>>) dst(%dma_wait3A_564 : memref<10240x64xf32, #tpu.memory_space<vmem_shared>>)
      %add3A_565 = arith.constant 5 : i32
      %add3A_566 = arith.addi %mul3A_422, %add3A_565 : i32
      %add3A_567 = arith.constant 3 : i32
      %add3A_568 = arith.addi %add3A_566, %add3A_567 : i32
      %dma_start3A_569 = arith.constant 0 : i32
      %dma_start3A_570 = tpu.memref_slice %arg8[%add3A_568, %dma_start3A_569] : memref<80x128xi32, #tpu.memory_space<vmem>> -> memref<1x128xi32, #tpu.memory_space<vmem>>
      %dma_start3A_571 = tpu.memref_squeeze %dma_start3A_570 : memref<1x128xi32, #tpu.memory_space<vmem>> -> memref<128xi32, #tpu.memory_space<vmem>>
      %dma_start3A_572 = arith.constant 0 : i32
      %dma_start3A_573 = arith.constant 0 : i32
      %dma_start3A_574 = tpu.memref_slice %arg3[%dma_start3A_572, %dma_start3A_573] : memref<10240x64xf32, #tpu.memory_space<hbm>> -> memref<10240x64xf32, #tpu.memory_space<hbm>>
      tpu.enqueue_indirect_dma source(%dma_start3A_574 : memref<10240x64xf32, #tpu.memory_space<hbm>>) target(%arg13 : memref<128x64xf32, #tpu.memory_space<vmem>>) offsets(%dma_start3A_571 : memref<128xi32, #tpu.memory_space<vmem>>) semaphore(%arg19 : memref<!tpu.dma_semaphore, #tpu.memory_space<semaphore_mem>>)
      %add3A_575 = arith.constant 4 : i32
      %add3A_576 = arith.addi %mul3A_422, %add3A_575 : i32
      %dma_wait3A_577 = arith.constant 0 : i32
      %dma_wait3A_578 = tpu.memref_slice %arg9[%add3A_576, %dma_wait3A_577] : memref<80x128xi32, #tpu.memory_space<vmem>> -> memref<1x128xi32, #tpu.memory_space<vmem>>
      %dma_wait3A_579 = tpu.memref_squeeze %dma_wait3A_578 : memref<1x128xi32, #tpu.memory_space<vmem>> -> memref<128xi32, #tpu.memory_space<vmem>>
      %dma_wait3A_580 = arith.constant 0 : i32
      %dma_wait3A_581 = arith.constant 0 : i32
      %dma_wait3A_582 = tpu.memref_slice %arg15[%dma_wait3A_580, %dma_wait3A_581] : memref<10240x64xf32, #tpu.memory_space<vmem_shared>> -> memref<10240x64xf32, #tpu.memory_space<vmem_shared>>
      tpu.wait_indirect_dma semaphore(%arg25 : memref<!tpu.dma_semaphore, #tpu.memory_space<semaphore_mem>>) src(%arg14 : memref<128x64xf32, #tpu.memory_space<vmem>>) dst(%dma_wait3A_582 : memref<10240x64xf32, #tpu.memory_space<vmem_shared>>)
      %add3A_583 = arith.constant 5 : i32
      %add3A_584 = arith.addi %mul3A_422, %add3A_583 : i32
      %add3A_585 = arith.constant 4 : i32
      %add3A_586 = arith.addi %add3A_584, %add3A_585 : i32
      %dma_start3A_587 = arith.constant 0 : i32
      %dma_start3A_588 = tpu.memref_slice %arg8[%add3A_586, %dma_start3A_587] : memref<80x128xi32, #tpu.memory_space<vmem>> -> memref<1x128xi32, #tpu.memory_space<vmem>>
      %dma_start3A_589 = tpu.memref_squeeze %dma_start3A_588 : memref<1x128xi32, #tpu.memory_space<vmem>> -> memref<128xi32, #tpu.memory_space<vmem>>
      %dma_start3A_590 = arith.constant 0 : i32
      %dma_start3A_591 = arith.constant 0 : i32
      %dma_start3A_592 = tpu.memref_slice %arg3[%dma_start3A_590, %dma_start3A_591] : memref<10240x64xf32, #tpu.memory_space<hbm>> -> memref<10240x64xf32, #tpu.memory_space<hbm>>
      tpu.enqueue_indirect_dma source(%dma_start3A_592 : memref<10240x64xf32, #tpu.memory_space<hbm>>) target(%arg14 : memref<128x64xf32, #tpu.memory_space<vmem>>) offsets(%dma_start3A_589 : memref<128xi32, #tpu.memory_space<vmem>>) semaphore(%arg20 : memref<!tpu.dma_semaphore, #tpu.memory_space<semaphore_mem>>)
    }
    %sub3A_295 = arith.constant 5 : i32
    %sub3A_296 = arith.subi %select_n3A_18, %sub3A_295 : i32
    %add3A_297 = arith.constant 0 : i32
    %add3A_298 = arith.addi %sub3A_296, %add3A_297 : i32
    %dma_wait3A_299 = arith.constant 0 : i32
    %dma_wait3A_300 = tpu.memref_slice %arg8[%add3A_298, %dma_wait3A_299] : memref<80x128xi32, #tpu.memory_space<vmem>> -> memref<1x128xi32, #tpu.memory_space<vmem>>
    %dma_wait3A_301 = tpu.memref_squeeze %dma_wait3A_300 : memref<1x128xi32, #tpu.memory_space<vmem>> -> memref<128xi32, #tpu.memory_space<vmem>>
    %dma_wait3A_302 = arith.constant 0 : i32
    %dma_wait3A_303 = arith.constant 0 : i32
    %dma_wait3A_304 = tpu.memref_slice %arg3[%dma_wait3A_302, %dma_wait3A_303] : memref<10240x64xf32, #tpu.memory_space<hbm>> -> memref<10240x64xf32, #tpu.memory_space<hbm>>
    tpu.wait_indirect_dma semaphore(%arg16 : memref<!tpu.dma_semaphore, #tpu.memory_space<semaphore_mem>>) src(%dma_wait3A_304 : memref<10240x64xf32, #tpu.memory_space<hbm>>) dst(%arg10 : memref<128x64xf32, #tpu.memory_space<vmem>>)
    %add3A_305 = arith.constant 0 : i32
    %add3A_306 = arith.addi %sub3A_296, %add3A_305 : i32
    %dma_start3A_307 = arith.constant 0 : i32
    %dma_start3A_308 = tpu.memref_slice %arg9[%add3A_306, %dma_start3A_307] : memref<80x128xi32, #tpu.memory_space<vmem>> -> memref<1x128xi32, #tpu.memory_space<vmem>>
    %dma_start3A_309 = tpu.memref_squeeze %dma_start3A_308 : memref<1x128xi32, #tpu.memory_space<vmem>> -> memref<128xi32, #tpu.memory_space<vmem>>
    %dma_start3A_310 = arith.constant 0 : i32
    %dma_start3A_311 = arith.constant 0 : i32
    %dma_start3A_312 = tpu.memref_slice %arg15[%dma_start3A_310, %dma_start3A_311] : memref<10240x64xf32, #tpu.memory_space<vmem_shared>> -> memref<10240x64xf32, #tpu.memory_space<vmem_shared>>
    tpu.enqueue_indirect_dma source(%arg10 : memref<128x64xf32, #tpu.memory_space<vmem>>) target(%dma_start3A_312 : memref<10240x64xf32, #tpu.memory_space<vmem_shared>>) offsets(%dma_start3A_309 : memref<128xi32, #tpu.memory_space<vmem>>) semaphore(%arg21 : memref<!tpu.dma_semaphore, #tpu.memory_space<semaphore_mem>>) {add = true}
    %add3A_313 = arith.constant 1 : i32
    %add3A_314 = arith.addi %sub3A_296, %add3A_313 : i32
    %dma_wait3A_315 = arith.constant 0 : i32
    %dma_wait3A_316 = tpu.memref_slice %arg8[%add3A_314, %dma_wait3A_315] : memref<80x128xi32, #tpu.memory_space<vmem>> -> memref<1x128xi32, #tpu.memory_space<vmem>>
    %dma_wait3A_317 = tpu.memref_squeeze %dma_wait3A_316 : memref<1x128xi32, #tpu.memory_space<vmem>> -> memref<128xi32, #tpu.memory_space<vmem>>
    %dma_wait3A_318 = arith.constant 0 : i32
    %dma_wait3A_319 = arith.constant 0 : i32
    %dma_wait3A_320 = tpu.memref_slice %arg3[%dma_wait3A_318, %dma_wait3A_319] : memref<10240x64xf32, #tpu.memory_space<hbm>> -> memref<10240x64xf32, #tpu.memory_space<hbm>>
    tpu.wait_indirect_dma semaphore(%arg17 : memref<!tpu.dma_semaphore, #tpu.memory_space<semaphore_mem>>) src(%dma_wait3A_320 : memref<10240x64xf32, #tpu.memory_space<hbm>>) dst(%arg11 : memref<128x64xf32, #tpu.memory_space<vmem>>)
    %add3A_321 = arith.constant 1 : i32
    %add3A_322 = arith.addi %sub3A_296, %add3A_321 : i32
    %dma_start3A_323 = arith.constant 0 : i32
    %dma_start3A_324 = tpu.memref_slice %arg9[%add3A_322, %dma_start3A_323] : memref<80x128xi32, #tpu.memory_space<vmem>> -> memref<1x128xi32, #tpu.memory_space<vmem>>
    %dma_start3A_325 = tpu.memref_squeeze %dma_start3A_324 : memref<1x128xi32, #tpu.memory_space<vmem>> -> memref<128xi32, #tpu.memory_space<vmem>>
    %dma_start3A_326 = arith.constant 0 : i32
    %dma_start3A_327 = arith.constant 0 : i32
    %dma_start3A_328 = tpu.memref_slice %arg15[%dma_start3A_326, %dma_start3A_327] : memref<10240x64xf32, #tpu.memory_space<vmem_shared>> -> memref<10240x64xf32, #tpu.memory_space<vmem_shared>>
    tpu.enqueue_indirect_dma source(%arg11 : memref<128x64xf32, #tpu.memory_space<vmem>>) target(%dma_start3A_328 : memref<10240x64xf32, #tpu.memory_space<vmem_shared>>) offsets(%dma_start3A_325 : memref<128xi32, #tpu.memory_space<vmem>>) semaphore(%arg22 : memref<!tpu.dma_semaphore, #tpu.memory_space<semaphore_mem>>) {add = true}
    %add3A_329 = arith.constant 2 : i32
    %add3A_330 = arith.addi %sub3A_296, %add3A_329 : i32
    %dma_wait3A_331 = arith.constant 0 : i32
    %dma_wait3A_332 = tpu.memref_slice %arg8[%add3A_330, %dma_wait3A_331] : memref<80x128xi32, #tpu.memory_space<vmem>> -> memref<1x128xi32, #tpu.memory_space<vmem>>
    %dma_wait3A_333 = tpu.memref_squeeze %dma_wait3A_332 : memref<1x128xi32, #tpu.memory_space<vmem>> -> memref<128xi32, #tpu.memory_space<vmem>>
    %dma_wait3A_334 = arith.constant 0 : i32
    %dma_wait3A_335 = arith.constant 0 : i32
    %dma_wait3A_336 = tpu.memref_slice %arg3[%dma_wait3A_334, %dma_wait3A_335] : memref<10240x64xf32, #tpu.memory_space<hbm>> -> memref<10240x64xf32, #tpu.memory_space<hbm>>
    tpu.wait_indirect_dma semaphore(%arg18 : memref<!tpu.dma_semaphore, #tpu.memory_space<semaphore_mem>>) src(%dma_wait3A_336 : memref<10240x64xf32, #tpu.memory_space<hbm>>) dst(%arg12 : memref<128x64xf32, #tpu.memory_space<vmem>>)
    %add3A_337 = arith.constant 2 : i32
    %add3A_338 = arith.addi %sub3A_296, %add3A_337 : i32
    %dma_start3A_339 = arith.constant 0 : i32
    %dma_start3A_340 = tpu.memref_slice %arg9[%add3A_338, %dma_start3A_339] : memref<80x128xi32, #tpu.memory_space<vmem>> -> memref<1x128xi32, #tpu.memory_space<vmem>>
    %dma_start3A_341 = tpu.memref_squeeze %dma_start3A_340 : memref<1x128xi32, #tpu.memory_space<vmem>> -> memref<128xi32, #tpu.memory_space<vmem>>
    %dma_start3A_342 = arith.constant 0 : i32
    %dma_start3A_343 = arith.constant 0 : i32
    %dma_start3A_344 = tpu.memref_slice %arg15[%dma_start3A_342, %dma_start3A_343] : memref<10240x64xf32, #tpu.memory_space<vmem_shared>> -> memref<10240x64xf32, #tpu.memory_space<vmem_shared>>
    tpu.enqueue_indirect_dma source(%arg12 : memref<128x64xf32, #tpu.memory_space<vmem>>) target(%dma_start3A_344 : memref<10240x64xf32, #tpu.memory_space<vmem_shared>>) offsets(%dma_start3A_341 : memref<128xi32, #tpu.memory_space<vmem>>) semaphore(%arg23 : memref<!tpu.dma_semaphore, #tpu.memory_space<semaphore_mem>>) {add = true}
    %add3A_345 = arith.constant 3 : i32
    %add3A_346 = arith.addi %sub3A_296, %add3A_345 : i32
    %dma_wait3A_347 = arith.constant 0 : i32
    %dma_wait3A_348 = tpu.memref_slice %arg8[%add3A_346, %dma_wait3A_347] : memref<80x128xi32, #tpu.memory_space<vmem>> -> memref<1x128xi32, #tpu.memory_space<vmem>>
    %dma_wait3A_349 = tpu.memref_squeeze %dma_wait3A_348 : memref<1x128xi32, #tpu.memory_space<vmem>> -> memref<128xi32, #tpu.memory_space<vmem>>
    %dma_wait3A_350 = arith.constant 0 : i32
    %dma_wait3A_351 = arith.constant 0 : i32
    %dma_wait3A_352 = tpu.memref_slice %arg3[%dma_wait3A_350, %dma_wait3A_351] : memref<10240x64xf32, #tpu.memory_space<hbm>> -> memref<10240x64xf32, #tpu.memory_space<hbm>>
    tpu.wait_indirect_dma semaphore(%arg19 : memref<!tpu.dma_semaphore, #tpu.memory_space<semaphore_mem>>) src(%dma_wait3A_352 : memref<10240x64xf32, #tpu.memory_space<hbm>>) dst(%arg13 : memref<128x64xf32, #tpu.memory_space<vmem>>)
    %add3A_353 = arith.constant 3 : i32
    %add3A_354 = arith.addi %sub3A_296, %add3A_353 : i32
    %dma_start3A_355 = arith.constant 0 : i32
    %dma_start3A_356 = tpu.memref_slice %arg9[%add3A_354, %dma_start3A_355] : memref<80x128xi32, #tpu.memory_space<vmem>> -> memref<1x128xi32, #tpu.memory_space<vmem>>
    %dma_start3A_357 = tpu.memref_squeeze %dma_start3A_356 : memref<1x128xi32, #tpu.memory_space<vmem>> -> memref<128xi32, #tpu.memory_space<vmem>>
    %dma_start3A_358 = arith.constant 0 : i32
    %dma_start3A_359 = arith.constant 0 : i32
    %dma_start3A_360 = tpu.memref_slice %arg15[%dma_start3A_358, %dma_start3A_359] : memref<10240x64xf32, #tpu.memory_space<vmem_shared>> -> memref<10240x64xf32, #tpu.memory_space<vmem_shared>>
    tpu.enqueue_indirect_dma source(%arg13 : memref<128x64xf32, #tpu.memory_space<vmem>>) target(%dma_start3A_360 : memref<10240x64xf32, #tpu.memory_space<vmem_shared>>) offsets(%dma_start3A_357 : memref<128xi32, #tpu.memory_space<vmem>>) semaphore(%arg24 : memref<!tpu.dma_semaphore, #tpu.memory_space<semaphore_mem>>) {add = true}
    %add3A_361 = arith.constant 4 : i32
    %add3A_362 = arith.addi %sub3A_296, %add3A_361 : i32
    %dma_wait3A_363 = arith.constant 0 : i32
    %dma_wait3A_364 = tpu.memref_slice %arg8[%add3A_362, %dma_wait3A_363] : memref<80x128xi32, #tpu.memory_space<vmem>> -> memref<1x128xi32, #tpu.memory_space<vmem>>
    %dma_wait3A_365 = tpu.memref_squeeze %dma_wait3A_364 : memref<1x128xi32, #tpu.memory_space<vmem>> -> memref<128xi32, #tpu.memory_space<vmem>>
    %dma_wait3A_366 = arith.constant 0 : i32
    %dma_wait3A_367 = arith.constant 0 : i32
    %dma_wait3A_368 = tpu.memref_slice %arg3[%dma_wait3A_366, %dma_wait3A_367] : memref<10240x64xf32, #tpu.memory_space<hbm>> -> memref<10240x64xf32, #tpu.memory_space<hbm>>
    tpu.wait_indirect_dma semaphore(%arg20 : memref<!tpu.dma_semaphore, #tpu.memory_space<semaphore_mem>>) src(%dma_wait3A_368 : memref<10240x64xf32, #tpu.memory_space<hbm>>) dst(%arg14 : memref<128x64xf32, #tpu.memory_space<vmem>>)
    %add3A_369 = arith.constant 4 : i32
    %add3A_370 = arith.addi %sub3A_296, %add3A_369 : i32
    %dma_start3A_371 = arith.constant 0 : i32
    %dma_start3A_372 = tpu.memref_slice %arg9[%add3A_370, %dma_start3A_371] : memref<80x128xi32, #tpu.memory_space<vmem>> -> memref<1x128xi32, #tpu.memory_space<vmem>>
    %dma_start3A_373 = tpu.memref_squeeze %dma_start3A_372 : memref<1x128xi32, #tpu.memory_space<vmem>> -> memref<128xi32, #tpu.memory_space<vmem>>
    %dma_start3A_374 = arith.constant 0 : i32
    %dma_start3A_375 = arith.constant 0 : i32
    %dma_start3A_376 = tpu.memref_slice %arg15[%dma_start3A_374, %dma_start3A_375] : memref<10240x64xf32, #tpu.memory_space<vmem_shared>> -> memref<10240x64xf32, #tpu.memory_space<vmem_shared>>
    tpu.enqueue_indirect_dma source(%arg14 : memref<128x64xf32, #tpu.memory_space<vmem>>) target(%dma_start3A_376 : memref<10240x64xf32, #tpu.memory_space<vmem_shared>>) offsets(%dma_start3A_373 : memref<128xi32, #tpu.memory_space<vmem>>) semaphore(%arg25 : memref<!tpu.dma_semaphore, #tpu.memory_space<semaphore_mem>>) {add = true}
    %add3A_377 = arith.constant 0 : i32
    %add3A_378 = arith.addi %sub3A_296, %add3A_377 : i32
    %dma_wait3A_379 = arith.constant 0 : i32
    %dma_wait3A_380 = tpu.memref_slice %arg9[%add3A_378, %dma_wait3A_379] : memref<80x128xi32, #tpu.memory_space<vmem>> -> memref<1x128xi32, #tpu.memory_space<vmem>>
    %dma_wait3A_381 = tpu.memref_squeeze %dma_wait3A_380 : memref<1x128xi32, #tpu.memory_space<vmem>> -> memref<128xi32, #tpu.memory_space<vmem>>
    %dma_wait3A_382 = arith.constant 0 : i32
    %dma_wait3A_383 = arith.constant 0 : i32
    %dma_wait3A_384 = tpu.memref_slice %arg15[%dma_wait3A_382, %dma_wait3A_383] : memref<10240x64xf32, #tpu.memory_space<vmem_shared>> -> memref<10240x64xf32, #tpu.memory_space<vmem_shared>>
    tpu.wait_indirect_dma semaphore(%arg21 : memref<!tpu.dma_semaphore, #tpu.memory_space<semaphore_mem>>) src(%arg10 : memref<128x64xf32, #tpu.memory_space<vmem>>) dst(%dma_wait3A_384 : memref<10240x64xf32, #tpu.memory_space<vmem_shared>>)
    %add3A_385 = arith.constant 1 : i32
    %add3A_386 = arith.addi %sub3A_296, %add3A_385 : i32
    %dma_wait3A_387 = arith.constant 0 : i32
    %dma_wait3A_388 = tpu.memref_slice %arg9[%add3A_386, %dma_wait3A_387] : memref<80x128xi32, #tpu.memory_space<vmem>> -> memref<1x128xi32, #tpu.memory_space<vmem>>
    %dma_wait3A_389 = tpu.memref_squeeze %dma_wait3A_388 : memref<1x128xi32, #tpu.memory_space<vmem>> -> memref<128xi32, #tpu.memory_space<vmem>>
    %dma_wait3A_390 = arith.constant 0 : i32
    %dma_wait3A_391 = arith.constant 0 : i32
    %dma_wait3A_392 = tpu.memref_slice %arg15[%dma_wait3A_390, %dma_wait3A_391] : memref<10240x64xf32, #tpu.memory_space<vmem_shared>> -> memref<10240x64xf32, #tpu.memory_space<vmem_shared>>
    tpu.wait_indirect_dma semaphore(%arg22 : memref<!tpu.dma_semaphore, #tpu.memory_space<semaphore_mem>>) src(%arg11 : memref<128x64xf32, #tpu.memory_space<vmem>>) dst(%dma_wait3A_392 : memref<10240x64xf32, #tpu.memory_space<vmem_shared>>)
    %add3A_393 = arith.constant 2 : i32
    %add3A_394 = arith.addi %sub3A_296, %add3A_393 : i32
    %dma_wait3A_395 = arith.constant 0 : i32
    %dma_wait3A_396 = tpu.memref_slice %arg9[%add3A_394, %dma_wait3A_395] : memref<80x128xi32, #tpu.memory_space<vmem>> -> memref<1x128xi32, #tpu.memory_space<vmem>>
    %dma_wait3A_397 = tpu.memref_squeeze %dma_wait3A_396 : memref<1x128xi32, #tpu.memory_space<vmem>> -> memref<128xi32, #tpu.memory_space<vmem>>
    %dma_wait3A_398 = arith.constant 0 : i32
    %dma_wait3A_399 = arith.constant 0 : i32
    %dma_wait3A_400 = tpu.memref_slice %arg15[%dma_wait3A_398, %dma_wait3A_399] : memref<10240x64xf32, #tpu.memory_space<vmem_shared>> -> memref<10240x64xf32, #tpu.memory_space<vmem_shared>>
    tpu.wait_indirect_dma semaphore(%arg23 : memref<!tpu.dma_semaphore, #tpu.memory_space<semaphore_mem>>) src(%arg12 : memref<128x64xf32, #tpu.memory_space<vmem>>) dst(%dma_wait3A_400 : memref<10240x64xf32, #tpu.memory_space<vmem_shared>>)
    %add3A_401 = arith.constant 3 : i32
    %add3A_402 = arith.addi %sub3A_296, %add3A_401 : i32
    %dma_wait3A_403 = arith.constant 0 : i32
    %dma_wait3A_404 = tpu.memref_slice %arg9[%add3A_402, %dma_wait3A_403] : memref<80x128xi32, #tpu.memory_space<vmem>> -> memref<1x128xi32, #tpu.memory_space<vmem>>
    %dma_wait3A_405 = tpu.memref_squeeze %dma_wait3A_404 : memref<1x128xi32, #tpu.memory_space<vmem>> -> memref<128xi32, #tpu.memory_space<vmem>>
    %dma_wait3A_406 = arith.constant 0 : i32
    %dma_wait3A_407 = arith.constant 0 : i32
    %dma_wait3A_408 = tpu.memref_slice %arg15[%dma_wait3A_406, %dma_wait3A_407] : memref<10240x64xf32, #tpu.memory_space<vmem_shared>> -> memref<10240x64xf32, #tpu.memory_space<vmem_shared>>
    tpu.wait_indirect_dma semaphore(%arg24 : memref<!tpu.dma_semaphore, #tpu.memory_space<semaphore_mem>>) src(%arg13 : memref<128x64xf32, #tpu.memory_space<vmem>>) dst(%dma_wait3A_408 : memref<10240x64xf32, #tpu.memory_space<vmem_shared>>)
    %add3A_409 = arith.constant 4 : i32
    %add3A_410 = arith.addi %sub3A_296, %add3A_409 : i32
    %dma_wait3A_411 = arith.constant 0 : i32
    %dma_wait3A_412 = tpu.memref_slice %arg9[%add3A_410, %dma_wait3A_411] : memref<80x128xi32, #tpu.memory_space<vmem>> -> memref<1x128xi32, #tpu.memory_space<vmem>>
    %dma_wait3A_413 = tpu.memref_squeeze %dma_wait3A_412 : memref<1x128xi32, #tpu.memory_space<vmem>> -> memref<128xi32, #tpu.memory_space<vmem>>
    %dma_wait3A_414 = arith.constant 0 : i32
    %dma_wait3A_415 = arith.constant 0 : i32
    %dma_wait3A_416 = tpu.memref_slice %arg15[%dma_wait3A_414, %dma_wait3A_415] : memref<10240x64xf32, #tpu.memory_space<vmem_shared>> -> memref<10240x64xf32, #tpu.memory_space<vmem_shared>>
    tpu.wait_indirect_dma semaphore(%arg25 : memref<!tpu.dma_semaphore, #tpu.memory_space<semaphore_mem>>) src(%arg14 : memref<128x64xf32, #tpu.memory_space<vmem>>) dst(%dma_wait3A_416 : memref<10240x64xf32, #tpu.memory_space<vmem_shared>>)
    %barrier3A_417 = arith.constant 0 : index
    tpu.barrier barrier_id(%barrier3A_417)
    "tpu.region"() ({
      %run_scoped3A = tpu.sem_alloc : memref<!tpu.dma_semaphore, #tpu.memory_space<semaphore_mem>>
      %dma_start3A_418 = arith.constant 0 : i32
      %dma_start3A_419 = tpu.memref_slice %arg7[%arg0, %mul3A_0, %dma_start3A_418] : memref<2x10240x64xf32, #tpu.memory_space<hbm>> -> memref<1x640x64xf32, #tpu.memory_space<hbm>>
      %dma_start3A_420 = tpu.memref_squeeze %dma_start3A_419 : memref<1x640x64xf32, #tpu.memory_space<hbm>> -> memref<640x64xf32, #tpu.memory_space<hbm>>
      %dma_start3A_421 = arith.constant 0 : i32
      %dma_start3A_422 = tpu.memref_slice %arg15[%mul3A_0, %dma_start3A_421] : memref<10240x64xf32, #tpu.memory_space<vmem_shared>> -> memref<640x64xf32, #tpu.memory_space<vmem_shared>>
      tpu.enqueue_dma source(%dma_start3A_422 : memref<640x64xf32, #tpu.memory_space<vmem_shared>>) target(%dma_start3A_420 : memref<640x64xf32, #tpu.memory_space<hbm>>) target_semaphore(%run_scoped3A : memref<!tpu.dma_semaphore, #tpu.memory_space<semaphore_mem>>)
      %dma_wait3A_423 = arith.constant 0 : i32
      %dma_wait3A_424 = tpu.memref_slice %arg7[%arg0, %mul3A_0, %dma_wait3A_423] : memref<2x10240x64xf32, #tpu.memory_space<hbm>> -> memref<1x640x64xf32, #tpu.memory_space<hbm>>
      %dma_wait3A_425 = tpu.memref_squeeze %dma_wait3A_424 : memref<1x640x64xf32, #tpu.memory_space<hbm>> -> memref<640x64xf32, #tpu.memory_space<hbm>>
      %dma_wait3A_426 = arith.constant 0 : i32
      %dma_wait3A_427 = tpu.memref_slice %arg15[%mul3A_0, %dma_wait3A_426] : memref<10240x64xf32, #tpu.memory_space<vmem_shared>> -> memref<640x64xf32, #tpu.memory_space<vmem_shared>>
      tpu.wait_dma2 semaphore(%run_scoped3A : memref<!tpu.dma_semaphore, #tpu.memory_space<semaphore_mem>>) src(%dma_wait3A_427 : memref<640x64xf32, #tpu.memory_space<vmem_shared>>) dst(%dma_wait3A_425 : memref<640x64xf32, #tpu.memory_space<hbm>>)
      tpu.yield
    }) : () -> ()
    return
  }
}

#map = affine_map<(d0, d1) -> (0, 0)>
#map1 = affine_map<(d0, d1) -> (0, 0, 0)>
module attributes {stable_mosaic.version = 14 : i64} {
  func.func @_agg64(%arg0: i32, %arg1: i32, %arg2: memref<10240x64xf32, #tpu.memory_space<hbm>>, %arg3: memref<2x2500x128xi32, #tpu.memory_space<hbm>>, %arg4: memref<10240x64xf32, #tpu.memory_space<hbm>>, %arg5: memref<2x10240x64xf32, #tpu.memory_space<hbm>>, %arg6: memref<80x128xi32, #tpu.memory_space<vmem>>, %arg7: memref<80x128xi32, #tpu.memory_space<vmem>>, %arg8: memref<128x64xf32, #tpu.memory_space<vmem>>, %arg9: memref<128x64xf32, #tpu.memory_space<vmem>>, %arg10: memref<128x64xf32, #tpu.memory_space<vmem>>, %arg11: memref<128x64xf32, #tpu.memory_space<vmem>>, %arg12: memref<128x64xf32, #tpu.memory_space<vmem>>, %arg13: memref<10240x64xf32, #tpu.memory_space<vmem_shared>>, %arg14: memref<!tpu.dma_semaphore, #tpu.memory_space<semaphore_mem>>, %arg15: memref<!tpu.dma_semaphore, #tpu.memory_space<semaphore_mem>>, %arg16: memref<!tpu.dma_semaphore, #tpu.memory_space<semaphore_mem>>, %arg17: memref<!tpu.dma_semaphore, #tpu.memory_space<semaphore_mem>>, %arg18: memref<!tpu.dma_semaphore, #tpu.memory_space<semaphore_mem>>, %arg19: memref<!tpu.dma_semaphore, #tpu.memory_space<semaphore_mem>>, %arg20: memref<!tpu.dma_semaphore, #tpu.memory_space<semaphore_mem>>, %arg21: memref<!tpu.dma_semaphore, #tpu.memory_space<semaphore_mem>>, %arg22: memref<!tpu.dma_semaphore, #tpu.memory_space<semaphore_mem>>, %arg23: memref<!tpu.dma_semaphore, #tpu.memory_space<semaphore_mem>>) attributes {dimension_semantics = [#tpu.dimension_semantics<core_parallel>, #tpu.dimension_semantics<subcore_parallel>], iteration_bounds = array<i64: 2, 16>, scalar_prefetch = 0 : i64, scratch_operands = 18 : i64, tpu.core_type = #tpu.core_type<sc_vector_subcore>, window_params = [{transform_indices = #map}, {transform_indices = #map1}, {transform_indices = #map}, {transform_indices = #map1}]} {
    %mul3A = arith.constant 640 : i32
    %mul3A_0 = arith.muli %arg1, %mul3A : i32
    %mul3A_1 = arith.constant 16 : i32
    %mul3A_2 = arith.muli %arg0, %mul3A_1 : i32
    %add3A = arith.addi %mul3A_2, %arg1 : i32
    %mul3A_3 = arith.constant 80 : i32
    %mul3A_4 = arith.muli %add3A, %mul3A_3 : i32
    %eq3A = arith.constant 31 : i32
    %eq3A_5 = arith.cmpi eq, %add3A, %eq3A : i32
    %convert_element_type3A = arith.extui %eq3A_5 : i1 to i32
    %cond3A = arith.constant 0 : i32
    %cond3A_6 = arith.constant 1 : i32
    %cond3A_7 = arith.constant 0 : i32
    %cond3A_8 = arith.cmpi ne, %convert_element_type3A, %cond3A_7 : i32
    scf.if %cond3A_8 {
      "tpu.region"() ({
        %run_scoped3A = tpu.sem_alloc : memref<!tpu.dma_semaphore, #tpu.memory_space<semaphore_mem>>
        %dma_start3A_213 = arith.constant 0 : i32
        %dma_start3A_214 = arith.constant 0 : i32
        %dma_start3A_215 = tpu.memref_slice %arg6[%dma_start3A_213, %dma_start3A_214] : memref<80x128xi32, #tpu.memory_space<vmem>> -> memref<20x128xi32, #tpu.memory_space<vmem>>
        %dma_start3A_216 = arith.constant 0 : i32
        %dma_start3A_217 = arith.constant 0 : i32
        %dma_start3A_218 = tpu.memref_slice %arg3[%cond3A, %dma_start3A_216, %dma_start3A_217] : memref<2x2500x128xi32, #tpu.memory_space<hbm>> -> memref<1x2500x128xi32, #tpu.memory_space<hbm>>
        %dma_start3A_219 = tpu.memref_squeeze %dma_start3A_218 : memref<1x2500x128xi32, #tpu.memory_space<hbm>> -> memref<2500x128xi32, #tpu.memory_space<hbm>>
        %dma_start3A_220 = arith.constant 0 : i32
        %dma_start3A_221 = tpu.memref_slice %dma_start3A_219[%mul3A_4, %dma_start3A_220] : memref<2500x128xi32, #tpu.memory_space<hbm>> -> memref<20x128xi32, #tpu.memory_space<hbm>>
        %dma_start3A_222 = arith.constant 0 : i32
        %dma_start3A_223 = arith.constant 0 : i32
        %dma_start3A_224 = tpu.memref_slice %arg6[%dma_start3A_222, %dma_start3A_223] : memref<80x128xi32, #tpu.memory_space<vmem>> -> memref<20x128xi32, #tpu.memory_space<vmem>>
        %dma_start3A_225 = arith.constant 0 : i32
        %dma_start3A_226 = arith.constant 0 : i32
        %dma_start3A_227 = tpu.memref_slice %arg3[%cond3A, %dma_start3A_225, %dma_start3A_226] : memref<2x2500x128xi32, #tpu.memory_space<hbm>> -> memref<1x2500x128xi32, #tpu.memory_space<hbm>>
        %dma_start3A_228 = tpu.memref_squeeze %dma_start3A_227 : memref<1x2500x128xi32, #tpu.memory_space<hbm>> -> memref<2500x128xi32, #tpu.memory_space<hbm>>
        %dma_start3A_229 = arith.constant 0 : i32
        %dma_start3A_230 = tpu.memref_slice %dma_start3A_228[%mul3A_4, %dma_start3A_229] : memref<2500x128xi32, #tpu.memory_space<hbm>> -> memref<20x128xi32, #tpu.memory_space<hbm>>
        tpu.enqueue_dma source(%dma_start3A_230 : memref<20x128xi32, #tpu.memory_space<hbm>>) target(%dma_start3A_224 : memref<20x128xi32, #tpu.memory_space<vmem>>) target_semaphore(%run_scoped3A : memref<!tpu.dma_semaphore, #tpu.memory_space<semaphore_mem>>)
        %dma_wait3A_231 = arith.constant 0 : i32
        %dma_wait3A_232 = arith.constant 0 : i32
        %dma_wait3A_233 = tpu.memref_slice %arg6[%dma_wait3A_231, %dma_wait3A_232] : memref<80x128xi32, #tpu.memory_space<vmem>> -> memref<20x128xi32, #tpu.memory_space<vmem>>
        %dma_wait3A_234 = arith.constant 0 : i32
        %dma_wait3A_235 = arith.constant 0 : i32
        %dma_wait3A_236 = tpu.memref_slice %arg3[%cond3A, %dma_wait3A_234, %dma_wait3A_235] : memref<2x2500x128xi32, #tpu.memory_space<hbm>> -> memref<1x2500x128xi32, #tpu.memory_space<hbm>>
        %dma_wait3A_237 = tpu.memref_squeeze %dma_wait3A_236 : memref<1x2500x128xi32, #tpu.memory_space<hbm>> -> memref<2500x128xi32, #tpu.memory_space<hbm>>
        %dma_wait3A_238 = arith.constant 0 : i32
        %dma_wait3A_239 = tpu.memref_slice %dma_wait3A_237[%mul3A_4, %dma_wait3A_238] : memref<2500x128xi32, #tpu.memory_space<hbm>> -> memref<20x128xi32, #tpu.memory_space<hbm>>
        %dma_wait3A_240 = arith.constant 0 : i32
        %dma_wait3A_241 = arith.constant 0 : i32
        %dma_wait3A_242 = tpu.memref_slice %arg6[%dma_wait3A_240, %dma_wait3A_241] : memref<80x128xi32, #tpu.memory_space<vmem>> -> memref<20x128xi32, #tpu.memory_space<vmem>>
        %dma_wait3A_243 = arith.constant 0 : i32
        %dma_wait3A_244 = arith.constant 0 : i32
        %dma_wait3A_245 = tpu.memref_slice %arg3[%cond3A, %dma_wait3A_243, %dma_wait3A_244] : memref<2x2500x128xi32, #tpu.memory_space<hbm>> -> memref<1x2500x128xi32, #tpu.memory_space<hbm>>
        %dma_wait3A_246 = tpu.memref_squeeze %dma_wait3A_245 : memref<1x2500x128xi32, #tpu.memory_space<hbm>> -> memref<2500x128xi32, #tpu.memory_space<hbm>>
        %dma_wait3A_247 = arith.constant 0 : i32
        %dma_wait3A_248 = tpu.memref_slice %dma_wait3A_246[%mul3A_4, %dma_wait3A_247] : memref<2500x128xi32, #tpu.memory_space<hbm>> -> memref<20x128xi32, #tpu.memory_space<hbm>>
        tpu.wait_dma2 semaphore(%run_scoped3A : memref<!tpu.dma_semaphore, #tpu.memory_space<semaphore_mem>>) src(%dma_wait3A_248 : memref<20x128xi32, #tpu.memory_space<hbm>>) dst(%dma_wait3A_242 : memref<20x128xi32, #tpu.memory_space<vmem>>)
        tpu.yield
      }) : () -> ()
      "tpu.region"() ({
        %run_scoped3A = tpu.sem_alloc : memref<!tpu.dma_semaphore, #tpu.memory_space<semaphore_mem>>
        %dma_start3A_213 = arith.constant 0 : i32
        %dma_start3A_214 = arith.constant 0 : i32
        %dma_start3A_215 = tpu.memref_slice %arg7[%dma_start3A_213, %dma_start3A_214] : memref<80x128xi32, #tpu.memory_space<vmem>> -> memref<20x128xi32, #tpu.memory_space<vmem>>
        %dma_start3A_216 = arith.constant 0 : i32
        %dma_start3A_217 = arith.constant 0 : i32
        %dma_start3A_218 = tpu.memref_slice %arg3[%cond3A_6, %dma_start3A_216, %dma_start3A_217] : memref<2x2500x128xi32, #tpu.memory_space<hbm>> -> memref<1x2500x128xi32, #tpu.memory_space<hbm>>
        %dma_start3A_219 = tpu.memref_squeeze %dma_start3A_218 : memref<1x2500x128xi32, #tpu.memory_space<hbm>> -> memref<2500x128xi32, #tpu.memory_space<hbm>>
        %dma_start3A_220 = arith.constant 0 : i32
        %dma_start3A_221 = tpu.memref_slice %dma_start3A_219[%mul3A_4, %dma_start3A_220] : memref<2500x128xi32, #tpu.memory_space<hbm>> -> memref<20x128xi32, #tpu.memory_space<hbm>>
        %dma_start3A_222 = arith.constant 0 : i32
        %dma_start3A_223 = arith.constant 0 : i32
        %dma_start3A_224 = tpu.memref_slice %arg7[%dma_start3A_222, %dma_start3A_223] : memref<80x128xi32, #tpu.memory_space<vmem>> -> memref<20x128xi32, #tpu.memory_space<vmem>>
        %dma_start3A_225 = arith.constant 0 : i32
        %dma_start3A_226 = arith.constant 0 : i32
        %dma_start3A_227 = tpu.memref_slice %arg3[%cond3A_6, %dma_start3A_225, %dma_start3A_226] : memref<2x2500x128xi32, #tpu.memory_space<hbm>> -> memref<1x2500x128xi32, #tpu.memory_space<hbm>>
        %dma_start3A_228 = tpu.memref_squeeze %dma_start3A_227 : memref<1x2500x128xi32, #tpu.memory_space<hbm>> -> memref<2500x128xi32, #tpu.memory_space<hbm>>
        %dma_start3A_229 = arith.constant 0 : i32
        %dma_start3A_230 = tpu.memref_slice %dma_start3A_228[%mul3A_4, %dma_start3A_229] : memref<2500x128xi32, #tpu.memory_space<hbm>> -> memref<20x128xi32, #tpu.memory_space<hbm>>
        tpu.enqueue_dma source(%dma_start3A_230 : memref<20x128xi32, #tpu.memory_space<hbm>>) target(%dma_start3A_224 : memref<20x128xi32, #tpu.memory_space<vmem>>) target_semaphore(%run_scoped3A : memref<!tpu.dma_semaphore, #tpu.memory_space<semaphore_mem>>)
        %dma_wait3A_231 = arith.constant 0 : i32
        %dma_wait3A_232 = arith.constant 0 : i32
        %dma_wait3A_233 = tpu.memref_slice %arg7[%dma_wait3A_231, %dma_wait3A_232] : memref<80x128xi32, #tpu.memory_space<vmem>> -> memref<20x128xi32, #tpu.memory_space<vmem>>
        %dma_wait3A_234 = arith.constant 0 : i32
        %dma_wait3A_235 = arith.constant 0 : i32
        %dma_wait3A_236 = tpu.memref_slice %arg3[%cond3A_6, %dma_wait3A_234, %dma_wait3A_235] : memref<2x2500x128xi32, #tpu.memory_space<hbm>> -> memref<1x2500x128xi32, #tpu.memory_space<hbm>>
        %dma_wait3A_237 = tpu.memref_squeeze %dma_wait3A_236 : memref<1x2500x128xi32, #tpu.memory_space<hbm>> -> memref<2500x128xi32, #tpu.memory_space<hbm>>
        %dma_wait3A_238 = arith.constant 0 : i32
        %dma_wait3A_239 = tpu.memref_slice %dma_wait3A_237[%mul3A_4, %dma_wait3A_238] : memref<2500x128xi32, #tpu.memory_space<hbm>> -> memref<20x128xi32, #tpu.memory_space<hbm>>
        %dma_wait3A_240 = arith.constant 0 : i32
        %dma_wait3A_241 = arith.constant 0 : i32
        %dma_wait3A_242 = tpu.memref_slice %arg7[%dma_wait3A_240, %dma_wait3A_241] : memref<80x128xi32, #tpu.memory_space<vmem>> -> memref<20x128xi32, #tpu.memory_space<vmem>>
        %dma_wait3A_243 = arith.constant 0 : i32
        %dma_wait3A_244 = arith.constant 0 : i32
        %dma_wait3A_245 = tpu.memref_slice %arg3[%cond3A_6, %dma_wait3A_243, %dma_wait3A_244] : memref<2x2500x128xi32, #tpu.memory_space<hbm>> -> memref<1x2500x128xi32, #tpu.memory_space<hbm>>
        %dma_wait3A_246 = tpu.memref_squeeze %dma_wait3A_245 : memref<1x2500x128xi32, #tpu.memory_space<hbm>> -> memref<2500x128xi32, #tpu.memory_space<hbm>>
        %dma_wait3A_247 = arith.constant 0 : i32
        %dma_wait3A_248 = tpu.memref_slice %dma_wait3A_246[%mul3A_4, %dma_wait3A_247] : memref<2500x128xi32, #tpu.memory_space<hbm>> -> memref<20x128xi32, #tpu.memory_space<hbm>>
        tpu.wait_dma2 semaphore(%run_scoped3A : memref<!tpu.dma_semaphore, #tpu.memory_space<semaphore_mem>>) src(%dma_wait3A_248 : memref<20x128xi32, #tpu.memory_space<hbm>>) dst(%dma_wait3A_242 : memref<20x128xi32, #tpu.memory_space<vmem>>)
        tpu.yield
      }) : () -> ()
    } else {
    }
    %ne3A = arith.constant 31 : i32
    %ne3A_9 = arith.cmpi ne, %add3A, %ne3A : i32
    %convert_element_type3A_10 = arith.extui %ne3A_9 : i1 to i32
    %cond3A_11 = arith.constant 0 : i32
    %cond3A_12 = arith.constant 1 : i32
    %cond3A_13 = arith.constant 0 : i32
    %cond3A_14 = arith.cmpi ne, %convert_element_type3A_10, %cond3A_13 : i32
    scf.if %cond3A_14 {
      "tpu.region"() ({
        %run_scoped3A = tpu.sem_alloc : memref<!tpu.dma_semaphore, #tpu.memory_space<semaphore_mem>>
        %dma_start3A_213 = arith.constant 0 : i32
        %dma_start3A_214 = arith.constant 0 : i32
        %dma_start3A_215 = tpu.memref_slice %arg3[%cond3A_11, %dma_start3A_213, %dma_start3A_214] : memref<2x2500x128xi32, #tpu.memory_space<hbm>> -> memref<1x2500x128xi32, #tpu.memory_space<hbm>>
        %dma_start3A_216 = tpu.memref_squeeze %dma_start3A_215 : memref<1x2500x128xi32, #tpu.memory_space<hbm>> -> memref<2500x128xi32, #tpu.memory_space<hbm>>
        %dma_start3A_217 = arith.constant 0 : i32
        %dma_start3A_218 = tpu.memref_slice %dma_start3A_216[%mul3A_4, %dma_start3A_217] : memref<2500x128xi32, #tpu.memory_space<hbm>> -> memref<80x128xi32, #tpu.memory_space<hbm>>
        %dma_start3A_219 = arith.constant 0 : i32
        %dma_start3A_220 = arith.constant 0 : i32
        %dma_start3A_221 = tpu.memref_slice %arg3[%cond3A_11, %dma_start3A_219, %dma_start3A_220] : memref<2x2500x128xi32, #tpu.memory_space<hbm>> -> memref<1x2500x128xi32, #tpu.memory_space<hbm>>
        %dma_start3A_222 = tpu.memref_squeeze %dma_start3A_221 : memref<1x2500x128xi32, #tpu.memory_space<hbm>> -> memref<2500x128xi32, #tpu.memory_space<hbm>>
        %dma_start3A_223 = arith.constant 0 : i32
        %dma_start3A_224 = tpu.memref_slice %dma_start3A_222[%mul3A_4, %dma_start3A_223] : memref<2500x128xi32, #tpu.memory_space<hbm>> -> memref<80x128xi32, #tpu.memory_space<hbm>>
        tpu.enqueue_dma source(%dma_start3A_224 : memref<80x128xi32, #tpu.memory_space<hbm>>) target(%arg6 : memref<80x128xi32, #tpu.memory_space<vmem>>) target_semaphore(%run_scoped3A : memref<!tpu.dma_semaphore, #tpu.memory_space<semaphore_mem>>)
        %dma_wait3A_225 = arith.constant 0 : i32
        %dma_wait3A_226 = arith.constant 0 : i32
        %dma_wait3A_227 = tpu.memref_slice %arg3[%cond3A_11, %dma_wait3A_225, %dma_wait3A_226] : memref<2x2500x128xi32, #tpu.memory_space<hbm>> -> memref<1x2500x128xi32, #tpu.memory_space<hbm>>
        %dma_wait3A_228 = tpu.memref_squeeze %dma_wait3A_227 : memref<1x2500x128xi32, #tpu.memory_space<hbm>> -> memref<2500x128xi32, #tpu.memory_space<hbm>>
        %dma_wait3A_229 = arith.constant 0 : i32
        %dma_wait3A_230 = tpu.memref_slice %dma_wait3A_228[%mul3A_4, %dma_wait3A_229] : memref<2500x128xi32, #tpu.memory_space<hbm>> -> memref<80x128xi32, #tpu.memory_space<hbm>>
        %dma_wait3A_231 = arith.constant 0 : i32
        %dma_wait3A_232 = arith.constant 0 : i32
        %dma_wait3A_233 = tpu.memref_slice %arg3[%cond3A_11, %dma_wait3A_231, %dma_wait3A_232] : memref<2x2500x128xi32, #tpu.memory_space<hbm>> -> memref<1x2500x128xi32, #tpu.memory_space<hbm>>
        %dma_wait3A_234 = tpu.memref_squeeze %dma_wait3A_233 : memref<1x2500x128xi32, #tpu.memory_space<hbm>> -> memref<2500x128xi32, #tpu.memory_space<hbm>>
        %dma_wait3A_235 = arith.constant 0 : i32
        %dma_wait3A_236 = tpu.memref_slice %dma_wait3A_234[%mul3A_4, %dma_wait3A_235] : memref<2500x128xi32, #tpu.memory_space<hbm>> -> memref<80x128xi32, #tpu.memory_space<hbm>>
        tpu.wait_dma2 semaphore(%run_scoped3A : memref<!tpu.dma_semaphore, #tpu.memory_space<semaphore_mem>>) src(%dma_wait3A_236 : memref<80x128xi32, #tpu.memory_space<hbm>>) dst(%arg6 : memref<80x128xi32, #tpu.memory_space<vmem>>)
        tpu.yield
      }) : () -> ()
      "tpu.region"() ({
        %run_scoped3A = tpu.sem_alloc : memref<!tpu.dma_semaphore, #tpu.memory_space<semaphore_mem>>
        %dma_start3A_213 = arith.constant 0 : i32
        %dma_start3A_214 = arith.constant 0 : i32
        %dma_start3A_215 = tpu.memref_slice %arg3[%cond3A_12, %dma_start3A_213, %dma_start3A_214] : memref<2x2500x128xi32, #tpu.memory_space<hbm>> -> memref<1x2500x128xi32, #tpu.memory_space<hbm>>
        %dma_start3A_216 = tpu.memref_squeeze %dma_start3A_215 : memref<1x2500x128xi32, #tpu.memory_space<hbm>> -> memref<2500x128xi32, #tpu.memory_space<hbm>>
        %dma_start3A_217 = arith.constant 0 : i32
        %dma_start3A_218 = tpu.memref_slice %dma_start3A_216[%mul3A_4, %dma_start3A_217] : memref<2500x128xi32, #tpu.memory_space<hbm>> -> memref<80x128xi32, #tpu.memory_space<hbm>>
        %dma_start3A_219 = arith.constant 0 : i32
        %dma_start3A_220 = arith.constant 0 : i32
        %dma_start3A_221 = tpu.memref_slice %arg3[%cond3A_12, %dma_start3A_219, %dma_start3A_220] : memref<2x2500x128xi32, #tpu.memory_space<hbm>> -> memref<1x2500x128xi32, #tpu.memory_space<hbm>>
        %dma_start3A_222 = tpu.memref_squeeze %dma_start3A_221 : memref<1x2500x128xi32, #tpu.memory_space<hbm>> -> memref<2500x128xi32, #tpu.memory_space<hbm>>
        %dma_start3A_223 = arith.constant 0 : i32
        %dma_start3A_224 = tpu.memref_slice %dma_start3A_222[%mul3A_4, %dma_start3A_223] : memref<2500x128xi32, #tpu.memory_space<hbm>> -> memref<80x128xi32, #tpu.memory_space<hbm>>
        tpu.enqueue_dma source(%dma_start3A_224 : memref<80x128xi32, #tpu.memory_space<hbm>>) target(%arg7 : memref<80x128xi32, #tpu.memory_space<vmem>>) target_semaphore(%run_scoped3A : memref<!tpu.dma_semaphore, #tpu.memory_space<semaphore_mem>>)
        %dma_wait3A_225 = arith.constant 0 : i32
        %dma_wait3A_226 = arith.constant 0 : i32
        %dma_wait3A_227 = tpu.memref_slice %arg3[%cond3A_12, %dma_wait3A_225, %dma_wait3A_226] : memref<2x2500x128xi32, #tpu.memory_space<hbm>> -> memref<1x2500x128xi32, #tpu.memory_space<hbm>>
        %dma_wait3A_228 = tpu.memref_squeeze %dma_wait3A_227 : memref<1x2500x128xi32, #tpu.memory_space<hbm>> -> memref<2500x128xi32, #tpu.memory_space<hbm>>
        %dma_wait3A_229 = arith.constant 0 : i32
        %dma_wait3A_230 = tpu.memref_slice %dma_wait3A_228[%mul3A_4, %dma_wait3A_229] : memref<2500x128xi32, #tpu.memory_space<hbm>> -> memref<80x128xi32, #tpu.memory_space<hbm>>
        %dma_wait3A_231 = arith.constant 0 : i32
        %dma_wait3A_232 = arith.constant 0 : i32
        %dma_wait3A_233 = tpu.memref_slice %arg3[%cond3A_12, %dma_wait3A_231, %dma_wait3A_232] : memref<2x2500x128xi32, #tpu.memory_space<hbm>> -> memref<1x2500x128xi32, #tpu.memory_space<hbm>>
        %dma_wait3A_234 = tpu.memref_squeeze %dma_wait3A_233 : memref<1x2500x128xi32, #tpu.memory_space<hbm>> -> memref<2500x128xi32, #tpu.memory_space<hbm>>
        %dma_wait3A_235 = arith.constant 0 : i32
        %dma_wait3A_236 = tpu.memref_slice %dma_wait3A_234[%mul3A_4, %dma_wait3A_235] : memref<2500x128xi32, #tpu.memory_space<hbm>> -> memref<80x128xi32, #tpu.memory_space<hbm>>
        tpu.wait_dma2 semaphore(%run_scoped3A : memref<!tpu.dma_semaphore, #tpu.memory_space<semaphore_mem>>) src(%dma_wait3A_236 : memref<80x128xi32, #tpu.memory_space<hbm>>) dst(%arg7 : memref<80x128xi32, #tpu.memory_space<vmem>>)
        tpu.yield
      }) : () -> ()
    } else {
    }
    %eq3A_15 = arith.constant 31 : i32
    %eq3A_16 = arith.cmpi eq, %add3A, %eq3A_15 : i32
    %select_n3A = arith.constant 80 : i32
    %select_n3A_17 = arith.constant 20 : i32
    %select_n3A_18 = arith.select %eq3A_16, %select_n3A_17, %select_n3A : i32
    %dma_start3A = arith.constant 0 : i32
    %dma_start3A_19 = arith.constant 0 : i32
    %dma_start3A_20 = tpu.memref_slice %arg6[%dma_start3A, %dma_start3A_19] : memref<80x128xi32, #tpu.memory_space<vmem>> -> memref<1x128xi32, #tpu.memory_space<vmem>>
    %dma_start3A_21 = tpu.memref_squeeze %dma_start3A_20 : memref<1x128xi32, #tpu.memory_space<vmem>> -> memref<128xi32, #tpu.memory_space<vmem>>
    %dma_start3A_22 = arith.constant 0 : i32
    %dma_start3A_23 = arith.constant 0 : i32
    %dma_start3A_24 = tpu.memref_slice %arg2[%dma_start3A_22, %dma_start3A_23] : memref<10240x64xf32, #tpu.memory_space<hbm>> -> memref<10240x64xf32, #tpu.memory_space<hbm>>
    tpu.enqueue_indirect_dma source(%dma_start3A_24 : memref<10240x64xf32, #tpu.memory_space<hbm>>) target(%arg8 : memref<128x64xf32, #tpu.memory_space<vmem>>) offsets(%dma_start3A_21 : memref<128xi32, #tpu.memory_space<vmem>>) semaphore(%arg14 : memref<!tpu.dma_semaphore, #tpu.memory_space<semaphore_mem>>)
    %dma_start3A_25 = arith.constant 1 : i32
    %dma_start3A_26 = arith.constant 0 : i32
    %dma_start3A_27 = tpu.memref_slice %arg6[%dma_start3A_25, %dma_start3A_26] : memref<80x128xi32, #tpu.memory_space<vmem>> -> memref<1x128xi32, #tpu.memory_space<vmem>>
    %dma_start3A_28 = tpu.memref_squeeze %dma_start3A_27 : memref<1x128xi32, #tpu.memory_space<vmem>> -> memref<128xi32, #tpu.memory_space<vmem>>
    %dma_start3A_29 = arith.constant 0 : i32
    %dma_start3A_30 = arith.constant 0 : i32
    %dma_start3A_31 = tpu.memref_slice %arg2[%dma_start3A_29, %dma_start3A_30] : memref<10240x64xf32, #tpu.memory_space<hbm>> -> memref<10240x64xf32, #tpu.memory_space<hbm>>
    tpu.enqueue_indirect_dma source(%dma_start3A_31 : memref<10240x64xf32, #tpu.memory_space<hbm>>) target(%arg9 : memref<128x64xf32, #tpu.memory_space<vmem>>) offsets(%dma_start3A_28 : memref<128xi32, #tpu.memory_space<vmem>>) semaphore(%arg15 : memref<!tpu.dma_semaphore, #tpu.memory_space<semaphore_mem>>)
    %dma_start3A_32 = arith.constant 2 : i32
    %dma_start3A_33 = arith.constant 0 : i32
    %dma_start3A_34 = tpu.memref_slice %arg6[%dma_start3A_32, %dma_start3A_33] : memref<80x128xi32, #tpu.memory_space<vmem>> -> memref<1x128xi32, #tpu.memory_space<vmem>>
    %dma_start3A_35 = tpu.memref_squeeze %dma_start3A_34 : memref<1x128xi32, #tpu.memory_space<vmem>> -> memref<128xi32, #tpu.memory_space<vmem>>
    %dma_start3A_36 = arith.constant 0 : i32
    %dma_start3A_37 = arith.constant 0 : i32
    %dma_start3A_38 = tpu.memref_slice %arg2[%dma_start3A_36, %dma_start3A_37] : memref<10240x64xf32, #tpu.memory_space<hbm>> -> memref<10240x64xf32, #tpu.memory_space<hbm>>
    tpu.enqueue_indirect_dma source(%dma_start3A_38 : memref<10240x64xf32, #tpu.memory_space<hbm>>) target(%arg10 : memref<128x64xf32, #tpu.memory_space<vmem>>) offsets(%dma_start3A_35 : memref<128xi32, #tpu.memory_space<vmem>>) semaphore(%arg16 : memref<!tpu.dma_semaphore, #tpu.memory_space<semaphore_mem>>)
    %dma_start3A_39 = arith.constant 3 : i32
    %dma_start3A_40 = arith.constant 0 : i32
    %dma_start3A_41 = tpu.memref_slice %arg6[%dma_start3A_39, %dma_start3A_40] : memref<80x128xi32, #tpu.memory_space<vmem>> -> memref<1x128xi32, #tpu.memory_space<vmem>>
    %dma_start3A_42 = tpu.memref_squeeze %dma_start3A_41 : memref<1x128xi32, #tpu.memory_space<vmem>> -> memref<128xi32, #tpu.memory_space<vmem>>
    %dma_start3A_43 = arith.constant 0 : i32
    %dma_start3A_44 = arith.constant 0 : i32
    %dma_start3A_45 = tpu.memref_slice %arg2[%dma_start3A_43, %dma_start3A_44] : memref<10240x64xf32, #tpu.memory_space<hbm>> -> memref<10240x64xf32, #tpu.memory_space<hbm>>
    tpu.enqueue_indirect_dma source(%dma_start3A_45 : memref<10240x64xf32, #tpu.memory_space<hbm>>) target(%arg11 : memref<128x64xf32, #tpu.memory_space<vmem>>) offsets(%dma_start3A_42 : memref<128xi32, #tpu.memory_space<vmem>>) semaphore(%arg17 : memref<!tpu.dma_semaphore, #tpu.memory_space<semaphore_mem>>)
    %dma_start3A_46 = arith.constant 4 : i32
    %dma_start3A_47 = arith.constant 0 : i32
    %dma_start3A_48 = tpu.memref_slice %arg6[%dma_start3A_46, %dma_start3A_47] : memref<80x128xi32, #tpu.memory_space<vmem>> -> memref<1x128xi32, #tpu.memory_space<vmem>>
    %dma_start3A_49 = tpu.memref_squeeze %dma_start3A_48 : memref<1x128xi32, #tpu.memory_space<vmem>> -> memref<128xi32, #tpu.memory_space<vmem>>
    %dma_start3A_50 = arith.constant 0 : i32
    %dma_start3A_51 = arith.constant 0 : i32
    %dma_start3A_52 = tpu.memref_slice %arg2[%dma_start3A_50, %dma_start3A_51] : memref<10240x64xf32, #tpu.memory_space<hbm>> -> memref<10240x64xf32, #tpu.memory_space<hbm>>
    tpu.enqueue_indirect_dma source(%dma_start3A_52 : memref<10240x64xf32, #tpu.memory_space<hbm>>) target(%arg12 : memref<128x64xf32, #tpu.memory_space<vmem>>) offsets(%dma_start3A_49 : memref<128xi32, #tpu.memory_space<vmem>>) semaphore(%arg18 : memref<!tpu.dma_semaphore, #tpu.memory_space<semaphore_mem>>)
    "tpu.region"() ({
      %run_scoped3A = tpu.sem_alloc : memref<!tpu.dma_semaphore, #tpu.memory_space<semaphore_mem>>
      %dma_start3A_213 = arith.constant 0 : i32
      %dma_start3A_214 = tpu.memref_slice %arg13[%mul3A_0, %dma_start3A_213] : memref<10240x64xf32, #tpu.memory_space<vmem_shared>> -> memref<640x64xf32, #tpu.memory_space<vmem_shared>>
      %dma_start3A_215 = arith.constant 0 : i32
      %dma_start3A_216 = tpu.memref_slice %arg4[%mul3A_0, %dma_start3A_215] : memref<10240x64xf32, #tpu.memory_space<hbm>> -> memref<640x64xf32, #tpu.memory_space<hbm>>
      tpu.enqueue_dma source(%dma_start3A_216 : memref<640x64xf32, #tpu.memory_space<hbm>>) target(%dma_start3A_214 : memref<640x64xf32, #tpu.memory_space<vmem_shared>>) target_semaphore(%run_scoped3A : memref<!tpu.dma_semaphore, #tpu.memory_space<semaphore_mem>>)
      %dma_wait3A_217 = arith.constant 0 : i32
      %dma_wait3A_218 = tpu.memref_slice %arg13[%mul3A_0, %dma_wait3A_217] : memref<10240x64xf32, #tpu.memory_space<vmem_shared>> -> memref<640x64xf32, #tpu.memory_space<vmem_shared>>
      %dma_wait3A_219 = arith.constant 0 : i32
      %dma_wait3A_220 = tpu.memref_slice %arg4[%mul3A_0, %dma_wait3A_219] : memref<10240x64xf32, #tpu.memory_space<hbm>> -> memref<640x64xf32, #tpu.memory_space<hbm>>
      tpu.wait_dma2 semaphore(%run_scoped3A : memref<!tpu.dma_semaphore, #tpu.memory_space<semaphore_mem>>) src(%dma_wait3A_220 : memref<640x64xf32, #tpu.memory_space<hbm>>) dst(%dma_wait3A_218 : memref<640x64xf32, #tpu.memory_space<vmem_shared>>)
      tpu.yield
    }) : () -> ()
    %barrier3A = arith.constant 0 : index
    tpu.barrier barrier_id(%barrier3A)
    %jit3A = arith.constant 5 : i32
    %div3A = arith.divsi %select_n3A_18, %jit3A : i32
    %sign3A = arith.constant 0 : i32
    %sign3A_53 = arith.cmpi sgt, %select_n3A_18, %sign3A : i32
    %sign3A_54 = arith.extui %sign3A_53 : i1 to i32
    %sign3A_55 = arith.constant 0 : i32
    %sign3A_56 = arith.cmpi slt, %select_n3A_18, %sign3A_55 : i32
    %sign3A_57 = arith.extui %sign3A_56 : i1 to i32
    %sign3A_58 = arith.subi %sign3A_54, %sign3A_57 : i32
    %sign3A_59 = arith.constant 0 : i32
    %sign3A_60 = arith.cmpi sgt, %jit3A, %sign3A_59 : i32
    %sign3A_61 = arith.extui %sign3A_60 : i1 to i32
    %sign3A_62 = arith.constant 0 : i32
    %sign3A_63 = arith.cmpi slt, %jit3A, %sign3A_62 : i32
    %sign3A_64 = arith.extui %sign3A_63 : i1 to i32
    %sign3A_65 = arith.subi %sign3A_61, %sign3A_64 : i32
    %ne3A_66 = arith.cmpi ne, %sign3A_58, %sign3A_65 : i32
    %rem3A = arith.remsi %select_n3A_18, %jit3A : i32
    %ne3A_67 = arith.constant 0 : i32
    %ne3A_68 = arith.cmpi ne, %rem3A, %ne3A_67 : i32
    %and3A = arith.andi %ne3A_66, %ne3A_68 : i1
    %sub3A = arith.constant 1 : i32
    %sub3A_69 = arith.subi %div3A, %sub3A : i32
    %select_n3A_70 = arith.select %and3A, %sub3A_69, %div3A : i32
    %sub3A_71 = arith.constant 1 : i32
    %sub3A_72 = arith.subi %select_n3A_70, %sub3A_71 : i32
    %sub3A_73 = arith.constant 0 : i32
    %sub3A_74 = arith.subi %sub3A_72, %sub3A_73 : i32
    %sub3A_75 = arith.constant 1 : i32
    %sub3A_76 = arith.constant 1 : i32
    %sub3A_77 = arith.subi %sub3A_75, %sub3A_76 : i32
    %add3A_78 = arith.addi %sub3A_74, %sub3A_77 : i32
    %div3A_79 = arith.constant 1 : i32
    %div3A_80 = arith.divsi %add3A_78, %div3A_79 : i32
    %while3A = arith.constant 1 : i32
    %while3A_81 = arith.constant 0 : i32
    %while3A_82 = arith.constant 0 : i32
    %while3A_83 = arith.subi %div3A_80, %while3A_82 : i32
    %while3A_84 = arith.addi %while3A_82, %while3A_83 : i32
    %while3A_85 = arith.constant 1 : i32
    %while3A_86 = arith.divsi %while3A_83, %while3A_85 : i32
    %while3A_87 = arith.muli %while3A_86, %while3A_85 : i32
    %while3A_88 = arith.addi %while3A_82, %while3A_87 : i32
    %while3A_89 = arith.constant 1 : i32
    scf.for %while3A_213 = %while3A_82 to %while3A_88 step %while3A_89  : i32 {
      %mul3A_214 = arith.muli %while3A_213, %while3A : i32
      %add3A_215 = arith.addi %while3A_81, %mul3A_214 : i32
      %mul3A_216 = arith.constant 5 : i32
      %mul3A_217 = arith.muli %mul3A_216, %add3A_215 : i32
      %add3A_218 = arith.constant 0 : i32
      %add3A_219 = arith.addi %mul3A_217, %add3A_218 : i32
      %dma_wait3A_220 = arith.constant 0 : i32
      %dma_wait3A_221 = tpu.memref_slice %arg6[%add3A_219, %dma_wait3A_220] : memref<80x128xi32, #tpu.memory_space<vmem>> -> memref<1x128xi32, #tpu.memory_space<vmem>>
      %dma_wait3A_222 = tpu.memref_squeeze %dma_wait3A_221 : memref<1x128xi32, #tpu.memory_space<vmem>> -> memref<128xi32, #tpu.memory_space<vmem>>
      %dma_wait3A_223 = arith.constant 0 : i32
      %dma_wait3A_224 = arith.constant 0 : i32
      %dma_wait3A_225 = tpu.memref_slice %arg2[%dma_wait3A_223, %dma_wait3A_224] : memref<10240x64xf32, #tpu.memory_space<hbm>> -> memref<10240x64xf32, #tpu.memory_space<hbm>>
      tpu.wait_indirect_dma semaphore(%arg14 : memref<!tpu.dma_semaphore, #tpu.memory_space<semaphore_mem>>) src(%dma_wait3A_225 : memref<10240x64xf32, #tpu.memory_space<hbm>>) dst(%arg8 : memref<128x64xf32, #tpu.memory_space<vmem>>)
      %add3A_226 = arith.constant 0 : i32
      %add3A_227 = arith.addi %mul3A_217, %add3A_226 : i32
      %dma_start3A_228 = arith.constant 0 : i32
      %dma_start3A_229 = tpu.memref_slice %arg7[%add3A_227, %dma_start3A_228] : memref<80x128xi32, #tpu.memory_space<vmem>> -> memref<1x128xi32, #tpu.memory_space<vmem>>
      %dma_start3A_230 = tpu.memref_squeeze %dma_start3A_229 : memref<1x128xi32, #tpu.memory_space<vmem>> -> memref<128xi32, #tpu.memory_space<vmem>>
      %dma_start3A_231 = arith.constant 0 : i32
      %dma_start3A_232 = arith.constant 0 : i32
      %dma_start3A_233 = tpu.memref_slice %arg13[%dma_start3A_231, %dma_start3A_232] : memref<10240x64xf32, #tpu.memory_space<vmem_shared>> -> memref<10240x64xf32, #tpu.memory_space<vmem_shared>>
      tpu.enqueue_indirect_dma source(%arg8 : memref<128x64xf32, #tpu.memory_space<vmem>>) target(%dma_start3A_233 : memref<10240x64xf32, #tpu.memory_space<vmem_shared>>) offsets(%dma_start3A_230 : memref<128xi32, #tpu.memory_space<vmem>>) semaphore(%arg19 : memref<!tpu.dma_semaphore, #tpu.memory_space<semaphore_mem>>) {add = true}
      %add3A_234 = arith.constant 1 : i32
      %add3A_235 = arith.addi %mul3A_217, %add3A_234 : i32
      %dma_wait3A_236 = arith.constant 0 : i32
      %dma_wait3A_237 = tpu.memref_slice %arg6[%add3A_235, %dma_wait3A_236] : memref<80x128xi32, #tpu.memory_space<vmem>> -> memref<1x128xi32, #tpu.memory_space<vmem>>
      %dma_wait3A_238 = tpu.memref_squeeze %dma_wait3A_237 : memref<1x128xi32, #tpu.memory_space<vmem>> -> memref<128xi32, #tpu.memory_space<vmem>>
      %dma_wait3A_239 = arith.constant 0 : i32
      %dma_wait3A_240 = arith.constant 0 : i32
      %dma_wait3A_241 = tpu.memref_slice %arg2[%dma_wait3A_239, %dma_wait3A_240] : memref<10240x64xf32, #tpu.memory_space<hbm>> -> memref<10240x64xf32, #tpu.memory_space<hbm>>
      tpu.wait_indirect_dma semaphore(%arg15 : memref<!tpu.dma_semaphore, #tpu.memory_space<semaphore_mem>>) src(%dma_wait3A_241 : memref<10240x64xf32, #tpu.memory_space<hbm>>) dst(%arg9 : memref<128x64xf32, #tpu.memory_space<vmem>>)
      %add3A_242 = arith.constant 1 : i32
      %add3A_243 = arith.addi %mul3A_217, %add3A_242 : i32
      %dma_start3A_244 = arith.constant 0 : i32
      %dma_start3A_245 = tpu.memref_slice %arg7[%add3A_243, %dma_start3A_244] : memref<80x128xi32, #tpu.memory_space<vmem>> -> memref<1x128xi32, #tpu.memory_space<vmem>>
      %dma_start3A_246 = tpu.memref_squeeze %dma_start3A_245 : memref<1x128xi32, #tpu.memory_space<vmem>> -> memref<128xi32, #tpu.memory_space<vmem>>
      %dma_start3A_247 = arith.constant 0 : i32
      %dma_start3A_248 = arith.constant 0 : i32
      %dma_start3A_249 = tpu.memref_slice %arg13[%dma_start3A_247, %dma_start3A_248] : memref<10240x64xf32, #tpu.memory_space<vmem_shared>> -> memref<10240x64xf32, #tpu.memory_space<vmem_shared>>
      tpu.enqueue_indirect_dma source(%arg9 : memref<128x64xf32, #tpu.memory_space<vmem>>) target(%dma_start3A_249 : memref<10240x64xf32, #tpu.memory_space<vmem_shared>>) offsets(%dma_start3A_246 : memref<128xi32, #tpu.memory_space<vmem>>) semaphore(%arg20 : memref<!tpu.dma_semaphore, #tpu.memory_space<semaphore_mem>>) {add = true}
      %add3A_250 = arith.constant 2 : i32
      %add3A_251 = arith.addi %mul3A_217, %add3A_250 : i32
      %dma_wait3A_252 = arith.constant 0 : i32
      %dma_wait3A_253 = tpu.memref_slice %arg6[%add3A_251, %dma_wait3A_252] : memref<80x128xi32, #tpu.memory_space<vmem>> -> memref<1x128xi32, #tpu.memory_space<vmem>>
      %dma_wait3A_254 = tpu.memref_squeeze %dma_wait3A_253 : memref<1x128xi32, #tpu.memory_space<vmem>> -> memref<128xi32, #tpu.memory_space<vmem>>
      %dma_wait3A_255 = arith.constant 0 : i32
      %dma_wait3A_256 = arith.constant 0 : i32
      %dma_wait3A_257 = tpu.memref_slice %arg2[%dma_wait3A_255, %dma_wait3A_256] : memref<10240x64xf32, #tpu.memory_space<hbm>> -> memref<10240x64xf32, #tpu.memory_space<hbm>>
      tpu.wait_indirect_dma semaphore(%arg16 : memref<!tpu.dma_semaphore, #tpu.memory_space<semaphore_mem>>) src(%dma_wait3A_257 : memref<10240x64xf32, #tpu.memory_space<hbm>>) dst(%arg10 : memref<128x64xf32, #tpu.memory_space<vmem>>)
      %add3A_258 = arith.constant 2 : i32
      %add3A_259 = arith.addi %mul3A_217, %add3A_258 : i32
      %dma_start3A_260 = arith.constant 0 : i32
      %dma_start3A_261 = tpu.memref_slice %arg7[%add3A_259, %dma_start3A_260] : memref<80x128xi32, #tpu.memory_space<vmem>> -> memref<1x128xi32, #tpu.memory_space<vmem>>
      %dma_start3A_262 = tpu.memref_squeeze %dma_start3A_261 : memref<1x128xi32, #tpu.memory_space<vmem>> -> memref<128xi32, #tpu.memory_space<vmem>>
      %dma_start3A_263 = arith.constant 0 : i32
      %dma_start3A_264 = arith.constant 0 : i32
      %dma_start3A_265 = tpu.memref_slice %arg13[%dma_start3A_263, %dma_start3A_264] : memref<10240x64xf32, #tpu.memory_space<vmem_shared>> -> memref<10240x64xf32, #tpu.memory_space<vmem_shared>>
      tpu.enqueue_indirect_dma source(%arg10 : memref<128x64xf32, #tpu.memory_space<vmem>>) target(%dma_start3A_265 : memref<10240x64xf32, #tpu.memory_space<vmem_shared>>) offsets(%dma_start3A_262 : memref<128xi32, #tpu.memory_space<vmem>>) semaphore(%arg21 : memref<!tpu.dma_semaphore, #tpu.memory_space<semaphore_mem>>) {add = true}
      %add3A_266 = arith.constant 3 : i32
      %add3A_267 = arith.addi %mul3A_217, %add3A_266 : i32
      %dma_wait3A_268 = arith.constant 0 : i32
      %dma_wait3A_269 = tpu.memref_slice %arg6[%add3A_267, %dma_wait3A_268] : memref<80x128xi32, #tpu.memory_space<vmem>> -> memref<1x128xi32, #tpu.memory_space<vmem>>
      %dma_wait3A_270 = tpu.memref_squeeze %dma_wait3A_269 : memref<1x128xi32, #tpu.memory_space<vmem>> -> memref<128xi32, #tpu.memory_space<vmem>>
      %dma_wait3A_271 = arith.constant 0 : i32
      %dma_wait3A_272 = arith.constant 0 : i32
      %dma_wait3A_273 = tpu.memref_slice %arg2[%dma_wait3A_271, %dma_wait3A_272] : memref<10240x64xf32, #tpu.memory_space<hbm>> -> memref<10240x64xf32, #tpu.memory_space<hbm>>
      tpu.wait_indirect_dma semaphore(%arg17 : memref<!tpu.dma_semaphore, #tpu.memory_space<semaphore_mem>>) src(%dma_wait3A_273 : memref<10240x64xf32, #tpu.memory_space<hbm>>) dst(%arg11 : memref<128x64xf32, #tpu.memory_space<vmem>>)
      %add3A_274 = arith.constant 3 : i32
      %add3A_275 = arith.addi %mul3A_217, %add3A_274 : i32
      %dma_start3A_276 = arith.constant 0 : i32
      %dma_start3A_277 = tpu.memref_slice %arg7[%add3A_275, %dma_start3A_276] : memref<80x128xi32, #tpu.memory_space<vmem>> -> memref<1x128xi32, #tpu.memory_space<vmem>>
      %dma_start3A_278 = tpu.memref_squeeze %dma_start3A_277 : memref<1x128xi32, #tpu.memory_space<vmem>> -> memref<128xi32, #tpu.memory_space<vmem>>
      %dma_start3A_279 = arith.constant 0 : i32
      %dma_start3A_280 = arith.constant 0 : i32
      %dma_start3A_281 = tpu.memref_slice %arg13[%dma_start3A_279, %dma_start3A_280] : memref<10240x64xf32, #tpu.memory_space<vmem_shared>> -> memref<10240x64xf32, #tpu.memory_space<vmem_shared>>
      tpu.enqueue_indirect_dma source(%arg11 : memref<128x64xf32, #tpu.memory_space<vmem>>) target(%dma_start3A_281 : memref<10240x64xf32, #tpu.memory_space<vmem_shared>>) offsets(%dma_start3A_278 : memref<128xi32, #tpu.memory_space<vmem>>) semaphore(%arg22 : memref<!tpu.dma_semaphore, #tpu.memory_space<semaphore_mem>>) {add = true}
      %add3A_282 = arith.constant 4 : i32
      %add3A_283 = arith.addi %mul3A_217, %add3A_282 : i32
      %dma_wait3A_284 = arith.constant 0 : i32
      %dma_wait3A_285 = tpu.memref_slice %arg6[%add3A_283, %dma_wait3A_284] : memref<80x128xi32, #tpu.memory_space<vmem>> -> memref<1x128xi32, #tpu.memory_space<vmem>>
      %dma_wait3A_286 = tpu.memref_squeeze %dma_wait3A_285 : memref<1x128xi32, #tpu.memory_space<vmem>> -> memref<128xi32, #tpu.memory_space<vmem>>
      %dma_wait3A_287 = arith.constant 0 : i32
      %dma_wait3A_288 = arith.constant 0 : i32
      %dma_wait3A_289 = tpu.memref_slice %arg2[%dma_wait3A_287, %dma_wait3A_288] : memref<10240x64xf32, #tpu.memory_space<hbm>> -> memref<10240x64xf32, #tpu.memory_space<hbm>>
      tpu.wait_indirect_dma semaphore(%arg18 : memref<!tpu.dma_semaphore, #tpu.memory_space<semaphore_mem>>) src(%dma_wait3A_289 : memref<10240x64xf32, #tpu.memory_space<hbm>>) dst(%arg12 : memref<128x64xf32, #tpu.memory_space<vmem>>)
      %add3A_290 = arith.constant 4 : i32
      %add3A_291 = arith.addi %mul3A_217, %add3A_290 : i32
      %dma_start3A_292 = arith.constant 0 : i32
      %dma_start3A_293 = tpu.memref_slice %arg7[%add3A_291, %dma_start3A_292] : memref<80x128xi32, #tpu.memory_space<vmem>> -> memref<1x128xi32, #tpu.memory_space<vmem>>
      %dma_start3A_294 = tpu.memref_squeeze %dma_start3A_293 : memref<1x128xi32, #tpu.memory_space<vmem>> -> memref<128xi32, #tpu.memory_space<vmem>>
      %dma_start3A_295 = arith.constant 0 : i32
      %dma_start3A_296 = arith.constant 0 : i32
      %dma_start3A_297 = tpu.memref_slice %arg13[%dma_start3A_295, %dma_start3A_296] : memref<10240x64xf32, #tpu.memory_space<vmem_shared>> -> memref<10240x64xf32, #tpu.memory_space<vmem_shared>>
      tpu.enqueue_indirect_dma source(%arg12 : memref<128x64xf32, #tpu.memory_space<vmem>>) target(%dma_start3A_297 : memref<10240x64xf32, #tpu.memory_space<vmem_shared>>) offsets(%dma_start3A_294 : memref<128xi32, #tpu.memory_space<vmem>>) semaphore(%arg23 : memref<!tpu.dma_semaphore, #tpu.memory_space<semaphore_mem>>) {add = true}
      %add3A_298 = arith.constant 0 : i32
      %add3A_299 = arith.addi %mul3A_217, %add3A_298 : i32
      %dma_wait3A_300 = arith.constant 0 : i32
      %dma_wait3A_301 = tpu.memref_slice %arg7[%add3A_299, %dma_wait3A_300] : memref<80x128xi32, #tpu.memory_space<vmem>> -> memref<1x128xi32, #tpu.memory_space<vmem>>
      %dma_wait3A_302 = tpu.memref_squeeze %dma_wait3A_301 : memref<1x128xi32, #tpu.memory_space<vmem>> -> memref<128xi32, #tpu.memory_space<vmem>>
      %dma_wait3A_303 = arith.constant 0 : i32
      %dma_wait3A_304 = arith.constant 0 : i32
      %dma_wait3A_305 = tpu.memref_slice %arg13[%dma_wait3A_303, %dma_wait3A_304] : memref<10240x64xf32, #tpu.memory_space<vmem_shared>> -> memref<10240x64xf32, #tpu.memory_space<vmem_shared>>
      tpu.wait_indirect_dma semaphore(%arg19 : memref<!tpu.dma_semaphore, #tpu.memory_space<semaphore_mem>>) src(%arg8 : memref<128x64xf32, #tpu.memory_space<vmem>>) dst(%dma_wait3A_305 : memref<10240x64xf32, #tpu.memory_space<vmem_shared>>)
      %add3A_306 = arith.constant 5 : i32
      %add3A_307 = arith.addi %mul3A_217, %add3A_306 : i32
      %add3A_308 = arith.constant 0 : i32
      %add3A_309 = arith.addi %add3A_307, %add3A_308 : i32
      %dma_start3A_310 = arith.constant 0 : i32
      %dma_start3A_311 = tpu.memref_slice %arg6[%add3A_309, %dma_start3A_310] : memref<80x128xi32, #tpu.memory_space<vmem>> -> memref<1x128xi32, #tpu.memory_space<vmem>>
      %dma_start3A_312 = tpu.memref_squeeze %dma_start3A_311 : memref<1x128xi32, #tpu.memory_space<vmem>> -> memref<128xi32, #tpu.memory_space<vmem>>
      %dma_start3A_313 = arith.constant 0 : i32
      %dma_start3A_314 = arith.constant 0 : i32
      %dma_start3A_315 = tpu.memref_slice %arg2[%dma_start3A_313, %dma_start3A_314] : memref<10240x64xf32, #tpu.memory_space<hbm>> -> memref<10240x64xf32, #tpu.memory_space<hbm>>
      tpu.enqueue_indirect_dma source(%dma_start3A_315 : memref<10240x64xf32, #tpu.memory_space<hbm>>) target(%arg8 : memref<128x64xf32, #tpu.memory_space<vmem>>) offsets(%dma_start3A_312 : memref<128xi32, #tpu.memory_space<vmem>>) semaphore(%arg14 : memref<!tpu.dma_semaphore, #tpu.memory_space<semaphore_mem>>)
      %add3A_316 = arith.constant 1 : i32
      %add3A_317 = arith.addi %mul3A_217, %add3A_316 : i32
      %dma_wait3A_318 = arith.constant 0 : i32
      %dma_wait3A_319 = tpu.memref_slice %arg7[%add3A_317, %dma_wait3A_318] : memref<80x128xi32, #tpu.memory_space<vmem>> -> memref<1x128xi32, #tpu.memory_space<vmem>>
      %dma_wait3A_320 = tpu.memref_squeeze %dma_wait3A_319 : memref<1x128xi32, #tpu.memory_space<vmem>> -> memref<128xi32, #tpu.memory_space<vmem>>
      %dma_wait3A_321 = arith.constant 0 : i32
      %dma_wait3A_322 = arith.constant 0 : i32
      %dma_wait3A_323 = tpu.memref_slice %arg13[%dma_wait3A_321, %dma_wait3A_322] : memref<10240x64xf32, #tpu.memory_space<vmem_shared>> -> memref<10240x64xf32, #tpu.memory_space<vmem_shared>>
      tpu.wait_indirect_dma semaphore(%arg20 : memref<!tpu.dma_semaphore, #tpu.memory_space<semaphore_mem>>) src(%arg9 : memref<128x64xf32, #tpu.memory_space<vmem>>) dst(%dma_wait3A_323 : memref<10240x64xf32, #tpu.memory_space<vmem_shared>>)
      %add3A_324 = arith.constant 5 : i32
      %add3A_325 = arith.addi %mul3A_217, %add3A_324 : i32
      %add3A_326 = arith.constant 1 : i32
      %add3A_327 = arith.addi %add3A_325, %add3A_326 : i32
      %dma_start3A_328 = arith.constant 0 : i32
      %dma_start3A_329 = tpu.memref_slice %arg6[%add3A_327, %dma_start3A_328] : memref<80x128xi32, #tpu.memory_space<vmem>> -> memref<1x128xi32, #tpu.memory_space<vmem>>
      %dma_start3A_330 = tpu.memref_squeeze %dma_start3A_329 : memref<1x128xi32, #tpu.memory_space<vmem>> -> memref<128xi32, #tpu.memory_space<vmem>>
      %dma_start3A_331 = arith.constant 0 : i32
      %dma_start3A_332 = arith.constant 0 : i32
      %dma_start3A_333 = tpu.memref_slice %arg2[%dma_start3A_331, %dma_start3A_332] : memref<10240x64xf32, #tpu.memory_space<hbm>> -> memref<10240x64xf32, #tpu.memory_space<hbm>>
      tpu.enqueue_indirect_dma source(%dma_start3A_333 : memref<10240x64xf32, #tpu.memory_space<hbm>>) target(%arg9 : memref<128x64xf32, #tpu.memory_space<vmem>>) offsets(%dma_start3A_330 : memref<128xi32, #tpu.memory_space<vmem>>) semaphore(%arg15 : memref<!tpu.dma_semaphore, #tpu.memory_space<semaphore_mem>>)
      %add3A_334 = arith.constant 2 : i32
      %add3A_335 = arith.addi %mul3A_217, %add3A_334 : i32
      %dma_wait3A_336 = arith.constant 0 : i32
      %dma_wait3A_337 = tpu.memref_slice %arg7[%add3A_335, %dma_wait3A_336] : memref<80x128xi32, #tpu.memory_space<vmem>> -> memref<1x128xi32, #tpu.memory_space<vmem>>
      %dma_wait3A_338 = tpu.memref_squeeze %dma_wait3A_337 : memref<1x128xi32, #tpu.memory_space<vmem>> -> memref<128xi32, #tpu.memory_space<vmem>>
      %dma_wait3A_339 = arith.constant 0 : i32
      %dma_wait3A_340 = arith.constant 0 : i32
      %dma_wait3A_341 = tpu.memref_slice %arg13[%dma_wait3A_339, %dma_wait3A_340] : memref<10240x64xf32, #tpu.memory_space<vmem_shared>> -> memref<10240x64xf32, #tpu.memory_space<vmem_shared>>
      tpu.wait_indirect_dma semaphore(%arg21 : memref<!tpu.dma_semaphore, #tpu.memory_space<semaphore_mem>>) src(%arg10 : memref<128x64xf32, #tpu.memory_space<vmem>>) dst(%dma_wait3A_341 : memref<10240x64xf32, #tpu.memory_space<vmem_shared>>)
      %add3A_342 = arith.constant 5 : i32
      %add3A_343 = arith.addi %mul3A_217, %add3A_342 : i32
      %add3A_344 = arith.constant 2 : i32
      %add3A_345 = arith.addi %add3A_343, %add3A_344 : i32
      %dma_start3A_346 = arith.constant 0 : i32
      %dma_start3A_347 = tpu.memref_slice %arg6[%add3A_345, %dma_start3A_346] : memref<80x128xi32, #tpu.memory_space<vmem>> -> memref<1x128xi32, #tpu.memory_space<vmem>>
      %dma_start3A_348 = tpu.memref_squeeze %dma_start3A_347 : memref<1x128xi32, #tpu.memory_space<vmem>> -> memref<128xi32, #tpu.memory_space<vmem>>
      %dma_start3A_349 = arith.constant 0 : i32
      %dma_start3A_350 = arith.constant 0 : i32
      %dma_start3A_351 = tpu.memref_slice %arg2[%dma_start3A_349, %dma_start3A_350] : memref<10240x64xf32, #tpu.memory_space<hbm>> -> memref<10240x64xf32, #tpu.memory_space<hbm>>
      tpu.enqueue_indirect_dma source(%dma_start3A_351 : memref<10240x64xf32, #tpu.memory_space<hbm>>) target(%arg10 : memref<128x64xf32, #tpu.memory_space<vmem>>) offsets(%dma_start3A_348 : memref<128xi32, #tpu.memory_space<vmem>>) semaphore(%arg16 : memref<!tpu.dma_semaphore, #tpu.memory_space<semaphore_mem>>)
      %add3A_352 = arith.constant 3 : i32
      %add3A_353 = arith.addi %mul3A_217, %add3A_352 : i32
      %dma_wait3A_354 = arith.constant 0 : i32
      %dma_wait3A_355 = tpu.memref_slice %arg7[%add3A_353, %dma_wait3A_354] : memref<80x128xi32, #tpu.memory_space<vmem>> -> memref<1x128xi32, #tpu.memory_space<vmem>>
      %dma_wait3A_356 = tpu.memref_squeeze %dma_wait3A_355 : memref<1x128xi32, #tpu.memory_space<vmem>> -> memref<128xi32, #tpu.memory_space<vmem>>
      %dma_wait3A_357 = arith.constant 0 : i32
      %dma_wait3A_358 = arith.constant 0 : i32
      %dma_wait3A_359 = tpu.memref_slice %arg13[%dma_wait3A_357, %dma_wait3A_358] : memref<10240x64xf32, #tpu.memory_space<vmem_shared>> -> memref<10240x64xf32, #tpu.memory_space<vmem_shared>>
      tpu.wait_indirect_dma semaphore(%arg22 : memref<!tpu.dma_semaphore, #tpu.memory_space<semaphore_mem>>) src(%arg11 : memref<128x64xf32, #tpu.memory_space<vmem>>) dst(%dma_wait3A_359 : memref<10240x64xf32, #tpu.memory_space<vmem_shared>>)
      %add3A_360 = arith.constant 5 : i32
      %add3A_361 = arith.addi %mul3A_217, %add3A_360 : i32
      %add3A_362 = arith.constant 3 : i32
      %add3A_363 = arith.addi %add3A_361, %add3A_362 : i32
      %dma_start3A_364 = arith.constant 0 : i32
      %dma_start3A_365 = tpu.memref_slice %arg6[%add3A_363, %dma_start3A_364] : memref<80x128xi32, #tpu.memory_space<vmem>> -> memref<1x128xi32, #tpu.memory_space<vmem>>
      %dma_start3A_366 = tpu.memref_squeeze %dma_start3A_365 : memref<1x128xi32, #tpu.memory_space<vmem>> -> memref<128xi32, #tpu.memory_space<vmem>>
      %dma_start3A_367 = arith.constant 0 : i32
      %dma_start3A_368 = arith.constant 0 : i32
      %dma_start3A_369 = tpu.memref_slice %arg2[%dma_start3A_367, %dma_start3A_368] : memref<10240x64xf32, #tpu.memory_space<hbm>> -> memref<10240x64xf32, #tpu.memory_space<hbm>>
      tpu.enqueue_indirect_dma source(%dma_start3A_369 : memref<10240x64xf32, #tpu.memory_space<hbm>>) target(%arg11 : memref<128x64xf32, #tpu.memory_space<vmem>>) offsets(%dma_start3A_366 : memref<128xi32, #tpu.memory_space<vmem>>) semaphore(%arg17 : memref<!tpu.dma_semaphore, #tpu.memory_space<semaphore_mem>>)
      %add3A_370 = arith.constant 4 : i32
      %add3A_371 = arith.addi %mul3A_217, %add3A_370 : i32
      %dma_wait3A_372 = arith.constant 0 : i32
      %dma_wait3A_373 = tpu.memref_slice %arg7[%add3A_371, %dma_wait3A_372] : memref<80x128xi32, #tpu.memory_space<vmem>> -> memref<1x128xi32, #tpu.memory_space<vmem>>
      %dma_wait3A_374 = tpu.memref_squeeze %dma_wait3A_373 : memref<1x128xi32, #tpu.memory_space<vmem>> -> memref<128xi32, #tpu.memory_space<vmem>>
      %dma_wait3A_375 = arith.constant 0 : i32
      %dma_wait3A_376 = arith.constant 0 : i32
      %dma_wait3A_377 = tpu.memref_slice %arg13[%dma_wait3A_375, %dma_wait3A_376] : memref<10240x64xf32, #tpu.memory_space<vmem_shared>> -> memref<10240x64xf32, #tpu.memory_space<vmem_shared>>
      tpu.wait_indirect_dma semaphore(%arg23 : memref<!tpu.dma_semaphore, #tpu.memory_space<semaphore_mem>>) src(%arg12 : memref<128x64xf32, #tpu.memory_space<vmem>>) dst(%dma_wait3A_377 : memref<10240x64xf32, #tpu.memory_space<vmem_shared>>)
      %add3A_378 = arith.constant 5 : i32
      %add3A_379 = arith.addi %mul3A_217, %add3A_378 : i32
      %add3A_380 = arith.constant 4 : i32
      %add3A_381 = arith.addi %add3A_379, %add3A_380 : i32
      %dma_start3A_382 = arith.constant 0 : i32
      %dma_start3A_383 = tpu.memref_slice %arg6[%add3A_381, %dma_start3A_382] : memref<80x128xi32, #tpu.memory_space<vmem>> -> memref<1x128xi32, #tpu.memory_space<vmem>>
      %dma_start3A_384 = tpu.memref_squeeze %dma_start3A_383 : memref<1x128xi32, #tpu.memory_space<vmem>> -> memref<128xi32, #tpu.memory_space<vmem>>
      %dma_start3A_385 = arith.constant 0 : i32
      %dma_start3A_386 = arith.constant 0 : i32
      %dma_start3A_387 = tpu.memref_slice %arg2[%dma_start3A_385, %dma_start3A_386] : memref<10240x64xf32, #tpu.memory_space<hbm>> -> memref<10240x64xf32, #tpu.memory_space<hbm>>
      tpu.enqueue_indirect_dma source(%dma_start3A_387 : memref<10240x64xf32, #tpu.memory_space<hbm>>) target(%arg12 : memref<128x64xf32, #tpu.memory_space<vmem>>) offsets(%dma_start3A_384 : memref<128xi32, #tpu.memory_space<vmem>>) semaphore(%arg18 : memref<!tpu.dma_semaphore, #tpu.memory_space<semaphore_mem>>)
    }
    %while3A_90 = arith.constant 1 : i32
    scf.for %while3A_213 = %while3A_88 to %while3A_84 step %while3A_90  : i32 {
      %mul3A_214 = arith.muli %while3A_213, %while3A : i32
      %add3A_215 = arith.addi %while3A_81, %mul3A_214 : i32
      %mul3A_216 = arith.constant 5 : i32
      %mul3A_217 = arith.muli %mul3A_216, %add3A_215 : i32
      %add3A_218 = arith.constant 0 : i32
      %add3A_219 = arith.addi %mul3A_217, %add3A_218 : i32
      %dma_wait3A_220 = arith.constant 0 : i32
      %dma_wait3A_221 = tpu.memref_slice %arg6[%add3A_219, %dma_wait3A_220] : memref<80x128xi32, #tpu.memory_space<vmem>> -> memref<1x128xi32, #tpu.memory_space<vmem>>
      %dma_wait3A_222 = tpu.memref_squeeze %dma_wait3A_221 : memref<1x128xi32, #tpu.memory_space<vmem>> -> memref<128xi32, #tpu.memory_space<vmem>>
      %dma_wait3A_223 = arith.constant 0 : i32
      %dma_wait3A_224 = arith.constant 0 : i32
      %dma_wait3A_225 = tpu.memref_slice %arg2[%dma_wait3A_223, %dma_wait3A_224] : memref<10240x64xf32, #tpu.memory_space<hbm>> -> memref<10240x64xf32, #tpu.memory_space<hbm>>
      tpu.wait_indirect_dma semaphore(%arg14 : memref<!tpu.dma_semaphore, #tpu.memory_space<semaphore_mem>>) src(%dma_wait3A_225 : memref<10240x64xf32, #tpu.memory_space<hbm>>) dst(%arg8 : memref<128x64xf32, #tpu.memory_space<vmem>>)
      %add3A_226 = arith.constant 0 : i32
      %add3A_227 = arith.addi %mul3A_217, %add3A_226 : i32
      %dma_start3A_228 = arith.constant 0 : i32
      %dma_start3A_229 = tpu.memref_slice %arg7[%add3A_227, %dma_start3A_228] : memref<80x128xi32, #tpu.memory_space<vmem>> -> memref<1x128xi32, #tpu.memory_space<vmem>>
      %dma_start3A_230 = tpu.memref_squeeze %dma_start3A_229 : memref<1x128xi32, #tpu.memory_space<vmem>> -> memref<128xi32, #tpu.memory_space<vmem>>
      %dma_start3A_231 = arith.constant 0 : i32
      %dma_start3A_232 = arith.constant 0 : i32
      %dma_start3A_233 = tpu.memref_slice %arg13[%dma_start3A_231, %dma_start3A_232] : memref<10240x64xf32, #tpu.memory_space<vmem_shared>> -> memref<10240x64xf32, #tpu.memory_space<vmem_shared>>
      tpu.enqueue_indirect_dma source(%arg8 : memref<128x64xf32, #tpu.memory_space<vmem>>) target(%dma_start3A_233 : memref<10240x64xf32, #tpu.memory_space<vmem_shared>>) offsets(%dma_start3A_230 : memref<128xi32, #tpu.memory_space<vmem>>) semaphore(%arg19 : memref<!tpu.dma_semaphore, #tpu.memory_space<semaphore_mem>>) {add = true}
      %add3A_234 = arith.constant 1 : i32
      %add3A_235 = arith.addi %mul3A_217, %add3A_234 : i32
      %dma_wait3A_236 = arith.constant 0 : i32
      %dma_wait3A_237 = tpu.memref_slice %arg6[%add3A_235, %dma_wait3A_236] : memref<80x128xi32, #tpu.memory_space<vmem>> -> memref<1x128xi32, #tpu.memory_space<vmem>>
      %dma_wait3A_238 = tpu.memref_squeeze %dma_wait3A_237 : memref<1x128xi32, #tpu.memory_space<vmem>> -> memref<128xi32, #tpu.memory_space<vmem>>
      %dma_wait3A_239 = arith.constant 0 : i32
      %dma_wait3A_240 = arith.constant 0 : i32
      %dma_wait3A_241 = tpu.memref_slice %arg2[%dma_wait3A_239, %dma_wait3A_240] : memref<10240x64xf32, #tpu.memory_space<hbm>> -> memref<10240x64xf32, #tpu.memory_space<hbm>>
      tpu.wait_indirect_dma semaphore(%arg15 : memref<!tpu.dma_semaphore, #tpu.memory_space<semaphore_mem>>) src(%dma_wait3A_241 : memref<10240x64xf32, #tpu.memory_space<hbm>>) dst(%arg9 : memref<128x64xf32, #tpu.memory_space<vmem>>)
      %add3A_242 = arith.constant 1 : i32
      %add3A_243 = arith.addi %mul3A_217, %add3A_242 : i32
      %dma_start3A_244 = arith.constant 0 : i32
      %dma_start3A_245 = tpu.memref_slice %arg7[%add3A_243, %dma_start3A_244] : memref<80x128xi32, #tpu.memory_space<vmem>> -> memref<1x128xi32, #tpu.memory_space<vmem>>
      %dma_start3A_246 = tpu.memref_squeeze %dma_start3A_245 : memref<1x128xi32, #tpu.memory_space<vmem>> -> memref<128xi32, #tpu.memory_space<vmem>>
      %dma_start3A_247 = arith.constant 0 : i32
      %dma_start3A_248 = arith.constant 0 : i32
      %dma_start3A_249 = tpu.memref_slice %arg13[%dma_start3A_247, %dma_start3A_248] : memref<10240x64xf32, #tpu.memory_space<vmem_shared>> -> memref<10240x64xf32, #tpu.memory_space<vmem_shared>>
      tpu.enqueue_indirect_dma source(%arg9 : memref<128x64xf32, #tpu.memory_space<vmem>>) target(%dma_start3A_249 : memref<10240x64xf32, #tpu.memory_space<vmem_shared>>) offsets(%dma_start3A_246 : memref<128xi32, #tpu.memory_space<vmem>>) semaphore(%arg20 : memref<!tpu.dma_semaphore, #tpu.memory_space<semaphore_mem>>) {add = true}
      %add3A_250 = arith.constant 2 : i32
      %add3A_251 = arith.addi %mul3A_217, %add3A_250 : i32
      %dma_wait3A_252 = arith.constant 0 : i32
      %dma_wait3A_253 = tpu.memref_slice %arg6[%add3A_251, %dma_wait3A_252] : memref<80x128xi32, #tpu.memory_space<vmem>> -> memref<1x128xi32, #tpu.memory_space<vmem>>
      %dma_wait3A_254 = tpu.memref_squeeze %dma_wait3A_253 : memref<1x128xi32, #tpu.memory_space<vmem>> -> memref<128xi32, #tpu.memory_space<vmem>>
      %dma_wait3A_255 = arith.constant 0 : i32
      %dma_wait3A_256 = arith.constant 0 : i32
      %dma_wait3A_257 = tpu.memref_slice %arg2[%dma_wait3A_255, %dma_wait3A_256] : memref<10240x64xf32, #tpu.memory_space<hbm>> -> memref<10240x64xf32, #tpu.memory_space<hbm>>
      tpu.wait_indirect_dma semaphore(%arg16 : memref<!tpu.dma_semaphore, #tpu.memory_space<semaphore_mem>>) src(%dma_wait3A_257 : memref<10240x64xf32, #tpu.memory_space<hbm>>) dst(%arg10 : memref<128x64xf32, #tpu.memory_space<vmem>>)
      %add3A_258 = arith.constant 2 : i32
      %add3A_259 = arith.addi %mul3A_217, %add3A_258 : i32
      %dma_start3A_260 = arith.constant 0 : i32
      %dma_start3A_261 = tpu.memref_slice %arg7[%add3A_259, %dma_start3A_260] : memref<80x128xi32, #tpu.memory_space<vmem>> -> memref<1x128xi32, #tpu.memory_space<vmem>>
      %dma_start3A_262 = tpu.memref_squeeze %dma_start3A_261 : memref<1x128xi32, #tpu.memory_space<vmem>> -> memref<128xi32, #tpu.memory_space<vmem>>
      %dma_start3A_263 = arith.constant 0 : i32
      %dma_start3A_264 = arith.constant 0 : i32
      %dma_start3A_265 = tpu.memref_slice %arg13[%dma_start3A_263, %dma_start3A_264] : memref<10240x64xf32, #tpu.memory_space<vmem_shared>> -> memref<10240x64xf32, #tpu.memory_space<vmem_shared>>
      tpu.enqueue_indirect_dma source(%arg10 : memref<128x64xf32, #tpu.memory_space<vmem>>) target(%dma_start3A_265 : memref<10240x64xf32, #tpu.memory_space<vmem_shared>>) offsets(%dma_start3A_262 : memref<128xi32, #tpu.memory_space<vmem>>) semaphore(%arg21 : memref<!tpu.dma_semaphore, #tpu.memory_space<semaphore_mem>>) {add = true}
      %add3A_266 = arith.constant 3 : i32
      %add3A_267 = arith.addi %mul3A_217, %add3A_266 : i32
      %dma_wait3A_268 = arith.constant 0 : i32
      %dma_wait3A_269 = tpu.memref_slice %arg6[%add3A_267, %dma_wait3A_268] : memref<80x128xi32, #tpu.memory_space<vmem>> -> memref<1x128xi32, #tpu.memory_space<vmem>>
      %dma_wait3A_270 = tpu.memref_squeeze %dma_wait3A_269 : memref<1x128xi32, #tpu.memory_space<vmem>> -> memref<128xi32, #tpu.memory_space<vmem>>
      %dma_wait3A_271 = arith.constant 0 : i32
      %dma_wait3A_272 = arith.constant 0 : i32
      %dma_wait3A_273 = tpu.memref_slice %arg2[%dma_wait3A_271, %dma_wait3A_272] : memref<10240x64xf32, #tpu.memory_space<hbm>> -> memref<10240x64xf32, #tpu.memory_space<hbm>>
      tpu.wait_indirect_dma semaphore(%arg17 : memref<!tpu.dma_semaphore, #tpu.memory_space<semaphore_mem>>) src(%dma_wait3A_273 : memref<10240x64xf32, #tpu.memory_space<hbm>>) dst(%arg11 : memref<128x64xf32, #tpu.memory_space<vmem>>)
      %add3A_274 = arith.constant 3 : i32
      %add3A_275 = arith.addi %mul3A_217, %add3A_274 : i32
      %dma_start3A_276 = arith.constant 0 : i32
      %dma_start3A_277 = tpu.memref_slice %arg7[%add3A_275, %dma_start3A_276] : memref<80x128xi32, #tpu.memory_space<vmem>> -> memref<1x128xi32, #tpu.memory_space<vmem>>
      %dma_start3A_278 = tpu.memref_squeeze %dma_start3A_277 : memref<1x128xi32, #tpu.memory_space<vmem>> -> memref<128xi32, #tpu.memory_space<vmem>>
      %dma_start3A_279 = arith.constant 0 : i32
      %dma_start3A_280 = arith.constant 0 : i32
      %dma_start3A_281 = tpu.memref_slice %arg13[%dma_start3A_279, %dma_start3A_280] : memref<10240x64xf32, #tpu.memory_space<vmem_shared>> -> memref<10240x64xf32, #tpu.memory_space<vmem_shared>>
      tpu.enqueue_indirect_dma source(%arg11 : memref<128x64xf32, #tpu.memory_space<vmem>>) target(%dma_start3A_281 : memref<10240x64xf32, #tpu.memory_space<vmem_shared>>) offsets(%dma_start3A_278 : memref<128xi32, #tpu.memory_space<vmem>>) semaphore(%arg22 : memref<!tpu.dma_semaphore, #tpu.memory_space<semaphore_mem>>) {add = true}
      %add3A_282 = arith.constant 4 : i32
      %add3A_283 = arith.addi %mul3A_217, %add3A_282 : i32
      %dma_wait3A_284 = arith.constant 0 : i32
      %dma_wait3A_285 = tpu.memref_slice %arg6[%add3A_283, %dma_wait3A_284] : memref<80x128xi32, #tpu.memory_space<vmem>> -> memref<1x128xi32, #tpu.memory_space<vmem>>
      %dma_wait3A_286 = tpu.memref_squeeze %dma_wait3A_285 : memref<1x128xi32, #tpu.memory_space<vmem>> -> memref<128xi32, #tpu.memory_space<vmem>>
      %dma_wait3A_287 = arith.constant 0 : i32
      %dma_wait3A_288 = arith.constant 0 : i32
      %dma_wait3A_289 = tpu.memref_slice %arg2[%dma_wait3A_287, %dma_wait3A_288] : memref<10240x64xf32, #tpu.memory_space<hbm>> -> memref<10240x64xf32, #tpu.memory_space<hbm>>
      tpu.wait_indirect_dma semaphore(%arg18 : memref<!tpu.dma_semaphore, #tpu.memory_space<semaphore_mem>>) src(%dma_wait3A_289 : memref<10240x64xf32, #tpu.memory_space<hbm>>) dst(%arg12 : memref<128x64xf32, #tpu.memory_space<vmem>>)
      %add3A_290 = arith.constant 4 : i32
      %add3A_291 = arith.addi %mul3A_217, %add3A_290 : i32
      %dma_start3A_292 = arith.constant 0 : i32
      %dma_start3A_293 = tpu.memref_slice %arg7[%add3A_291, %dma_start3A_292] : memref<80x128xi32, #tpu.memory_space<vmem>> -> memref<1x128xi32, #tpu.memory_space<vmem>>
      %dma_start3A_294 = tpu.memref_squeeze %dma_start3A_293 : memref<1x128xi32, #tpu.memory_space<vmem>> -> memref<128xi32, #tpu.memory_space<vmem>>
      %dma_start3A_295 = arith.constant 0 : i32
      %dma_start3A_296 = arith.constant 0 : i32
      %dma_start3A_297 = tpu.memref_slice %arg13[%dma_start3A_295, %dma_start3A_296] : memref<10240x64xf32, #tpu.memory_space<vmem_shared>> -> memref<10240x64xf32, #tpu.memory_space<vmem_shared>>
      tpu.enqueue_indirect_dma source(%arg12 : memref<128x64xf32, #tpu.memory_space<vmem>>) target(%dma_start3A_297 : memref<10240x64xf32, #tpu.memory_space<vmem_shared>>) offsets(%dma_start3A_294 : memref<128xi32, #tpu.memory_space<vmem>>) semaphore(%arg23 : memref<!tpu.dma_semaphore, #tpu.memory_space<semaphore_mem>>) {add = true}
      %add3A_298 = arith.constant 0 : i32
      %add3A_299 = arith.addi %mul3A_217, %add3A_298 : i32
      %dma_wait3A_300 = arith.constant 0 : i32
      %dma_wait3A_301 = tpu.memref_slice %arg7[%add3A_299, %dma_wait3A_300] : memref<80x128xi32, #tpu.memory_space<vmem>> -> memref<1x128xi32, #tpu.memory_space<vmem>>
      %dma_wait3A_302 = tpu.memref_squeeze %dma_wait3A_301 : memref<1x128xi32, #tpu.memory_space<vmem>> -> memref<128xi32, #tpu.memory_space<vmem>>
      %dma_wait3A_303 = arith.constant 0 : i32
      %dma_wait3A_304 = arith.constant 0 : i32
      %dma_wait3A_305 = tpu.memref_slice %arg13[%dma_wait3A_303, %dma_wait3A_304] : memref<10240x64xf32, #tpu.memory_space<vmem_shared>> -> memref<10240x64xf32, #tpu.memory_space<vmem_shared>>
      tpu.wait_indirect_dma semaphore(%arg19 : memref<!tpu.dma_semaphore, #tpu.memory_space<semaphore_mem>>) src(%arg8 : memref<128x64xf32, #tpu.memory_space<vmem>>) dst(%dma_wait3A_305 : memref<10240x64xf32, #tpu.memory_space<vmem_shared>>)
      %add3A_306 = arith.constant 5 : i32
      %add3A_307 = arith.addi %mul3A_217, %add3A_306 : i32
      %add3A_308 = arith.constant 0 : i32
      %add3A_309 = arith.addi %add3A_307, %add3A_308 : i32
      %dma_start3A_310 = arith.constant 0 : i32
      %dma_start3A_311 = tpu.memref_slice %arg6[%add3A_309, %dma_start3A_310] : memref<80x128xi32, #tpu.memory_space<vmem>> -> memref<1x128xi32, #tpu.memory_space<vmem>>
      %dma_start3A_312 = tpu.memref_squeeze %dma_start3A_311 : memref<1x128xi32, #tpu.memory_space<vmem>> -> memref<128xi32, #tpu.memory_space<vmem>>
      %dma_start3A_313 = arith.constant 0 : i32
      %dma_start3A_314 = arith.constant 0 : i32
      %dma_start3A_315 = tpu.memref_slice %arg2[%dma_start3A_313, %dma_start3A_314] : memref<10240x64xf32, #tpu.memory_space<hbm>> -> memref<10240x64xf32, #tpu.memory_space<hbm>>
      tpu.enqueue_indirect_dma source(%dma_start3A_315 : memref<10240x64xf32, #tpu.memory_space<hbm>>) target(%arg8 : memref<128x64xf32, #tpu.memory_space<vmem>>) offsets(%dma_start3A_312 : memref<128xi32, #tpu.memory_space<vmem>>) semaphore(%arg14 : memref<!tpu.dma_semaphore, #tpu.memory_space<semaphore_mem>>)
      %add3A_316 = arith.constant 1 : i32
      %add3A_317 = arith.addi %mul3A_217, %add3A_316 : i32
      %dma_wait3A_318 = arith.constant 0 : i32
      %dma_wait3A_319 = tpu.memref_slice %arg7[%add3A_317, %dma_wait3A_318] : memref<80x128xi32, #tpu.memory_space<vmem>> -> memref<1x128xi32, #tpu.memory_space<vmem>>
      %dma_wait3A_320 = tpu.memref_squeeze %dma_wait3A_319 : memref<1x128xi32, #tpu.memory_space<vmem>> -> memref<128xi32, #tpu.memory_space<vmem>>
      %dma_wait3A_321 = arith.constant 0 : i32
      %dma_wait3A_322 = arith.constant 0 : i32
      %dma_wait3A_323 = tpu.memref_slice %arg13[%dma_wait3A_321, %dma_wait3A_322] : memref<10240x64xf32, #tpu.memory_space<vmem_shared>> -> memref<10240x64xf32, #tpu.memory_space<vmem_shared>>
      tpu.wait_indirect_dma semaphore(%arg20 : memref<!tpu.dma_semaphore, #tpu.memory_space<semaphore_mem>>) src(%arg9 : memref<128x64xf32, #tpu.memory_space<vmem>>) dst(%dma_wait3A_323 : memref<10240x64xf32, #tpu.memory_space<vmem_shared>>)
      %add3A_324 = arith.constant 5 : i32
      %add3A_325 = arith.addi %mul3A_217, %add3A_324 : i32
      %add3A_326 = arith.constant 1 : i32
      %add3A_327 = arith.addi %add3A_325, %add3A_326 : i32
      %dma_start3A_328 = arith.constant 0 : i32
      %dma_start3A_329 = tpu.memref_slice %arg6[%add3A_327, %dma_start3A_328] : memref<80x128xi32, #tpu.memory_space<vmem>> -> memref<1x128xi32, #tpu.memory_space<vmem>>
      %dma_start3A_330 = tpu.memref_squeeze %dma_start3A_329 : memref<1x128xi32, #tpu.memory_space<vmem>> -> memref<128xi32, #tpu.memory_space<vmem>>
      %dma_start3A_331 = arith.constant 0 : i32
      %dma_start3A_332 = arith.constant 0 : i32
      %dma_start3A_333 = tpu.memref_slice %arg2[%dma_start3A_331, %dma_start3A_332] : memref<10240x64xf32, #tpu.memory_space<hbm>> -> memref<10240x64xf32, #tpu.memory_space<hbm>>
      tpu.enqueue_indirect_dma source(%dma_start3A_333 : memref<10240x64xf32, #tpu.memory_space<hbm>>) target(%arg9 : memref<128x64xf32, #tpu.memory_space<vmem>>) offsets(%dma_start3A_330 : memref<128xi32, #tpu.memory_space<vmem>>) semaphore(%arg15 : memref<!tpu.dma_semaphore, #tpu.memory_space<semaphore_mem>>)
      %add3A_334 = arith.constant 2 : i32
      %add3A_335 = arith.addi %mul3A_217, %add3A_334 : i32
      %dma_wait3A_336 = arith.constant 0 : i32
      %dma_wait3A_337 = tpu.memref_slice %arg7[%add3A_335, %dma_wait3A_336] : memref<80x128xi32, #tpu.memory_space<vmem>> -> memref<1x128xi32, #tpu.memory_space<vmem>>
      %dma_wait3A_338 = tpu.memref_squeeze %dma_wait3A_337 : memref<1x128xi32, #tpu.memory_space<vmem>> -> memref<128xi32, #tpu.memory_space<vmem>>
      %dma_wait3A_339 = arith.constant 0 : i32
      %dma_wait3A_340 = arith.constant 0 : i32
      %dma_wait3A_341 = tpu.memref_slice %arg13[%dma_wait3A_339, %dma_wait3A_340] : memref<10240x64xf32, #tpu.memory_space<vmem_shared>> -> memref<10240x64xf32, #tpu.memory_space<vmem_shared>>
      tpu.wait_indirect_dma semaphore(%arg21 : memref<!tpu.dma_semaphore, #tpu.memory_space<semaphore_mem>>) src(%arg10 : memref<128x64xf32, #tpu.memory_space<vmem>>) dst(%dma_wait3A_341 : memref<10240x64xf32, #tpu.memory_space<vmem_shared>>)
      %add3A_342 = arith.constant 5 : i32
      %add3A_343 = arith.addi %mul3A_217, %add3A_342 : i32
      %add3A_344 = arith.constant 2 : i32
      %add3A_345 = arith.addi %add3A_343, %add3A_344 : i32
      %dma_start3A_346 = arith.constant 0 : i32
      %dma_start3A_347 = tpu.memref_slice %arg6[%add3A_345, %dma_start3A_346] : memref<80x128xi32, #tpu.memory_space<vmem>> -> memref<1x128xi32, #tpu.memory_space<vmem>>
      %dma_start3A_348 = tpu.memref_squeeze %dma_start3A_347 : memref<1x128xi32, #tpu.memory_space<vmem>> -> memref<128xi32, #tpu.memory_space<vmem>>
      %dma_start3A_349 = arith.constant 0 : i32
      %dma_start3A_350 = arith.constant 0 : i32
      %dma_start3A_351 = tpu.memref_slice %arg2[%dma_start3A_349, %dma_start3A_350] : memref<10240x64xf32, #tpu.memory_space<hbm>> -> memref<10240x64xf32, #tpu.memory_space<hbm>>
      tpu.enqueue_indirect_dma source(%dma_start3A_351 : memref<10240x64xf32, #tpu.memory_space<hbm>>) target(%arg10 : memref<128x64xf32, #tpu.memory_space<vmem>>) offsets(%dma_start3A_348 : memref<128xi32, #tpu.memory_space<vmem>>) semaphore(%arg16 : memref<!tpu.dma_semaphore, #tpu.memory_space<semaphore_mem>>)
      %add3A_352 = arith.constant 3 : i32
      %add3A_353 = arith.addi %mul3A_217, %add3A_352 : i32
      %dma_wait3A_354 = arith.constant 0 : i32
      %dma_wait3A_355 = tpu.memref_slice %arg7[%add3A_353, %dma_wait3A_354] : memref<80x128xi32, #tpu.memory_space<vmem>> -> memref<1x128xi32, #tpu.memory_space<vmem>>
      %dma_wait3A_356 = tpu.memref_squeeze %dma_wait3A_355 : memref<1x128xi32, #tpu.memory_space<vmem>> -> memref<128xi32, #tpu.memory_space<vmem>>
      %dma_wait3A_357 = arith.constant 0 : i32
      %dma_wait3A_358 = arith.constant 0 : i32
      %dma_wait3A_359 = tpu.memref_slice %arg13[%dma_wait3A_357, %dma_wait3A_358] : memref<10240x64xf32, #tpu.memory_space<vmem_shared>> -> memref<10240x64xf32, #tpu.memory_space<vmem_shared>>
      tpu.wait_indirect_dma semaphore(%arg22 : memref<!tpu.dma_semaphore, #tpu.memory_space<semaphore_mem>>) src(%arg11 : memref<128x64xf32, #tpu.memory_space<vmem>>) dst(%dma_wait3A_359 : memref<10240x64xf32, #tpu.memory_space<vmem_shared>>)
      %add3A_360 = arith.constant 5 : i32
      %add3A_361 = arith.addi %mul3A_217, %add3A_360 : i32
      %add3A_362 = arith.constant 3 : i32
      %add3A_363 = arith.addi %add3A_361, %add3A_362 : i32
      %dma_start3A_364 = arith.constant 0 : i32
      %dma_start3A_365 = tpu.memref_slice %arg6[%add3A_363, %dma_start3A_364] : memref<80x128xi32, #tpu.memory_space<vmem>> -> memref<1x128xi32, #tpu.memory_space<vmem>>
      %dma_start3A_366 = tpu.memref_squeeze %dma_start3A_365 : memref<1x128xi32, #tpu.memory_space<vmem>> -> memref<128xi32, #tpu.memory_space<vmem>>
      %dma_start3A_367 = arith.constant 0 : i32
      %dma_start3A_368 = arith.constant 0 : i32
      %dma_start3A_369 = tpu.memref_slice %arg2[%dma_start3A_367, %dma_start3A_368] : memref<10240x64xf32, #tpu.memory_space<hbm>> -> memref<10240x64xf32, #tpu.memory_space<hbm>>
      tpu.enqueue_indirect_dma source(%dma_start3A_369 : memref<10240x64xf32, #tpu.memory_space<hbm>>) target(%arg11 : memref<128x64xf32, #tpu.memory_space<vmem>>) offsets(%dma_start3A_366 : memref<128xi32, #tpu.memory_space<vmem>>) semaphore(%arg17 : memref<!tpu.dma_semaphore, #tpu.memory_space<semaphore_mem>>)
      %add3A_370 = arith.constant 4 : i32
      %add3A_371 = arith.addi %mul3A_217, %add3A_370 : i32
      %dma_wait3A_372 = arith.constant 0 : i32
      %dma_wait3A_373 = tpu.memref_slice %arg7[%add3A_371, %dma_wait3A_372] : memref<80x128xi32, #tpu.memory_space<vmem>> -> memref<1x128xi32, #tpu.memory_space<vmem>>
      %dma_wait3A_374 = tpu.memref_squeeze %dma_wait3A_373 : memref<1x128xi32, #tpu.memory_space<vmem>> -> memref<128xi32, #tpu.memory_space<vmem>>
      %dma_wait3A_375 = arith.constant 0 : i32
      %dma_wait3A_376 = arith.constant 0 : i32
      %dma_wait3A_377 = tpu.memref_slice %arg13[%dma_wait3A_375, %dma_wait3A_376] : memref<10240x64xf32, #tpu.memory_space<vmem_shared>> -> memref<10240x64xf32, #tpu.memory_space<vmem_shared>>
      tpu.wait_indirect_dma semaphore(%arg23 : memref<!tpu.dma_semaphore, #tpu.memory_space<semaphore_mem>>) src(%arg12 : memref<128x64xf32, #tpu.memory_space<vmem>>) dst(%dma_wait3A_377 : memref<10240x64xf32, #tpu.memory_space<vmem_shared>>)
      %add3A_378 = arith.constant 5 : i32
      %add3A_379 = arith.addi %mul3A_217, %add3A_378 : i32
      %add3A_380 = arith.constant 4 : i32
      %add3A_381 = arith.addi %add3A_379, %add3A_380 : i32
      %dma_start3A_382 = arith.constant 0 : i32
      %dma_start3A_383 = tpu.memref_slice %arg6[%add3A_381, %dma_start3A_382] : memref<80x128xi32, #tpu.memory_space<vmem>> -> memref<1x128xi32, #tpu.memory_space<vmem>>
      %dma_start3A_384 = tpu.memref_squeeze %dma_start3A_383 : memref<1x128xi32, #tpu.memory_space<vmem>> -> memref<128xi32, #tpu.memory_space<vmem>>
      %dma_start3A_385 = arith.constant 0 : i32
      %dma_start3A_386 = arith.constant 0 : i32
      %dma_start3A_387 = tpu.memref_slice %arg2[%dma_start3A_385, %dma_start3A_386] : memref<10240x64xf32, #tpu.memory_space<hbm>> -> memref<10240x64xf32, #tpu.memory_space<hbm>>
      tpu.enqueue_indirect_dma source(%dma_start3A_387 : memref<10240x64xf32, #tpu.memory_space<hbm>>) target(%arg12 : memref<128x64xf32, #tpu.memory_space<vmem>>) offsets(%dma_start3A_384 : memref<128xi32, #tpu.memory_space<vmem>>) semaphore(%arg18 : memref<!tpu.dma_semaphore, #tpu.memory_space<semaphore_mem>>)
    }
    %sub3A_91 = arith.constant 5 : i32
    %sub3A_92 = arith.subi %select_n3A_18, %sub3A_91 : i32
    %add3A_93 = arith.constant 0 : i32
    %add3A_94 = arith.addi %sub3A_92, %add3A_93 : i32
    %dma_wait3A = arith.constant 0 : i32
    %dma_wait3A_95 = tpu.memref_slice %arg6[%add3A_94, %dma_wait3A] : memref<80x128xi32, #tpu.memory_space<vmem>> -> memref<1x128xi32, #tpu.memory_space<vmem>>
    %dma_wait3A_96 = tpu.memref_squeeze %dma_wait3A_95 : memref<1x128xi32, #tpu.memory_space<vmem>> -> memref<128xi32, #tpu.memory_space<vmem>>
    %dma_wait3A_97 = arith.constant 0 : i32
    %dma_wait3A_98 = arith.constant 0 : i32
    %dma_wait3A_99 = tpu.memref_slice %arg2[%dma_wait3A_97, %dma_wait3A_98] : memref<10240x64xf32, #tpu.memory_space<hbm>> -> memref<10240x64xf32, #tpu.memory_space<hbm>>
    tpu.wait_indirect_dma semaphore(%arg14 : memref<!tpu.dma_semaphore, #tpu.memory_space<semaphore_mem>>) src(%dma_wait3A_99 : memref<10240x64xf32, #tpu.memory_space<hbm>>) dst(%arg8 : memref<128x64xf32, #tpu.memory_space<vmem>>)
    %add3A_100 = arith.constant 0 : i32
    %add3A_101 = arith.addi %sub3A_92, %add3A_100 : i32
    %dma_start3A_102 = arith.constant 0 : i32
    %dma_start3A_103 = tpu.memref_slice %arg7[%add3A_101, %dma_start3A_102] : memref<80x128xi32, #tpu.memory_space<vmem>> -> memref<1x128xi32, #tpu.memory_space<vmem>>
    %dma_start3A_104 = tpu.memref_squeeze %dma_start3A_103 : memref<1x128xi32, #tpu.memory_space<vmem>> -> memref<128xi32, #tpu.memory_space<vmem>>
    %dma_start3A_105 = arith.constant 0 : i32
    %dma_start3A_106 = arith.constant 0 : i32
    %dma_start3A_107 = tpu.memref_slice %arg13[%dma_start3A_105, %dma_start3A_106] : memref<10240x64xf32, #tpu.memory_space<vmem_shared>> -> memref<10240x64xf32, #tpu.memory_space<vmem_shared>>
    tpu.enqueue_indirect_dma source(%arg8 : memref<128x64xf32, #tpu.memory_space<vmem>>) target(%dma_start3A_107 : memref<10240x64xf32, #tpu.memory_space<vmem_shared>>) offsets(%dma_start3A_104 : memref<128xi32, #tpu.memory_space<vmem>>) semaphore(%arg19 : memref<!tpu.dma_semaphore, #tpu.memory_space<semaphore_mem>>) {add = true}
    %add3A_108 = arith.constant 1 : i32
    %add3A_109 = arith.addi %sub3A_92, %add3A_108 : i32
    %dma_wait3A_110 = arith.constant 0 : i32
    %dma_wait3A_111 = tpu.memref_slice %arg6[%add3A_109, %dma_wait3A_110] : memref<80x128xi32, #tpu.memory_space<vmem>> -> memref<1x128xi32, #tpu.memory_space<vmem>>
    %dma_wait3A_112 = tpu.memref_squeeze %dma_wait3A_111 : memref<1x128xi32, #tpu.memory_space<vmem>> -> memref<128xi32, #tpu.memory_space<vmem>>
    %dma_wait3A_113 = arith.constant 0 : i32
    %dma_wait3A_114 = arith.constant 0 : i32
    %dma_wait3A_115 = tpu.memref_slice %arg2[%dma_wait3A_113, %dma_wait3A_114] : memref<10240x64xf32, #tpu.memory_space<hbm>> -> memref<10240x64xf32, #tpu.memory_space<hbm>>
    tpu.wait_indirect_dma semaphore(%arg15 : memref<!tpu.dma_semaphore, #tpu.memory_space<semaphore_mem>>) src(%dma_wait3A_115 : memref<10240x64xf32, #tpu.memory_space<hbm>>) dst(%arg9 : memref<128x64xf32, #tpu.memory_space<vmem>>)
    %add3A_116 = arith.constant 1 : i32
    %add3A_117 = arith.addi %sub3A_92, %add3A_116 : i32
    %dma_start3A_118 = arith.constant 0 : i32
    %dma_start3A_119 = tpu.memref_slice %arg7[%add3A_117, %dma_start3A_118] : memref<80x128xi32, #tpu.memory_space<vmem>> -> memref<1x128xi32, #tpu.memory_space<vmem>>
    %dma_start3A_120 = tpu.memref_squeeze %dma_start3A_119 : memref<1x128xi32, #tpu.memory_space<vmem>> -> memref<128xi32, #tpu.memory_space<vmem>>
    %dma_start3A_121 = arith.constant 0 : i32
    %dma_start3A_122 = arith.constant 0 : i32
    %dma_start3A_123 = tpu.memref_slice %arg13[%dma_start3A_121, %dma_start3A_122] : memref<10240x64xf32, #tpu.memory_space<vmem_shared>> -> memref<10240x64xf32, #tpu.memory_space<vmem_shared>>
    tpu.enqueue_indirect_dma source(%arg9 : memref<128x64xf32, #tpu.memory_space<vmem>>) target(%dma_start3A_123 : memref<10240x64xf32, #tpu.memory_space<vmem_shared>>) offsets(%dma_start3A_120 : memref<128xi32, #tpu.memory_space<vmem>>) semaphore(%arg20 : memref<!tpu.dma_semaphore, #tpu.memory_space<semaphore_mem>>) {add = true}
    %add3A_124 = arith.constant 2 : i32
    %add3A_125 = arith.addi %sub3A_92, %add3A_124 : i32
    %dma_wait3A_126 = arith.constant 0 : i32
    %dma_wait3A_127 = tpu.memref_slice %arg6[%add3A_125, %dma_wait3A_126] : memref<80x128xi32, #tpu.memory_space<vmem>> -> memref<1x128xi32, #tpu.memory_space<vmem>>
    %dma_wait3A_128 = tpu.memref_squeeze %dma_wait3A_127 : memref<1x128xi32, #tpu.memory_space<vmem>> -> memref<128xi32, #tpu.memory_space<vmem>>
    %dma_wait3A_129 = arith.constant 0 : i32
    %dma_wait3A_130 = arith.constant 0 : i32
    %dma_wait3A_131 = tpu.memref_slice %arg2[%dma_wait3A_129, %dma_wait3A_130] : memref<10240x64xf32, #tpu.memory_space<hbm>> -> memref<10240x64xf32, #tpu.memory_space<hbm>>
    tpu.wait_indirect_dma semaphore(%arg16 : memref<!tpu.dma_semaphore, #tpu.memory_space<semaphore_mem>>) src(%dma_wait3A_131 : memref<10240x64xf32, #tpu.memory_space<hbm>>) dst(%arg10 : memref<128x64xf32, #tpu.memory_space<vmem>>)
    %add3A_132 = arith.constant 2 : i32
    %add3A_133 = arith.addi %sub3A_92, %add3A_132 : i32
    %dma_start3A_134 = arith.constant 0 : i32
    %dma_start3A_135 = tpu.memref_slice %arg7[%add3A_133, %dma_start3A_134] : memref<80x128xi32, #tpu.memory_space<vmem>> -> memref<1x128xi32, #tpu.memory_space<vmem>>
    %dma_start3A_136 = tpu.memref_squeeze %dma_start3A_135 : memref<1x128xi32, #tpu.memory_space<vmem>> -> memref<128xi32, #tpu.memory_space<vmem>>
    %dma_start3A_137 = arith.constant 0 : i32
    %dma_start3A_138 = arith.constant 0 : i32
    %dma_start3A_139 = tpu.memref_slice %arg13[%dma_start3A_137, %dma_start3A_138] : memref<10240x64xf32, #tpu.memory_space<vmem_shared>> -> memref<10240x64xf32, #tpu.memory_space<vmem_shared>>
    tpu.enqueue_indirect_dma source(%arg10 : memref<128x64xf32, #tpu.memory_space<vmem>>) target(%dma_start3A_139 : memref<10240x64xf32, #tpu.memory_space<vmem_shared>>) offsets(%dma_start3A_136 : memref<128xi32, #tpu.memory_space<vmem>>) semaphore(%arg21 : memref<!tpu.dma_semaphore, #tpu.memory_space<semaphore_mem>>) {add = true}
    %add3A_140 = arith.constant 3 : i32
    %add3A_141 = arith.addi %sub3A_92, %add3A_140 : i32
    %dma_wait3A_142 = arith.constant 0 : i32
    %dma_wait3A_143 = tpu.memref_slice %arg6[%add3A_141, %dma_wait3A_142] : memref<80x128xi32, #tpu.memory_space<vmem>> -> memref<1x128xi32, #tpu.memory_space<vmem>>
    %dma_wait3A_144 = tpu.memref_squeeze %dma_wait3A_143 : memref<1x128xi32, #tpu.memory_space<vmem>> -> memref<128xi32, #tpu.memory_space<vmem>>
    %dma_wait3A_145 = arith.constant 0 : i32
    %dma_wait3A_146 = arith.constant 0 : i32
    %dma_wait3A_147 = tpu.memref_slice %arg2[%dma_wait3A_145, %dma_wait3A_146] : memref<10240x64xf32, #tpu.memory_space<hbm>> -> memref<10240x64xf32, #tpu.memory_space<hbm>>
    tpu.wait_indirect_dma semaphore(%arg17 : memref<!tpu.dma_semaphore, #tpu.memory_space<semaphore_mem>>) src(%dma_wait3A_147 : memref<10240x64xf32, #tpu.memory_space<hbm>>) dst(%arg11 : memref<128x64xf32, #tpu.memory_space<vmem>>)
    %add3A_148 = arith.constant 3 : i32
    %add3A_149 = arith.addi %sub3A_92, %add3A_148 : i32
    %dma_start3A_150 = arith.constant 0 : i32
    %dma_start3A_151 = tpu.memref_slice %arg7[%add3A_149, %dma_start3A_150] : memref<80x128xi32, #tpu.memory_space<vmem>> -> memref<1x128xi32, #tpu.memory_space<vmem>>
    %dma_start3A_152 = tpu.memref_squeeze %dma_start3A_151 : memref<1x128xi32, #tpu.memory_space<vmem>> -> memref<128xi32, #tpu.memory_space<vmem>>
    %dma_start3A_153 = arith.constant 0 : i32
    %dma_start3A_154 = arith.constant 0 : i32
    %dma_start3A_155 = tpu.memref_slice %arg13[%dma_start3A_153, %dma_start3A_154] : memref<10240x64xf32, #tpu.memory_space<vmem_shared>> -> memref<10240x64xf32, #tpu.memory_space<vmem_shared>>
    tpu.enqueue_indirect_dma source(%arg11 : memref<128x64xf32, #tpu.memory_space<vmem>>) target(%dma_start3A_155 : memref<10240x64xf32, #tpu.memory_space<vmem_shared>>) offsets(%dma_start3A_152 : memref<128xi32, #tpu.memory_space<vmem>>) semaphore(%arg22 : memref<!tpu.dma_semaphore, #tpu.memory_space<semaphore_mem>>) {add = true}
    %add3A_156 = arith.constant 4 : i32
    %add3A_157 = arith.addi %sub3A_92, %add3A_156 : i32
    %dma_wait3A_158 = arith.constant 0 : i32
    %dma_wait3A_159 = tpu.memref_slice %arg6[%add3A_157, %dma_wait3A_158] : memref<80x128xi32, #tpu.memory_space<vmem>> -> memref<1x128xi32, #tpu.memory_space<vmem>>
    %dma_wait3A_160 = tpu.memref_squeeze %dma_wait3A_159 : memref<1x128xi32, #tpu.memory_space<vmem>> -> memref<128xi32, #tpu.memory_space<vmem>>
    %dma_wait3A_161 = arith.constant 0 : i32
    %dma_wait3A_162 = arith.constant 0 : i32
    %dma_wait3A_163 = tpu.memref_slice %arg2[%dma_wait3A_161, %dma_wait3A_162] : memref<10240x64xf32, #tpu.memory_space<hbm>> -> memref<10240x64xf32, #tpu.memory_space<hbm>>
    tpu.wait_indirect_dma semaphore(%arg18 : memref<!tpu.dma_semaphore, #tpu.memory_space<semaphore_mem>>) src(%dma_wait3A_163 : memref<10240x64xf32, #tpu.memory_space<hbm>>) dst(%arg12 : memref<128x64xf32, #tpu.memory_space<vmem>>)
    %add3A_164 = arith.constant 4 : i32
    %add3A_165 = arith.addi %sub3A_92, %add3A_164 : i32
    %dma_start3A_166 = arith.constant 0 : i32
    %dma_start3A_167 = tpu.memref_slice %arg7[%add3A_165, %dma_start3A_166] : memref<80x128xi32, #tpu.memory_space<vmem>> -> memref<1x128xi32, #tpu.memory_space<vmem>>
    %dma_start3A_168 = tpu.memref_squeeze %dma_start3A_167 : memref<1x128xi32, #tpu.memory_space<vmem>> -> memref<128xi32, #tpu.memory_space<vmem>>
    %dma_start3A_169 = arith.constant 0 : i32
    %dma_start3A_170 = arith.constant 0 : i32
    %dma_start3A_171 = tpu.memref_slice %arg13[%dma_start3A_169, %dma_start3A_170] : memref<10240x64xf32, #tpu.memory_space<vmem_shared>> -> memref<10240x64xf32, #tpu.memory_space<vmem_shared>>
    tpu.enqueue_indirect_dma source(%arg12 : memref<128x64xf32, #tpu.memory_space<vmem>>) target(%dma_start3A_171 : memref<10240x64xf32, #tpu.memory_space<vmem_shared>>) offsets(%dma_start3A_168 : memref<128xi32, #tpu.memory_space<vmem>>) semaphore(%arg23 : memref<!tpu.dma_semaphore, #tpu.memory_space<semaphore_mem>>) {add = true}
    %add3A_172 = arith.constant 0 : i32
    %add3A_173 = arith.addi %sub3A_92, %add3A_172 : i32
    %dma_wait3A_174 = arith.constant 0 : i32
    %dma_wait3A_175 = tpu.memref_slice %arg7[%add3A_173, %dma_wait3A_174] : memref<80x128xi32, #tpu.memory_space<vmem>> -> memref<1x128xi32, #tpu.memory_space<vmem>>
    %dma_wait3A_176 = tpu.memref_squeeze %dma_wait3A_175 : memref<1x128xi32, #tpu.memory_space<vmem>> -> memref<128xi32, #tpu.memory_space<vmem>>
    %dma_wait3A_177 = arith.constant 0 : i32
    %dma_wait3A_178 = arith.constant 0 : i32
    %dma_wait3A_179 = tpu.memref_slice %arg13[%dma_wait3A_177, %dma_wait3A_178] : memref<10240x64xf32, #tpu.memory_space<vmem_shared>> -> memref<10240x64xf32, #tpu.memory_space<vmem_shared>>
    tpu.wait_indirect_dma semaphore(%arg19 : memref<!tpu.dma_semaphore, #tpu.memory_space<semaphore_mem>>) src(%arg8 : memref<128x64xf32, #tpu.memory_space<vmem>>) dst(%dma_wait3A_179 : memref<10240x64xf32, #tpu.memory_space<vmem_shared>>)
    %add3A_180 = arith.constant 1 : i32
    %add3A_181 = arith.addi %sub3A_92, %add3A_180 : i32
    %dma_wait3A_182 = arith.constant 0 : i32
    %dma_wait3A_183 = tpu.memref_slice %arg7[%add3A_181, %dma_wait3A_182] : memref<80x128xi32, #tpu.memory_space<vmem>> -> memref<1x128xi32, #tpu.memory_space<vmem>>
    %dma_wait3A_184 = tpu.memref_squeeze %dma_wait3A_183 : memref<1x128xi32, #tpu.memory_space<vmem>> -> memref<128xi32, #tpu.memory_space<vmem>>
    %dma_wait3A_185 = arith.constant 0 : i32
    %dma_wait3A_186 = arith.constant 0 : i32
    %dma_wait3A_187 = tpu.memref_slice %arg13[%dma_wait3A_185, %dma_wait3A_186] : memref<10240x64xf32, #tpu.memory_space<vmem_shared>> -> memref<10240x64xf32, #tpu.memory_space<vmem_shared>>
    tpu.wait_indirect_dma semaphore(%arg20 : memref<!tpu.dma_semaphore, #tpu.memory_space<semaphore_mem>>) src(%arg9 : memref<128x64xf32, #tpu.memory_space<vmem>>) dst(%dma_wait3A_187 : memref<10240x64xf32, #tpu.memory_space<vmem_shared>>)
    %add3A_188 = arith.constant 2 : i32
    %add3A_189 = arith.addi %sub3A_92, %add3A_188 : i32
    %dma_wait3A_190 = arith.constant 0 : i32
    %dma_wait3A_191 = tpu.memref_slice %arg7[%add3A_189, %dma_wait3A_190] : memref<80x128xi32, #tpu.memory_space<vmem>> -> memref<1x128xi32, #tpu.memory_space<vmem>>
    %dma_wait3A_192 = tpu.memref_squeeze %dma_wait3A_191 : memref<1x128xi32, #tpu.memory_space<vmem>> -> memref<128xi32, #tpu.memory_space<vmem>>
    %dma_wait3A_193 = arith.constant 0 : i32
    %dma_wait3A_194 = arith.constant 0 : i32
    %dma_wait3A_195 = tpu.memref_slice %arg13[%dma_wait3A_193, %dma_wait3A_194] : memref<10240x64xf32, #tpu.memory_space<vmem_shared>> -> memref<10240x64xf32, #tpu.memory_space<vmem_shared>>
    tpu.wait_indirect_dma semaphore(%arg21 : memref<!tpu.dma_semaphore, #tpu.memory_space<semaphore_mem>>) src(%arg10 : memref<128x64xf32, #tpu.memory_space<vmem>>) dst(%dma_wait3A_195 : memref<10240x64xf32, #tpu.memory_space<vmem_shared>>)
    %add3A_196 = arith.constant 3 : i32
    %add3A_197 = arith.addi %sub3A_92, %add3A_196 : i32
    %dma_wait3A_198 = arith.constant 0 : i32
    %dma_wait3A_199 = tpu.memref_slice %arg7[%add3A_197, %dma_wait3A_198] : memref<80x128xi32, #tpu.memory_space<vmem>> -> memref<1x128xi32, #tpu.memory_space<vmem>>
    %dma_wait3A_200 = tpu.memref_squeeze %dma_wait3A_199 : memref<1x128xi32, #tpu.memory_space<vmem>> -> memref<128xi32, #tpu.memory_space<vmem>>
    %dma_wait3A_201 = arith.constant 0 : i32
    %dma_wait3A_202 = arith.constant 0 : i32
    %dma_wait3A_203 = tpu.memref_slice %arg13[%dma_wait3A_201, %dma_wait3A_202] : memref<10240x64xf32, #tpu.memory_space<vmem_shared>> -> memref<10240x64xf32, #tpu.memory_space<vmem_shared>>
    tpu.wait_indirect_dma semaphore(%arg22 : memref<!tpu.dma_semaphore, #tpu.memory_space<semaphore_mem>>) src(%arg11 : memref<128x64xf32, #tpu.memory_space<vmem>>) dst(%dma_wait3A_203 : memref<10240x64xf32, #tpu.memory_space<vmem_shared>>)
    %add3A_204 = arith.constant 4 : i32
    %add3A_205 = arith.addi %sub3A_92, %add3A_204 : i32
    %dma_wait3A_206 = arith.constant 0 : i32
    %dma_wait3A_207 = tpu.memref_slice %arg7[%add3A_205, %dma_wait3A_206] : memref<80x128xi32, #tpu.memory_space<vmem>> -> memref<1x128xi32, #tpu.memory_space<vmem>>
    %dma_wait3A_208 = tpu.memref_squeeze %dma_wait3A_207 : memref<1x128xi32, #tpu.memory_space<vmem>> -> memref<128xi32, #tpu.memory_space<vmem>>
    %dma_wait3A_209 = arith.constant 0 : i32
    %dma_wait3A_210 = arith.constant 0 : i32
    %dma_wait3A_211 = tpu.memref_slice %arg13[%dma_wait3A_209, %dma_wait3A_210] : memref<10240x64xf32, #tpu.memory_space<vmem_shared>> -> memref<10240x64xf32, #tpu.memory_space<vmem_shared>>
    tpu.wait_indirect_dma semaphore(%arg23 : memref<!tpu.dma_semaphore, #tpu.memory_space<semaphore_mem>>) src(%arg12 : memref<128x64xf32, #tpu.memory_space<vmem>>) dst(%dma_wait3A_211 : memref<10240x64xf32, #tpu.memory_space<vmem_shared>>)
    %barrier3A_212 = arith.constant 0 : index
    tpu.barrier barrier_id(%barrier3A_212)
    "tpu.region"() ({
      %run_scoped3A = tpu.sem_alloc : memref<!tpu.dma_semaphore, #tpu.memory_space<semaphore_mem>>
      %dma_start3A_213 = arith.constant 0 : i32
      %dma_start3A_214 = tpu.memref_slice %arg5[%arg0, %mul3A_0, %dma_start3A_213] : memref<2x10240x64xf32, #tpu.memory_space<hbm>> -> memref<1x640x64xf32, #tpu.memory_space<hbm>>
      %dma_start3A_215 = tpu.memref_squeeze %dma_start3A_214 : memref<1x640x64xf32, #tpu.memory_space<hbm>> -> memref<640x64xf32, #tpu.memory_space<hbm>>
      %dma_start3A_216 = arith.constant 0 : i32
      %dma_start3A_217 = tpu.memref_slice %arg13[%mul3A_0, %dma_start3A_216] : memref<10240x64xf32, #tpu.memory_space<vmem_shared>> -> memref<640x64xf32, #tpu.memory_space<vmem_shared>>
      tpu.enqueue_dma source(%dma_start3A_217 : memref<640x64xf32, #tpu.memory_space<vmem_shared>>) target(%dma_start3A_215 : memref<640x64xf32, #tpu.memory_space<hbm>>) target_semaphore(%run_scoped3A : memref<!tpu.dma_semaphore, #tpu.memory_space<semaphore_mem>>)
      %dma_wait3A_218 = arith.constant 0 : i32
      %dma_wait3A_219 = tpu.memref_slice %arg5[%arg0, %mul3A_0, %dma_wait3A_218] : memref<2x10240x64xf32, #tpu.memory_space<hbm>> -> memref<1x640x64xf32, #tpu.memory_space<hbm>>
      %dma_wait3A_220 = tpu.memref_squeeze %dma_wait3A_219 : memref<1x640x64xf32, #tpu.memory_space<hbm>> -> memref<640x64xf32, #tpu.memory_space<hbm>>
      %dma_wait3A_221 = arith.constant 0 : i32
      %dma_wait3A_222 = tpu.memref_slice %arg13[%mul3A_0, %dma_wait3A_221] : memref<10240x64xf32, #tpu.memory_space<vmem_shared>> -> memref<640x64xf32, #tpu.memory_space<vmem_shared>>
      tpu.wait_dma2 semaphore(%run_scoped3A : memref<!tpu.dma_semaphore, #tpu.memory_space<semaphore_mem>>) src(%dma_wait3A_222 : memref<640x64xf32, #tpu.memory_space<vmem_shared>>) dst(%dma_wait3A_220 : memref<640x64xf32, #tpu.memory_space<hbm>>)
      tpu.yield
    }) : () -> ()
    return
  }
}

module attributes {stable_mosaic.version = 14 : i64} {
  func.func @_scale_body(%arg0: memref<10000x128xf32, #tpu.memory_space<vmem>>, %arg1: memref<2x10240x16xf32, #tpu.memory_space<vmem>>, %arg2: memref<10240x64xf32, #tpu.memory_space<vmem>>, %arg3: memref<10240x64xf32, #tpu.memory_space<vmem>>) attributes {dimension_semantics = [], scalar_prefetch = 0 : i64, scratch_operands = 0 : i64, tpu.core_type = #tpu.core_type<tc>} {
    %get3A = arith.constant 0 : index
    %get3A_0 = arith.constant 0 : index
    %get3A_1 = arith.constant 0 : index
    %get3A_2 = vector.load %arg1[%get3A, %get3A_0, %get3A_1] : memref<2x10240x16xf32, #tpu.memory_space<vmem>>, vector<1x10000x1xf32>
    %get3A_3 = vector.shape_cast %get3A_2 : vector<1x10000x1xf32> to vector<10000x1xf32>
    %get3A_4 = arith.constant 1 : index
    %get3A_5 = arith.constant 0 : index
    %get3A_6 = arith.constant 0 : index
    %get3A_7 = vector.load %arg1[%get3A_4, %get3A_5, %get3A_6] : memref<2x10240x16xf32, #tpu.memory_space<vmem>>, vector<1x10000x1xf32>
    %get3A_8 = vector.shape_cast %get3A_7 : vector<1x10000x1xf32> to vector<10000x1xf32>
    %add3A = arith.addf %get3A_3, %get3A_8 : vector<10000x1xf32>
    %max3A = arith.constant 1.000000e+00 : f32
    %max3A_9 = vector.broadcast %max3A : f32 to vector<10000x1xf32>
    %max3A_10 = arith.maximumf %add3A, %max3A_9 : vector<10000x1xf32>
    %rsqrt3A = math.rsqrt %max3A_10 : vector<10000x1xf32>
    %get3A_11 = arith.constant 0 : index
    %get3A_12 = arith.constant 0 : index
    %get3A_13 = vector.load %arg0[%get3A_11, %get3A_12] : memref<10000x128xf32, #tpu.memory_space<vmem>>, vector<10000x128xf32>
    %mul3A = vector.broadcast %rsqrt3A : vector<10000x1xf32> to vector<10000x128xf32>
    %mul3A_14 = arith.mulf %get3A_13, %mul3A : vector<10000x128xf32>
    %slice3A = vector.extract_strided_slice %mul3A_14 {offsets = [0, 0], sizes = [10000, 64], strides = [1, 1]} : vector<10000x128xf32> to vector<10000x64xf32>
    %swap3A = arith.constant 0 : index
    %swap3A_15 = arith.constant 0 : index
    %swap3A_16 = vector.load %arg2[%swap3A, %swap3A_15] : memref<10240x64xf32, #tpu.memory_space<vmem>>, vector<10000x64xf32>
    tpu.vector_store %arg2[%swap3A, %swap3A_15], %slice3A {strides = array<i32>} : memref<10240x64xf32, #tpu.memory_space<vmem>>, vector<10000x64xf32>,
    %slice3A_17 = vector.extract_strided_slice %mul3A_14 {offsets = [0, 64], sizes = [10000, 64], strides = [1, 1]} : vector<10000x128xf32> to vector<10000x64xf32>
    %swap3A_18 = arith.constant 0 : index
    %swap3A_19 = arith.constant 0 : index
    %swap3A_20 = vector.load %arg3[%swap3A_18, %swap3A_19] : memref<10240x64xf32, #tpu.memory_space<vmem>>, vector<10000x64xf32>
    tpu.vector_store %arg3[%swap3A_18, %swap3A_19], %slice3A_17 {strides = array<i32>} : memref<10240x64xf32, #tpu.memory_space<vmem>>, vector<10000x64xf32>,
    %broadcast_in_dim3A = arith.constant 0.000000e+00 : f32
    %broadcast_in_dim3A_21 = vector.broadcast %broadcast_in_dim3A : f32 to vector<240x64xf32>
    %swap3A_22 = arith.constant 10000 : index
    %swap3A_23 = arith.constant 0 : index
    %swap3A_24 = vector.load %arg2[%swap3A_22, %swap3A_23] : memref<10240x64xf32, #tpu.memory_space<vmem>>, vector<240x64xf32>
    tpu.vector_store %arg2[%swap3A_22, %swap3A_23], %broadcast_in_dim3A_21 {strides = array<i32>} : memref<10240x64xf32, #tpu.memory_space<vmem>>, vector<240x64xf32>,
    %swap3A_25 = arith.constant 10000 : index
    %swap3A_26 = arith.constant 0 : index
    %swap3A_27 = vector.load %arg3[%swap3A_25, %swap3A_26] : memref<10240x64xf32, #tpu.memory_space<vmem>>, vector<240x64xf32>
    tpu.vector_store %arg3[%swap3A_25, %swap3A_26], %broadcast_in_dim3A_21 {strides = array<i32>} : memref<10240x64xf32, #tpu.memory_space<vmem>>, vector<240x64xf32>,
    return
  }
}

module attributes {stable_mosaic.version = 14 : i64} {
  func.func @_mm_body(%arg0: i32, %arg1: memref<2x2048x64xf32, #tpu.memory_space<vmem>>, %arg2: memref<2x2048x64xf32, #tpu.memory_space<vmem>>, %arg3: memref<2x2048x16xf32, #tpu.memory_space<vmem>>, %arg4: memref<2x2048x16xf32, #tpu.memory_space<vmem>>, %arg5: memref<128x128xf32, #tpu.memory_space<vmem>>, %arg6: memref<1x128xf32, #tpu.memory_space<vmem>>, %arg7: memref<128x64xf32, #tpu.memory_space<vmem>>, %arg8: memref<2048x64xf32, #tpu.memory_space<vmem>>) attributes {dimension_semantics = [#tpu.dimension_semantics<arbitrary>], iteration_bounds = array<i64: 5>, scalar_prefetch = 0 : i64, scratch_operands = 0 : i64, tpu.core_type = #tpu.core_type<tc>, window_params = [{transform_indices = @transform_0, window_bounds = array<i64: 2, 2048, 64>}, {transform_indices = @transform_1, window_bounds = array<i64: 2, 2048, 64>}, {transform_indices = @transform_2, window_bounds = array<i64: 2, 2048, 16>}, {transform_indices = @transform_3, window_bounds = array<i64: 2, 2048, 16>}, {pipeline_mode = #tpu.pipeline_mode<synchronous>, transform_indices = @transform_4, window_bounds = array<i64: 128, 128>}, {pipeline_mode = #tpu.pipeline_mode<synchronous>, transform_indices = @transform_5, window_bounds = array<i64: 1, 128>}, {pipeline_mode = #tpu.pipeline_mode<synchronous>, transform_indices = @transform_6, window_bounds = array<i64: 128, 64>}, {transform_indices = @transform_7, window_bounds = array<i64: 2048, 64>}]} {
    %get3A = arith.constant 0 : index
    %get3A_0 = arith.constant 0 : index
    %get3A_1 = arith.constant 0 : index
    %get3A_2 = vector.load %arg1[%get3A, %get3A_0, %get3A_1] : memref<2x2048x64xf32, #tpu.memory_space<vmem>>, vector<1x2048x64xf32>
    %get3A_3 = vector.shape_cast %get3A_2 : vector<1x2048x64xf32> to vector<2048x64xf32>
    %get3A_4 = arith.constant 1 : index
    %get3A_5 = arith.constant 0 : index
    %get3A_6 = arith.constant 0 : index
    %get3A_7 = vector.load %arg1[%get3A_4, %get3A_5, %get3A_6] : memref<2x2048x64xf32, #tpu.memory_space<vmem>>, vector<1x2048x64xf32>
    %get3A_8 = vector.shape_cast %get3A_7 : vector<1x2048x64xf32> to vector<2048x64xf32>
    %add3A = arith.addf %get3A_3, %get3A_8 : vector<2048x64xf32>
    %get3A_9 = arith.constant 0 : index
    %get3A_10 = arith.constant 0 : index
    %get3A_11 = arith.constant 0 : index
    %get3A_12 = vector.load %arg2[%get3A_9, %get3A_10, %get3A_11] : memref<2x2048x64xf32, #tpu.memory_space<vmem>>, vector<1x2048x64xf32>
    %get3A_13 = vector.shape_cast %get3A_12 : vector<1x2048x64xf32> to vector<2048x64xf32>
    %get3A_14 = arith.constant 1 : index
    %get3A_15 = arith.constant 0 : index
    %get3A_16 = arith.constant 0 : index
    %get3A_17 = vector.load %arg2[%get3A_14, %get3A_15, %get3A_16] : memref<2x2048x64xf32, #tpu.memory_space<vmem>>, vector<1x2048x64xf32>
    %get3A_18 = vector.shape_cast %get3A_17 : vector<1x2048x64xf32> to vector<2048x64xf32>
    %add3A_19 = arith.addf %get3A_13, %get3A_18 : vector<2048x64xf32>
    %get3A_20 = arith.constant 0 : index
    %get3A_21 = arith.constant 0 : index
    %get3A_22 = arith.constant 0 : index
    %get3A_23 = vector.load %arg3[%get3A_20, %get3A_21, %get3A_22] : memref<2x2048x16xf32, #tpu.memory_space<vmem>>, vector<1x2048x1xf32>
    %get3A_24 = vector.shape_cast %get3A_23 : vector<1x2048x1xf32> to vector<2048x1xf32>
    %get3A_25 = arith.constant 1 : index
    %get3A_26 = arith.constant 0 : index
    %get3A_27 = arith.constant 0 : index
    %get3A_28 = vector.load %arg3[%get3A_25, %get3A_26, %get3A_27] : memref<2x2048x16xf32, #tpu.memory_space<vmem>>, vector<1x2048x1xf32>
    %get3A_29 = vector.shape_cast %get3A_28 : vector<1x2048x1xf32> to vector<2048x1xf32>
    %add3A_30 = arith.addf %get3A_24, %get3A_29 : vector<2048x1xf32>
    %max3A = arith.constant 1.000000e+00 : f32
    %max3A_31 = vector.broadcast %max3A : f32 to vector<2048x1xf32>
    %max3A_32 = arith.maximumf %add3A_30, %max3A_31 : vector<2048x1xf32>
    %rsqrt3A = math.rsqrt %max3A_32 : vector<2048x1xf32>
    %mul3A = vector.broadcast %rsqrt3A : vector<2048x1xf32> to vector<2048x64xf32>
    %mul3A_33 = arith.mulf %add3A, %mul3A : vector<2048x64xf32>
    %get3A_34 = arith.constant 0 : index
    %get3A_35 = arith.constant 0 : index
    %get3A_36 = vector.load %arg5[%get3A_34, %get3A_35] : memref<128x128xf32, #tpu.memory_space<vmem>>, vector<64x128xf32>
    %dot_general3A = arith.constant dense<0.000000e+00> : vector<2048x128xf32>
    %dot_general3A_37 = tpu.matmul %mul3A_33, %get3A_36, %dot_general3A {dimension_numbers = #tpu.dot_dimension_numbers<[1], [0], [0], [1], [0, 0, 1, 1], [], []>, transpose_lhs_hint = false} : vector<2048x64xf32>, vector<64x128xf32>, vector<2048x128xf32> -> vector<2048x128xf32>
    %mul3A_38 = vector.broadcast %rsqrt3A : vector<2048x1xf32> to vector<2048x64xf32>
    %mul3A_39 = arith.mulf %add3A_19, %mul3A_38 : vector<2048x64xf32>
    %get3A_40 = arith.constant 64 : index
    %get3A_41 = arith.constant 0 : index
    %get3A_42 = vector.load %arg5[%get3A_40, %get3A_41] : memref<128x128xf32, #tpu.memory_space<vmem>>, vector<64x128xf32>
    %dot_general3A_43 = arith.constant dense<0.000000e+00> : vector<2048x128xf32>
    %dot_general3A_44 = tpu.matmul %mul3A_39, %get3A_42, %dot_general3A_43 {dimension_numbers = #tpu.dot_dimension_numbers<[1], [0], [0], [1], [0, 0, 1, 1], [], []>, transpose_lhs_hint = false} : vector<2048x64xf32>, vector<64x128xf32>, vector<2048x128xf32> -> vector<2048x128xf32>
    %add3A_45 = arith.addf %dot_general3A_37, %dot_general3A_44 : vector<2048x128xf32>
    %get3A_46 = arith.constant 0 : index
    %get3A_47 = arith.constant 0 : index
    %get3A_48 = vector.load %arg6[%get3A_46, %get3A_47] : memref<1x128xf32, #tpu.memory_space<vmem>>, vector<1x128xf32>
    %add3A_49 = vector.broadcast %get3A_48 : vector<1x128xf32> to vector<2048x128xf32>
    %add3A_50 = arith.addf %add3A_45, %add3A_49 : vector<2048x128xf32>
    %max3A_51 = arith.constant 0.000000e+00 : f32
    %max3A_52 = vector.broadcast %max3A_51 : f32 to vector<2048x128xf32>
    %max3A_53 = arith.maximumf %add3A_50, %max3A_52 : vector<2048x128xf32>
    %get3A_54 = arith.constant 0 : index
    %get3A_55 = arith.constant 0 : index
    %get3A_56 = arith.constant 0 : index
    %get3A_57 = vector.load %arg4[%get3A_54, %get3A_55, %get3A_56] : memref<2x2048x16xf32, #tpu.memory_space<vmem>>, vector<1x2048x1xf32>
    %get3A_58 = vector.shape_cast %get3A_57 : vector<1x2048x1xf32> to vector<2048x1xf32>
    %get3A_59 = arith.constant 1 : index
    %get3A_60 = arith.constant 0 : index
    %get3A_61 = arith.constant 0 : index
    %get3A_62 = vector.load %arg4[%get3A_59, %get3A_60, %get3A_61] : memref<2x2048x16xf32, #tpu.memory_space<vmem>>, vector<1x2048x1xf32>
    %get3A_63 = vector.shape_cast %get3A_62 : vector<1x2048x1xf32> to vector<2048x1xf32>
    %add3A_64 = arith.addf %get3A_58, %get3A_63 : vector<2048x1xf32>
    %max3A_65 = arith.constant 1.000000e+00 : f32
    %max3A_66 = vector.broadcast %max3A_65 : f32 to vector<2048x1xf32>
    %max3A_67 = arith.maximumf %add3A_64, %max3A_66 : vector<2048x1xf32>
    %rsqrt3A_68 = math.rsqrt %max3A_67 : vector<2048x1xf32>
    %mul3A_69 = vector.broadcast %rsqrt3A_68 : vector<2048x1xf32> to vector<2048x128xf32>
    %mul3A_70 = arith.mulf %max3A_53, %mul3A_69 : vector<2048x128xf32>
    %get3A_71 = arith.constant 0 : index
    %get3A_72 = arith.constant 0 : index
    %get3A_73 = vector.load %arg7[%get3A_71, %get3A_72] : memref<128x64xf32, #tpu.memory_space<vmem>>, vector<128x64xf32>
    %dot_general3A_74 = arith.constant dense<0.000000e+00> : vector<2048x64xf32>
    %dot_general3A_75 = tpu.matmul %mul3A_70, %get3A_73, %dot_general3A_74 {dimension_numbers = #tpu.dot_dimension_numbers<[1], [0], [0], [1], [0, 0, 1, 1], [], []>, transpose_lhs_hint = false} : vector<2048x128xf32>, vector<128x64xf32>, vector<2048x64xf32> -> vector<2048x64xf32>
    %swap3A = arith.constant 0 : index
    %swap3A_76 = arith.constant 0 : index
    %swap3A_77 = vector.load %arg8[%swap3A, %swap3A_76] : memref<2048x64xf32, #tpu.memory_space<vmem>>, vector<2048x64xf32>
    tpu.vector_store %arg8[%swap3A, %swap3A_76], %dot_general3A_75 {strides = array<i32>} : memref<2048x64xf32, #tpu.memory_space<vmem>>, vector<2048x64xf32>,
    return
  }
  func.func @transform_0(%arg0: i32) -> (i32, i32, i32) {
    %c0_i32 = arith.constant 0 : i32
    %c0_i32_0 = arith.constant 0 : i32
    %c0_i32_1 = arith.constant 0 : i32
    return %c0_i32, %arg0, %c0_i32_0 : i32, i32, i32
  }
  func.func @transform_1(%arg0: i32) -> (i32, i32, i32) {
    %c0_i32 = arith.constant 0 : i32
    %c0_i32_0 = arith.constant 0 : i32
    %c0_i32_1 = arith.constant 0 : i32
    return %c0_i32, %arg0, %c0_i32_0 : i32, i32, i32
  }
  func.func @transform_2(%arg0: i32) -> (i32, i32, i32) {
    %c0_i32 = arith.constant 0 : i32
    %c0_i32_0 = arith.constant 0 : i32
    %c0_i32_1 = arith.constant 0 : i32
    return %c0_i32, %arg0, %c0_i32_0 : i32, i32, i32
  }
  func.func @transform_3(%arg0: i32) -> (i32, i32, i32) {
    %c0_i32 = arith.constant 0 : i32
    %c0_i32_0 = arith.constant 0 : i32
    %c0_i32_1 = arith.constant 0 : i32
    return %c0_i32, %arg0, %c0_i32_0 : i32, i32, i32
  }
  func.func @transform_4(%arg0: i32) -> (i32, i32) {
    %c0_i32 = arith.constant 0 : i32
    %c0_i32_0 = arith.constant 0 : i32
    %c0_i32_1 = arith.constant 0 : i32
    return %c0_i32, %c0_i32_0 : i32, i32
  }
  func.func @transform_5(%arg0: i32) -> (i32, i32) {
    %c0_i32 = arith.constant 0 : i32
    %c0_i32_0 = arith.constant 0 : i32
    %c0_i32_1 = arith.constant 0 : i32
    return %c0_i32, %c0_i32_0 : i32, i32
  }
  func.func @transform_6(%arg0: i32) -> (i32, i32) {
    %c0_i32 = arith.constant 0 : i32
    %c0_i32_0 = arith.constant 0 : i32
    %c0_i32_1 = arith.constant 0 : i32
    return %c0_i32, %c0_i32_0 : i32, i32
  }
  func.func @transform_7(%arg0: i32) -> (i32, i32) {
    %c0_i32 = arith.constant 0 : i32
    %c0_i32_0 = arith.constant 0 : i32
    return %arg0, %c0_i32 : i32, i32
  }
}

module attributes {stable_mosaic.version = 14 : i64} {
  func.func @_final_body(%arg0: memref<2x10240x64xf32, #tpu.memory_space<vmem>>, %arg1: memref<2x10240x16xf32, #tpu.memory_space<vmem>>, %arg2: memref<1x64xf32, #tpu.memory_space<vmem>>, %arg3: memref<10000x64xf32, #tpu.memory_space<vmem>>) attributes {dimension_semantics = [], scalar_prefetch = 0 : i64, scratch_operands = 0 : i64, tpu.core_type = #tpu.core_type<tc>} {
    %get3A = arith.constant 0 : index
    %get3A_0 = arith.constant 0 : index
    %get3A_1 = arith.constant 0 : index
    %get3A_2 = vector.load %arg0[%get3A, %get3A_0, %get3A_1] : memref<2x10240x64xf32, #tpu.memory_space<vmem>>, vector<1x10000x64xf32>
    %get3A_3 = vector.shape_cast %get3A_2 : vector<1x10000x64xf32> to vector<10000x64xf32>
    %get3A_4 = arith.constant 1 : index
    %get3A_5 = arith.constant 0 : index
    %get3A_6 = arith.constant 0 : index
    %get3A_7 = vector.load %arg0[%get3A_4, %get3A_5, %get3A_6] : memref<2x10240x64xf32, #tpu.memory_space<vmem>>, vector<1x10000x64xf32>
    %get3A_8 = vector.shape_cast %get3A_7 : vector<1x10000x64xf32> to vector<10000x64xf32>
    %add3A = arith.addf %get3A_3, %get3A_8 : vector<10000x64xf32>
    %get3A_9 = arith.constant 0 : index
    %get3A_10 = arith.constant 0 : index
    %get3A_11 = arith.constant 0 : index
    %get3A_12 = vector.load %arg1[%get3A_9, %get3A_10, %get3A_11] : memref<2x10240x16xf32, #tpu.memory_space<vmem>>, vector<1x10000x1xf32>
    %get3A_13 = vector.shape_cast %get3A_12 : vector<1x10000x1xf32> to vector<10000x1xf32>
    %get3A_14 = arith.constant 1 : index
    %get3A_15 = arith.constant 0 : index
    %get3A_16 = arith.constant 0 : index
    %get3A_17 = vector.load %arg1[%get3A_14, %get3A_15, %get3A_16] : memref<2x10240x16xf32, #tpu.memory_space<vmem>>, vector<1x10000x1xf32>
    %get3A_18 = vector.shape_cast %get3A_17 : vector<1x10000x1xf32> to vector<10000x1xf32>
    %add3A_19 = arith.addf %get3A_13, %get3A_18 : vector<10000x1xf32>
    %max3A = arith.constant 1.000000e+00 : f32
    %max3A_20 = vector.broadcast %max3A : f32 to vector<10000x1xf32>
    %max3A_21 = arith.maximumf %add3A_19, %max3A_20 : vector<10000x1xf32>
    %rsqrt3A = math.rsqrt %max3A_21 : vector<10000x1xf32>
    %mul3A = vector.broadcast %rsqrt3A : vector<10000x1xf32> to vector<10000x64xf32>
    %mul3A_22 = arith.mulf %add3A, %mul3A : vector<10000x64xf32>
    %get3A_23 = arith.constant 0 : index
    %get3A_24 = arith.constant 0 : index
    %get3A_25 = vector.load %arg2[%get3A_23, %get3A_24] : memref<1x64xf32, #tpu.memory_space<vmem>>, vector<1x64xf32>
    %add3A_26 = vector.broadcast %get3A_25 : vector<1x64xf32> to vector<10000x64xf32>
    %add3A_27 = arith.addf %mul3A_22, %add3A_26 : vector<10000x64xf32>
    %swap3A = arith.constant 0 : index
    %swap3A_28 = arith.constant 0 : index
    %swap3A_29 = vector.load %arg3[%swap3A, %swap3A_28] : memref<10000x64xf32, #tpu.memory_space<vmem>>, vector<10000x64xf32>
    tpu.vector_store %arg3[%swap3A, %swap3A_28], %add3A_27 {strides = array<i32>} : memref<10000x64xf32, #tpu.memory_space<vmem>>, vector<10000x64xf32>,
    return
  }
}

</mosaic_0001>

<sc_bundles>
// kernel: kernel.11.cloned.1.call-start
scs
__scs_entry_jumppad:
0x0: {  	(pc) =	sbr.rel $0x88, $3  }
0x1: {  	(tag) =	ssettag $0x0;
	lr =	simm.s32 $0x1  }
0x2: {  	[smem:$0x3F9B] =	sst lr;
	_ =	strace $0xD0000000  }
0x3: {  	_ = 	snop  }
0x4: {  	_ = 	snop  }
0x5: {  	_ = 	snop  }
0x6: {  	_ = 	snop  }
0x7: {  	_ = 	snop  }
__scs_overlays_trampoline_lowered:
0x8: {  	[smem:$0x3FAA] =	sst s0  }
0x9: {  	[smem:$0x3FAB] =	sst s1  }
0xa: {  	[smem:$0x3FAC] =	sst s2  }
0xb: {  	[smem:$0x3FAD] =	sst s3  }
0xc: {  	[smem:$0x3FAE] =	sst s4  }
0xd: {  	[smem:$0x3FAF] =	sst s5  }
0xe: {  	[smem:$0x3FB0] =	sst s6  }
0xf: {  	[smem:$0x3FB1] =	sst s7  }
0x10: {  	[smem:$0x3FB2] =	sst s8  }
0x11: {  	[smem:$0x3FB3] =	sst s9;
	s0 =	simm.s32 @!p0 $0x0  }
0x12: {  	s1 =	sld [smem:$0x3F99];
	s0 =	simm.s32 @p0 $0x1  }
0x13: {  	[smem:$0x3FB4] =	sst s0;
	s0 =	simm.s32 @!p1 $0x0  }
0x14: {  	s2 =	sld [smem:$0x3F98];
	s0 =	simm.s32 @p1 $0x1  }
0x15: {  	[smem:$0x3FB5] =	sst s0;
	s0 =	simm.s32 @!p2 $0x0  }
0x16: {  	s3 =	sld [smem:$0x3FDB];
	s0 =	simm.s32 @p2 $0x1  }
0x17: {  	s4 =	simm.s32 $0x1BF5;
	[smem:$0x3FB7] =	sst s0  }
0x18: {  	s0 =	sld [smem:$0x3F9A];
	_ =	swait.ge [sflag:s4], $0x0  }
0x19: {  	s7 =	sld [smem:$0x3F9B]  }
0x1a: {  	s8 =	sadd.s32 $0xFFFFE003, lr  }
0x1b: {  	s9 =	sadd.s32 $0xFFFFFEF7, lr;
	s5 =	simm.s32 $0xFFFFFFFF;
	p2 =	slt.u32 s8, $0xFFFFF086  }
0x1c: {  	p1 =	slt.u32 s9, $0xF7A;
	s5 =	simm.s32 @!p2 $0x0  }
0x1d: {  	s5 =	simm.s32 @p1 $0x1;
	p0 =	seq.s32 s7, s2  }
0x1e: {  	s7 =	smul.u32 @!p0 $0xF7A, s2;
	p2 =	seq.s32 @!p0 s5, $0x0  }
0x1f: {  	s9 =	smul.u32 $0xF7A, s1;
	s8 =	simm.s32 @!p0 $0x1BF5;
	p2 =	por !p2, p0  }
0x20: {  	[sflag:s8] =	ssyncset.s32 @!p0 $0xFFFFF086;
	s6 =	sadd.s32 @!p0 s3, s7;
	s7 =	simm.s32 @!p0 $0x108  }
0x21: {  	s3 =	sadd.s32 s3, s9;
	s6 =	sadd.s32 @!p0 $0x88, s6;
	s7 =	simm.s32 @p2 $0x1082  }
0x22: {  	[simem:s7], [sflag:s8] =	dma.local @!p0 [hbm:s6], $0xF7A  }
0x23: {  	s9 =	sor.u32 $0xD0000000, s2;
	s6 =	simm.s32 $0x108;
	_ =	swait.ge @!p0 [sflag:s8], $0x0  }
0x24: {  	s3 =	sadd.s32 $0x88, s3;
	s6 =	simm.s32 @!p1 $0x1082;
	[sflag:s4] =	ssyncset.s32 $0xFFFFF086  }
0x25: {  	[simem:s6], [sflag:s4] =	dma.local [hbm:s3], $0xF7A  }
0x26: {  	[smem:$0x3F9B] =	sst s1;
	(tag) =	ssettag s2;
	_ =	strace s9  }
0x27: {  	s1 =	sld [smem:$0x3FAB]  }
0x28: {  	s2 =	sld [smem:$0x3FAC]  }
0x29: {  	s4 =	sld [smem:$0x3FAE]  }
0x2a: {  	p0 =	seq.s32 s5, $0x0;
	s5 =	sld [smem:$0x3FAF]  }
0x2b: {  	s6 =	sld [smem:$0x3FB0]  }
0x2c: {  	s7 =	sld [smem:$0x3FB1]  }
0x2d: {  	s3 =	simm.s32 $0x108;
	s8 =	sld [smem:$0x3FB2]  }
0x2e: {  	s3 =	simm.s32 @!p0 $0x1082;
	s9 =	sld [smem:$0x3FB3]  }
0x2f: {  	lr =	sadd.s32 s0, s3;
	s0 =	sld [smem:$0x3FAA]  }
0x30: {  	s3 =	sld [smem:$0x3FAD]  }
0x31: {  	[smem:$0x3FB6] =	sst s10  }
0x32: {  	s10 =	sld [smem:$0x3FB4];
	_ =	sdelay $0x3  }
0x33: {  	p0 =	seq.s32 s10, $0x1;
	s10 =	sld [smem:$0x3FB6];
	_ =	sdelay $0x3  }
0x34: {  	[smem:$0x3FB6] =	sst s10  }
0x35: {  	s10 =	sld [smem:$0x3FB5];
	_ =	sdelay $0x3  }
0x36: {  	p1 =	seq.s32 s10, $0x1;
	s10 =	sld [smem:$0x3FB6];
	_ =	sdelay $0x3  }
0x37: {  	[smem:$0x3FB6] =	sst s10  }
0x38: {  	s10 =	sld [smem:$0x3FB7]  }
0x39: {  	_ = 	snop;
	(pc) =	sbr.ind lr, $3  }
0x3a: {  	_ = 	snop  }
0x3b: {  	_ = 	snop  }
0x3c: {  	p2 =	seq.s32 s10, $0x1;
	s10 =	sld [smem:$0x3FB6]  }
0x3d: {  	_ =	shalt  }
0x3e: {  	_ =	shalt  }
0x3f: {  	_ =	shalt  }
0x40: {  	_ =	shalt  }
0x41: {  	_ =	shalt  }
0x42: {  	_ =	shalt  }
0x43: {  	_ =	shalt  }
0x44: {  	_ =	shalt  }
0x45: {  	_ =	shalt  }
0x46: {  	_ =	shalt  }
0x47: {  	_ =	shalt  }
0x48: {  	_ =	shalt  }
0x49: {  	_ =	shalt  }
0x4a: {  	_ =	shalt  }
0x4b: {  	_ =	shalt  }
0x4c: {  	_ =	shalt  }
0x4d: {  	_ =	shalt  }
0x4e: {  	_ =	shalt  }
0x4f: {  	_ =	shalt  }
0x50: {  	_ =	shalt  }
0x51: {  	_ =	shalt  }
0x52: {  	_ =	shalt  }
0x53: {  	_ =	shalt  }
0x54: {  	_ =	shalt  }
0x55: {  	_ =	shalt  }
0x56: {  	_ =	shalt  }
0x57: {  	_ =	shalt  }
0x58: {  	_ =	shalt  }
0x59: {  	_ =	shalt  }
0x5a: {  	_ =	shalt  }
0x5b: {  	_ =	shalt  }
0x5c: {  	_ =	shalt  }
0x5d: {  	_ =	shalt  }
0x5e: {  	_ =	shalt  }
0x5f: {  	_ =	shalt  }
0x60: {  	_ =	shalt  }
0x61: {  	_ =	shalt  }
0x62: {  	_ =	shalt  }
0x63: {  	_ =	shalt  }
0x64: {  	_ =	shalt  }
0x65: {  	_ =	shalt  }
0x66: {  	_ =	shalt  }
0x67: {  	_ =	shalt  }
0x68: {  	_ =	shalt  }
0x69: {  	_ =	shalt  }
0x6a: {  	_ =	shalt  }
0x6b: {  	_ =	shalt  }
0x6c: {  	_ =	shalt  }
0x6d: {  	_ =	shalt  }
0x6e: {  	_ =	shalt  }
0x6f: {  	_ =	shalt  }
0x70: {  	_ =	shalt  }
0x71: {  	_ =	shalt  }
0x72: {  	_ =	shalt  }
0x73: {  	_ =	shalt  }
0x74: {  	_ =	shalt  }
0x75: {  	_ =	shalt  }
0x76: {  	_ =	shalt  }
0x77: {  	_ =	shalt  }
0x78: {  	_ =	shalt  }
0x79: {  	_ =	shalt  }
0x7a: {  	_ =	shalt  }
0x7b: {  	_ =	shalt  }
0x7c: {  	_ =	shalt  }
0x7d: {  	_ =	shalt  }
0x7e: {  	_ =	shalt  }
0x7f: {  	_ =	shalt  }
0x80: {  	_ =	shalt  }
0x81: {  	_ =	shalt  }
0x82: {  	_ =	shalt  }
0x83: {  	_ =	shalt  }
0x84: {  	_ =	shalt  }
0x85: {  	_ =	shalt  }
0x86: {  	_ =	shalt  }
0x87: {  	_ =	shalt  }
.Lfunc_end0:
.L_simem_size_0:
called_computation.1_lowered:
.L_overlay_start_0:
0x88: {  	s2 =	sld [smem:$0x3FD9]  }
0x89: {  	s3 =	sld [smem:$0x3FFE];
	_ =	sdelay $0x1  }
0x8a: {  	s1 =	srdreg.scid  }
0x8b: {  	s0 =	sand.u32 $0x1, s1  }
0x8c: {  	s17 =	sshll.u32 s0, $0xA;
	s2 =	sadd.s32 s3, s2  }
0x8d: {  	s2 =	sadd.s32 s2, s17  }
0x8e: {  	[smem:$0x3FC2] =	sst s2  }
0x8f: {  	_ = 	snop  }
0x90: {  	s2 =	sld [smem:$0x3FD0];
	(tm) =	ssettm $0x1  }
0x91: {  	s18 =	sld [smem:$0x3FFB];
	_ =	sdelay $0x3  }
0x92: {  	_ =	strace s18  }
0x93: {  	s3 =	sld [smem:$0x3FFC];
	_ =	sdelay $0x3  }
0x94: {  	_ =	strace s3  }
0x95: {  	s3 =	sld [smem:$0x3FFD];
	_ =	sdelay $0x3  }
0x96: {  	_ =	strace s3  }
0x97: {  	_ =	strace $0x8FFFFFFF  }
0x98: {  	s19 =	sld [smem:$0x3FDB];
	_ =	sdelay $0x1  }
0x99: {  	s4 =	simm.s32 $_scs_section_size  }
0x9a: {  	s5 =	simm.s32 $_size__tile_overlayer_lowered;
	s6 =	simm.s32 $_tile_overlayer_lowered  }
0x9b: {  	s22 =	simm.s32 $0x1BFF;
	s21 =	sshll.u32 s6, $0x1;
	s3 =	sadd.s32 s4, s19  }
0x9c: {  	s7 =	simm.s32 $0x0;
	s20 =	sshll.u32 s5, $0x1;
	s5 =	sadd.s32 s21, s3  }
0x9d: {  	[timem:s7], [sflag:s22] =	dma.local [hbm:s5], s20  }
0x9e: {  	_ =	swait.ge [sflag:s22], s20  }
0x9f: {  	s4 =	ssub.s32 $0x0, s20;
	[sflag:s22] =	ssyncset.done $0x0  }
0xa0: {  	[sflag:s22] =	ssyncadd.s32 s4;
	_ =	sdelay $0x1  }
0xa1: {  	s23 =	simm.s32 $0x1B8B  }
0xa2: {  	_ =	swait.ge [sflag:s23], $0x1  }
0xa3: {  	[sflag:s23] =	ssyncset.done $0x0  }
0xa4: {  	s25 =	simm.s32 $0x1B8E;
	s24 =	sld [smem:$0x3FFE];
	[sflag:s23] =	ssyncadd.s32 $0xFFFFFFFF  }
0xa5: {  	s26 =	simm.s32 $execute0_lowered;
	[smem:$0x3FD2] =	sst s25  }
0xa6: {  	s5 =	sshll.u32 s26, $0x1;
	_ =	strace $0x80000049;
	[dreg:$0x1] =	wrdreg $0xFFFFFFFF  }
0xa7: {  	s28 =	simm.s32 $_size_execute0_lowered;
	s3 =	sadd.s32 s3, s5;
	[dreg:$0x0] =	wrdreg $0x0  }
0xa8: {  	s5 =	sshll.u32 s28, $0x1;
	[dreg:$0x2] =	wrdreg s3  }
0xa9: {  	[dreg:$0x3] =	wrdreg s5  }
0xaa: {  	[dreg:$0x4] =	wrdreg $0xC0  }
0xab: {  	_ =	task [dreg:s7], $0x5FFFF  }
0xac: {  	[dreg:$0x1] =	wrdreg $0xFFFFFFFF  }
0xad: {  	[dreg:$0x0] =	wrdreg $0x60  }
0xae: {  	[dreg:$0x2] =	wrdreg s24  }
0xaf: {  	[dreg:$0x3] =	wrdreg s2  }
0xb0: {  	[dreg:$0x4] =	wrdreg $0xF0000  }
0xb1: {  	[dreg:$0x5] =	wrdreg $0x9  }
0xb2: {  	_ =	task.clear_ibuf [dreg:s7], $0x6FFFF;
	_ =	strace $0x90000049  }
0xb3: {  	s29 =	simm.s32 $0x9;
	_ =	strace $0x8000004B  }
0xb4: {  	_ =	swait.ge [sflag:s29], $0x1  }
0xb5: {  	[sflag:s29] =	ssyncadd.s32 $0xFFFFFFFF  }
0xb6: {  	_ =	strace $0x9000004B  }
0xb7: {  	_ =	sfence  }
0xb8: {  	s30 =	sld [smem:$0x0];
	_ =	sdelay $0x2  }
0xb9: {  	s31 =	sshll.u32 s1, $0xD;
	s1 =	sshrl.u32 s1, $0x2  }
0xba: {  	s3 =	sand.u32 $0x4000, s31;
	s1 =	sadd.s32 s1, s30  }
0xbb: {  	s0 =	sor.u32 s3, s0;
	s1 =	sshll.u32 s1, $0x11  }
0xbc: {  	s0 =	sor.u32 s1, s0  }
0xbd: {  	s0 =	sadd.s32 $0x8F2B, s0  }
0xbe: {  	[sflag:s0] =	ssyncadd.remote.s32 $0x1  }
0xbf: {  	_ =	sfence.sel $0xFFFF  }
0xc0: {  	[dreg:$0x0] =	wrdreg $0xFFFFFFFF;
	(pc) =	sbr.abs _section_cstart, $3  }
0xc1: {  	[dreg:$0x1] =	wrdreg $0xFFFFFFFF  }
0xc2: {  	_ =	task.clear_ibuf [dreg:s7], $0x2FFFF;
	_ =	strace $0x9FFFFFFF  }
0xc3: {  	(tm) =	ssettm $0x7FFFFFFF  }
tec
execute0_lowered:
.L_overlay_start_1:
0x0: {  	(tag) =	ssettag $0x1  }
0x1: {  	s0 =	rddreg [dreg:$0x0]  }
0x2: {  	s1 =	rddreg [dreg:$0x1]  }
0x3: {  	s2 =	rddreg [dreg:$0x2];
	s4 =	simm.s32 $0x0;
	s10 =	stileid.u32  }
0x4: {  	s3 =	srdreg.scid;
	s15 =	simm.s32 $0x80;
	s16 =	simm.s32 $0x5000  }
0x5: {  	s17 =	simm.s32 $0x7000;
	s19 =	simm.s32 $0x9000;
	s21 =	simm.s32 $0xB000  }
0x6: {  	s28 =	simm.s32 $0x3;
	s29 =	simm.s32 $0x4;
	s30 =	simm.s32 $0x5  }
0x7: {  	s31 =	simm.s32 $0x6;
	[smem:$0x7FF] =	sst s4;
	s6 =	smul.u32 $0xA000, s10  }
0x8: {  	s3 =	sand.u32 $0x1, s3;
	s4 =	sadd.s32 $0x6BC00, s0;
	s5 =	sadd.s32 $0x7FC00, s0  }
0x9: {  	_ =	strace $0x8000004A;
	s7 =	smul.u32 $0xA0000, s3;
	s8 =	sshll.u32 s3, $0x4  }
0xa: {  	s3 =	ssub.s32 $0x2, s3;
	s9 =	sshrl.u32 s6, $0x3;
	s8 =	sor.u32 s10, s8  }
0xb: {  	s22 =	sshrl.u32 s3, $0x1;
	s24 =	sadd.s32 s6, s2;
	s7 =	sadd.s32 s6, s7  }
0xc: {  	s10 =	smul.u32 $0x500, s8;
	s9 =	sadd.s32 s9, s0;
	s3 =	ssub.s32 s3, s22  }
0xd: {  	[dreg:$0x6] =	wrdreg s24;
	p0 =	sne.s32 s8, $0x1F;
	s24 =	simm.s32 $0xB  }
0xe: {  	s6 =	simm.s32 $0xA;
	s7 =	sshrl.u32 s7, $0x3;
	s26 =	smax.u32 s3, $0x1  }
0xf: {  	s22 =	sadd.s32 $0x93C00, s9;
	s3 =	simm.s32 $0x8;
	[dreg:$0xa] =	wrdreg s26  }
0x10: {  	s0 =	sadd.s32 s7, s0;
	s23 =	sadd.s32 s1, s10;
	[dreg:$0x7] =	wrdreg s22  }
0x11: {  	s7 =	sadd.s32 $0x9C40, s1;
	s1 =	sadd.s32 $0x9B00, s1;
	[dreg:$0x4] =	wrdreg s23  }
0x12: {  	s26 =	simm.s32 $0x2;
	[dreg:$0x5] =	wrdreg s1;
	s25 =	sadd.s32 $0xCFC00, s0  }
0x13: {  	s0 =	sadd.s32 $0xA7C00, s0;
	s23 =	simm.s32 $0xD000;
	[dreg:$0x8] =	wrdreg s25  }
0x14: {  	s1 =	simm.s32 $0x9;
	[dreg:$0x9] =	wrdreg s0;
	s0 =	sadd.s32 @p0 s10, s7  }
0x15: {  	s25 =	simm.s32 $0x1;
	[dreg:$0xb] =	wrdreg s0;
	s0 =	sadd.s32 @!p0 $0x9B00, s7  }
0x16: {  	s7 =	simm.s32 $0x0;
	[dreg:$0xc] =	wrdreg s0;
	s0 =	simm.s32 $0x7  }
.LBB2_1:
0x17: {  	s8 =	simm.s32 @p0 $0x0;
	s9 =	rddreg [dreg:$0x4]  }
0x18: {  	[tilespmem:s8], [sflag:$0xB] =	stream.linear.gather @p0 [hbm4b:s9+s8], $0x2800, $0x38;
	[tilespmem:$0x19000] =	vst v63  }
0x19: {  	s9 =	simm.s32 @p0 $0xB  }
0x1a: {  	_ =	swait.ge @p0 [sflag:s9], $0x2800  }
0x1b: {  	[sflag:s9] =	ssyncset.done @p0 $0x0  }
0x1c: {  	s10 =	simm.s32 @p0 $0x2800;
	s11 =	rddreg [dreg:$0xb];
	[sflag:s9] =	ssyncadd.s32 @p0 $0xFFFFD800  }
0x1d: {  	[tilespmem:s10], [sflag:$0xB] =	stream.linear.gather @p0 [hbm4b:s11+s8], $0x2800, $0x38;
	[tilespmem:$0x19000] =	vst v63  }
0x1e: {  	_ =	swait.ge @p0 [sflag:s9], $0x2800  }
0x1f: {  	[sflag:s9] =	ssyncset.done @p0 $0x0  }
0x20: {  	s8 =	simm.s32 @!p0 $0x0;
	[sflag:s9] =	ssyncadd.s32 @p0 $0xFFFFD800;
	s9 =	rddreg [dreg:$0x5]  }
0x21: {  	[tilespmem:s8], [sflag:$0xB] =	stream.linear.gather @!p0 [hbm4b:s9+s8], $0xA00, $0x38;
	[tilespmem:$0x19000] =	vst v63  }
0x22: {  	s9 =	simm.s32 @!p0 $0xB  }
0x23: {  	_ =	swait.ge @!p0 [sflag:s9], $0xA00  }
0x24: {  	[sflag:s9] =	ssyncset.done @!p0 $0x0  }
0x25: {  	s10 =	simm.s32 @!p0 $0x2800;
	s11 =	rddreg [dreg:$0xc];
	[sflag:s9] =	ssyncadd.s32 @!p0 $0xFFFFF600  }
0x26: {  	[tilespmem:s10], [sflag:$0xB] =	stream.linear.gather @!p0 [hbm4b:s11+s8], $0xA00, $0x38;
	[tilespmem:$0x19000] =	vst v63  }
0x27: {  	_ =	swait.ge @!p0 [sflag:s9], $0xA00  }
0x28: {  	[sflag:s9] =	ssyncset.done @!p0 $0x0  }
0x29: {  	s14 =	stileid.u32;
	s10 =	simm.s32 $0x0;
	[sflag:s9] =	ssyncadd.s32 @!p0 $0xFFFFF600  }
0x2a: {  	[tilespmem:s16], [sflag:$0x1] =	stream.indirect.gather [hbm4b:s4+s15], $0x40, s10, s15, $0xb8;
	[tilespmem:$0x19000] =	vst v63  }
0x2b: {  	s8 =	sshll.u32 s14, $0x6  }
0x2c: {  	[tilespmem:s17], [sflag:$0x2] =	stream.indirect.gather [hbm4b:s4+s15], $0x40, s15, s15, $0xb8;
	[tilespmem:$0x19000] =	vst v63  }
0x2d: {  	s11 =	simm.s32 $0x100;
	s18 =	sor.u32 $0x1C0B, s8;
	s20 =	rddreg [dreg:$0x6]  }
0x2e: {  	[tilespmem:s19], [sflag:$0x3] =	stream.indirect.gather [hbm4b:s4+s15], $0x40, s11, s15, $0xb8;
	[tilespmem:$0x19000] =	vst v63  }
0x2f: {  	s12 =	simm.s32 $0x180;
	[dreg:$0xd] =	wrdreg s18;
	s8 =	sshrl.u32 s20, $0x3  }
0x30: {  	[tilespmem:s21], [sflag:$0x4] =	stream.indirect.gather [hbm4b:s4+s15], $0x40, s12, s15, $0xb8;
	[tilespmem:$0x19000] =	vst v63  }
0x31: {  	s13 =	simm.s32 $0x200;
	[dreg:$0xe] =	wrdreg s8  }
0x32: {  	[tilespmem:s23], [sflag:$0x5] =	stream.indirect.gather [hbm4b:s4+s15], $0x40, s13, s15, $0xb8;
	[tilespmem:$0x19000] =	vst v63  }
0x33: {  	[spmem:s8], [sflag:s18] =	dma.local [hbm:s22], $0x1400  }
0x34: {  	_ =	swait.ge [sflag:s24], $0x1400  }
0x35: {  	[sflag:s24] =	ssyncset.done $0x0  }
0x36: {  	[sflag:s24] =	ssyncadd.s32 $0xFFFFEC00  }
0x37: {  	[bflag:$0x0] =	sbarrier.arrive $0xFFFF  }
0x38: {  	_ =	swait.ge [sflag:s25], $0x2000  }
0x39: {  	[sflag:s25] =	ssyncset.done $0x0  }
0x3a: {  	s24 =	simm.s32 $0x2800;
	[sflag:s25] =	ssyncadd.s32 $0xFFFFE000  }
0x3b: {  	[spmem:s2] =	stream.indirect.scatter.add.f32 [tilespmem:s16], [sflag:$0x6], $0x40, s24, s15, $0xb8;
	[tilespmem:$0x19000] =	vst v63  }
0x3c: {  	_ =	swait.ge [sflag:s26], $0x2000  }
0x3d: {  	[sflag:s26] =	ssyncset.done $0x0  }
0x3e: {  	s8 =	simm.s32 $0x2880;
	[sflag:s26] =	ssyncadd.s32 $0xFFFFE000  }
0x3f: {  	[spmem:s2] =	stream.indirect.scatter.add.f32 [tilespmem:s17], [sflag:$0x7], $0x40, s8, s15, $0xb8;
	[tilespmem:$0x19000] =	vst v63  }
0x40: {  	_ =	swait.ge [sflag:s28], $0x2000  }
0x41: {  	[sflag:s28] =	ssyncset.done $0x0  }
0x42: {  	s10 =	simm.s32 $0x2900;
	[sflag:s28] =	ssyncadd.s32 $0xFFFFE000  }
0x43: {  	[spmem:s2] =	stream.indirect.scatter.add.f32 [tilespmem:s19], [sflag:$0x8], $0x40, s10, s15, $0xb8;
	[tilespmem:$0x19000] =	vst v63  }
0x44: {  	_ =	swait.ge [sflag:s29], $0x2000  }
0x45: {  	[sflag:s29] =	ssyncset.done $0x0  }
0x46: {  	s11 =	simm.s32 $0x2980;
	[sflag:s29] =	ssyncadd.s32 $0xFFFFE000  }
0x47: {  	[spmem:s2] =	stream.indirect.scatter.add.f32 [tilespmem:s21], [sflag:$0x9], $0x40, s11, s15, $0xb8;
	[tilespmem:$0x19000] =	vst v63  }
0x48: {  	_ =	swait.ge [sflag:s30], $0x2000  }
0x49: {  	[sflag:s30] =	ssyncset.done $0x0  }
0x4a: {  	s12 =	simm.s32 $0x2A00;
	[sflag:s30] =	ssyncadd.s32 $0xFFFFE000  }
0x4b: {  	[spmem:s2] =	stream.indirect.scatter.add.f32 [tilespmem:s23], [sflag:$0xA], $0x40, s12, s15, $0xb8;
	[tilespmem:$0x19000] =	vst v63  }
0x4c: {  	_ =	swait.ge [sflag:s31], $0x2000  }
0x4d: {  	[sflag:s31] =	ssyncset.done $0x0  }
0x4e: {  	s13 =	simm.s32 $0x280;
	[sflag:s31] =	ssyncadd.s32 $0xFFFFE000  }
0x4f: {  	[tilespmem:s16], [sflag:$0x1] =	stream.indirect.gather [hbm4b:s4+s15], $0x40, s13, s15, $0xb8;
	[tilespmem:$0x19000] =	vst v63  }
0x50: {  	s12 =	simm.s32 @!p0 $0x14;
	_ =	swait.ge [sflag:s0], $0x2000  }
0x51: {  	s12 =	simm.s32 @p0 $0x50;
	[sflag:s0] =	ssyncset.done $0x0  }
0x52: {  	s14 =	simm.s32 $0x300;
	s18 =	smul.u32 $0x67, s12;
	[sflag:s0] =	ssyncadd.s32 $0xFFFFE000  }
0x53: {  	[tilespmem:s17], [sflag:$0x2] =	stream.indirect.gather [hbm4b:s4+s15], $0x40, s14, s15, $0xb8;
	[tilespmem:$0x19000] =	vst v63  }
0x54: {  	_ =	swait.ge [sflag:s3], $0x2000  }
0x55: {  	s9 =	sshrl.u32 s18, $0x9;
	[sflag:s3] =	ssyncset.done $0x0  }
0x56: {  	s20 =	simm.s32 $0x380;
	s9 =	smul.u32 $0xA00, s9;
	[sflag:s3] =	ssyncadd.s32 $0xFFFFE000  }
0x57: {  	[tilespmem:s19], [sflag:$0x3] =	stream.indirect.gather [hbm4b:s4+s15], $0x40, s20, s15, $0xb8;
	[tilespmem:$0x19000] =	vst v63  }
0x58: {  	s11 =	sadd.s32 $0xFFFFF600, s9;
	_ =	swait.ge [sflag:s1], $0x2000  }
0x59: {  	p1 =	sne.s32 s11, $0xA00;
	[sflag:s1] =	ssyncset.done $0x0  }
.Ltmp0:
0x5a: {  	s24 =	simm.s32 $0x400;
	[sflag:s1] =	ssyncadd.s32 $0xFFFFE000;
	(pc) =	sbr.rel @!p1 .LBB2_3-.Ltmp0, $4  }
0x5b: {  	[tilespmem:s21], [sflag:$0x4] =	stream.indirect.gather [hbm4b:s4+s15], $0x40, s24, s15, $0xb8;
	[tilespmem:$0x19000] =	vst v63  }
0x5c: {  	_ =	swait.ge [sflag:s6], $0x2000  }
0x5d: {  	[sflag:s6] =	ssyncset.done $0x0  }
0x5e: {  	s13 =	simm.s32 $0xA00;
	s9 =	simm.s32 $0x480;
	[sflag:s6] =	ssyncadd.s32 $0xFFFFE000  }
.LBB2_2:
0x5f: {  	[tilespmem:s23], [sflag:$0x5] =	stream.indirect.gather [hbm4b:s4+s15], $0x40, s9, s15, $0xb8;
	[tilespmem:$0x19000] =	vst v63  }
0x60: {  	s9 =	smov.u32 s13;
	s13 =	sadd.s32 $0xA00, s13;
	_ =	swait.ge [sflag:s25], $0x2000  }
0x61: {  	s14 =	sshra.s32 s9, $0x2;
	p1 =	sne.s32 s11, s13;
	[sflag:s25] =	ssyncset.done $0x0  }
0x62: {  	s9 =	sadd.s32 $0x2800, s14;
	[sflag:s25] =	ssyncadd.s32 $0xFFFFE000  }
0x63: {  	[spmem:s2] =	stream.indirect.scatter.add.f32 [tilespmem:s16], [sflag:$0x6], $0x40, s9, s15, $0xb8;
	[tilespmem:$0x19000] =	vst v63  }
0x64: {  	_ =	swait.ge [sflag:s26], $0x2000  }
0x65: {  	[sflag:s26] =	ssyncset.done $0x0  }
0x66: {  	s9 =	sadd.s32 $0x2880, s14;
	[sflag:s26] =	ssyncadd.s32 $0xFFFFE000  }
0x67: {  	[spmem:s2] =	stream.indirect.scatter.add.f32 [tilespmem:s17], [sflag:$0x7], $0x40, s9, s15, $0xb8;
	[tilespmem:$0x19000] =	vst v63  }
0x68: {  	_ =	swait.ge [sflag:s28], $0x2000  }
0x69: {  	[sflag:s28] =	ssyncset.done $0x0  }
0x6a: {  	s9 =	sadd.s32 $0x2900, s14;
	[sflag:s28] =	ssyncadd.s32 $0xFFFFE000  }
0x6b: {  	[spmem:s2] =	stream.indirect.scatter.add.f32 [tilespmem:s19], [sflag:$0x8], $0x40, s9, s15, $0xb8;
	[tilespmem:$0x19000] =	vst v63  }
0x6c: {  	_ =	swait.ge [sflag:s29], $0x2000  }
0x6d: {  	[sflag:s29] =	ssyncset.done $0x0  }
0x6e: {  	s9 =	sadd.s32 $0x2980, s14;
	[sflag:s29] =	ssyncadd.s32 $0xFFFFE000  }
0x6f: {  	[spmem:s2] =	stream.indirect.scatter.add.f32 [tilespmem:s21], [sflag:$0x9], $0x40, s9, s15, $0xb8;
	[tilespmem:$0x19000] =	vst v63  }
0x70: {  	_ =	swait.ge [sflag:s30], $0x2000  }
0x71: {  	[sflag:s30] =	ssyncset.done $0x0  }
0x72: {  	s9 =	sadd.s32 $0x2A00, s14;
	[sflag:s30] =	ssyncadd.s32 $0xFFFFE000  }
0x73: {  	[spmem:s2] =	stream.indirect.scatter.add.f32 [tilespmem:s23], [sflag:$0xA], $0x40, s9, s15, $0xb8;
	[tilespmem:$0x19000] =	vst v63  }
0x74: {  	_ =	swait.ge [sflag:s31], $0x2000  }
0x75: {  	[sflag:s31] =	ssyncset.done $0x0  }
0x76: {  	s9 =	sadd.s32 $0x280, s14;
	[sflag:s31] =	ssyncadd.s32 $0xFFFFE000  }
0x77: {  	[tilespmem:s16], [sflag:$0x1] =	stream.indirect.gather [hbm4b:s4+s15], $0x40, s9, s15, $0xb8;
	[tilespmem:$0x19000] =	vst v63  }
0x78: {  	_ =	swait.ge [sflag:s0], $0x2000  }
0x79: {  	[sflag:s0] =	ssyncset.done $0x0  }
0x7a: {  	s9 =	sadd.s32 $0x300, s14;
	[sflag:s0] =	ssyncadd.s32 $0xFFFFE000  }
0x7b: {  	[tilespmem:s17], [sflag:$0x2] =	stream.indirect.gather [hbm4b:s4+s15], $0x40, s9, s15, $0xb8;
	[tilespmem:$0x19000] =	vst v63  }
0x7c: {  	_ =	swait.ge [sflag:s3], $0x2000  }
0x7d: {  	[sflag:s3] =	ssyncset.done $0x0  }
0x7e: {  	s9 =	sadd.s32 $0x380, s14;
	[sflag:s3] =	ssyncadd.s32 $0xFFFFE000  }
0x7f: {  	[tilespmem:s19], [sflag:$0x3] =	stream.indirect.gather [hbm4b:s4+s15], $0x40, s9, s15, $0xb8;
	[tilespmem:$0x19000] =	vst v63  }
0x80: {  	_ =	swait.ge [sflag:s1], $0x2000  }
0x81: {  	[sflag:s1] =	ssyncset.done $0x0  }
.Ltmp1:
0x82: {  	s9 =	sadd.s32 $0x400, s14;
	[sflag:s1] =	ssyncadd.s32 $0xFFFFE000;
	(pc) =	sbr.rel @p1 .LBB2_2-.Ltmp1, $4  }
0x83: {  	[tilespmem:s21], [sflag:$0x4] =	stream.indirect.gather [hbm4b:s4+s15], $0x40, s9, s15, $0xb8;
	[tilespmem:$0x19000] =	vst v63  }
0x84: {  	_ =	swait.ge [sflag:s6], $0x2000  }
0x85: {  	[sflag:s6] =	ssyncset.done $0x0  }
0x86: {  	s9 =	sadd.s32 $0x480, s14;
	[sflag:s6] =	ssyncadd.s32 $0xFFFFE000  }
.LBB2_3:
0x87: {  	[tilespmem:s23], [sflag:$0x5] =	stream.indirect.gather [hbm4b:s4+s15], $0x40, s9, s15, $0xb8;
	[tilespmem:$0x19000] =	vst v63  }
0x88: {  	_ =	swait.ge [sflag:s25], $0x2000  }
0x89: {  	s8 =	sshll.u32 s12, $0x7;
	[sflag:s25] =	ssyncset.done $0x0  }
0x8a: {  	s18 =	sadd.s32 $0x2580, s8;
	[sflag:s25] =	ssyncadd.s32 $0xFFFFE000  }
0x8b: {  	[spmem:s2] =	stream.indirect.scatter.add.f32 [tilespmem:s16], [sflag:$0x6], $0x40, s18, s15, $0xb8;
	[tilespmem:$0x19000] =	vst v63  }
0x8c: {  	_ =	swait.ge [sflag:s26], $0x2000  }
0x8d: {  	[sflag:s26] =	ssyncset.done $0x0  }
0x8e: {  	s12 =	sadd.s32 $0x2600, s8;
	[sflag:s26] =	ssyncadd.s32 $0xFFFFE000  }
0x8f: {  	[spmem:s2] =	stream.indirect.scatter.add.f32 [tilespmem:s17], [sflag:$0x7], $0x40, s12, s15, $0xb8;
	[tilespmem:$0x19000] =	vst v63  }
0x90: {  	_ =	swait.ge [sflag:s28], $0x2000  }
0x91: {  	[sflag:s28] =	ssyncset.done $0x0  }
0x92: {  	s20 =	sadd.s32 $0x2680, s8;
	[sflag:s28] =	ssyncadd.s32 $0xFFFFE000  }
0x93: {  	[spmem:s2] =	stream.indirect.scatter.add.f32 [tilespmem:s19], [sflag:$0x8], $0x40, s20, s15, $0xb8;
	[tilespmem:$0x19000] =	vst v63  }
0x94: {  	_ =	swait.ge [sflag:s29], $0x2000  }
0x95: {  	[sflag:s29] =	ssyncset.done $0x0  }
0x96: {  	s13 =	sadd.s32 $0x2700, s8;
	[sflag:s29] =	ssyncadd.s32 $0xFFFFE000  }
0x97: {  	[spmem:s2] =	stream.indirect.scatter.add.f32 [tilespmem:s21], [sflag:$0x9], $0x40, s13, s15, $0xb8;
	[tilespmem:$0x19000] =	vst v63  }
0x98: {  	_ =	swait.ge [sflag:s30], $0x2000  }
0x99: {  	[sflag:s30] =	ssyncset.done $0x0  }
0x9a: {  	s14 =	sadd.s32 $0x2780, s8;
	[sflag:s30] =	ssyncadd.s32 $0xFFFFE000  }
0x9b: {  	[spmem:s2] =	stream.indirect.scatter.add.f32 [tilespmem:s23], [sflag:$0xA], $0x40, s14, s15, $0xb8;
	[tilespmem:$0x19000] =	vst v63  }
0x9c: {  	_ =	swait.ge [sflag:s31], $0x2000  }
0x9d: {  	[sflag:s31] =	ssyncset.done $0x0  }
0x9e: {  	[sflag:s31] =	ssyncadd.s32 $0xFFFFE000  }
0x9f: {  	_ =	swait.ge [sflag:s0], $0x2000  }
0xa0: {  	[sflag:s0] =	ssyncset.done $0x0  }
0xa1: {  	[sflag:s0] =	ssyncadd.s32 $0xFFFFE000  }
0xa2: {  	_ =	swait.ge [sflag:s3], $0x2000  }
0xa3: {  	[sflag:s3] =	ssyncset.done $0x0  }
0xa4: {  	[sflag:s3] =	ssyncadd.s32 $0xFFFFE000  }
0xa5: {  	_ =	swait.ge [sflag:s1], $0x2000  }
0xa6: {  	[sflag:s1] =	ssyncset.done $0x0  }
0xa7: {  	[sflag:s1] =	ssyncadd.s32 $0xFFFFE000  }
0xa8: {  	_ =	swait.ge [sflag:s6], $0x2000  }
0xa9: {  	[sflag:s6] =	ssyncset.done $0x0  }
0xaa: {  	[sflag:s6] =	ssyncadd.s32 $0xFFFFE000  }
0xab: {  	[bflag:$0x0] =	sbarrier.arrive $0xFFFF  }
0xac: {  	s8 =	rddreg [dreg:$0x8]  }
0xad: {  	s10 =	rddreg [dreg:$0xd]  }
0xae: {  	s9 =	simm.s32 $0xB;
	s24 =	rddreg [dreg:$0xe]  }
0xaf: {  	[hbm:s8], [sflag:s10] =	dma.local [spmem:s24], $0x1400  }
0xb0: {  	_ =	swait.ge [sflag:s9], $0x1400  }
0xb1: {  	[sflag:s9] =	ssyncset.done $0x0  }
0xb2: {  	[sflag:s9] =	ssyncadd.s32 $0xFFFFEC00  }
0xb3: {  	s8 =	simm.s32 $0x0;
	[bflag:$0x0] =	sbarrier.arrive $0xFFFF  }
0xb4: {  	[tilespmem:s16], [sflag:$0x1] =	stream.indirect.gather [hbm4b:s5+s15], $0x40, s8, s15, $0xb8;
	[tilespmem:$0x19000] =	vst v63  }
0xb5: {  	_ = 	snop  }
0xb6: {  	[tilespmem:s17], [sflag:$0x2] =	stream.indirect.gather [hbm4b:s5+s15], $0x40, s15, s15, $0xb8;
	[tilespmem:$0x19000] =	vst v63  }
0xb7: {  	s9 =	simm.s32 $0x100  }
0xb8: {  	[tilespmem:s19], [sflag:$0x3] =	stream.indirect.gather [hbm4b:s5+s15], $0x40, s9, s15, $0xb8;
	[tilespmem:$0x19000] =	vst v63  }
0xb9: {  	s9 =	simm.s32 $0x180  }
0xba: {  	[tilespmem:s21], [sflag:$0x4] =	stream.indirect.gather [hbm4b:s5+s15], $0x40, s9, s15, $0xb8;
	[tilespmem:$0x19000] =	vst v63  }
0xbb: {  	s9 =	simm.s32 $0x200  }
0xbc: {  	[tilespmem:s23], [sflag:$0x5] =	stream.indirect.gather [hbm4b:s5+s15], $0x40, s9, s15, $0xb8;
	[tilespmem:$0x19000] =	vst v63  }
0xbd: {  	[spmem:s24], [sflag:s10] =	dma.local [hbm:s22], $0x1400  }
0xbe: {  	s24 =	simm.s32 $0xB  }
0xbf: {  	_ =	swait.ge [sflag:s24], $0x1400  }
0xc0: {  	[sflag:s24] =	ssyncset.done $0x0  }
0xc1: {  	[sflag:s24] =	ssyncadd.s32 $0xFFFFEC00  }
0xc2: {  	[bflag:$0x0] =	sbarrier.arrive $0xFFFF  }
0xc3: {  	_ =	swait.ge [sflag:s25], $0x2000  }
0xc4: {  	[sflag:s25] =	ssyncset.done $0x0  }
0xc5: {  	s8 =	simm.s32 $0x2800;
	[sflag:s25] =	ssyncadd.s32 $0xFFFFE000  }
0xc6: {  	[spmem:s2] =	stream.indirect.scatter.add.f32 [tilespmem:s16], [sflag:$0x6], $0x40, s8, s15, $0xb8;
	[tilespmem:$0x19000] =	vst v63  }
0xc7: {  	_ =	swait.ge [sflag:s26], $0x2000  }
0xc8: {  	[sflag:s26] =	ssyncset.done $0x0  }
0xc9: {  	s10 =	simm.s32 $0x2880;
	[sflag:s26] =	ssyncadd.s32 $0xFFFFE000  }
0xca: {  	[spmem:s2] =	stream.indirect.scatter.add.f32 [tilespmem:s17], [sflag:$0x7], $0x40, s10, s15, $0xb8;
	[tilespmem:$0x19000] =	vst v63  }
0xcb: {  	_ =	swait.ge [sflag:s28], $0x2000  }
0xcc: {  	[sflag:s28] =	ssyncset.done $0x0  }
0xcd: {  	s22 =	simm.s32 $0x2900;
	[sflag:s28] =	ssyncadd.s32 $0xFFFFE000  }
0xce: {  	[spmem:s2] =	stream.indirect.scatter.add.f32 [tilespmem:s19], [sflag:$0x8], $0x40, s22, s15, $0xb8;
	[tilespmem:$0x19000] =	vst v63  }
0xcf: {  	_ =	swait.ge [sflag:s29], $0x2000  }
0xd0: {  	[sflag:s29] =	ssyncset.done $0x0  }
0xd1: {  	s8 =	simm.s32 $0x2980;
	[sflag:s29] =	ssyncadd.s32 $0xFFFFE000  }
0xd2: {  	[spmem:s2] =	stream.indirect.scatter.add.f32 [tilespmem:s21], [sflag:$0x9], $0x40, s8, s15, $0xb8;
	[tilespmem:$0x19000] =	vst v63  }
0xd3: {  	_ =	swait.ge [sflag:s30], $0x2000  }
0xd4: {  	[sflag:s30] =	ssyncset.done $0x0  }
0xd5: {  	s10 =	simm.s32 $0x2A00;
	[sflag:s30] =	ssyncadd.s32 $0xFFFFE000  }
0xd6: {  	[spmem:s2] =	stream.indirect.scatter.add.f32 [tilespmem:s23], [sflag:$0xA], $0x40, s10, s15, $0xb8;
	[tilespmem:$0x19000] =	vst v63  }
0xd7: {  	_ =	swait.ge [sflag:s31], $0x2000  }
0xd8: {  	[sflag:s31] =	ssyncset.done $0x0  }
0xd9: {  	s22 =	simm.s32 $0x280;
	[sflag:s31] =	ssyncadd.s32 $0xFFFFE000  }
0xda: {  	[tilespmem:s16], [sflag:$0x1] =	stream.indirect.gather [hbm4b:s5+s15], $0x40, s22, s15, $0xb8;
	[tilespmem:$0x19000] =	vst v63  }
0xdb: {  	_ =	swait.ge [sflag:s0], $0x2000  }
0xdc: {  	[sflag:s0] =	ssyncset.done $0x0  }
0xdd: {  	s8 =	simm.s32 $0x300;
	[sflag:s0] =	ssyncadd.s32 $0xFFFFE000  }
0xde: {  	[tilespmem:s17], [sflag:$0x2] =	stream.indirect.gather [hbm4b:s5+s15], $0x40, s8, s15, $0xb8;
	[tilespmem:$0x19000] =	vst v63  }
0xdf: {  	_ =	swait.ge [sflag:s3], $0x2000  }
0xe0: {  	[sflag:s3] =	ssyncset.done $0x0  }
0xe1: {  	s10 =	simm.s32 $0x380;
	[sflag:s3] =	ssyncadd.s32 $0xFFFFE000  }
0xe2: {  	[tilespmem:s19], [sflag:$0x3] =	stream.indirect.gather [hbm4b:s5+s15], $0x40, s10, s15, $0xb8;
	[tilespmem:$0x19000] =	vst v63  }
0xe3: {  	_ =	swait.ge [sflag:s1], $0x2000  }
0xe4: {  	p1 =	sne.s32 s11, $0xA00;
	[sflag:s1] =	ssyncset.done $0x0  }
.Ltmp2:
0xe5: {  	s22 =	simm.s32 $0x400;
	[sflag:s1] =	ssyncadd.s32 $0xFFFFE000;
	(pc) =	sbr.rel @!p1 .LBB2_5-.Ltmp2, $4  }
0xe6: {  	[tilespmem:s21], [sflag:$0x4] =	stream.indirect.gather [hbm4b:s5+s15], $0x40, s22, s15, $0xb8;
	[tilespmem:$0x19000] =	vst v63  }
0xe7: {  	_ =	swait.ge [sflag:s6], $0x2000  }
0xe8: {  	[sflag:s6] =	ssyncset.done $0x0  }
0xe9: {  	s9 =	simm.s32 $0x480;
	s22 =	simm.s32 $0xA00;
	[sflag:s6] =	ssyncadd.s32 $0xFFFFE000  }
.LBB2_4:
0xea: {  	[tilespmem:s23], [sflag:$0x5] =	stream.indirect.gather [hbm4b:s5+s15], $0x40, s9, s15, $0xb8;
	[tilespmem:$0x19000] =	vst v63  }
0xeb: {  	s9 =	smov.u32 s22;
	s22 =	sadd.s32 $0xA00, s22;
	_ =	swait.ge [sflag:s25], $0x2000  }
0xec: {  	s9 =	sshra.s32 s9, $0x2;
	p1 =	sne.s32 s11, s22;
	[sflag:s25] =	ssyncset.done $0x0  }
0xed: {  	s8 =	sadd.s32 $0x2800, s9;
	[sflag:s25] =	ssyncadd.s32 $0xFFFFE000  }
0xee: {  	[spmem:s2] =	stream.indirect.scatter.add.f32 [tilespmem:s16], [sflag:$0x6], $0x40, s8, s15, $0xb8;
	[tilespmem:$0x19000] =	vst v63  }
0xef: {  	_ =	swait.ge [sflag:s26], $0x2000  }
0xf0: {  	[sflag:s26] =	ssyncset.done $0x0  }
0xf1: {  	s8 =	sadd.s32 $0x2880, s9;
	[sflag:s26] =	ssyncadd.s32 $0xFFFFE000  }
0xf2: {  	[spmem:s2] =	stream.indirect.scatter.add.f32 [tilespmem:s17], [sflag:$0x7], $0x40, s8, s15, $0xb8;
	[tilespmem:$0x19000] =	vst v63  }
0xf3: {  	_ =	swait.ge [sflag:s28], $0x2000  }
0xf4: {  	[sflag:s28] =	ssyncset.done $0x0  }
0xf5: {  	s8 =	sadd.s32 $0x2900, s9;
	[sflag:s28] =	ssyncadd.s32 $0xFFFFE000  }
0xf6: {  	[spmem:s2] =	stream.indirect.scatter.add.f32 [tilespmem:s19], [sflag:$0x8], $0x40, s8, s15, $0xb8;
	[tilespmem:$0x19000] =	vst v63  }
0xf7: {  	_ =	swait.ge [sflag:s29], $0x2000  }
0xf8: {  	[sflag:s29] =	ssyncset.done $0x0  }
0xf9: {  	s8 =	sadd.s32 $0x2980, s9;
	[sflag:s29] =	ssyncadd.s32 $0xFFFFE000  }
0xfa: {  	[spmem:s2] =	stream.indirect.scatter.add.f32 [tilespmem:s21], [sflag:$0x9], $0x40, s8, s15, $0xb8;
	[tilespmem:$0x19000] =	vst v63  }
0xfb: {  	_ =	swait.ge [sflag:s30], $0x2000  }
0xfc: {  	[sflag:s30] =	ssyncset.done $0x0  }
0xfd: {  	s8 =	sadd.s32 $0x2A00, s9;
	[sflag:s30] =	ssyncadd.s32 $0xFFFFE000  }
0xfe: {  	[spmem:s2] =	stream.indirect.scatter.add.f32 [tilespmem:s23], [sflag:$0xA], $0x40, s8, s15, $0xb8;
	[tilespmem:$0x19000] =	vst v63  }
0xff: {  	_ =	swait.ge [sflag:s31], $0x2000  }
0x100: {  	[sflag:s31] =	ssyncset.done $0x0  }
0x101: {  	s8 =	sadd.s32 $0x280, s9;
	[sflag:s31] =	ssyncadd.s32 $0xFFFFE000  }
0x102: {  	[tilespmem:s16], [sflag:$0x1] =	stream.indirect.gather [hbm4b:s5+s15], $0x40, s8, s15, $0xb8;
	[tilespmem:$0x19000] =	vst v63  }
0x103: {  	_ =	swait.ge [sflag:s0], $0x2000  }
0x104: {  	[sflag:s0] =	ssyncset.done $0x0  }
0x105: {  	s8 =	sadd.s32 $0x300, s9;
	[sflag:s0] =	ssyncadd.s32 $0xFFFFE000  }
0x106: {  	[tilespmem:s17], [sflag:$0x2] =	stream.indirect.gather [hbm4b:s5+s15], $0x40, s8, s15, $0xb8;
	[tilespmem:$0x19000] =	vst v63  }
0x107: {  	_ =	swait.ge [sflag:s3], $0x2000  }
0x108: {  	[sflag:s3] =	ssyncset.done $0x0  }
0x109: {  	s8 =	sadd.s32 $0x380, s9;
	[sflag:s3] =	ssyncadd.s32 $0xFFFFE000  }
0x10a: {  	[tilespmem:s19], [sflag:$0x3] =	stream.indirect.gather [hbm4b:s5+s15], $0x40, s8, s15, $0xb8;
	[tilespmem:$0x19000] =	vst v63  }
0x10b: {  	_ =	swait.ge [sflag:s1], $0x2000  }
0x10c: {  	[sflag:s1] =	ssyncset.done $0x0  }
.Ltmp3:
0x10d: {  	s8 =	sadd.s32 $0x400, s9;
	[sflag:s1] =	ssyncadd.s32 $0xFFFFE000;
	(pc) =	sbr.rel @p1 .LBB2_4-.Ltmp3, $4  }
0x10e: {  	[tilespmem:s21], [sflag:$0x4] =	stream.indirect.gather [hbm4b:s5+s15], $0x40, s8, s15, $0xb8;
	[tilespmem:$0x19000] =	vst v63  }
0x10f: {  	_ =	swait.ge [sflag:s6], $0x2000  }
0x110: {  	[sflag:s6] =	ssyncset.done $0x0  }
0x111: {  	s9 =	sadd.s32 $0x480, s9;
	[sflag:s6] =	ssyncadd.s32 $0xFFFFE000  }
.LBB2_5:
0x112: {  	[tilespmem:s23], [sflag:$0x5] =	stream.indirect.gather [hbm4b:s5+s15], $0x40, s9, s15, $0xb8;
	[tilespmem:$0x19000] =	vst v63  }
0x113: {  	_ =	swait.ge [sflag:s25], $0x2000  }
0x114: {  	[sflag:s25] =	ssyncset.done $0x0  }
0x115: {  	[sflag:s25] =	ssyncadd.s32 $0xFFFFE000  }
0x116: {  	[spmem:s2] =	stream.indirect.scatter.add.f32 [tilespmem:s16], [sflag:$0x6], $0x40, s18, s15, $0xb8;
	[tilespmem:$0x19000] =	vst v63  }
0x117: {  	_ =	swait.ge [sflag:s26], $0x2000  }
0x118: {  	[sflag:s26] =	ssyncset.done $0x0  }
0x119: {  	[sflag:s26] =	ssyncadd.s32 $0xFFFFE000  }
0x11a: {  	[spmem:s2] =	stream.indirect.scatter.add.f32 [tilespmem:s17], [sflag:$0x7], $0x40, s12, s15, $0xb8;
	[tilespmem:$0x19000] =	vst v63  }
0x11b: {  	_ =	swait.ge [sflag:s28], $0x2000  }
0x11c: {  	[sflag:s28] =	ssyncset.done $0x0  }
0x11d: {  	[sflag:s28] =	ssyncadd.s32 $0xFFFFE000  }
0x11e: {  	[spmem:s2] =	stream.indirect.scatter.add.f32 [tilespmem:s19], [sflag:$0x8], $0x40, s20, s15, $0xb8;
	[tilespmem:$0x19000] =	vst v63  }
0x11f: {  	_ =	swait.ge [sflag:s29], $0x2000  }
0x120: {  	[sflag:s29] =	ssyncset.done $0x0  }
0x121: {  	[sflag:s29] =	ssyncadd.s32 $0xFFFFE000  }
0x122: {  	[spmem:s2] =	stream.indirect.scatter.add.f32 [tilespmem:s21], [sflag:$0x9], $0x40, s13, s15, $0xb8;
	[tilespmem:$0x19000] =	vst v63  }
0x123: {  	_ =	swait.ge [sflag:s30], $0x2000  }
0x124: {  	[sflag:s30] =	ssyncset.done $0x0  }
0x125: {  	[sflag:s30] =	ssyncadd.s32 $0xFFFFE000  }
0x126: {  	[spmem:s2] =	stream.indirect.scatter.add.f32 [tilespmem:s23], [sflag:$0xA], $0x40, s14, s15, $0xb8;
	[tilespmem:$0x19000] =	vst v63  }
0x127: {  	_ =	swait.ge [sflag:s31], $0x2000  }
0x128: {  	[sflag:s31] =	ssyncset.done $0x0  }
0x129: {  	[sflag:s31] =	ssyncadd.s32 $0xFFFFE000  }
0x12a: {  	_ =	swait.ge [sflag:s0], $0x2000  }
0x12b: {  	[sflag:s0] =	ssyncset.done $0x0  }
0x12c: {  	[sflag:s0] =	ssyncadd.s32 $0xFFFFE000  }
0x12d: {  	_ =	swait.ge [sflag:s3], $0x2000  }
0x12e: {  	[sflag:s3] =	ssyncset.done $0x0  }
0x12f: {  	[sflag:s3] =	ssyncadd.s32 $0xFFFFE000  }
0x130: {  	_ =	swait.ge [sflag:s1], $0x2000  }
0x131: {  	[sflag:s1] =	ssyncset.done $0x0  }
0x132: {  	[sflag:s1] =	ssyncadd.s32 $0xFFFFE000  }
0x133: {  	_ =	swait.ge [sflag:s6], $0x2000  }
0x134: {  	[sflag:s6] =	ssyncset.done $0x0  }
0x135: {  	[sflag:s6] =	ssyncadd.s32 $0xFFFFE000  }
0x136: {  	[bflag:$0x0] =	sbarrier.arrive $0xFFFF  }
0x137: {  	s8 =	rddreg [dreg:$0x9]  }
0x138: {  	s20 =	rddreg [dreg:$0xd]  }
0x139: {  	s10 =	rddreg [dreg:$0xe]  }
0x13a: {  	[hbm:s8], [sflag:s20] =	dma.local [spmem:s10], $0x1400  }
0x13b: {  	_ =	swait.ge [sflag:s24], $0x1400  }
0x13c: {  	s7 =	sadd.s32 $0x1, s7;
	s22 =	rddreg [dreg:$0xa]  }
0x13d: {  	p1 =	sne.s32 s7, s22  }
.Ltmp4:
0x13e: {  	_ = 	snop;
	(pc) =	sbr.rel @p1 .LBB2_1-.Ltmp4, $3  }
0x13f: {  	_ =	sdelay $0x1  }
0x140: {  	[sflag:s24] =	ssyncset.done $0x0  }
0x141: {  	[sflag:s24] =	ssyncadd.s32 $0xFFFFEC00;
	s22 =	rddreg [dreg:$0x7]  }
0x142: {  	_ =	sfence.sel $0x180000  }
0x143: {  	[bflag:$0x0] =	sbarrier.arrive $0xFFFF  }
0x144: {  	_ =	strace $0x9000004A  }
0x145: {  	s0 =	stileid.u32;
	[bflag:$0x2] =	sbarrier.arrive $0xFFFF  }
0x146: {  	p0 =	sne.s32 s0, $0x0;
	s0 =	rddreg [dreg:$0x3]  }
0x147: {  	s0 =	sadd.s32 @!p0 $0x100000, s0  }
0x148: {  	[sflag:s0] =	ssyncadd.tile.s32 @!p0 $0x1;
	_ =	shalt  }
.Lfunc_end2:
_tile_overlayer_lowered:
.L_overlay_start_2:
0x149: {  	(tag) =	ssettag $0x2  }
0x14a: {  	s0 =	rddreg [dreg:$0x0];
	s2 =	stileid.u32  }
0x14b: {  	s1 =	rddreg [dreg:$0x1];
	p0 =	sne.s32 s2, $0x0  }
0x14c: {  	s3 =	rddreg [dreg:$0x2];
	[bflag:$0x3] =	sbarrier.arrive $0xFFFF;
	s2 =	simm.s32 @!p0 $0x1C0B  }
0x14d: {  	[timem:s3], [sflag:s2] =	dma.local @!p0 [hbm:s0], s1  }
0x14e: {  	s0 =	simm.s32 @!p0 $0xB  }
0x14f: {  	_ =	swait.ge @!p0 [sflag:s0], s1  }
0x150: {  	s1 =	ssub.s32 @!p0 $0x0, s1;
	[sflag:s0] =	ssyncset.done @!p0 $0x0  }
0x151: {  	[sflag:s0] =	ssyncadd.s32 @!p0 s1  }
0x152: {  	[bflag:$0x3] =	sbarrier.arrive $0xFFFF  }
0x153: {  	_ =	shalt  }

// kernel: kernel.14.cloned.1.call-start
scs
__scs_entry_jumppad:
0x0: {  	(pc) =	sbr.rel $0x88, $3  }
0x1: {  	(tag) =	ssettag $0x0;
	lr =	simm.s32 $0x1  }
0x2: {  	[smem:$0x3F9B] =	sst lr;
	_ =	strace $0xD0000000  }
0x3: {  	_ = 	snop  }
0x4: {  	_ = 	snop  }
0x5: {  	_ = 	snop  }
0x6: {  	_ = 	snop  }
0x7: {  	_ = 	snop  }
__scs_overlays_trampoline_lowered:
0x8: {  	[smem:$0x3FAA] =	sst s0  }
0x9: {  	[smem:$0x3FAB] =	sst s1  }
0xa: {  	[smem:$0x3FAC] =	sst s2  }
0xb: {  	[smem:$0x3FAD] =	sst s3  }
0xc: {  	[smem:$0x3FAE] =	sst s4  }
0xd: {  	[smem:$0x3FAF] =	sst s5  }
0xe: {  	[smem:$0x3FB0] =	sst s6  }
0xf: {  	[smem:$0x3FB1] =	sst s7  }
0x10: {  	[smem:$0x3FB2] =	sst s8  }
0x11: {  	[smem:$0x3FB3] =	sst s9;
	s0 =	simm.s32 @!p0 $0x0  }
0x12: {  	s1 =	sld [smem:$0x3F99];
	s0 =	simm.s32 @p0 $0x1  }
0x13: {  	[smem:$0x3FB4] =	sst s0;
	s0 =	simm.s32 @!p1 $0x0  }
0x14: {  	s2 =	sld [smem:$0x3F98];
	s0 =	simm.s32 @p1 $0x1  }
0x15: {  	[smem:$0x3FB5] =	sst s0;
	s0 =	simm.s32 @!p2 $0x0  }
0x16: {  	s3 =	sld [smem:$0x3FDB];
	s0 =	simm.s32 @p2 $0x1  }
0x17: {  	s4 =	simm.s32 $0x1BF5;
	[smem:$0x3FB7] =	sst s0  }
0x18: {  	s0 =	sld [smem:$0x3F9A];
	_ =	swait.ge [sflag:s4], $0x0  }
0x19: {  	s7 =	sld [smem:$0x3F9B]  }
0x1a: {  	s8 =	sadd.s32 $0xFFFFE003, lr  }
0x1b: {  	s9 =	sadd.s32 $0xFFFFFEF7, lr;
	s5 =	simm.s32 $0xFFFFFFFF;
	p2 =	slt.u32 s8, $0xFFFFF086  }
0x1c: {  	p1 =	slt.u32 s9, $0xF7A;
	s5 =	simm.s32 @!p2 $0x0  }
0x1d: {  	s5 =	simm.s32 @p1 $0x1;
	p0 =	seq.s32 s7, s2  }
0x1e: {  	s7 =	smul.u32 @!p0 $0xF7A, s2;
	p2 =	seq.s32 @!p0 s5, $0x0  }
0x1f: {  	s9 =	smul.u32 $0xF7A, s1;
	s8 =	simm.s32 @!p0 $0x1BF5;
	p2 =	por !p2, p0  }
0x20: {  	[sflag:s8] =	ssyncset.s32 @!p0 $0xFFFFF086;
	s6 =	sadd.s32 @!p0 s3, s7;
	s7 =	simm.s32 @!p0 $0x108  }
0x21: {  	s3 =	sadd.s32 s3, s9;
	s6 =	sadd.s32 @!p0 $0x88, s6;
	s7 =	simm.s32 @p2 $0x1082  }
0x22: {  	[simem:s7], [sflag:s8] =	dma.local @!p0 [hbm:s6], $0xF7A  }
0x23: {  	s9 =	sor.u32 $0xD0000000, s2;
	s6 =	simm.s32 $0x108;
	_ =	swait.ge @!p0 [sflag:s8], $0x0  }
0x24: {  	s3 =	sadd.s32 $0x88, s3;
	s6 =	simm.s32 @!p1 $0x1082;
	[sflag:s4] =	ssyncset.s32 $0xFFFFF086  }
0x25: {  	[simem:s6], [sflag:s4] =	dma.local [hbm:s3], $0xF7A  }
0x26: {  	[smem:$0x3F9B] =	sst s1;
	(tag) =	ssettag s2;
	_ =	strace s9  }
0x27: {  	s1 =	sld [smem:$0x3FAB]  }
0x28: {  	s2 =	sld [smem:$0x3FAC]  }
0x29: {  	s4 =	sld [smem:$0x3FAE]  }
0x2a: {  	p0 =	seq.s32 s5, $0x0;
	s5 =	sld [smem:$0x3FAF]  }
0x2b: {  	s6 =	sld [smem:$0x3FB0]  }
0x2c: {  	s7 =	sld [smem:$0x3FB1]  }
0x2d: {  	s3 =	simm.s32 $0x108;
	s8 =	sld [smem:$0x3FB2]  }
0x2e: {  	s3 =	simm.s32 @!p0 $0x1082;
	s9 =	sld [smem:$0x3FB3]  }
0x2f: {  	lr =	sadd.s32 s0, s3;
	s0 =	sld [smem:$0x3FAA]  }
0x30: {  	s3 =	sld [smem:$0x3FAD]  }
0x31: {  	[smem:$0x3FB6] =	sst s10  }
0x32: {  	s10 =	sld [smem:$0x3FB4];
	_ =	sdelay $0x3  }
0x33: {  	p0 =	seq.s32 s10, $0x1;
	s10 =	sld [smem:$0x3FB6];
	_ =	sdelay $0x3  }
0x34: {  	[smem:$0x3FB6] =	sst s10  }
0x35: {  	s10 =	sld [smem:$0x3FB5];
	_ =	sdelay $0x3  }
0x36: {  	p1 =	seq.s32 s10, $0x1;
	s10 =	sld [smem:$0x3FB6];
	_ =	sdelay $0x3  }
0x37: {  	[smem:$0x3FB6] =	sst s10  }
0x38: {  	s10 =	sld [smem:$0x3FB7]  }
0x39: {  	_ = 	snop;
	(pc) =	sbr.ind lr, $3  }
0x3a: {  	_ = 	snop  }
0x3b: {  	_ = 	snop  }
0x3c: {  	p2 =	seq.s32 s10, $0x1;
	s10 =	sld [smem:$0x3FB6]  }
0x3d: {  	_ =	shalt  }
0x3e: {  	_ =	shalt  }
0x3f: {  	_ =	shalt  }
0x40: {  	_ =	shalt  }
0x41: {  	_ =	shalt  }
0x42: {  	_ =	shalt  }
0x43: {  	_ =	shalt  }
0x44: {  	_ =	shalt  }
0x45: {  	_ =	shalt  }
0x46: {  	_ =	shalt  }
0x47: {  	_ =	shalt  }
0x48: {  	_ =	shalt  }
0x49: {  	_ =	shalt  }
0x4a: {  	_ =	shalt  }
0x4b: {  	_ =	shalt  }
0x4c: {  	_ =	shalt  }
0x4d: {  	_ =	shalt  }
0x4e: {  	_ =	shalt  }
0x4f: {  	_ =	shalt  }
0x50: {  	_ =	shalt  }
0x51: {  	_ =	shalt  }
0x52: {  	_ =	shalt  }
0x53: {  	_ =	shalt  }
0x54: {  	_ =	shalt  }
0x55: {  	_ =	shalt  }
0x56: {  	_ =	shalt  }
0x57: {  	_ =	shalt  }
0x58: {  	_ =	shalt  }
0x59: {  	_ =	shalt  }
0x5a: {  	_ =	shalt  }
0x5b: {  	_ =	shalt  }
0x5c: {  	_ =	shalt  }
0x5d: {  	_ =	shalt  }
0x5e: {  	_ =	shalt  }
0x5f: {  	_ =	shalt  }
0x60: {  	_ =	shalt  }
0x61: {  	_ =	shalt  }
0x62: {  	_ =	shalt  }
0x63: {  	_ =	shalt  }
0x64: {  	_ =	shalt  }
0x65: {  	_ =	shalt  }
0x66: {  	_ =	shalt  }
0x67: {  	_ =	shalt  }
0x68: {  	_ =	shalt  }
0x69: {  	_ =	shalt  }
0x6a: {  	_ =	shalt  }
0x6b: {  	_ =	shalt  }
0x6c: {  	_ =	shalt  }
0x6d: {  	_ =	shalt  }
0x6e: {  	_ =	shalt  }
0x6f: {  	_ =	shalt  }
0x70: {  	_ =	shalt  }
0x71: {  	_ =	shalt  }
0x72: {  	_ =	shalt  }
0x73: {  	_ =	shalt  }
0x74: {  	_ =	shalt  }
0x75: {  	_ =	shalt  }
0x76: {  	_ =	shalt  }
0x77: {  	_ =	shalt  }
0x78: {  	_ =	shalt  }
0x79: {  	_ =	shalt  }
0x7a: {  	_ =	shalt  }
0x7b: {  	_ =	shalt  }
0x7c: {  	_ =	shalt  }
0x7d: {  	_ =	shalt  }
0x7e: {  	_ =	shalt  }
0x7f: {  	_ =	shalt  }
0x80: {  	_ =	shalt  }
0x81: {  	_ =	shalt  }
0x82: {  	_ =	shalt  }
0x83: {  	_ =	shalt  }
0x84: {  	_ =	shalt  }
0x85: {  	_ =	shalt  }
0x86: {  	_ =	shalt  }
0x87: {  	_ =	shalt  }
.Lfunc_end0:
.L_simem_size_0:
called_computation.2_lowered:
.L_overlay_start_0:
0x88: {  	s2 =	sld [smem:$0x3FD9]  }
0x89: {  	s3 =	sld [smem:$0x3FFE];
	_ =	sdelay $0x1  }
0x8a: {  	s1 =	srdreg.scid  }
0x8b: {  	s0 =	sand.u32 $0x1, s1  }
0x8c: {  	s17 =	sshll.u32 s0, $0xA;
	s2 =	sadd.s32 s3, s2  }
0x8d: {  	s2 =	sadd.s32 s2, s17  }
0x8e: {  	[smem:$0x3FC2] =	sst s2  }
0x8f: {  	_ = 	snop  }
0x90: {  	s2 =	sld [smem:$0x3FD0];
	(tm) =	ssettm $0x1  }
0x91: {  	s18 =	sld [smem:$0x3FFB];
	_ =	sdelay $0x3  }
0x92: {  	_ =	strace s18  }
0x93: {  	s3 =	sld [smem:$0x3FFC];
	_ =	sdelay $0x3  }
0x94: {  	_ =	strace s3  }
0x95: {  	s3 =	sld [smem:$0x3FFD];
	_ =	sdelay $0x3  }
0x96: {  	_ =	strace s3  }
0x97: {  	_ =	strace $0x8FFFFFFF  }
0x98: {  	s19 =	sld [smem:$0x3FDB];
	_ =	sdelay $0x1  }
0x99: {  	s4 =	simm.s32 $_scs_section_size  }
0x9a: {  	s5 =	simm.s32 $_size__tile_overlayer_lowered;
	s6 =	simm.s32 $_tile_overlayer_lowered  }
0x9b: {  	s22 =	simm.s32 $0x1BFF;
	s21 =	sshll.u32 s6, $0x1;
	s3 =	sadd.s32 s4, s19  }
0x9c: {  	s7 =	simm.s32 $0x0;
	s20 =	sshll.u32 s5, $0x1;
	s5 =	sadd.s32 s21, s3  }
0x9d: {  	[timem:s7], [sflag:s22] =	dma.local [hbm:s5], s20  }
0x9e: {  	_ =	swait.ge [sflag:s22], s20  }
0x9f: {  	s4 =	ssub.s32 $0x0, s20;
	[sflag:s22] =	ssyncset.done $0x0  }
0xa0: {  	[sflag:s22] =	ssyncadd.s32 s4;
	_ =	sdelay $0x1  }
0xa1: {  	s23 =	simm.s32 $0x1B8B  }
0xa2: {  	_ =	swait.ge [sflag:s23], $0x1  }
0xa3: {  	[sflag:s23] =	ssyncset.done $0x0  }
0xa4: {  	s25 =	simm.s32 $0x1B8E;
	s24 =	sld [smem:$0x3FFE];
	[sflag:s23] =	ssyncadd.s32 $0xFFFFFFFF  }
0xa5: {  	s26 =	simm.s32 $execute0_lowered;
	[smem:$0x3FD2] =	sst s25  }
0xa6: {  	s5 =	sshll.u32 s26, $0x1;
	_ =	strace $0x8000004C;
	[dreg:$0x1] =	wrdreg $0xFFFFFFFF  }
0xa7: {  	s28 =	simm.s32 $_size_execute0_lowered;
	s3 =	sadd.s32 s3, s5;
	[dreg:$0x0] =	wrdreg $0x0  }
0xa8: {  	s5 =	sshll.u32 s28, $0x1;
	[dreg:$0x2] =	wrdreg s3  }
0xa9: {  	[dreg:$0x3] =	wrdreg s5  }
0xaa: {  	[dreg:$0x4] =	wrdreg $0xC0  }
0xab: {  	_ =	task [dreg:s7], $0x5FFFF  }
0xac: {  	[dreg:$0x1] =	wrdreg $0xFFFFFFFF  }
0xad: {  	[dreg:$0x0] =	wrdreg $0x60  }
0xae: {  	[dreg:$0x2] =	wrdreg s24  }
0xaf: {  	[dreg:$0x3] =	wrdreg s2  }
0xb0: {  	[dreg:$0x4] =	wrdreg $0xF0000  }
0xb1: {  	[dreg:$0x5] =	wrdreg $0x9  }
0xb2: {  	_ =	task.clear_ibuf [dreg:s7], $0x6FFFF;
	_ =	strace $0x9000004C  }
0xb3: {  	s29 =	simm.s32 $0x9;
	_ =	strace $0x8000004E  }
0xb4: {  	_ =	swait.ge [sflag:s29], $0x1  }
0xb5: {  	[sflag:s29] =	ssyncadd.s32 $0xFFFFFFFF  }
0xb6: {  	_ =	strace $0x9000004E  }
0xb7: {  	_ =	sfence  }
0xb8: {  	s30 =	sld [smem:$0x0];
	_ =	sdelay $0x2  }
0xb9: {  	s31 =	sshll.u32 s1, $0xD;
	s1 =	sshrl.u32 s1, $0x2  }
0xba: {  	s3 =	sand.u32 $0x4000, s31;
	s1 =	sadd.s32 s1, s30  }
0xbb: {  	s0 =	sor.u32 s3, s0;
	s1 =	sshll.u32 s1, $0x11  }
0xbc: {  	s0 =	sor.u32 s1, s0  }
0xbd: {  	s0 =	sadd.s32 $0x8F2B, s0  }
0xbe: {  	[sflag:s0] =	ssyncadd.remote.s32 $0x1  }
0xbf: {  	_ =	sfence.sel $0xFFFF  }
0xc0: {  	[dreg:$0x0] =	wrdreg $0xFFFFFFFF;
	(pc) =	sbr.abs _section_cstart, $3  }
0xc1: {  	[dreg:$0x1] =	wrdreg $0xFFFFFFFF  }
0xc2: {  	_ =	task.clear_ibuf [dreg:s7], $0x2FFFF;
	_ =	strace $0x9FFFFFFF  }
0xc3: {  	(tm) =	ssettm $0x7FFFFFFF  }
tec
execute0_lowered:
.L_overlay_start_1:
0x0: {  	(tag) =	ssettag $0x1  }
0x1: {  	s0 =	rddreg [dreg:$0x0]  }
0x2: {  	s1 =	rddreg [dreg:$0x1]  }
0x3: {  	s2 =	rddreg [dreg:$0x2]  }
0x4: {  	s4 =	simm.s32 $0x0;
	s16 =	stileid.u32;
	s3 =	srdreg.scid  }
0x5: {  	s13 =	simm.s32 $0x80;
	s14 =	simm.s32 $0x5000;
	s15 =	simm.s32 $0x7000  }
0x6: {  	s17 =	simm.s32 $0x9000;
	s19 =	simm.s32 $0xB000;
	s21 =	simm.s32 $0xD000  }
0x7: {  	s28 =	simm.s32 $0x4;
	s29 =	simm.s32 $0x5;
	s30 =	simm.s32 $0x6  }
0x8: {  	s31 =	simm.s32 $0x7;
	[smem:$0x7FF] =	sst s4;
	s5 =	smul.u32 $0xA000, s16  }
0x9: {  	s3 =	sand.u32 $0x1, s3;
	s4 =	sadd.s32 $0xA7C00, s0;
	s26 =	sshll.u32 s16, $0x6  }
0xa: {  	_ =	strace $0x8000004D;
	s6 =	smul.u32 $0xA0000, s3;
	s8 =	sshll.u32 s3, $0x4  }
0xb: {  	s3 =	ssub.s32 $0x2, s3;
	s7 =	sshrl.u32 s5, $0x3;
	s9 =	sor.u32 s16, s8  }
0xc: {  	s22 =	sshrl.u32 s3, $0x1;
	s24 =	sadd.s32 s5, s2;
	s16 =	simm.s32 $0x0  }
0xd: {  	s6 =	sadd.s32 s5, s6;
	s11 =	smul.u32 $0x500, s9;
	s7 =	sadd.s32 s7, s0  }
0xe: {  	s3 =	ssub.s32 s3, s22;
	[dreg:$0x6] =	wrdreg s24;
	p0 =	sne.s32 s9, $0x1F  }
0xf: {  	s22 =	sor.u32 $0x1C0B, s26;
	s24 =	simm.s32 $0x1;
	s26 =	simm.s32 $0x3  }
0x10: {  	s6 =	sshrl.u32 s6, $0x3;
	s25 =	sadd.s32 $0x93C00, s7;
	s10 =	smax.u32 s3, $0x1  }
0x11: {  	s0 =	sadd.s32 s6, s0;
	s23 =	sadd.s32 s1, s11;
	[dreg:$0x7] =	wrdreg s25  }
0x12: {  	s6 =	sadd.s32 $0x9C40, s1;
	s1 =	sadd.s32 $0x9B00, s1;
	[dreg:$0x4] =	wrdreg s23  }
0x13: {  	s3 =	simm.s32 $0xA;
	s25 =	simm.s32 $0x2;
	[dreg:$0x5] =	wrdreg s1  }
0x14: {  	s9 =	sadd.s32 $0xBBC00, s0;
	s11 =	sadd.s32 @p0 s11, s6;
	s12 =	sadd.s32 @!p0 $0x9B00, s6  }
0x15: {  	s23 =	simm.s32 $0xB;
	s0 =	simm.s32 $0x8;
	s1 =	simm.s32 $0x9  }
.LBB2_1:
0x16: {  	s5 =	simm.s32 @p0 $0x0;
	s6 =	rddreg [dreg:$0x4]  }
0x17: {  	[tilespmem:s5], [sflag:$0xB] =	stream.linear.gather @p0 [hbm4b:s6+s5], $0x2800, $0x38;
	[tilespmem:$0x19000] =	vst v63  }
0x18: {  	s6 =	simm.s32 @p0 $0xB  }
0x19: {  	_ =	swait.ge @p0 [sflag:s6], $0x2800  }
0x1a: {  	[sflag:s6] =	ssyncset.done @p0 $0x0  }
0x1b: {  	s7 =	simm.s32 @p0 $0x2800;
	[sflag:s6] =	ssyncadd.s32 @p0 $0xFFFFD800  }
0x1c: {  	[tilespmem:s7], [sflag:$0xB] =	stream.linear.gather @p0 [hbm4b:s11+s5], $0x2800, $0x38;
	[tilespmem:$0x19000] =	vst v63  }
0x1d: {  	_ =	swait.ge @p0 [sflag:s6], $0x2800  }
0x1e: {  	[sflag:s6] =	ssyncset.done @p0 $0x0  }
0x1f: {  	s5 =	simm.s32 @!p0 $0x0;
	[sflag:s6] =	ssyncadd.s32 @p0 $0xFFFFD800;
	s6 =	rddreg [dreg:$0x5]  }
0x20: {  	[tilespmem:s5], [sflag:$0xB] =	stream.linear.gather @!p0 [hbm4b:s6+s5], $0xA00, $0x38;
	[tilespmem:$0x19000] =	vst v63  }
0x21: {  	s6 =	simm.s32 @!p0 $0xB  }
0x22: {  	_ =	swait.ge @!p0 [sflag:s6], $0xA00  }
0x23: {  	[sflag:s6] =	ssyncset.done @!p0 $0x0  }
0x24: {  	s7 =	simm.s32 @!p0 $0x2800;
	[sflag:s6] =	ssyncadd.s32 @!p0 $0xFFFFF600  }
0x25: {  	[tilespmem:s7], [sflag:$0xB] =	stream.linear.gather @!p0 [hbm4b:s12+s5], $0xA00, $0x38;
	[tilespmem:$0x19000] =	vst v63  }
0x26: {  	_ =	swait.ge @!p0 [sflag:s6], $0xA00  }
0x27: {  	[sflag:s6] =	ssyncset.done @!p0 $0x0  }
0x28: {  	s8 =	simm.s32 $0x0;
	[sflag:s6] =	ssyncadd.s32 @!p0 $0xFFFFF600  }
0x29: {  	[tilespmem:s14], [sflag:$0x1] =	stream.indirect.gather [hbm4b:s4+s13], $0x40, s8, s13, $0xb8;
	[tilespmem:$0x19000] =	vst v63  }
0x2a: {  	_ = 	snop  }
0x2b: {  	[tilespmem:s15], [sflag:$0x2] =	stream.indirect.gather [hbm4b:s4+s13], $0x40, s13, s13, $0xb8;
	[tilespmem:$0x19000] =	vst v63  }
0x2c: {  	s18 =	simm.s32 $0x100  }
0x2d: {  	[tilespmem:s17], [sflag:$0x3] =	stream.indirect.gather [hbm4b:s4+s13], $0x40, s18, s13, $0xb8;
	[tilespmem:$0x19000] =	vst v63  }
0x2e: {  	s20 =	simm.s32 $0x180;
	s7 =	rddreg [dreg:$0x6]  }
0x2f: {  	[tilespmem:s19], [sflag:$0x4] =	stream.indirect.gather [hbm4b:s4+s13], $0x40, s20, s13, $0xb8;
	[tilespmem:$0x19000] =	vst v63  }
0x30: {  	s6 =	simm.s32 $0x200;
	s8 =	rddreg [dreg:$0x7];
	s18 =	sshrl.u32 s7, $0x3  }
0x31: {  	[tilespmem:s21], [sflag:$0x5] =	stream.indirect.gather [hbm4b:s4+s13], $0x40, s6, s13, $0xb8;
	[tilespmem:$0x19000] =	vst v63  }
0x32: {  	[spmem:s18], [sflag:s22] =	dma.local [hbm:s8], $0x1400  }
0x33: {  	_ =	swait.ge [sflag:s23], $0x1400  }
0x34: {  	[sflag:s23] =	ssyncset.done $0x0  }
0x35: {  	[sflag:s23] =	ssyncadd.s32 $0xFFFFEC00  }
0x36: {  	[bflag:$0x0] =	sbarrier.arrive $0xFFFF  }
0x37: {  	_ =	swait.ge [sflag:s24], $0x2000  }
0x38: {  	[sflag:s24] =	ssyncset.done $0x0  }
0x39: {  	s20 =	simm.s32 $0x2800;
	[sflag:s24] =	ssyncadd.s32 $0xFFFFE000  }
0x3a: {  	[spmem:s2] =	stream.indirect.scatter.add.f32 [tilespmem:s14], [sflag:$0x6], $0x40, s20, s13, $0xb8;
	[tilespmem:$0x19000] =	vst v63  }
0x3b: {  	_ =	swait.ge [sflag:s25], $0x2000  }
0x3c: {  	[sflag:s25] =	ssyncset.done $0x0  }
0x3d: {  	s6 =	simm.s32 $0x2880;
	[sflag:s25] =	ssyncadd.s32 $0xFFFFE000  }
0x3e: {  	[spmem:s2] =	stream.indirect.scatter.add.f32 [tilespmem:s15], [sflag:$0x7], $0x40, s6, s13, $0xb8;
	[tilespmem:$0x19000] =	vst v63  }
0x3f: {  	_ =	swait.ge [sflag:s26], $0x2000  }
0x40: {  	[sflag:s26] =	ssyncset.done $0x0  }
0x41: {  	s7 =	simm.s32 $0x2900;
	[sflag:s26] =	ssyncadd.s32 $0xFFFFE000  }
0x42: {  	[spmem:s2] =	stream.indirect.scatter.add.f32 [tilespmem:s17], [sflag:$0x8], $0x40, s7, s13, $0xb8;
	[tilespmem:$0x19000] =	vst v63  }
0x43: {  	_ =	swait.ge [sflag:s28], $0x2000  }
0x44: {  	[sflag:s28] =	ssyncset.done $0x0  }
0x45: {  	s8 =	simm.s32 $0x2980;
	[sflag:s28] =	ssyncadd.s32 $0xFFFFE000  }
0x46: {  	[spmem:s2] =	stream.indirect.scatter.add.f32 [tilespmem:s19], [sflag:$0x9], $0x40, s8, s13, $0xb8;
	[tilespmem:$0x19000] =	vst v63  }
0x47: {  	_ =	swait.ge [sflag:s29], $0x2000  }
0x48: {  	[sflag:s29] =	ssyncset.done $0x0  }
0x49: {  	s20 =	simm.s32 $0x2A00;
	[sflag:s29] =	ssyncadd.s32 $0xFFFFE000  }
0x4a: {  	[spmem:s2] =	stream.indirect.scatter.add.f32 [tilespmem:s21], [sflag:$0xA], $0x40, s20, s13, $0xb8;
	[tilespmem:$0x19000] =	vst v63  }
0x4b: {  	_ =	swait.ge [sflag:s30], $0x2000  }
0x4c: {  	[sflag:s30] =	ssyncset.done $0x0  }
0x4d: {  	s6 =	simm.s32 $0x280;
	[sflag:s30] =	ssyncadd.s32 $0xFFFFE000  }
0x4e: {  	[tilespmem:s14], [sflag:$0x1] =	stream.indirect.gather [hbm4b:s4+s13], $0x40, s6, s13, $0xb8;
	[tilespmem:$0x19000] =	vst v63  }
0x4f: {  	s20 =	simm.s32 @!p0 $0x14;
	_ =	swait.ge [sflag:s31], $0x2000  }
0x50: {  	s20 =	simm.s32 @p0 $0x50;
	[sflag:s31] =	ssyncset.done $0x0  }
0x51: {  	s7 =	simm.s32 $0x300;
	s8 =	smul.u32 $0x67, s20;
	[sflag:s31] =	ssyncadd.s32 $0xFFFFE000  }
0x52: {  	[tilespmem:s15], [sflag:$0x2] =	stream.indirect.gather [hbm4b:s4+s13], $0x40, s7, s13, $0xb8;
	[tilespmem:$0x19000] =	vst v63  }
0x53: {  	_ =	swait.ge [sflag:s0], $0x2000  }
0x54: {  	s5 =	sshrl.u32 s8, $0x9;
	[sflag:s0] =	ssyncset.done $0x0  }
0x55: {  	s5 =	smul.u32 $0xA00, s5;
	s7 =	simm.s32 $0x380;
	[sflag:s0] =	ssyncadd.s32 $0xFFFFE000  }
0x56: {  	[tilespmem:s17], [sflag:$0x3] =	stream.indirect.gather [hbm4b:s4+s13], $0x40, s7, s13, $0xb8;
	[tilespmem:$0x19000] =	vst v63  }
0x57: {  	s5 =	sadd.s32 $0xFFFFF600, s5;
	_ =	swait.ge [sflag:s1], $0x2000  }
0x58: {  	p1 =	sne.s32 s5, $0xA00;
	[sflag:s1] =	ssyncset.done $0x0  }
.Ltmp0:
0x59: {  	s8 =	simm.s32 $0x400;
	[sflag:s1] =	ssyncadd.s32 $0xFFFFE000;
	(pc) =	sbr.rel @!p1 .LBB2_3-.Ltmp0, $4  }
0x5a: {  	[tilespmem:s19], [sflag:$0x4] =	stream.indirect.gather [hbm4b:s4+s13], $0x40, s8, s13, $0xb8;
	[tilespmem:$0x19000] =	vst v63  }
0x5b: {  	_ =	swait.ge [sflag:s3], $0x2000  }
0x5c: {  	[sflag:s3] =	ssyncset.done $0x0  }
0x5d: {  	s6 =	simm.s32 $0xA00;
	s7 =	simm.s32 $0x480;
	[sflag:s3] =	ssyncadd.s32 $0xFFFFE000  }
.LBB2_2:
0x5e: {  	[tilespmem:s21], [sflag:$0x5] =	stream.indirect.gather [hbm4b:s4+s13], $0x40, s7, s13, $0xb8;
	[tilespmem:$0x19000] =	vst v63  }
0x5f: {  	s7 =	smov.u32 s6;
	s6 =	sadd.s32 $0xA00, s6;
	_ =	swait.ge [sflag:s24], $0x2000  }
0x60: {  	s7 =	sshra.s32 s7, $0x2;
	p1 =	sne.s32 s5, s6;
	[sflag:s24] =	ssyncset.done $0x0  }
0x61: {  	s8 =	sadd.s32 $0x2800, s7;
	[sflag:s24] =	ssyncadd.s32 $0xFFFFE000  }
0x62: {  	[spmem:s2] =	stream.indirect.scatter.add.f32 [tilespmem:s14], [sflag:$0x6], $0x40, s8, s13, $0xb8;
	[tilespmem:$0x19000] =	vst v63  }
0x63: {  	_ =	swait.ge [sflag:s25], $0x2000  }
0x64: {  	[sflag:s25] =	ssyncset.done $0x0  }
0x65: {  	s8 =	sadd.s32 $0x2880, s7;
	[sflag:s25] =	ssyncadd.s32 $0xFFFFE000  }
0x66: {  	[spmem:s2] =	stream.indirect.scatter.add.f32 [tilespmem:s15], [sflag:$0x7], $0x40, s8, s13, $0xb8;
	[tilespmem:$0x19000] =	vst v63  }
0x67: {  	_ =	swait.ge [sflag:s26], $0x2000  }
0x68: {  	[sflag:s26] =	ssyncset.done $0x0  }
0x69: {  	s8 =	sadd.s32 $0x2900, s7;
	[sflag:s26] =	ssyncadd.s32 $0xFFFFE000  }
0x6a: {  	[spmem:s2] =	stream.indirect.scatter.add.f32 [tilespmem:s17], [sflag:$0x8], $0x40, s8, s13, $0xb8;
	[tilespmem:$0x19000] =	vst v63  }
0x6b: {  	_ =	swait.ge [sflag:s28], $0x2000  }
0x6c: {  	[sflag:s28] =	ssyncset.done $0x0  }
0x6d: {  	s8 =	sadd.s32 $0x2980, s7;
	[sflag:s28] =	ssyncadd.s32 $0xFFFFE000  }
0x6e: {  	[spmem:s2] =	stream.indirect.scatter.add.f32 [tilespmem:s19], [sflag:$0x9], $0x40, s8, s13, $0xb8;
	[tilespmem:$0x19000] =	vst v63  }
0x6f: {  	_ =	swait.ge [sflag:s29], $0x2000  }
0x70: {  	[sflag:s29] =	ssyncset.done $0x0  }
0x71: {  	s8 =	sadd.s32 $0x2A00, s7;
	[sflag:s29] =	ssyncadd.s32 $0xFFFFE000  }
0x72: {  	[spmem:s2] =	stream.indirect.scatter.add.f32 [tilespmem:s21], [sflag:$0xA], $0x40, s8, s13, $0xb8;
	[tilespmem:$0x19000] =	vst v63  }
0x73: {  	_ =	swait.ge [sflag:s30], $0x2000  }
0x74: {  	[sflag:s30] =	ssyncset.done $0x0  }
0x75: {  	s8 =	sadd.s32 $0x280, s7;
	[sflag:s30] =	ssyncadd.s32 $0xFFFFE000  }
0x76: {  	[tilespmem:s14], [sflag:$0x1] =	stream.indirect.gather [hbm4b:s4+s13], $0x40, s8, s13, $0xb8;
	[tilespmem:$0x19000] =	vst v63  }
0x77: {  	_ =	swait.ge [sflag:s31], $0x2000  }
0x78: {  	[sflag:s31] =	ssyncset.done $0x0  }
0x79: {  	s8 =	sadd.s32 $0x300, s7;
	[sflag:s31] =	ssyncadd.s32 $0xFFFFE000  }
0x7a: {  	[tilespmem:s15], [sflag:$0x2] =	stream.indirect.gather [hbm4b:s4+s13], $0x40, s8, s13, $0xb8;
	[tilespmem:$0x19000] =	vst v63  }
0x7b: {  	_ =	swait.ge [sflag:s0], $0x2000  }
0x7c: {  	[sflag:s0] =	ssyncset.done $0x0  }
0x7d: {  	s8 =	sadd.s32 $0x380, s7;
	[sflag:s0] =	ssyncadd.s32 $0xFFFFE000  }
0x7e: {  	[tilespmem:s17], [sflag:$0x3] =	stream.indirect.gather [hbm4b:s4+s13], $0x40, s8, s13, $0xb8;
	[tilespmem:$0x19000] =	vst v63  }
0x7f: {  	_ =	swait.ge [sflag:s1], $0x2000  }
0x80: {  	[sflag:s1] =	ssyncset.done $0x0  }
.Ltmp1:
0x81: {  	s8 =	sadd.s32 $0x400, s7;
	[sflag:s1] =	ssyncadd.s32 $0xFFFFE000;
	(pc) =	sbr.rel @p1 .LBB2_2-.Ltmp1, $4  }
0x82: {  	[tilespmem:s19], [sflag:$0x4] =	stream.indirect.gather [hbm4b:s4+s13], $0x40, s8, s13, $0xb8;
	[tilespmem:$0x19000] =	vst v63  }
0x83: {  	_ =	swait.ge [sflag:s3], $0x2000  }
0x84: {  	[sflag:s3] =	ssyncset.done $0x0  }
0x85: {  	s7 =	sadd.s32 $0x480, s7;
	[sflag:s3] =	ssyncadd.s32 $0xFFFFE000  }
.LBB2_3:
0x86: {  	[tilespmem:s21], [sflag:$0x5] =	stream.indirect.gather [hbm4b:s4+s13], $0x40, s7, s13, $0xb8;
	[tilespmem:$0x19000] =	vst v63  }
0x87: {  	_ =	swait.ge [sflag:s24], $0x2000  }
0x88: {  	s5 =	sshll.u32 s20, $0x7;
	[sflag:s24] =	ssyncset.done $0x0  }
0x89: {  	s6 =	sadd.s32 $0x2580, s5;
	[sflag:s24] =	ssyncadd.s32 $0xFFFFE000  }
0x8a: {  	[spmem:s2] =	stream.indirect.scatter.add.f32 [tilespmem:s14], [sflag:$0x6], $0x40, s6, s13, $0xb8;
	[tilespmem:$0x19000] =	vst v63  }
0x8b: {  	_ =	swait.ge [sflag:s25], $0x2000  }
0x8c: {  	[sflag:s25] =	ssyncset.done $0x0  }
0x8d: {  	s7 =	sadd.s32 $0x2600, s5;
	[sflag:s25] =	ssyncadd.s32 $0xFFFFE000  }
0x8e: {  	[spmem:s2] =	stream.indirect.scatter.add.f32 [tilespmem:s15], [sflag:$0x7], $0x40, s7, s13, $0xb8;
	[tilespmem:$0x19000] =	vst v63  }
0x8f: {  	_ =	swait.ge [sflag:s26], $0x2000  }
0x90: {  	[sflag:s26] =	ssyncset.done $0x0  }
0x91: {  	s8 =	sadd.s32 $0x2680, s5;
	[sflag:s26] =	ssyncadd.s32 $0xFFFFE000  }
0x92: {  	[spmem:s2] =	stream.indirect.scatter.add.f32 [tilespmem:s17], [sflag:$0x8], $0x40, s8, s13, $0xb8;
	[tilespmem:$0x19000] =	vst v63  }
0x93: {  	_ =	swait.ge [sflag:s28], $0x2000  }
0x94: {  	[sflag:s28] =	ssyncset.done $0x0  }
0x95: {  	s20 =	sadd.s32 $0x2700, s5;
	[sflag:s28] =	ssyncadd.s32 $0xFFFFE000  }
0x96: {  	[spmem:s2] =	stream.indirect.scatter.add.f32 [tilespmem:s19], [sflag:$0x9], $0x40, s20, s13, $0xb8;
	[tilespmem:$0x19000] =	vst v63  }
0x97: {  	_ =	swait.ge [sflag:s29], $0x2000  }
0x98: {  	[sflag:s29] =	ssyncset.done $0x0  }
0x99: {  	s5 =	sadd.s32 $0x2780, s5;
	[sflag:s29] =	ssyncadd.s32 $0xFFFFE000  }
0x9a: {  	[spmem:s2] =	stream.indirect.scatter.add.f32 [tilespmem:s21], [sflag:$0xA], $0x40, s5, s13, $0xb8;
	[tilespmem:$0x19000] =	vst v63  }
0x9b: {  	_ =	swait.ge [sflag:s30], $0x2000  }
0x9c: {  	[sflag:s30] =	ssyncset.done $0x0  }
0x9d: {  	[sflag:s30] =	ssyncadd.s32 $0xFFFFE000  }
0x9e: {  	_ =	swait.ge [sflag:s31], $0x2000  }
0x9f: {  	[sflag:s31] =	ssyncset.done $0x0  }
0xa0: {  	[sflag:s31] =	ssyncadd.s32 $0xFFFFE000  }
0xa1: {  	_ =	swait.ge [sflag:s0], $0x2000  }
0xa2: {  	[sflag:s0] =	ssyncset.done $0x0  }
0xa3: {  	[sflag:s0] =	ssyncadd.s32 $0xFFFFE000  }
0xa4: {  	_ =	swait.ge [sflag:s1], $0x2000  }
0xa5: {  	[sflag:s1] =	ssyncset.done $0x0  }
0xa6: {  	[sflag:s1] =	ssyncadd.s32 $0xFFFFE000  }
0xa7: {  	_ =	swait.ge [sflag:s3], $0x2000  }
0xa8: {  	s16 =	sadd.s32 $0x1, s16;
	[sflag:s3] =	ssyncset.done $0x0  }
0xa9: {  	p1 =	sne.s32 s16, s10;
	[sflag:s3] =	ssyncadd.s32 $0xFFFFE000  }
.Ltmp2:
0xaa: {  	[bflag:$0x0] =	sbarrier.arrive $0xFFFF;
	(pc) =	sbr.rel @p1 .LBB2_1-.Ltmp2, $4  }
0xab: {  	[hbm:s9], [sflag:s22] =	dma.local [spmem:s18], $0x1400  }
0xac: {  	_ =	swait.ge [sflag:s23], $0x1400  }
0xad: {  	[sflag:s23] =	ssyncset.done $0x0  }
0xae: {  	[sflag:s23] =	ssyncadd.s32 $0xFFFFEC00  }
0xaf: {  	_ =	sfence.sel $0x180000  }
0xb0: {  	[bflag:$0x0] =	sbarrier.arrive $0xFFFF  }
0xb1: {  	_ =	strace $0x9000004D  }
0xb2: {  	s0 =	stileid.u32;
	[bflag:$0x2] =	sbarrier.arrive $0xFFFF  }
0xb3: {  	p0 =	sne.s32 s0, $0x0;
	s0 =	rddreg [dreg:$0x3]  }
0xb4: {  	s0 =	sadd.s32 @!p0 $0x100000, s0  }
0xb5: {  	[sflag:s0] =	ssyncadd.tile.s32 @!p0 $0x1;
	_ =	shalt  }
.Lfunc_end2:
_tile_overlayer_lowered:
.L_overlay_start_2:
0xb6: {  	(tag) =	ssettag $0x2  }
0xb7: {  	s0 =	rddreg [dreg:$0x0];
	s2 =	stileid.u32  }
0xb8: {  	s1 =	rddreg [dreg:$0x1];
	p0 =	sne.s32 s2, $0x0  }
0xb9: {  	s3 =	rddreg [dreg:$0x2];
	[bflag:$0x3] =	sbarrier.arrive $0xFFFF;
	s2 =	simm.s32 @!p0 $0x1C0B  }
0xba: {  	[timem:s3], [sflag:s2] =	dma.local @!p0 [hbm:s0], s1  }
0xbb: {  	s0 =	simm.s32 @!p0 $0xB  }
0xbc: {  	_ =	swait.ge @!p0 [sflag:s0], s1  }
0xbd: {  	s1 =	ssub.s32 @!p0 $0x0, s1;
	[sflag:s0] =	ssyncset.done @!p0 $0x0  }
0xbe: {  	[sflag:s0] =	ssyncadd.s32 @!p0 s1  }
0xbf: {  	[bflag:$0x3] =	sbarrier.arrive $0xFFFF  }
0xc0: {  	_ =	shalt  }

// kernel: kernel.8.cloned.1.call-start
scs
__scs_entry_jumppad:
0x0: {  	(pc) =	sbr.rel $0x88, $3  }
0x1: {  	(tag) =	ssettag $0x0;
	lr =	simm.s32 $0x1  }
0x2: {  	[smem:$0x3F9B] =	sst lr;
	_ =	strace $0xD0000000  }
0x3: {  	_ = 	snop  }
0x4: {  	_ = 	snop  }
0x5: {  	_ = 	snop  }
0x6: {  	_ = 	snop  }
0x7: {  	_ = 	snop  }
__scs_overlays_trampoline_lowered:
0x8: {  	[smem:$0x3FAA] =	sst s0  }
0x9: {  	[smem:$0x3FAB] =	sst s1  }
0xa: {  	[smem:$0x3FAC] =	sst s2  }
0xb: {  	[smem:$0x3FAD] =	sst s3  }
0xc: {  	[smem:$0x3FAE] =	sst s4  }
0xd: {  	[smem:$0x3FAF] =	sst s5  }
0xe: {  	[smem:$0x3FB0] =	sst s6  }
0xf: {  	[smem:$0x3FB1] =	sst s7  }
0x10: {  	[smem:$0x3FB2] =	sst s8  }
0x11: {  	[smem:$0x3FB3] =	sst s9;
	s0 =	simm.s32 @!p0 $0x0  }
0x12: {  	s1 =	sld [smem:$0x3F99];
	s0 =	simm.s32 @p0 $0x1  }
0x13: {  	[smem:$0x3FB4] =	sst s0;
	s0 =	simm.s32 @!p1 $0x0  }
0x14: {  	s2 =	sld [smem:$0x3F98];
	s0 =	simm.s32 @p1 $0x1  }
0x15: {  	[smem:$0x3FB5] =	sst s0;
	s0 =	simm.s32 @!p2 $0x0  }
0x16: {  	s3 =	sld [smem:$0x3FDB];
	s0 =	simm.s32 @p2 $0x1  }
0x17: {  	s4 =	simm.s32 $0x1BF5;
	[smem:$0x3FB7] =	sst s0  }
0x18: {  	s0 =	sld [smem:$0x3F9A];
	_ =	swait.ge [sflag:s4], $0x0  }
0x19: {  	s7 =	sld [smem:$0x3F9B]  }
0x1a: {  	s8 =	sadd.s32 $0xFFFFE003, lr  }
0x1b: {  	s9 =	sadd.s32 $0xFFFFFEF7, lr;
	s5 =	simm.s32 $0xFFFFFFFF;
	p2 =	slt.u32 s8, $0xFFFFF086  }
0x1c: {  	p1 =	slt.u32 s9, $0xF7A;
	s5 =	simm.s32 @!p2 $0x0  }
0x1d: {  	s5 =	simm.s32 @p1 $0x1;
	p0 =	seq.s32 s7, s2  }
0x1e: {  	s7 =	smul.u32 @!p0 $0xF7A, s2;
	p2 =	seq.s32 @!p0 s5, $0x0  }
0x1f: {  	s9 =	smul.u32 $0xF7A, s1;
	s8 =	simm.s32 @!p0 $0x1BF5;
	p2 =	por !p2, p0  }
0x20: {  	[sflag:s8] =	ssyncset.s32 @!p0 $0xFFFFF086;
	s6 =	sadd.s32 @!p0 s3, s7;
	s7 =	simm.s32 @!p0 $0x108  }
0x21: {  	s3 =	sadd.s32 s3, s9;
	s6 =	sadd.s32 @!p0 $0x88, s6;
	s7 =	simm.s32 @p2 $0x1082  }
0x22: {  	[simem:s7], [sflag:s8] =	dma.local @!p0 [hbm:s6], $0xF7A  }
0x23: {  	s9 =	sor.u32 $0xD0000000, s2;
	s6 =	simm.s32 $0x108;
	_ =	swait.ge @!p0 [sflag:s8], $0x0  }
0x24: {  	s3 =	sadd.s32 $0x88, s3;
	s6 =	simm.s32 @!p1 $0x1082;
	[sflag:s4] =	ssyncset.s32 $0xFFFFF086  }
0x25: {  	[simem:s6], [sflag:s4] =	dma.local [hbm:s3], $0xF7A  }
0x26: {  	[smem:$0x3F9B] =	sst s1;
	(tag) =	ssettag s2;
	_ =	strace s9  }
0x27: {  	s1 =	sld [smem:$0x3FAB]  }
0x28: {  	s2 =	sld [smem:$0x3FAC]  }
0x29: {  	s4 =	sld [smem:$0x3FAE]  }
0x2a: {  	p0 =	seq.s32 s5, $0x0;
	s5 =	sld [smem:$0x3FAF]  }
0x2b: {  	s6 =	sld [smem:$0x3FB0]  }
0x2c: {  	s7 =	sld [smem:$0x3FB1]  }
0x2d: {  	s3 =	simm.s32 $0x108;
	s8 =	sld [smem:$0x3FB2]  }
0x2e: {  	s3 =	simm.s32 @!p0 $0x1082;
	s9 =	sld [smem:$0x3FB3]  }
0x2f: {  	lr =	sadd.s32 s0, s3;
	s0 =	sld [smem:$0x3FAA]  }
0x30: {  	s3 =	sld [smem:$0x3FAD]  }
0x31: {  	[smem:$0x3FB6] =	sst s10  }
0x32: {  	s10 =	sld [smem:$0x3FB4];
	_ =	sdelay $0x3  }
0x33: {  	p0 =	seq.s32 s10, $0x1;
	s10 =	sld [smem:$0x3FB6];
	_ =	sdelay $0x3  }
0x34: {  	[smem:$0x3FB6] =	sst s10  }
0x35: {  	s10 =	sld [smem:$0x3FB5];
	_ =	sdelay $0x3  }
0x36: {  	p1 =	seq.s32 s10, $0x1;
	s10 =	sld [smem:$0x3FB6];
	_ =	sdelay $0x3  }
0x37: {  	[smem:$0x3FB6] =	sst s10  }
0x38: {  	s10 =	sld [smem:$0x3FB7]  }
0x39: {  	_ = 	snop;
	(pc) =	sbr.ind lr, $3  }
0x3a: {  	_ = 	snop  }
0x3b: {  	_ = 	snop  }
0x3c: {  	p2 =	seq.s32 s10, $0x1;
	s10 =	sld [smem:$0x3FB6]  }
0x3d: {  	_ =	shalt  }
0x3e: {  	_ =	shalt  }
0x3f: {  	_ =	shalt  }
0x40: {  	_ =	shalt  }
0x41: {  	_ =	shalt  }
0x42: {  	_ =	shalt  }
0x43: {  	_ =	shalt  }
0x44: {  	_ =	shalt  }
0x45: {  	_ =	shalt  }
0x46: {  	_ =	shalt  }
0x47: {  	_ =	shalt  }
0x48: {  	_ =	shalt  }
0x49: {  	_ =	shalt  }
0x4a: {  	_ =	shalt  }
0x4b: {  	_ =	shalt  }
0x4c: {  	_ =	shalt  }
0x4d: {  	_ =	shalt  }
0x4e: {  	_ =	shalt  }
0x4f: {  	_ =	shalt  }
0x50: {  	_ =	shalt  }
0x51: {  	_ =	shalt  }
0x52: {  	_ =	shalt  }
0x53: {  	_ =	shalt  }
0x54: {  	_ =	shalt  }
0x55: {  	_ =	shalt  }
0x56: {  	_ =	shalt  }
0x57: {  	_ =	shalt  }
0x58: {  	_ =	shalt  }
0x59: {  	_ =	shalt  }
0x5a: {  	_ =	shalt  }
0x5b: {  	_ =	shalt  }
0x5c: {  	_ =	shalt  }
0x5d: {  	_ =	shalt  }
0x5e: {  	_ =	shalt  }
0x5f: {  	_ =	shalt  }
0x60: {  	_ =	shalt  }
0x61: {  	_ =	shalt  }
0x62: {  	_ =	shalt  }
0x63: {  	_ =	shalt  }
0x64: {  	_ =	shalt  }
0x65: {  	_ =	shalt  }
0x66: {  	_ =	shalt  }
0x67: {  	_ =	shalt  }
0x68: {  	_ =	shalt  }
0x69: {  	_ =	shalt  }
0x6a: {  	_ =	shalt  }
0x6b: {  	_ =	shalt  }
0x6c: {  	_ =	shalt  }
0x6d: {  	_ =	shalt  }
0x6e: {  	_ =	shalt  }
0x6f: {  	_ =	shalt  }
0x70: {  	_ =	shalt  }
0x71: {  	_ =	shalt  }
0x72: {  	_ =	shalt  }
0x73: {  	_ =	shalt  }
0x74: {  	_ =	shalt  }
0x75: {  	_ =	shalt  }
0x76: {  	_ =	shalt  }
0x77: {  	_ =	shalt  }
0x78: {  	_ =	shalt  }
0x79: {  	_ =	shalt  }
0x7a: {  	_ =	shalt  }
0x7b: {  	_ =	shalt  }
0x7c: {  	_ =	shalt  }
0x7d: {  	_ =	shalt  }
0x7e: {  	_ =	shalt  }
0x7f: {  	_ =	shalt  }
0x80: {  	_ =	shalt  }
0x81: {  	_ =	shalt  }
0x82: {  	_ =	shalt  }
0x83: {  	_ =	shalt  }
0x84: {  	_ =	shalt  }
0x85: {  	_ =	shalt  }
0x86: {  	_ =	shalt  }
0x87: {  	_ =	shalt  }
.Lfunc_end0:
.L_simem_size_0:
called_computation_lowered:
.L_overlay_start_0:
0x88: {  	s2 =	sld [smem:$0x3FD9]  }
0x89: {  	s3 =	sld [smem:$0x3FFE];
	_ =	sdelay $0x1  }
0x8a: {  	s1 =	srdreg.scid  }
0x8b: {  	s0 =	sand.u32 $0x1, s1  }
0x8c: {  	s17 =	sshll.u32 s0, $0xA;
	s2 =	sadd.s32 s3, s2  }
0x8d: {  	s2 =	sadd.s32 s2, s17  }
0x8e: {  	[smem:$0x3FC2] =	sst s2  }
0x8f: {  	_ = 	snop  }
0x90: {  	s2 =	sld [smem:$0x3FD0];
	(tm) =	ssettm $0x1  }
0x91: {  	s18 =	sld [smem:$0x3FFB];
	_ =	sdelay $0x3  }
0x92: {  	_ =	strace s18  }
0x93: {  	s3 =	sld [smem:$0x3FFC];
	_ =	sdelay $0x3  }
0x94: {  	_ =	strace s3  }
0x95: {  	s3 =	sld [smem:$0x3FFD];
	_ =	sdelay $0x3  }
0x96: {  	_ =	strace s3  }
0x97: {  	_ =	strace $0x8FFFFFFF  }
0x98: {  	s19 =	sld [smem:$0x3FDB];
	_ =	sdelay $0x1  }
0x99: {  	s4 =	simm.s32 $_scs_section_size  }
0x9a: {  	s5 =	simm.s32 $_size__tile_overlayer_lowered;
	s6 =	simm.s32 $_tile_overlayer_lowered  }
0x9b: {  	s22 =	simm.s32 $0x1BFF;
	s21 =	sshll.u32 s6, $0x1;
	s3 =	sadd.s32 s4, s19  }
0x9c: {  	s7 =	simm.s32 $0x0;
	s20 =	sshll.u32 s5, $0x1;
	s5 =	sadd.s32 s21, s3  }
0x9d: {  	[timem:s7], [sflag:s22] =	dma.local [hbm:s5], s20  }
0x9e: {  	_ =	swait.ge [sflag:s22], s20  }
0x9f: {  	s4 =	ssub.s32 $0x0, s20;
	[sflag:s22] =	ssyncset.done $0x0  }
0xa0: {  	[sflag:s22] =	ssyncadd.s32 s4;
	_ =	sdelay $0x1  }
0xa1: {  	s23 =	simm.s32 $0x1B8B  }
0xa2: {  	_ =	swait.ge [sflag:s23], $0x1  }
0xa3: {  	[sflag:s23] =	ssyncset.done $0x0  }
0xa4: {  	s25 =	simm.s32 $0x1B8E;
	s24 =	sld [smem:$0x3FFE];
	[sflag:s23] =	ssyncadd.s32 $0xFFFFFFFF  }
0xa5: {  	s26 =	simm.s32 $execute0_lowered;
	[smem:$0x3FD2] =	sst s25  }
0xa6: {  	s5 =	sshll.u32 s26, $0x1;
	_ =	strace $0x80000046;
	[dreg:$0x1] =	wrdreg $0xFFFFFFFF  }
0xa7: {  	s28 =	simm.s32 $_size_execute0_lowered;
	s3 =	sadd.s32 s3, s5;
	[dreg:$0x0] =	wrdreg $0x0  }
0xa8: {  	s5 =	sshll.u32 s28, $0x1;
	[dreg:$0x2] =	wrdreg s3  }
0xa9: {  	[dreg:$0x3] =	wrdreg s5  }
0xaa: {  	[dreg:$0x4] =	wrdreg $0xC0  }
0xab: {  	_ =	task [dreg:s7], $0x5FFFF  }
0xac: {  	[dreg:$0x1] =	wrdreg $0xFFFFFFFF  }
0xad: {  	[dreg:$0x0] =	wrdreg $0x60  }
0xae: {  	[dreg:$0x2] =	wrdreg s2  }
0xaf: {  	[dreg:$0x3] =	wrdreg s24  }
0xb0: {  	[dreg:$0x4] =	wrdreg $0x58000  }
0xb1: {  	[dreg:$0x5] =	wrdreg $0x80000  }
0xb2: {  	[dreg:$0x6] =	wrdreg $0x9  }
0xb3: {  	_ =	task.clear_ibuf [dreg:s7], $0x7FFFF;
	_ =	strace $0x90000046  }
0xb4: {  	s29 =	simm.s32 $0x9;
	_ =	strace $0x80000048  }
0xb5: {  	_ =	swait.ge [sflag:s29], $0x1  }
0xb6: {  	[sflag:s29] =	ssyncadd.s32 $0xFFFFFFFF  }
0xb7: {  	_ =	strace $0x90000048  }
0xb8: {  	_ =	sfence  }
0xb9: {  	s30 =	sld [smem:$0x0];
	_ =	sdelay $0x2  }
0xba: {  	s31 =	sshll.u32 s1, $0xD;
	s1 =	sshrl.u32 s1, $0x2  }
0xbb: {  	s3 =	sand.u32 $0x4000, s31;
	s1 =	sadd.s32 s1, s30  }
0xbc: {  	s0 =	sor.u32 s3, s0;
	s1 =	sshll.u32 s1, $0x11  }
0xbd: {  	s0 =	sor.u32 s1, s0  }
0xbe: {  	s0 =	sadd.s32 $0x8F2B, s0  }
0xbf: {  	[sflag:s0] =	ssyncadd.remote.s32 $0x1  }
0xc0: {  	_ =	sfence.sel $0xFFFF  }
0xc1: {  	[dreg:$0x0] =	wrdreg $0xFFFFFFFF;
	(pc) =	sbr.abs _section_cstart, $3  }
0xc2: {  	[dreg:$0x1] =	wrdreg $0xFFFFFFFF  }
0xc3: {  	_ =	task.clear_ibuf [dreg:s7], $0x2FFFF;
	_ =	strace $0x9FFFFFFF  }
0xc4: {  	(tm) =	ssettm $0x7FFFFFFF  }
0xc5: {  	_ =	shalt  }
tec
execute0_lowered:
.L_overlay_start_1:
0x0: {  	(tag) =	ssettag $0x1  }
0x1: {  	s0 =	rddreg [dreg:$0x0]  }
0x2: {  	s1 =	rddreg [dreg:$0x1]  }
0x3: {  	s2 =	rddreg [dreg:$0x2]  }
0x4: {  	s3 =	rddreg [dreg:$0x3]  }
0x5: {  	s5 =	stileid.u32;
	s4 =	srdreg.scid;
	s6 =	simm.s32 $0x0  }
0x6: {  	s14 =	simm.s32 $0xB;
	s16 =	simm.s32 $0x5000;
	s19 =	simm.s32 $0x80  }
0x7: {  	s29 =	simm.s32 $0x1;
	s30 =	simm.s32 $0x6;
	s31 =	simm.s32 $0x2  }
0x8: {  	s20 =	simm.s32 $0x8;
	s21 =	simm.s32 $0x4;
	s22 =	simm.s32 $0x9  }
0x9: {  	s23 =	simm.s32 $0x5;
	s24 =	simm.s32 $0xA;
	s8 =	smul.u32 $0x2800, s5  }
0xa: {  	s4 =	sand.u32 $0x1, s4;
	[smem:$0x7FF] =	sst s6;
	s7 =	sadd.s32 $0x2A00, s1  }
0xb: {  	s28 =	sshll.u32 s5, $0x6;
	s18 =	sadd.s32 $0x9C40, s0;
	s25 =	smul.u32 $0x28000, s4  }
0xc: {  	_ =	strace $0x80000047;
	[dreg:$0x5] =	wrdreg s7;
	s9 =	ssub.s32 $0x2, s4  }
0xd: {  	s4 =	sshll.u32 s4, $0x4;
	s26 =	sshrl.u32 s8, $0x3;
	s10 =	sshrl.u32 s9, $0x1  }
0xe: {  	s4 =	sor.u32 s5, s4;
	s13 =	sadd.s32 s8, s2;
	s15 =	sadd.s32 s8, s3  }
0xf: {  	s7 =	sadd.s32 s26, s1;
	s6 =	sadd.s32 s8, s25;
	s12 =	ssub.s32 s9, s10  }
0x10: {  	s17 =	smul.u32 $0x500, s4;
	s9 =	sadd.s32 $0x9B00, s0;
	p0 =	sne.s32 s4, $0x1F  }
0x11: {  	s13 =	sshrl.u32 s13, $0x3;
	s15 =	sshrl.u32 s15, $0x3;
	s6 =	sshrl.u32 s6, $0x3  }
0x12: {  	s25 =	simm.s32 $0x0;
	s12 =	smax.u32 s12, $0x1;
	s1 =	sadd.s32 s6, s1  }
0x13: {  	s6 =	sadd.s32 $0x2C00, s7;
	s7 =	sor.u32 $0x1C0B, s28;
	s8 =	sadd.s32 s0, s17  }
0x14: {  	s17 =	sadd.s32 @p0 s17, s18;
	s18 =	sadd.s32 @!p0 $0x9B00, s18;
	s0 =	simm.s32 $0x7  }
0x15: {  	s10 =	sadd.s32 $0x7C00, s1;
	s11 =	sadd.s32 $0x11C00, s1;
	s1 =	simm.s32 $0x3  }
.LBB2_1:
0x16: {  	[spmem:s13], [sflag:s7] =	dma.local [hbm:s6], $0x500  }
0x17: {  	_ =	swait.ge [sflag:s14], $0x500  }
0x18: {  	[sflag:s14] =	ssyncset.done $0x0  }
0x19: {  	[sflag:s14] =	ssyncadd.s32 $0xFFFFFB00  }
0x1a: {  	[spmem:s15], [sflag:s7] =	dma.local [hbm:s6], $0x500  }
0x1b: {  	_ =	swait.ge [sflag:s14], $0x500  }
0x1c: {  	[sflag:s14] =	ssyncset.done $0x0  }
0x1d: {  	s5 =	simm.s32 $0x0;
	s4 =	rddreg [dreg:$0x5];
	[sflag:s14] =	ssyncadd.s32 $0xFFFFFB00  }
0x1e: {  	[tilespmem:s16], [sflag:$0xB] =	stream.linear.gather [hbm4b:s4+s5], $0x800, $0x38;
	[tilespmem:$0xA800] =	vst v63  }
0x1f: {  	_ =	swait.ge [sflag:s14], $0x800  }
0x20: {  	[sflag:s14] =	ssyncset.done $0x0  }
0x21: {  	s26 =	simm.s32 @p0 $0xB;
	s4 =	simm.s32 @p0 $0x0;
	[sflag:s14] =	ssyncadd.s32 $0xFFFFF800  }
0x22: {  	[tilespmem:s4], [sflag:$0xB] =	stream.linear.gather @p0 [hbm4b:s8+s4], $0x2800, $0x38;
	[tilespmem:$0xA800] =	vst v63  }
0x23: {  	_ =	swait.ge @p0 [sflag:s26], $0x2800  }
0x24: {  	[sflag:s26] =	ssyncset.done @p0 $0x0  }
0x25: {  	s28 =	simm.s32 @p0 $0x2800;
	[sflag:s26] =	ssyncadd.s32 @p0 $0xFFFFD800  }
0x26: {  	[tilespmem:s28], [sflag:$0xB] =	stream.linear.gather @p0 [hbm4b:s17+s4], $0x2800, $0x38;
	[tilespmem:$0xA800] =	vst v63  }
0x27: {  	_ =	swait.ge @p0 [sflag:s26], $0x2800  }
0x28: {  	[sflag:s26] =	ssyncset.done @p0 $0x0  }
0x29: {  	s4 =	simm.s32 @!p0 $0x0;
	[sflag:s26] =	ssyncadd.s32 @p0 $0xFFFFD800;
	s26 =	simm.s32 @!p0 $0xB  }
0x2a: {  	[tilespmem:s4], [sflag:$0xB] =	stream.linear.gather @!p0 [hbm4b:s9+s4], $0xA00, $0x38;
	[tilespmem:$0xA800] =	vst v63  }
0x2b: {  	_ =	swait.ge @!p0 [sflag:s26], $0xA00  }
0x2c: {  	[sflag:s26] =	ssyncset.done @!p0 $0x0  }
0x2d: {  	s28 =	simm.s32 @!p0 $0x2800;
	[sflag:s26] =	ssyncadd.s32 @!p0 $0xFFFFF600  }
0x2e: {  	[tilespmem:s28], [sflag:$0xB] =	stream.linear.gather @!p0 [hbm4b:s18+s4], $0xA00, $0x38;
	[tilespmem:$0xA800] =	vst v63  }
0x2f: {  	_ =	swait.ge @!p0 [sflag:s26], $0xA00  }
0x30: {  	[sflag:s26] =	ssyncset.done @!p0 $0x0  }
0x31: {  	[sflag:s26] =	ssyncadd.s32 @!p0 $0xFFFFF600  }
0x32: {  	[bflag:$0x0] =	sbarrier.arrive $0xFFFF  }
0x33: {  	[spmem:s2] =	stream.indirect.scatter.add.f32 [tilespmem:s16], [sflag:$0x1], $0x10, s5, s19, $0xb8;
	[tilespmem:$0xA800] =	vst v63  }
0x34: {  	s5 =	simm.s32 $0x2800  }
0x35: {  	[spmem:s3] =	stream.indirect.scatter.add.f32 [tilespmem:s16], [sflag:$0x6], $0x10, s5, s19, $0xb8;
	[tilespmem:$0xA800] =	vst v63  }
0x36: {  	_ = 	snop  }
0x37: {  	[spmem:s2] =	stream.indirect.scatter.add.f32 [tilespmem:s16], [sflag:$0x2], $0x10, s19, s19, $0xb8;
	[tilespmem:$0xA800] =	vst v63  }
0x38: {  	s26 =	simm.s32 $0x2880  }
0x39: {  	[spmem:s3] =	stream.indirect.scatter.add.f32 [tilespmem:s16], [sflag:$0x7], $0x10, s26, s19, $0xb8;
	[tilespmem:$0xA800] =	vst v63  }
0x3a: {  	s5 =	simm.s32 $0x100  }
0x3b: {  	[spmem:s2] =	stream.indirect.scatter.add.f32 [tilespmem:s16], [sflag:$0x3], $0x10, s5, s19, $0xb8;
	[tilespmem:$0xA800] =	vst v63  }
0x3c: {  	s26 =	simm.s32 $0x2900  }
0x3d: {  	[spmem:s3] =	stream.indirect.scatter.add.f32 [tilespmem:s16], [sflag:$0x8], $0x10, s26, s19, $0xb8;
	[tilespmem:$0xA800] =	vst v63  }
0x3e: {  	s5 =	simm.s32 $0x180  }
0x3f: {  	[spmem:s2] =	stream.indirect.scatter.add.f32 [tilespmem:s16], [sflag:$0x4], $0x10, s5, s19, $0xb8;
	[tilespmem:$0xA800] =	vst v63  }
0x40: {  	s26 =	simm.s32 $0x2980  }
0x41: {  	[spmem:s3] =	stream.indirect.scatter.add.f32 [tilespmem:s16], [sflag:$0x9], $0x10, s26, s19, $0xb8;
	[tilespmem:$0xA800] =	vst v63  }
0x42: {  	s5 =	simm.s32 $0x200  }
0x43: {  	[spmem:s2] =	stream.indirect.scatter.add.f32 [tilespmem:s16], [sflag:$0x5], $0x10, s5, s19, $0xb8;
	[tilespmem:$0xA800] =	vst v63  }
0x44: {  	s26 =	simm.s32 $0x2A00  }
0x45: {  	[spmem:s3] =	stream.indirect.scatter.add.f32 [tilespmem:s16], [sflag:$0xA], $0x10, s26, s19, $0xb8;
	[tilespmem:$0xA800] =	vst v63  }
0x46: {  	_ =	swait.ge [sflag:s29], $0x800  }
0x47: {  	[sflag:s29] =	ssyncset.done $0x0  }
0x48: {  	s5 =	simm.s32 $0x280;
	[sflag:s29] =	ssyncadd.s32 $0xFFFFF800  }
0x49: {  	[spmem:s2] =	stream.indirect.scatter.add.f32 [tilespmem:s16], [sflag:$0x1], $0x10, s5, s19, $0xb8;
	[tilespmem:$0xA800] =	vst v63  }
0x4a: {  	_ =	swait.ge [sflag:s30], $0x800  }
0x4b: {  	[sflag:s30] =	ssyncset.done $0x0  }
0x4c: {  	s26 =	simm.s32 $0x2A80;
	[sflag:s30] =	ssyncadd.s32 $0xFFFFF800  }
0x4d: {  	[spmem:s3] =	stream.indirect.scatter.add.f32 [tilespmem:s16], [sflag:$0x6], $0x10, s26, s19, $0xb8;
	[tilespmem:$0xA800] =	vst v63  }
0x4e: {  	_ =	swait.ge [sflag:s31], $0x800  }
0x4f: {  	[sflag:s31] =	ssyncset.done $0x0  }
0x50: {  	s5 =	simm.s32 $0x300;
	[sflag:s31] =	ssyncadd.s32 $0xFFFFF800  }
0x51: {  	[spmem:s2] =	stream.indirect.scatter.add.f32 [tilespmem:s16], [sflag:$0x2], $0x10, s5, s19, $0xb8;
	[tilespmem:$0xA800] =	vst v63  }
0x52: {  	_ =	swait.ge [sflag:s0], $0x800  }
0x53: {  	[sflag:s0] =	ssyncset.done $0x0  }
0x54: {  	s26 =	simm.s32 $0x2B00;
	[sflag:s0] =	ssyncadd.s32 $0xFFFFF800  }
0x55: {  	[spmem:s3] =	stream.indirect.scatter.add.f32 [tilespmem:s16], [sflag:$0x7], $0x10, s26, s19, $0xb8;
	[tilespmem:$0xA800] =	vst v63  }
0x56: {  	_ =	swait.ge [sflag:s1], $0x800  }
0x57: {  	[sflag:s1] =	ssyncset.done $0x0  }
0x58: {  	s5 =	simm.s32 $0x380;
	[sflag:s1] =	ssyncadd.s32 $0xFFFFF800  }
0x59: {  	[spmem:s2] =	stream.indirect.scatter.add.f32 [tilespmem:s16], [sflag:$0x3], $0x10, s5, s19, $0xb8;
	[tilespmem:$0xA800] =	vst v63  }
0x5a: {  	_ =	swait.ge [sflag:s20], $0x800  }
0x5b: {  	[sflag:s20] =	ssyncset.done $0x0  }
0x5c: {  	s26 =	simm.s32 $0x2B80;
	[sflag:s20] =	ssyncadd.s32 $0xFFFFF800  }
0x5d: {  	[spmem:s3] =	stream.indirect.scatter.add.f32 [tilespmem:s16], [sflag:$0x8], $0x10, s26, s19, $0xb8;
	[tilespmem:$0xA800] =	vst v63  }
0x5e: {  	_ =	swait.ge [sflag:s21], $0x800  }
0x5f: {  	[sflag:s21] =	ssyncset.done $0x0  }
0x60: {  	s5 =	simm.s32 $0x400;
	[sflag:s21] =	ssyncadd.s32 $0xFFFFF800  }
0x61: {  	[spmem:s2] =	stream.indirect.scatter.add.f32 [tilespmem:s16], [sflag:$0x4], $0x10, s5, s19, $0xb8;
	[tilespmem:$0xA800] =	vst v63  }
0x62: {  	_ =	swait.ge [sflag:s22], $0x800  }
0x63: {  	s4 =	simm.s32 @!p0 $0x3;
	[sflag:s22] =	ssyncset.done $0x0  }
0x64: {  	s4 =	simm.s32 @p0 $0xF;
	s26 =	simm.s32 $0x2C00;
	[sflag:s22] =	ssyncadd.s32 $0xFFFFF800  }
0x65: {  	[spmem:s3] =	stream.indirect.scatter.add.f32 [tilespmem:s16], [sflag:$0x9], $0x10, s26, s19, $0xb8;
	[tilespmem:$0xA800] =	vst v63  }
0x66: {  	s26 =	smul.u32 $0xA00, s4  }
0x67: {  	_ =	swait.ge [sflag:s23], $0x800  }
0x68: {  	[sflag:s23] =	ssyncset.done $0x0;
	p1 =	sne.s32 s26, $0xA00  }
.Ltmp0:
0x69: {  	s5 =	simm.s32 $0x480;
	[sflag:s23] =	ssyncadd.s32 $0xFFFFF800;
	(pc) =	sbr.rel @!p1 .LBB2_3-.Ltmp0, $4  }
0x6a: {  	[spmem:s2] =	stream.indirect.scatter.add.f32 [tilespmem:s16], [sflag:$0x5], $0x10, s5, s19, $0xb8;
	[tilespmem:$0xA800] =	vst v63  }
0x6b: {  	_ =	swait.ge [sflag:s24], $0x800  }
0x6c: {  	[sflag:s24] =	ssyncset.done $0x0  }
0x6d: {  	s28 =	simm.s32 $0xA00;
	s4 =	simm.s32 $0x2C80;
	[sflag:s24] =	ssyncadd.s32 $0xFFFFF800  }
.LBB2_2:
0x6e: {  	[spmem:s3] =	stream.indirect.scatter.add.f32 [tilespmem:s16], [sflag:$0xA], $0x10, s4, s19, $0xb8;
	[tilespmem:$0xA800] =	vst v63  }
0x6f: {  	s4 =	smov.u32 s28;
	s28 =	sadd.s32 $0xA00, s28;
	_ =	swait.ge [sflag:s29], $0x800  }
0x70: {  	s4 =	sshra.s32 s4, $0x2;
	p1 =	sne.s32 s26, s28;
	[sflag:s29] =	ssyncset.done $0x0  }
0x71: {  	s5 =	sadd.s32 $0x280, s4;
	[sflag:s29] =	ssyncadd.s32 $0xFFFFF800  }
0x72: {  	[spmem:s2] =	stream.indirect.scatter.add.f32 [tilespmem:s16], [sflag:$0x1], $0x10, s5, s19, $0xb8;
	[tilespmem:$0xA800] =	vst v63  }
0x73: {  	_ =	swait.ge [sflag:s30], $0x800  }
0x74: {  	[sflag:s30] =	ssyncset.done $0x0  }
0x75: {  	s5 =	sadd.s32 $0x2A80, s4;
	[sflag:s30] =	ssyncadd.s32 $0xFFFFF800  }
0x76: {  	[spmem:s3] =	stream.indirect.scatter.add.f32 [tilespmem:s16], [sflag:$0x6], $0x10, s5, s19, $0xb8;
	[tilespmem:$0xA800] =	vst v63  }
0x77: {  	_ =	swait.ge [sflag:s31], $0x800  }
0x78: {  	[sflag:s31] =	ssyncset.done $0x0  }
0x79: {  	s5 =	sadd.s32 $0x300, s4;
	[sflag:s31] =	ssyncadd.s32 $0xFFFFF800  }
0x7a: {  	[spmem:s2] =	stream.indirect.scatter.add.f32 [tilespmem:s16], [sflag:$0x2], $0x10, s5, s19, $0xb8;
	[tilespmem:$0xA800] =	vst v63  }
0x7b: {  	_ =	swait.ge [sflag:s0], $0x800  }
0x7c: {  	[sflag:s0] =	ssyncset.done $0x0  }
0x7d: {  	s5 =	sadd.s32 $0x2B00, s4;
	[sflag:s0] =	ssyncadd.s32 $0xFFFFF800  }
0x7e: {  	[spmem:s3] =	stream.indirect.scatter.add.f32 [tilespmem:s16], [sflag:$0x7], $0x10, s5, s19, $0xb8;
	[tilespmem:$0xA800] =	vst v63  }
0x7f: {  	_ =	swait.ge [sflag:s1], $0x800  }
0x80: {  	[sflag:s1] =	ssyncset.done $0x0  }
0x81: {  	s5 =	sadd.s32 $0x380, s4;
	[sflag:s1] =	ssyncadd.s32 $0xFFFFF800  }
0x82: {  	[spmem:s2] =	stream.indirect.scatter.add.f32 [tilespmem:s16], [sflag:$0x3], $0x10, s5, s19, $0xb8;
	[tilespmem:$0xA800] =	vst v63  }
0x83: {  	_ =	swait.ge [sflag:s20], $0x800  }
0x84: {  	[sflag:s20] =	ssyncset.done $0x0  }
0x85: {  	s5 =	sadd.s32 $0x2B80, s4;
	[sflag:s20] =	ssyncadd.s32 $0xFFFFF800  }
0x86: {  	[spmem:s3] =	stream.indirect.scatter.add.f32 [tilespmem:s16], [sflag:$0x8], $0x10, s5, s19, $0xb8;
	[tilespmem:$0xA800] =	vst v63  }
0x87: {  	_ =	swait.ge [sflag:s21], $0x800  }
0x88: {  	[sflag:s21] =	ssyncset.done $0x0  }
0x89: {  	s5 =	sadd.s32 $0x400, s4;
	[sflag:s21] =	ssyncadd.s32 $0xFFFFF800  }
0x8a: {  	[spmem:s2] =	stream.indirect.scatter.add.f32 [tilespmem:s16], [sflag:$0x4], $0x10, s5, s19, $0xb8;
	[tilespmem:$0xA800] =	vst v63  }
0x8b: {  	_ =	swait.ge [sflag:s22], $0x800  }
0x8c: {  	[sflag:s22] =	ssyncset.done $0x0  }
0x8d: {  	s5 =	sadd.s32 $0x2C00, s4;
	[sflag:s22] =	ssyncadd.s32 $0xFFFFF800  }
0x8e: {  	[spmem:s3] =	stream.indirect.scatter.add.f32 [tilespmem:s16], [sflag:$0x9], $0x10, s5, s19, $0xb8;
	[tilespmem:$0xA800] =	vst v63  }
0x8f: {  	_ =	swait.ge [sflag:s23], $0x800  }
0x90: {  	[sflag:s23] =	ssyncset.done $0x0  }
.Ltmp1:
0x91: {  	s5 =	sadd.s32 $0x480, s4;
	[sflag:s23] =	ssyncadd.s32 $0xFFFFF800;
	(pc) =	sbr.rel @p1 .LBB2_2-.Ltmp1, $4  }
0x92: {  	[spmem:s2] =	stream.indirect.scatter.add.f32 [tilespmem:s16], [sflag:$0x5], $0x10, s5, s19, $0xb8;
	[tilespmem:$0xA800] =	vst v63  }
0x93: {  	_ =	swait.ge [sflag:s24], $0x800  }
0x94: {  	[sflag:s24] =	ssyncset.done $0x0  }
0x95: {  	s4 =	sadd.s32 $0x2C80, s4;
	[sflag:s24] =	ssyncadd.s32 $0xFFFFF800  }
.LBB2_3:
0x96: {  	[spmem:s3] =	stream.indirect.scatter.add.f32 [tilespmem:s16], [sflag:$0xA], $0x10, s4, s19, $0xb8;
	[tilespmem:$0xA800] =	vst v63  }
0x97: {  	_ =	swait.ge [sflag:s29], $0x800  }
0x98: {  	[sflag:s29] =	ssyncset.done $0x0  }
0x99: {  	[sflag:s29] =	ssyncadd.s32 $0xFFFFF800  }
0x9a: {  	_ =	swait.ge [sflag:s30], $0x800  }
0x9b: {  	[sflag:s30] =	ssyncset.done $0x0  }
0x9c: {  	[sflag:s30] =	ssyncadd.s32 $0xFFFFF800  }
0x9d: {  	_ =	swait.ge [sflag:s31], $0x800  }
0x9e: {  	[sflag:s31] =	ssyncset.done $0x0  }
0x9f: {  	[sflag:s31] =	ssyncadd.s32 $0xFFFFF800  }
0xa0: {  	_ =	swait.ge [sflag:s0], $0x800  }
0xa1: {  	[sflag:s0] =	ssyncset.done $0x0  }
0xa2: {  	[sflag:s0] =	ssyncadd.s32 $0xFFFFF800  }
0xa3: {  	_ =	swait.ge [sflag:s1], $0x800  }
0xa4: {  	[sflag:s1] =	ssyncset.done $0x0  }
0xa5: {  	[sflag:s1] =	ssyncadd.s32 $0xFFFFF800  }
0xa6: {  	_ =	swait.ge [sflag:s20], $0x800  }
0xa7: {  	[sflag:s20] =	ssyncset.done $0x0  }
0xa8: {  	[sflag:s20] =	ssyncadd.s32 $0xFFFFF800  }
0xa9: {  	_ =	swait.ge [sflag:s21], $0x800  }
0xaa: {  	[sflag:s21] =	ssyncset.done $0x0  }
0xab: {  	[sflag:s21] =	ssyncadd.s32 $0xFFFFF800  }
0xac: {  	_ =	swait.ge [sflag:s22], $0x800  }
0xad: {  	[sflag:s22] =	ssyncset.done $0x0  }
0xae: {  	[sflag:s22] =	ssyncadd.s32 $0xFFFFF800  }
0xaf: {  	_ =	swait.ge [sflag:s23], $0x800  }
0xb0: {  	[sflag:s23] =	ssyncset.done $0x0  }
0xb1: {  	[sflag:s23] =	ssyncadd.s32 $0xFFFFF800  }
0xb2: {  	_ =	swait.ge [sflag:s24], $0x800  }
0xb3: {  	[sflag:s24] =	ssyncset.done $0x0  }
0xb4: {  	[sflag:s24] =	ssyncadd.s32 $0xFFFFF800  }
0xb5: {  	[bflag:$0x0] =	sbarrier.arrive $0xFFFF  }
0xb6: {  	[hbm:s10], [sflag:s7] =	dma.local [spmem:s13], $0x500  }
0xb7: {  	s25 =	sadd.s32 $0x1, s25;
	_ =	swait.ge [sflag:s14], $0x500  }
0xb8: {  	p1 =	sne.s32 s25, s12;
	[sflag:s14] =	ssyncset.done $0x0  }
.Ltmp2:
0xb9: {  	[sflag:s14] =	ssyncadd.s32 $0xFFFFFB00;
	(pc) =	sbr.rel @p1 .LBB2_1-.Ltmp2, $4  }
0xba: {  	[hbm:s11], [sflag:s7] =	dma.local [spmem:s15], $0x500  }
0xbb: {  	_ =	swait.ge [sflag:s14], $0x500  }
0xbc: {  	[sflag:s14] =	ssyncset.done $0x0  }
0xbd: {  	[sflag:s14] =	ssyncadd.s32 $0xFFFFFB00  }
0xbe: {  	_ =	sfence.sel $0x180000  }
0xbf: {  	[bflag:$0x0] =	sbarrier.arrive $0xFFFF  }
0xc0: {  	_ =	strace $0x90000047  }
0xc1: {  	s0 =	stileid.u32;
	[bflag:$0x2] =	sbarrier.arrive $0xFFFF  }
0xc2: {  	p0 =	sne.s32 s0, $0x0;
	s0 =	rddreg [dreg:$0x4]  }
0xc3: {  	s0 =	sadd.s32 @!p0 $0x100000, s0  }
0xc4: {  	[sflag:s0] =	ssyncadd.tile.s32 @!p0 $0x1;
	_ =	shalt  }
.Lfunc_end2:
_tile_overlayer_lowered:
.L_overlay_start_2:
0xc5: {  	(tag) =	ssettag $0x2  }
0xc6: {  	s0 =	rddreg [dreg:$0x0];
	s2 =	stileid.u32  }
0xc7: {  	s1 =	rddreg [dreg:$0x1];
	p0 =	sne.s32 s2, $0x0  }
0xc8: {  	s3 =	rddreg [dreg:$0x2];
	[bflag:$0x3] =	sbarrier.arrive $0xFFFF;
	s2 =	simm.s32 @!p0 $0x1C0B  }
0xc9: {  	[timem:s3], [sflag:s2] =	dma.local @!p0 [hbm:s0], s1  }
0xca: {  	s0 =	simm.s32 @!p0 $0xB  }
0xcb: {  	_ =	swait.ge @!p0 [sflag:s0], s1  }
0xcc: {  	s1 =	ssub.s32 @!p0 $0x0, s1;
	[sflag:s0] =	ssyncset.done @!p0 $0x0  }
0xcd: {  	[sflag:s0] =	ssyncadd.s32 @!p0 s1  }
0xce: {  	[bflag:$0x3] =	sbarrier.arrive $0xFFFF  }
0xcf: {  	_ =	shalt  }

</sc_bundles>
